<compile_context>
chip_gen: v7x
topology: tpu7x:2x2x1
jax: 0.10.2.dev20260603
libtpu: 0.0.44.dev20260713+nightly
codegen_flags: <defaults>
</compile_context>

<pallas_src>
import jax
import jax.numpy as jnp
from jax.experimental import pallas as pl
from jax.experimental.pallas import tpu as pltpu
from jax.experimental.pallas import tpu_sc as plsc

N = 50000
D_IN = 1024
D1 = 512
D2 = 256
K_SAMPLE = 8
BLK = 2048
NBLK = -(-N // BLK)
ATT_W = NBLK * BLK
PAD_ROWS = ATT_W // 128
NEG_INF = float("-inf")
POS_INF = float("inf")


def _dot(x, y):
    xb = x if x.dtype == jnp.bfloat16 else x.astype(jnp.bfloat16)
    yb = y if y.dtype == jnp.bfloat16 else y.astype(jnp.bfloat16)
    return jax.lax.dot_general(
        xb, yb, (((x.ndim - 1,), (0,)), ((), ())),
        preferred_element_type=jnp.float32)


def _stream_body(h_ref, w1_ref, b1_ref, wa_ref, ba_ref, wb_ref, bb_ref,
                 wc_ref, bc_ref, att_ref, wsum_ref, ssum_ref, ids_ref,
                 scr_ref):
    i = pl.program_id(0)

    @pl.when(i == 0)
    def _():
        wsum_ref[...] = jnp.zeros_like(wsum_ref)
        ssum_ref[...] = jnp.zeros_like(ssum_ref)

    rowv = i * BLK + jax.lax.broadcasted_iota(jnp.int32, (BLK, 1), 0) < N
    feat = jnp.where(rowv,
                     jnp.maximum(_dot(h_ref[...], w1_ref[...]) + b1_ref[...],
                                 0.0), 0.0).astype(jnp.bfloat16)
    a = jnp.tanh(_dot(feat, wa_ref[...]) + ba_ref[...])
    b = jax.nn.sigmoid(_dot(feat, wb_ref[...]) + bb_ref[...])
    g = (a * b).astype(jnp.bfloat16)
    att = jax.lax.dot_general(
        wc_ref[...].astype(jnp.bfloat16), g, (((0,), (1,)), ((), ())),
        preferred_element_type=jnp.float32) + bc_ref[0, 0]
    att_ref[...] = att
    r16 = BLK // 128
    scr_ref[pl.ds(i * r16, r16), :] = att.reshape(r16, 128)
    lane = jax.lax.broadcasted_iota(jnp.int32, (1, BLK), 1)
    valid = i * BLK + lane < N
    sig = jnp.where(valid, jax.nn.sigmoid(att), 0.0)
    wsum_ref[...] += jax.lax.dot_general(
        sig.astype(jnp.bfloat16), feat, (((1,), (0,)), ((), ())),
        preferred_element_type=jnp.float32)
    ssum_ref[...] += jnp.sum(sig, axis=1, keepdims=True)

    @pl.when(i == NBLK - 1)
    def _():
        _topk_body(scr_ref, ids_ref)


def _stream(h, W1, b1, Wa, ba, Wb, bb, Wc, bc):
    return pl.pallas_call(
        _stream_body,
        grid=(NBLK,),
        in_specs=[
            pl.BlockSpec((BLK, D_IN), lambda i: (i, 0)),
            pl.BlockSpec((D_IN, D1), lambda i: (0, 0)),
            pl.BlockSpec((1, D1), lambda i: (0, 0)),
            pl.BlockSpec((D1, D2), lambda i: (0, 0)),
            pl.BlockSpec((1, D2), lambda i: (0, 0)),
            pl.BlockSpec((D1, D2), lambda i: (0, 0)),
            pl.BlockSpec((1, D2), lambda i: (0, 0)),
            pl.BlockSpec((D2, 1), lambda i: (0, 0)),
            pl.BlockSpec(memory_space=pltpu.SMEM),
        ],
        out_specs=[
            pl.BlockSpec((1, BLK), lambda i: (0, i)),
            pl.BlockSpec((1, D1), lambda i: (0, 0)),
            pl.BlockSpec((1, 1), lambda i: (0, 0)),
            pl.BlockSpec(memory_space=pltpu.SMEM),
        ],
        out_shape=[
            jax.ShapeDtypeStruct((1, N), jnp.float32),
            jax.ShapeDtypeStruct((1, D1), jnp.float32),
            jax.ShapeDtypeStruct((1, 1), jnp.float32),
            jax.ShapeDtypeStruct((1, 2 * K_SAMPLE), jnp.int32),
        ],
        scratch_shapes=[pltpu.VMEM((PAD_ROWS, 128), jnp.float32)],
        compiler_params=pltpu.CompilerParams(
            dimension_semantics=("arbitrary",)),
    )(h, W1, b1, Wa, ba, Wb, bb, Wc, bc)


def _tree(parts, op):
    while len(parts) > 1:
        nxt = [op(parts[j], parts[j + 1])
               for j in range(0, len(parts) - 1, 2)]
        if len(parts) % 2:
            nxt.append(parts[-1])
        parts = nxt
    return parts[0]


def _split(x):
    return [x[k * 8:(k + 1) * 8] for k in range(x.shape[0] // 8)]


def _colwise_top8(vals, rowi, lin, maximize):
    sentinel = NEG_INF if maximize else POS_INF
    red = jnp.maximum if maximize else jnp.minimum
    bigrow = jnp.int32(2**31 - 1)
    v = vals
    out_v, out_l = [], []
    for _ in range(K_SAMPLE):
        m = _tree(_split(v), red)
        m = _tree([m[j:j + 1] for j in range(8)], red)
        r = _tree(_split(jnp.where(v == m, rowi, bigrow)), jnp.minimum)
        r = _tree([r[j:j + 1] for j in range(8)], jnp.minimum)
        out_v.append(m)
        out_l.append(r * 128 + jax.lax.broadcasted_iota(
            jnp.int32, (1, 128), 1))
        v = jnp.where(rowi == r, sentinel, v)
    return jnp.concatenate(out_v, 0), jnp.concatenate(out_l, 0)


def _topk_body(att_ref, ids_ref):
    vals = att_ref[...]
    row = jax.lax.broadcasted_iota(jnp.int32, (PAD_ROWS, 128), 0)
    col = jax.lax.broadcasted_iota(jnp.int32, (PAD_ROWS, 128), 1)
    lin = row * 128 + col
    valid = lin < N
    big = jnp.int32(2**31 - 1)
    vt = jnp.where(valid, vals, NEG_INF)
    vb = jnp.where(valid, vals, POS_INF)
    tv, tl = _colwise_top8(vt, row, lin, True)
    bv, bl = _colwise_top8(vb, row, lin, False)
    for k in range(K_SAMPLE):
        mt = jnp.max(tv)
        it = jnp.min(jnp.where(tv == mt, tl, big))
        ids_ref[0, k] = it
        tv = jnp.where(tl == it, NEG_INF, tv)
        mb = jnp.min(bv)
        ib = jnp.min(jnp.where(bv == mb, bl, big))
        ids_ref[0, K_SAMPLE + k] = ib
        bv = jnp.where(bl == ib, POS_INF, bv)


def _gather_rows(h, ids):
    mesh = plsc.VectorSubcoreMesh(core_axis_name="c", subcore_axis_name="s")

    @pl.kernel(out_type=jax.ShapeDtypeStruct((2 * K_SAMPLE, D_IN),
                                             jnp.float32),
               mesh=mesh,
               scratch_types=[pltpu.VMEM((1, 2 * K_SAMPLE), jnp.int32),
                              pltpu.VMEM((1, D_IN), jnp.float32),
                              pltpu.SemaphoreType.DMA])
    def kern(h_hbm, ids_hbm, o_hbm, ids_vmem, buf, sem):
        c = jax.lax.axis_index("c")
        s = jax.lax.axis_index("s")

        @pl.when(c == 0)
        def _():
            pltpu.async_copy(ids_hbm, ids_vmem, sem).wait()
            pltpu.sync_copy(h_hbm.at[ids_vmem.at[0, pl.ds(s, 1)]], buf)
            pltpu.async_copy(buf, o_hbm.at[pl.ds(s, 1)], sem).wait()

    return kern(h, ids)


def _tail_body(hg_ref, w1_ref, b1_ref, wi0_ref, bi0_ref, wi1_ref, bi1_ref,
               wcls_ref, bcls_ref, wsum_ref, ssum_ref, lab_ref, iev_ref,
               logits_ref, prob_ref, yhat_ref, loss_ref):
    fg = jnp.maximum(_dot(hg_ref[...], w1_ref[...]) + b1_ref[...], 0.0)

    def ce(lg):
        m = jnp.max(lg, axis=1, keepdims=True)
        lse = m + jnp.log(jnp.sum(jnp.exp(lg - m), axis=1, keepdims=True))
        rid = jax.lax.broadcasted_iota(jnp.int32, (2 * K_SAMPLE, 1), 0)
        ll = jnp.where(rid < K_SAMPLE, lg[:, 1:2], lg[:, 0:1])
        return jnp.sum(lse - ll) / (2.0 * K_SAMPLE)

    l0 = ce(_dot(fg, wi0_ref[...]) + bi0_ref[...])
    l1 = ce(_dot(fg, wi1_ref[...]) + bi1_ref[...])
    lab = lab_ref[0, 0]
    iev = iev_ref[0, 0]
    loss_ref[0, 0] = jnp.where(
        iev != 0, jnp.where(lab == 0, l0, l1), jnp.float32(0.0))

    bag = wsum_ref[...] / ssum_ref[0, 0]
    lg = _dot(bag, wcls_ref[...]) + bcls_ref[...]
    logits_ref[...] = lg
    mm = jnp.max(lg, axis=1, keepdims=True)
    e = jnp.exp(lg - mm)
    prob_ref[...] = e / jnp.sum(e, axis=1, keepdims=True)
    yhat_ref[0, 0] = jnp.where(lg[0, 1] > lg[0, 0], 1, 0).astype(jnp.int32)


def _tail(hg, W1, b1, Wi0, bi0, Wi1, bi1, Wcls, bcls, wsum, ssum, lab, iev):
    vm = lambda shape: pl.BlockSpec(shape, lambda: tuple(0 for _ in shape))
    sm = pl.BlockSpec(memory_space=pltpu.SMEM)
    return pl.pallas_call(
        _tail_body,
        in_specs=[
            vm((2 * K_SAMPLE, D_IN)), vm((D_IN, D1)), vm((1, D1)),
            vm((D1, 2)), vm((1, 2)), vm((D1, 2)), vm((1, 2)),
            vm((D1, 2)), vm((1, 2)), vm((1, D1)), sm, sm, sm,
        ],
        out_specs=[vm((1, 2)), vm((1, 2)), sm, sm],
        out_shape=[
            jax.ShapeDtypeStruct((1, 2), jnp.float32),
            jax.ShapeDtypeStruct((1, 2), jnp.float32),
            jax.ShapeDtypeStruct((1, 1), jnp.int32),
            jax.ShapeDtypeStruct((1, 1), jnp.float32),
        ],
    )(hg, W1, b1, Wi0, bi0, Wi1, bi1, Wcls, bcls, wsum, ssum, lab, iev)


def kernel(h, label, instance_eval, W1, b1, Wa, ba, Wb, bb, Wc, bc,
           Wcls, bcls, Wi0, bi0, Wi1, bi1):
    att_row, wsum, ssum, ids = _stream(
        h, W1, b1.reshape(1, D1), Wa, ba.reshape(1, D2),
        Wb, bb.reshape(1, D2), Wc, bc.reshape(1, 1))

    hg = _gather_rows(h, ids)

    lab = label.reshape(1, 1).astype(jnp.int32)
    iev = jnp.asarray(instance_eval, jnp.int32).reshape(1, 1)
    logits, prob, yhat, loss = _tail(
        hg, W1, b1.reshape(1, D1), Wi0, bi0.reshape(1, 2),
        Wi1, bi1.reshape(1, 2), Wcls, bcls.reshape(1, 2),
        wsum, ssum, lab, iev)

    return (logits, prob, yhat, att_row, loss.reshape(()))

# --- scband reference (transcript-rebuilt; emitter-appended) ---
"""Pipeline reference for scband-clam-sb-75436805587054 (READ-ONLY COPY).

The authoritative reference and input builder live on the scoring server;
editing this copy changes nothing except your own understanding.
"""

import jax, jax.numpy as jnp
import numpy as np

N = 50000
D_IN = 1024
D1 = 512
D2 = 256
NC = 2
K_SAMPLE = 8


def setup_inputs(seed: int = 0) -> dict:
    key = jax.random.key(seed)
    ks = jax.random.split(key, 12)

    def init_w(i, shape, fan_in):
        return jax.random.normal(ks[i], shape, dtype=jnp.float32) * (1.0 / np.sqrt(fan_in))

    h = jax.random.normal(ks[0], (N, D_IN), dtype=jnp.float32)
    label = jax.random.randint(ks[1], (1,), 0, 2)
    W1 = init_w(2, (D_IN, D1), D_IN); b1 = jnp.zeros((D1,), jnp.float32)
    Wa = init_w(3, (D1, D2), D1); ba = jnp.zeros((D2,), jnp.float32)
    Wb = init_w(4, (D1, D2), D1); bb = jnp.zeros((D2,), jnp.float32)
    Wc = init_w(5, (D2, 1), D2); bc = jnp.zeros((1,), jnp.float32)
    Wcls = init_w(6, (D1, NC), D1); bcls = jnp.zeros((NC,), jnp.float32)
    Wi0 = init_w(7, (D1, 2), D1); bi0 = jnp.zeros((2,), jnp.float32)
    Wi1 = init_w(8, (D1, 2), D1); bi1 = jnp.zeros((2,), jnp.float32)
    return {
        'h': h, 'label': label, 'instance_eval': 1,
        'W1': W1, 'b1': b1, 'Wa': Wa, 'ba': ba, 'Wb': Wb, 'bb': bb,
        'Wc': Wc, 'bc': bc, 'Wcls': Wcls, 'bcls': bcls,
        'Wi0': Wi0, 'bi0': bi0, 'Wi1': Wi1, 'bi1': bi1,
    }


def _cross_entropy(logits, targets):
    lse = jax.nn.logsumexp(logits, axis=1)
    ll = logits[jnp.arange(logits.shape[0]), targets]
    return jnp.mean(lse - ll)


def _inst_eval(atten_raw, feat, Wi, bi):
    # atten_raw: [1, N], feat: [N, D1]
    top_p_ids = jax.lax.top_k(atten_raw, K_SAMPLE)[1][-1]
    top_n_ids = jax.lax.top_k(-atten_raw, K_SAMPLE)[1][-1]
    top_p = jnp.take(feat, top_p_ids, axis=0)
    top_n = jnp.take(feat, top_n_ids, axis=0)
    all_instances = jnp.concatenate([top_p, top_n], axis=0)
    all_targets = jnp.concatenate([
        jnp.ones((K_SAMPLE,), jnp.int32),
        jnp.zeros((K_SAMPLE,), jnp.int32)], axis=0)
    logits = all_instances @ Wi + bi
    return _cross_entropy(logits, all_targets)


def reference(h, label, instance_eval, W1, b1, Wa, ba, Wb, bb, Wc, bc,
              Wcls, bcls, Wi0, bi0, Wi1, bi1):
    # attention_net: fc -> gated attention
    feat = jax.nn.relu(h @ W1 + b1)                 # [N, 512]
    a = jnp.tanh(feat @ Wa + ba)                    # [N, 256]
    b = jax.nn.sigmoid(feat @ Wb + bb)              # [N, 256]
    A = (a * b) @ Wc + bc                           # [N, 1]
    atten_raw = jnp.transpose(A, (1, 0))            # [1, N]
    atten_sigmoid = jax.nn.sigmoid(atten_raw)
    atten_sum = jnp.sum(atten_sigmoid, axis=1, keepdims=True)
    atten_softmax = atten_sigmoid / atten_sum       # [1, N]

    inst_labels = jax.nn.one_hot(label, NC).squeeze()  # [2]
    l0 = _inst_eval(atten_raw, feat, Wi0, bi0)
    l1 = _inst_eval(atten_raw, feat, Wi1, bi1)
    # torch branches on inst_label per class; weight losses equivalently
    inst_loss = (jnp.where(inst_labels[0] > 0.5, l0, 0.0)
                 + jnp.where(inst_labels[1] > 0.5, l1, 0.0))
    total_inst_loss = jnp.where(instance_eval != 0, inst_loss, jnp.float32(0.0))

    M = atten_softmax @ feat                        # [1, 512]
    logits = M @ Wcls + bcls                        # [1, 2]
    Y_prob = jax.nn.softmax(logits, axis=1)
    Y_hat = jax.lax.top_k(logits, 1)[1]
    return (logits, Y_prob, Y_hat, atten_raw, total_inst_loss)

if __name__ == "__main__":
    import jax
    _d = setup_inputs()
    print(jax.jit(kernel)(*tuple(_d.values())))

</pallas_src>

<mosaic_0001>
#map = affine_map<(d0, d1) -> (0, 0)>
module attributes {stable_mosaic.version = 14 : i64} {
  func.func @kern(%arg0: i32, %arg1: i32, %arg2: memref<50000x1024xf32, #tpu.memory_space<hbm>>, %arg3: memref<1x16xi32, #tpu.memory_space<hbm>>, %arg4: memref<16x1024xf32, #tpu.memory_space<hbm>>, %arg5: memref<1x16xi32, #tpu.memory_space<vmem>>, %arg6: memref<1x1024xf32, #tpu.memory_space<vmem>>, %arg7: memref<!tpu.dma_semaphore, #tpu.memory_space<semaphore_mem>>) attributes {dimension_semantics = [#tpu.dimension_semantics<core_parallel>, #tpu.dimension_semantics<subcore_parallel>], iteration_bounds = array<i64: 2, 16>, scalar_prefetch = 0 : i64, scratch_operands = 3 : i64, tpu.core_type = #tpu.core_type<sc_vector_subcore>, window_params = [{transform_indices = #map}, {transform_indices = #map}, {transform_indices = #map}]} {
    %eq3A = arith.constant 0 : i32
    %eq3A_0 = arith.cmpi eq, %arg0, %eq3A : i32
    %convert_element_type3A = arith.extui %eq3A_0 : i1 to i32
    %cond3A = arith.constant 0 : i32
    %cond3A_1 = arith.cmpi ne, %convert_element_type3A, %cond3A : i32
    scf.if %cond3A_1 {
      tpu.enqueue_dma source(%arg3 : memref<1x16xi32, #tpu.memory_space<hbm>>) target(%arg5 : memref<1x16xi32, #tpu.memory_space<vmem>>) target_semaphore(%arg7 : memref<!tpu.dma_semaphore, #tpu.memory_space<semaphore_mem>>)
      tpu.wait_dma2 semaphore(%arg7 : memref<!tpu.dma_semaphore, #tpu.memory_space<semaphore_mem>>) src(%arg3 : memref<1x16xi32, #tpu.memory_space<hbm>>) dst(%arg5 : memref<1x16xi32, #tpu.memory_space<vmem>>)
      %run_scoped3A = arith.constant 0 : i32
      "tpu.region"() ({
        %run_scoped3A_8 = tpu.sem_alloc : memref<!tpu.dma_semaphore, #tpu.memory_space<semaphore_mem>>
        %dma_start3A_9 = tpu.memref_slice %arg5[%run_scoped3A, %arg1] : memref<1x16xi32, #tpu.memory_space<vmem>> -> memref<1x1xi32, #tpu.memory_space<vmem>>
        %dma_start3A_10 = tpu.memref_squeeze %dma_start3A_9 : memref<1x1xi32, #tpu.memory_space<vmem>> -> memref<1xi32, #tpu.memory_space<vmem>>
        %dma_start3A_11 = arith.constant 0 : i32
        %dma_start3A_12 = arith.constant 0 : i32
        %dma_start3A_13 = tpu.memref_slice %arg2[%dma_start3A_11, %dma_start3A_12] : memref<50000x1024xf32, #tpu.memory_space<hbm>> -> memref<50000x1024xf32, #tpu.memory_space<hbm>>
        tpu.enqueue_indirect_dma source(%dma_start3A_13 : memref<50000x1024xf32, #tpu.memory_space<hbm>>) target(%arg6 : memref<1x1024xf32, #tpu.memory_space<vmem>>) offsets(%dma_start3A_10 : memref<1xi32, #tpu.memory_space<vmem>>) semaphore(%run_scoped3A_8 : memref<!tpu.dma_semaphore, #tpu.memory_space<semaphore_mem>>)
        %dma_wait3A_14 = tpu.memref_slice %arg5[%run_scoped3A, %arg1] : memref<1x16xi32, #tpu.memory_space<vmem>> -> memref<1x1xi32, #tpu.memory_space<vmem>>
        %dma_wait3A_15 = tpu.memref_squeeze %dma_wait3A_14 : memref<1x1xi32, #tpu.memory_space<vmem>> -> memref<1xi32, #tpu.memory_space<vmem>>
        %dma_wait3A_16 = arith.constant 0 : i32
        %dma_wait3A_17 = arith.constant 0 : i32
        %dma_wait3A_18 = tpu.memref_slice %arg2[%dma_wait3A_16, %dma_wait3A_17] : memref<50000x1024xf32, #tpu.memory_space<hbm>> -> memref<50000x1024xf32, #tpu.memory_space<hbm>>
        tpu.wait_indirect_dma semaphore(%run_scoped3A_8 : memref<!tpu.dma_semaphore, #tpu.memory_space<semaphore_mem>>) src(%dma_wait3A_18 : memref<50000x1024xf32, #tpu.memory_space<hbm>>) dst(%arg6 : memref<1x1024xf32, #tpu.memory_space<vmem>>)
        tpu.yield
      }) : () -> ()
      %dma_start3A = arith.constant 0 : i32
      %dma_start3A_2 = tpu.memref_slice %arg4[%arg1, %dma_start3A] : memref<16x1024xf32, #tpu.memory_space<hbm>> -> memref<1x1024xf32, #tpu.memory_space<hbm>>
      %dma_start3A_3 = arith.constant 0 : i32
      %dma_start3A_4 = tpu.memref_slice %arg4[%arg1, %dma_start3A_3] : memref<16x1024xf32, #tpu.memory_space<hbm>> -> memref<1x1024xf32, #tpu.memory_space<hbm>>
      tpu.enqueue_dma source(%arg6 : memref<1x1024xf32, #tpu.memory_space<vmem>>) target(%dma_start3A_4 : memref<1x1024xf32, #tpu.memory_space<hbm>>) target_semaphore(%arg7 : memref<!tpu.dma_semaphore, #tpu.memory_space<semaphore_mem>>)
      %dma_wait3A = arith.constant 0 : i32
      %dma_wait3A_5 = tpu.memref_slice %arg4[%arg1, %dma_wait3A] : memref<16x1024xf32, #tpu.memory_space<hbm>> -> memref<1x1024xf32, #tpu.memory_space<hbm>>
      %dma_wait3A_6 = arith.constant 0 : i32
      %dma_wait3A_7 = tpu.memref_slice %arg4[%arg1, %dma_wait3A_6] : memref<16x1024xf32, #tpu.memory_space<hbm>> -> memref<1x1024xf32, #tpu.memory_space<hbm>>
      tpu.wait_dma2 semaphore(%arg7 : memref<!tpu.dma_semaphore, #tpu.memory_space<semaphore_mem>>) src(%arg6 : memref<1x1024xf32, #tpu.memory_space<vmem>>) dst(%dma_wait3A_7 : memref<1x1024xf32, #tpu.memory_space<hbm>>)
    } else {
    }
    return
  }
}

module attributes {stable_mosaic.version = 14 : i64} {
  func.func @_tail_body(%arg0: memref<16x1024xf32, #tpu.memory_space<vmem>>, %arg1: memref<1024x512xf32, #tpu.memory_space<vmem>>, %arg2: memref<1x512xf32, #tpu.memory_space<vmem>>, %arg3: memref<512x2xf32, #tpu.memory_space<vmem>>, %arg4: memref<1x2xf32, #tpu.memory_space<vmem>>, %arg5: memref<512x2xf32, #tpu.memory_space<vmem>>, %arg6: memref<1x2xf32, #tpu.memory_space<vmem>>, %arg7: memref<512x2xf32, #tpu.memory_space<vmem>>, %arg8: memref<1x2xf32, #tpu.memory_space<vmem>>, %arg9: memref<1x512xf32, #tpu.memory_space<vmem>>, %arg10: memref<1x1xf32, #tpu.memory_space<smem>>, %arg11: memref<1x1xi32, #tpu.memory_space<smem>>, %arg12: memref<1x1xi32, #tpu.memory_space<smem>>, %arg13: memref<1x2xf32, #tpu.memory_space<vmem>>, %arg14: memref<1x2xf32, #tpu.memory_space<vmem>>, %arg15: memref<1x1xi32, #tpu.memory_space<smem>>, %arg16: memref<1x1xf32, #tpu.memory_space<smem>>) attributes {dimension_semantics = [], scalar_prefetch = 0 : i64, scratch_operands = 0 : i64, tpu.core_type = #tpu.core_type<tc>} {
    %get3A = arith.constant 0 : index
    %get3A_0 = arith.constant 0 : index
    %get3A_1 = vector.load %arg0[%get3A, %get3A_0] : memref<16x1024xf32, #tpu.memory_space<vmem>>, vector<16x1024xf32>
    %get3A_2 = arith.constant 0 : index
    %get3A_3 = arith.constant 0 : index
    %get3A_4 = vector.load %arg1[%get3A_2, %get3A_3] : memref<1024x512xf32, #tpu.memory_space<vmem>>, vector<1024x512xf32>
    %convert_element_type3A = arith.truncf %get3A_1 : vector<16x1024xf32> to vector<16x1024xbf16>
    %convert_element_type3A_5 = arith.truncf %get3A_4 : vector<1024x512xf32> to vector<1024x512xbf16>
    %dot_general3A = arith.constant dense<0.000000e+00> : vector<16x512xf32>
    %dot_general3A_6 = tpu.matmul %convert_element_type3A, %convert_element_type3A_5, %dot_general3A {dimension_numbers = #tpu.dot_dimension_numbers<[1], [0], [0], [1], [0, 0, 1, 1], [], []>, transpose_lhs_hint = false} : vector<16x1024xbf16>, vector<1024x512xbf16>, vector<16x512xf32> -> vector<16x512xf32>
    %get3A_7 = arith.constant 0 : index
    %get3A_8 = arith.constant 0 : index
    %get3A_9 = vector.load %arg2[%get3A_7, %get3A_8] : memref<1x512xf32, #tpu.memory_space<vmem>>, vector<1x512xf32>
    %add3A = vector.broadcast %get3A_9 : vector<1x512xf32> to vector<16x512xf32>
    %add3A_10 = arith.addf %dot_general3A_6, %add3A : vector<16x512xf32>
    %max3A = arith.constant 0.000000e+00 : f32
    %max3A_11 = vector.broadcast %max3A : f32 to vector<16x512xf32>
    %max3A_12 = arith.maximumf %add3A_10, %max3A_11 : vector<16x512xf32>
    %get3A_13 = arith.constant 0 : index
    %get3A_14 = arith.constant 0 : index
    %get3A_15 = vector.load %arg3[%get3A_13, %get3A_14] : memref<512x2xf32, #tpu.memory_space<vmem>>, vector<512x2xf32>
    %convert_element_type3A_16 = arith.truncf %max3A_12 : vector<16x512xf32> to vector<16x512xbf16>
    %convert_element_type3A_17 = arith.truncf %get3A_15 : vector<512x2xf32> to vector<512x2xbf16>
    %dot_general3A_18 = arith.constant dense<0.000000e+00> : vector<16x2xf32>
    %dot_general3A_19 = tpu.matmul %convert_element_type3A_16, %convert_element_type3A_17, %dot_general3A_18 {dimension_numbers = #tpu.dot_dimension_numbers<[1], [0], [0], [1], [0, 0, 1, 1], [], []>, transpose_lhs_hint = false} : vector<16x512xbf16>, vector<512x2xbf16>, vector<16x2xf32> -> vector<16x2xf32>
    %get3A_20 = arith.constant 0 : index
    %get3A_21 = arith.constant 0 : index
    %get3A_22 = vector.load %arg4[%get3A_20, %get3A_21] : memref<1x2xf32, #tpu.memory_space<vmem>>, vector<1x2xf32>
    %add3A_23 = vector.broadcast %get3A_22 : vector<1x2xf32> to vector<16x2xf32>
    %add3A_24 = arith.addf %dot_general3A_19, %add3A_23 : vector<16x2xf32>
    %reduce_max3A = arith.constant dense<0xFF800000> : vector<16xf32>
    %reduce_max3A_25 = vector.multi_reduction <maximumf>, %add3A_24, %reduce_max3A [1] : vector<16x2xf32> to vector<16xf32>
    %broadcast_in_dim3A = vector.shape_cast %reduce_max3A_25 : vector<16xf32> to vector<16x1xf32>
    %sub3A = vector.broadcast %broadcast_in_dim3A : vector<16x1xf32> to vector<16x2xf32>
    %sub3A_26 = arith.subf %add3A_24, %sub3A : vector<16x2xf32>
    %exp3A = math.exp %sub3A_26 : vector<16x2xf32>
    %reduce_sum3A = arith.constant dense<0.000000e+00> : vector<16xf32>
    %reduce_sum3A_27 = vector.multi_reduction <add>, %exp3A, %reduce_sum3A [1] : vector<16x2xf32> to vector<16xf32>
    %broadcast_in_dim3A_28 = vector.shape_cast %reduce_sum3A_27 : vector<16xf32> to vector<16x1xf32>
    %log3A = math.log %broadcast_in_dim3A_28 : vector<16x1xf32>
    %add3A_29 = arith.addf %broadcast_in_dim3A, %log3A : vector<16x1xf32>
    %iota3A = tpu.iota {dimensions = array<i32: 0>} : vector<16x1xi32>
    %lt3A = arith.constant 8 : i32
    %lt3A_30 = vector.broadcast %lt3A : i32 to vector<16x1xi32>
    %lt3A_31 = arith.cmpi slt, %iota3A, %lt3A_30 : vector<16x1xi32>
    %slice3A = vector.extract_strided_slice %add3A_24 {offsets = [0, 1], sizes = [16, 1], strides = [1, 1]} : vector<16x2xf32> to vector<16x1xf32>
    %slice3A_32 = vector.extract_strided_slice %add3A_24 {offsets = [0, 0], sizes = [16, 1], strides = [1, 1]} : vector<16x2xf32> to vector<16x1xf32>
    %select_n3A = arith.select %lt3A_31, %slice3A, %slice3A_32 : vector<16x1xi1>, vector<16x1xf32>
    %sub3A_33 = arith.subf %add3A_29, %select_n3A : vector<16x1xf32>
    %reduce_sum3A_34 = vector.shape_cast %sub3A_33 : vector<16x1xf32> to vector<1x16x1xf32>
    %reduce_sum3A_35 = arith.constant dense<0.000000e+00> : vector<1xf32>
    %reduce_sum3A_36 = vector.multi_reduction <add>, %reduce_sum3A_34, %reduce_sum3A_35 [1, 2] : vector<1x16x1xf32> to vector<1xf32>
    %reduce_sum3A_37 = vector.shape_cast %reduce_sum3A_36 : vector<1xf32> to vector<1x1x1xf32>
    %reduce_sum3A_38 = vector.extract %reduce_sum3A_37[0, 0, 0] : f32 from vector<1x1x1xf32>
    %div3A = arith.constant 1.600000e+01 : f32
    %div3A_39 = arith.divf %reduce_sum3A_38, %div3A : f32
    %get3A_40 = arith.constant 0 : index
    %get3A_41 = arith.constant 0 : index
    %get3A_42 = vector.load %arg5[%get3A_40, %get3A_41] : memref<512x2xf32, #tpu.memory_space<vmem>>, vector<512x2xf32>
    %convert_element_type3A_43 = arith.truncf %max3A_12 : vector<16x512xf32> to vector<16x512xbf16>
    %convert_element_type3A_44 = arith.truncf %get3A_42 : vector<512x2xf32> to vector<512x2xbf16>
    %dot_general3A_45 = arith.constant dense<0.000000e+00> : vector<16x2xf32>
    %dot_general3A_46 = tpu.matmul %convert_element_type3A_43, %convert_element_type3A_44, %dot_general3A_45 {dimension_numbers = #tpu.dot_dimension_numbers<[1], [0], [0], [1], [0, 0, 1, 1], [], []>, transpose_lhs_hint = false} : vector<16x512xbf16>, vector<512x2xbf16>, vector<16x2xf32> -> vector<16x2xf32>
    %get3A_47 = arith.constant 0 : index
    %get3A_48 = arith.constant 0 : index
    %get3A_49 = vector.load %arg6[%get3A_47, %get3A_48] : memref<1x2xf32, #tpu.memory_space<vmem>>, vector<1x2xf32>
    %add3A_50 = vector.broadcast %get3A_49 : vector<1x2xf32> to vector<16x2xf32>
    %add3A_51 = arith.addf %dot_general3A_46, %add3A_50 : vector<16x2xf32>
    %reduce_max3A_52 = arith.constant dense<0xFF800000> : vector<16xf32>
    %reduce_max3A_53 = vector.multi_reduction <maximumf>, %add3A_51, %reduce_max3A_52 [1] : vector<16x2xf32> to vector<16xf32>
    %broadcast_in_dim3A_54 = vector.shape_cast %reduce_max3A_53 : vector<16xf32> to vector<16x1xf32>
    %sub3A_55 = vector.broadcast %broadcast_in_dim3A_54 : vector<16x1xf32> to vector<16x2xf32>
    %sub3A_56 = arith.subf %add3A_51, %sub3A_55 : vector<16x2xf32>
    %exp3A_57 = math.exp %sub3A_56 : vector<16x2xf32>
    %reduce_sum3A_58 = arith.constant dense<0.000000e+00> : vector<16xf32>
    %reduce_sum3A_59 = vector.multi_reduction <add>, %exp3A_57, %reduce_sum3A_58 [1] : vector<16x2xf32> to vector<16xf32>
    %broadcast_in_dim3A_60 = vector.shape_cast %reduce_sum3A_59 : vector<16xf32> to vector<16x1xf32>
    %log3A_61 = math.log %broadcast_in_dim3A_60 : vector<16x1xf32>
    %add3A_62 = arith.addf %broadcast_in_dim3A_54, %log3A_61 : vector<16x1xf32>
    %iota3A_63 = tpu.iota {dimensions = array<i32: 0>} : vector<16x1xi32>
    %lt3A_64 = arith.constant 8 : i32
    %lt3A_65 = vector.broadcast %lt3A_64 : i32 to vector<16x1xi32>
    %lt3A_66 = arith.cmpi slt, %iota3A_63, %lt3A_65 : vector<16x1xi32>
    %slice3A_67 = vector.extract_strided_slice %add3A_51 {offsets = [0, 1], sizes = [16, 1], strides = [1, 1]} : vector<16x2xf32> to vector<16x1xf32>
    %slice3A_68 = vector.extract_strided_slice %add3A_51 {offsets = [0, 0], sizes = [16, 1], strides = [1, 1]} : vector<16x2xf32> to vector<16x1xf32>
    %select_n3A_69 = arith.select %lt3A_66, %slice3A_67, %slice3A_68 : vector<16x1xi1>, vector<16x1xf32>
    %sub3A_70 = arith.subf %add3A_62, %select_n3A_69 : vector<16x1xf32>
    %reduce_sum3A_71 = vector.shape_cast %sub3A_70 : vector<16x1xf32> to vector<1x16x1xf32>
    %reduce_sum3A_72 = arith.constant dense<0.000000e+00> : vector<1xf32>
    %reduce_sum3A_73 = vector.multi_reduction <add>, %reduce_sum3A_71, %reduce_sum3A_72 [1, 2] : vector<1x16x1xf32> to vector<1xf32>
    %reduce_sum3A_74 = vector.shape_cast %reduce_sum3A_73 : vector<1xf32> to vector<1x1x1xf32>
    %reduce_sum3A_75 = vector.extract %reduce_sum3A_74[0, 0, 0] : f32 from vector<1x1x1xf32>
    %div3A_76 = arith.constant 1.600000e+01 : f32
    %div3A_77 = arith.divf %reduce_sum3A_75, %div3A_76 : f32
    %get3A_78 = arith.constant 0 : index
    %get3A_79 = arith.constant 0 : index
    %get3A_80 = memref.load %arg11[%get3A_78, %get3A_79] : memref<1x1xi32, #tpu.memory_space<smem>>
    %get3A_81 = arith.constant 0 : index
    %get3A_82 = arith.constant 0 : index
    %get3A_83 = memref.load %arg12[%get3A_81, %get3A_82] : memref<1x1xi32, #tpu.memory_space<smem>>
    %ne3A = arith.constant 0 : i32
    %ne3A_84 = arith.cmpi ne, %get3A_83, %ne3A : i32
    %eq3A = arith.constant 0 : i32
    %eq3A_85 = arith.cmpi eq, %get3A_80, %eq3A : i32
    %select_n3A_86 = arith.select %eq3A_85, %div3A_39, %div3A_77 : f32
    %jit3A = arith.constant 0.000000e+00 : f32
    %select_n3A_87 = arith.select %ne3A_84, %select_n3A_86, %jit3A : f32
    %swap3A = arith.constant 0 : index
    %swap3A_88 = arith.constant 0 : index
    %swap3A_89 = memref.load %arg16[%swap3A, %swap3A_88] : memref<1x1xf32, #tpu.memory_space<smem>>
    memref.store %select_n3A_87, %arg16[%swap3A, %swap3A_88] : memref<1x1xf32, #tpu.memory_space<smem>>
    %get3A_90 = arith.constant 0 : index
    %get3A_91 = arith.constant 0 : index
    %get3A_92 = vector.load %arg9[%get3A_90, %get3A_91] : memref<1x512xf32, #tpu.memory_space<vmem>>, vector<1x512xf32>
    %get3A_93 = arith.constant 0 : index
    %get3A_94 = arith.constant 0 : index
    %get3A_95 = memref.load %arg10[%get3A_93, %get3A_94] : memref<1x1xf32, #tpu.memory_space<smem>>
    %div3A_96 = vector.broadcast %get3A_95 : f32 to vector<1x512xf32>
    %div3A_97 = arith.divf %get3A_92, %div3A_96 : vector<1x512xf32>
    %get3A_98 = arith.constant 0 : index
    %get3A_99 = arith.constant 0 : index
    %get3A_100 = vector.load %arg7[%get3A_98, %get3A_99] : memref<512x2xf32, #tpu.memory_space<vmem>>, vector<512x2xf32>
    %convert_element_type3A_101 = arith.truncf %div3A_97 : vector<1x512xf32> to vector<1x512xbf16>
    %convert_element_type3A_102 = arith.truncf %get3A_100 : vector<512x2xf32> to vector<512x2xbf16>
    %dot_general3A_103 = arith.constant dense<0.000000e+00> : vector<1x2xf32>
    %dot_general3A_104 = tpu.matmul %convert_element_type3A_101, %convert_element_type3A_102, %dot_general3A_103 {dimension_numbers = #tpu.dot_dimension_numbers<[1], [0], [0], [1], [0, 0, 1, 1], [], []>, transpose_lhs_hint = false} : vector<1x512xbf16>, vector<512x2xbf16>, vector<1x2xf32> -> vector<1x2xf32>
    %get3A_105 = arith.constant 0 : index
    %get3A_106 = arith.constant 0 : index
    %get3A_107 = vector.load %arg8[%get3A_105, %get3A_106] : memref<1x2xf32, #tpu.memory_space<vmem>>, vector<1x2xf32>
    %add3A_108 = arith.addf %dot_general3A_104, %get3A_107 : vector<1x2xf32>
    %swap3A_109 = arith.constant 0 : index
    %swap3A_110 = arith.constant 0 : index
    %swap3A_111 = vector.load %arg13[%swap3A_109, %swap3A_110] : memref<1x2xf32, #tpu.memory_space<vmem>>, vector<1x2xf32>
    tpu.vector_store %arg13[%swap3A_109, %swap3A_110], %add3A_108 {strides = array<i32>} : memref<1x2xf32, #tpu.memory_space<vmem>>, vector<1x2xf32>,
    %reduce_max3A_112 = arith.constant dense<0xFF800000> : vector<1xf32>
    %reduce_max3A_113 = vector.multi_reduction <maximumf>, %add3A_108, %reduce_max3A_112 [1] : vector<1x2xf32> to vector<1xf32>
    %broadcast_in_dim3A_114 = vector.shape_cast %reduce_max3A_113 : vector<1xf32> to vector<1x1xf32>
    %sub3A_115 = vector.broadcast %broadcast_in_dim3A_114 : vector<1x1xf32> to vector<1x2xf32>
    %sub3A_116 = arith.subf %add3A_108, %sub3A_115 : vector<1x2xf32>
    %exp3A_117 = math.exp %sub3A_116 : vector<1x2xf32>
    %reduce_sum3A_118 = arith.constant dense<0.000000e+00> : vector<1xf32>
    %reduce_sum3A_119 = vector.multi_reduction <add>, %exp3A_117, %reduce_sum3A_118 [1] : vector<1x2xf32> to vector<1xf32>
    %broadcast_in_dim3A_120 = vector.shape_cast %reduce_sum3A_119 : vector<1xf32> to vector<1x1xf32>
    %div3A_121 = vector.broadcast %broadcast_in_dim3A_120 : vector<1x1xf32> to vector<1x2xf32>
    %div3A_122 = arith.divf %exp3A_117, %div3A_121 : vector<1x2xf32>
    %swap3A_123 = arith.constant 0 : index
    %swap3A_124 = arith.constant 0 : index
    %swap3A_125 = vector.load %arg14[%swap3A_123, %swap3A_124] : memref<1x2xf32, #tpu.memory_space<vmem>>, vector<1x2xf32>
    tpu.vector_store %arg14[%swap3A_123, %swap3A_124], %div3A_122 {strides = array<i32>} : memref<1x2xf32, #tpu.memory_space<vmem>>, vector<1x2xf32>,
    %slice3A_126 = vector.extract_strided_slice %add3A_108 {offsets = [0, 1], sizes = [1, 1], strides = [1, 1]} : vector<1x2xf32> to vector<1x1xf32>
    %squeeze3A = vector.extract %slice3A_126[0, 0] : f32 from vector<1x1xf32>
    %slice3A_127 = vector.extract_strided_slice %add3A_108 {offsets = [0, 0], sizes = [1, 1], strides = [1, 1]} : vector<1x2xf32> to vector<1x1xf32>
    %squeeze3A_128 = vector.extract %slice3A_127[0, 0] : f32 from vector<1x1xf32>
    %gt3A = arith.cmpf ogt, %squeeze3A, %squeeze3A_128 : f32
    %jit3A_129 = arith.constant 1 : i32
    %jit3A_130 = arith.constant 0 : i32
    %select_n3A_131 = arith.select %gt3A, %jit3A_129, %jit3A_130 : i32
    %swap3A_132 = arith.constant 0 : index
    %swap3A_133 = arith.constant 0 : index
    %swap3A_134 = memref.load %arg15[%swap3A_132, %swap3A_133] : memref<1x1xi32, #tpu.memory_space<smem>>
    memref.store %select_n3A_131, %arg15[%swap3A_132, %swap3A_133] : memref<1x1xi32, #tpu.memory_space<smem>>
    return
  }
}

module attributes {stable_mosaic.version = 14 : i64} {
  func.func @_stream_body(%arg0: i32, %arg1: memref<2048x1024xf32, #tpu.memory_space<vmem>>, %arg2: memref<1024x512xf32, #tpu.memory_space<vmem>>, %arg3: memref<1x512xf32, #tpu.memory_space<vmem>>, %arg4: memref<512x256xf32, #tpu.memory_space<vmem>>, %arg5: memref<1x256xf32, #tpu.memory_space<vmem>>, %arg6: memref<512x256xf32, #tpu.memory_space<vmem>>, %arg7: memref<1x256xf32, #tpu.memory_space<vmem>>, %arg8: memref<256x1xf32, #tpu.memory_space<vmem>>, %arg9: memref<1x1xf32, #tpu.memory_space<smem>>, %arg10: memref<1x2048xf32, #tpu.memory_space<vmem>>, %arg11: memref<1x512xf32, #tpu.memory_space<vmem>>, %arg12: memref<1x1xf32, #tpu.memory_space<vmem>>, %arg13: memref<1x16xi32, #tpu.memory_space<smem>>, %arg14: memref<400x128xf32, #tpu.memory_space<vmem>>) attributes {dimension_semantics = [#tpu.dimension_semantics<arbitrary>], iteration_bounds = array<i64: 25>, scalar_prefetch = 0 : i64, scratch_operands = 1 : i64, tpu.core_type = #tpu.core_type<tc>, window_params = [{transform_indices = @transform_0, window_bounds = array<i64: 2048, 1024>}, {pipeline_mode = #tpu.pipeline_mode<synchronous>, transform_indices = @transform_1, window_bounds = array<i64: 1024, 512>}, {pipeline_mode = #tpu.pipeline_mode<synchronous>, transform_indices = @transform_2, window_bounds = array<i64: 1, 512>}, {pipeline_mode = #tpu.pipeline_mode<synchronous>, transform_indices = @transform_3, window_bounds = array<i64: 512, 256>}, {pipeline_mode = #tpu.pipeline_mode<synchronous>, transform_indices = @transform_4, window_bounds = array<i64: 1, 256>}, {pipeline_mode = #tpu.pipeline_mode<synchronous>, transform_indices = @transform_5, window_bounds = array<i64: 512, 256>}, {pipeline_mode = #tpu.pipeline_mode<synchronous>, transform_indices = @transform_6, window_bounds = array<i64: 1, 256>}, {pipeline_mode = #tpu.pipeline_mode<synchronous>, transform_indices = @transform_7, window_bounds = array<i64: 256, 1>}, {transform_indices = @transform_8, window_bounds = array<i64: 1, 1>}, {transform_indices = @transform_9, window_bounds = array<i64: 1, 2048>}, {pipeline_mode = #tpu.pipeline_mode<synchronous>, transform_indices = @transform_10, window_bounds = array<i64: 1, 512>}, {pipeline_mode = #tpu.pipeline_mode<synchronous>, transform_indices = @transform_11, window_bounds = array<i64: 1, 1>}, {transform_indices = @transform_12, window_bounds = array<i64: 1, 16>}]} {
    %eq3A = arith.constant 0 : i32
    %eq3A_0 = arith.cmpi eq, %arg0, %eq3A : i32
    %convert_element_type3A = arith.extui %eq3A_0 : i1 to i32
    %cond3A = arith.constant 0 : i32
    %cond3A_1 = arith.cmpi ne, %convert_element_type3A, %cond3A : i32
    scf.if %cond3A_1 {
      %broadcast_in_dim3A_112 = arith.constant 0.000000e+00 : f32
      %broadcast_in_dim3A_113 = vector.broadcast %broadcast_in_dim3A_112 : f32 to vector<1x512xf32>
      %swap3A_114 = arith.constant 0 : index
      %swap3A_115 = arith.constant 0 : index
      %swap3A_116 = vector.load %arg11[%swap3A_114, %swap3A_115] : memref<1x512xf32, #tpu.memory_space<vmem>>, vector<1x512xf32>
      tpu.vector_store %arg11[%swap3A_114, %swap3A_115], %broadcast_in_dim3A_113 {strides = array<i32>} : memref<1x512xf32, #tpu.memory_space<vmem>>, vector<1x512xf32>,
      %broadcast_in_dim3A_117 = arith.constant 0.000000e+00 : f32
      %broadcast_in_dim3A_118 = vector.broadcast %broadcast_in_dim3A_117 : f32 to vector<1x1xf32>
      %swap3A_119 = arith.constant 0 : index
      %swap3A_120 = arith.constant 0 : index
      %swap3A_121 = vector.load %arg12[%swap3A_119, %swap3A_120] : memref<1x1xf32, #tpu.memory_space<vmem>>, vector<1x1xf32>
      tpu.vector_store %arg12[%swap3A_119, %swap3A_120], %broadcast_in_dim3A_118 {strides = array<i32>} : memref<1x1xf32, #tpu.memory_space<vmem>>, vector<1x1xf32>,
    } else {
    }
    %mul3A = arith.constant 2048 : i32
    %mul3A_2 = arith.muli %arg0, %mul3A : i32
    %iota3A = tpu.iota {dimensions = array<i32: 0>} : vector<2048x1xi32>
    %add3A = vector.broadcast %mul3A_2 : i32 to vector<2048x1xi32>
    %add3A_3 = arith.addi %add3A, %iota3A : vector<2048x1xi32>
    %lt3A = arith.constant 50000 : i32
    %lt3A_4 = vector.broadcast %lt3A : i32 to vector<2048x1xi32>
    %lt3A_5 = arith.cmpi slt, %add3A_3, %lt3A_4 : vector<2048x1xi32>
    %get3A = arith.constant 0 : index
    %get3A_6 = arith.constant 0 : index
    %get3A_7 = vector.load %arg1[%get3A, %get3A_6] : memref<2048x1024xf32, #tpu.memory_space<vmem>>, vector<2048x1024xf32>
    %get3A_8 = arith.constant 0 : index
    %get3A_9 = arith.constant 0 : index
    %get3A_10 = vector.load %arg2[%get3A_8, %get3A_9] : memref<1024x512xf32, #tpu.memory_space<vmem>>, vector<1024x512xf32>
    %convert_element_type3A_11 = arith.truncf %get3A_7 : vector<2048x1024xf32> to vector<2048x1024xbf16>
    %convert_element_type3A_12 = arith.truncf %get3A_10 : vector<1024x512xf32> to vector<1024x512xbf16>
    %dot_general3A = arith.constant dense<0.000000e+00> : vector<2048x512xf32>
    %dot_general3A_13 = tpu.matmul %convert_element_type3A_11, %convert_element_type3A_12, %dot_general3A {dimension_numbers = #tpu.dot_dimension_numbers<[1], [0], [0], [1], [0, 0, 1, 1], [], []>, transpose_lhs_hint = false} : vector<2048x1024xbf16>, vector<1024x512xbf16>, vector<2048x512xf32> -> vector<2048x512xf32>
    %get3A_14 = arith.constant 0 : index
    %get3A_15 = arith.constant 0 : index
    %get3A_16 = vector.load %arg3[%get3A_14, %get3A_15] : memref<1x512xf32, #tpu.memory_space<vmem>>, vector<1x512xf32>
    %add3A_17 = vector.broadcast %get3A_16 : vector<1x512xf32> to vector<2048x512xf32>
    %add3A_18 = arith.addf %dot_general3A_13, %add3A_17 : vector<2048x512xf32>
    %max3A = arith.constant 0.000000e+00 : f32
    %max3A_19 = vector.broadcast %max3A : f32 to vector<2048x512xf32>
    %max3A_20 = arith.maximumf %add3A_18, %max3A_19 : vector<2048x512xf32>
    %jit3A = arith.constant 0.000000e+00 : f32
    %broadcast_in_dim3A = vector.shape_cast %lt3A_5 : vector<2048x1xi1> to vector<2048x1xi1>
    %broadcast_in_dim3A_21 = vector.broadcast %broadcast_in_dim3A : vector<2048x1xi1> to vector<2048x512xi1>
    %broadcast_in_dim3A_22 = vector.broadcast %jit3A : f32 to vector<2048x512xf32>
    %select_n3A = arith.select %broadcast_in_dim3A_21, %max3A_20, %broadcast_in_dim3A_22 : vector<2048x512xi1>, vector<2048x512xf32>
    %convert_element_type3A_23 = arith.truncf %select_n3A : vector<2048x512xf32> to vector<2048x512xbf16>
    %get3A_24 = arith.constant 0 : index
    %get3A_25 = arith.constant 0 : index
    %get3A_26 = vector.load %arg4[%get3A_24, %get3A_25] : memref<512x256xf32, #tpu.memory_space<vmem>>, vector<512x256xf32>
    %convert_element_type3A_27 = arith.truncf %get3A_26 : vector<512x256xf32> to vector<512x256xbf16>
    %dot_general3A_28 = arith.constant dense<0.000000e+00> : vector<2048x256xf32>
    %dot_general3A_29 = tpu.matmul %convert_element_type3A_23, %convert_element_type3A_27, %dot_general3A_28 {dimension_numbers = #tpu.dot_dimension_numbers<[1], [0], [0], [1], [0, 0, 1, 1], [], []>, transpose_lhs_hint = false} : vector<2048x512xbf16>, vector<512x256xbf16>, vector<2048x256xf32> -> vector<2048x256xf32>
    %get3A_30 = arith.constant 0 : index
    %get3A_31 = arith.constant 0 : index
    %get3A_32 = vector.load %arg5[%get3A_30, %get3A_31] : memref<1x256xf32, #tpu.memory_space<vmem>>, vector<1x256xf32>
    %add3A_33 = vector.broadcast %get3A_32 : vector<1x256xf32> to vector<2048x256xf32>
    %add3A_34 = arith.addf %dot_general3A_29, %add3A_33 : vector<2048x256xf32>
    %tanh3A = math.tanh %add3A_34 : vector<2048x256xf32>
    %get3A_35 = arith.constant 0 : index
    %get3A_36 = arith.constant 0 : index
    %get3A_37 = vector.load %arg6[%get3A_35, %get3A_36] : memref<512x256xf32, #tpu.memory_space<vmem>>, vector<512x256xf32>
    %convert_element_type3A_38 = arith.truncf %get3A_37 : vector<512x256xf32> to vector<512x256xbf16>
    %dot_general3A_39 = arith.constant dense<0.000000e+00> : vector<2048x256xf32>
    %dot_general3A_40 = tpu.matmul %convert_element_type3A_23, %convert_element_type3A_38, %dot_general3A_39 {dimension_numbers = #tpu.dot_dimension_numbers<[1], [0], [0], [1], [0, 0, 1, 1], [], []>, transpose_lhs_hint = false} : vector<2048x512xbf16>, vector<512x256xbf16>, vector<2048x256xf32> -> vector<2048x256xf32>
    %get3A_41 = arith.constant 0 : index
    %get3A_42 = arith.constant 0 : index
    %get3A_43 = vector.load %arg7[%get3A_41, %get3A_42] : memref<1x256xf32, #tpu.memory_space<vmem>>, vector<1x256xf32>
    %add3A_44 = vector.broadcast %get3A_43 : vector<1x256xf32> to vector<2048x256xf32>
    %add3A_45 = arith.addf %dot_general3A_40, %add3A_44 : vector<2048x256xf32>
    %logistic3A = arith.negf %add3A_45 : vector<2048x256xf32>
    %logistic3A_46 = math.exp %logistic3A : vector<2048x256xf32>
    %logistic3A_47 = arith.constant 1.000000e+00 : f32
    %logistic3A_48 = vector.broadcast %logistic3A_47 : f32 to vector<2048x256xf32>
    %logistic3A_49 = arith.addf %logistic3A_48, %logistic3A_46 : vector<2048x256xf32>
    %logistic3A_50 = arith.divf %logistic3A_48, %logistic3A_49 : vector<2048x256xf32>
    %mul3A_51 = arith.mulf %tanh3A, %logistic3A_50 : vector<2048x256xf32>
    %convert_element_type3A_52 = arith.truncf %mul3A_51 : vector<2048x256xf32> to vector<2048x256xbf16>
    %get3A_53 = arith.constant 0 : index
    %get3A_54 = arith.constant 0 : index
    %get3A_55 = vector.load %arg8[%get3A_53, %get3A_54] : memref<256x1xf32, #tpu.memory_space<vmem>>, vector<256x1xf32>
    %convert_element_type3A_56 = arith.truncf %get3A_55 : vector<256x1xf32> to vector<256x1xbf16>
    %dot_general3A_57 = arith.constant dense<0.000000e+00> : vector<1x2048xf32>
    %dot_general3A_58 = tpu.matmul %convert_element_type3A_56, %convert_element_type3A_52, %dot_general3A_57 {dimension_numbers = #tpu.dot_dimension_numbers<[0], [1], [1], [0], [0, 1, 1, 0], [], []>, transpose_lhs_hint = false} : vector<256x1xbf16>, vector<2048x256xbf16>, vector<1x2048xf32> -> vector<1x2048xf32>
    %get3A_59 = arith.constant 0 : index
    %get3A_60 = arith.constant 0 : index
    %get3A_61 = memref.load %arg9[%get3A_59, %get3A_60] : memref<1x1xf32, #tpu.memory_space<smem>>
    %add3A_62 = vector.broadcast %get3A_61 : f32 to vector<1x2048xf32>
    %add3A_63 = arith.addf %dot_general3A_58, %add3A_62 : vector<1x2048xf32>
    %swap3A = arith.constant 0 : index
    %swap3A_64 = arith.constant 0 : index
    %swap3A_65 = vector.load %arg10[%swap3A, %swap3A_64] : memref<1x2048xf32, #tpu.memory_space<vmem>>, vector<1x2048xf32>
    tpu.vector_store %arg10[%swap3A, %swap3A_64], %add3A_63 {strides = array<i32>} : memref<1x2048xf32, #tpu.memory_space<vmem>>, vector<1x2048xf32>,
    %reshape3A = vector.shape_cast %add3A_63 : vector<1x2048xf32> to vector<16x128xf32>
    %mul3A_66 = arith.constant 16 : i32
    %mul3A_67 = arith.muli %arg0, %mul3A_66 : i32
    %swap3A_68 = arith.index_cast %mul3A_67 : i32 to index
    %swap3A_69 = arith.constant 0 : index
    %swap3A_70 = vector.load %arg14[%swap3A_68, %swap3A_69] : memref<400x128xf32, #tpu.memory_space<vmem>>, vector<16x128xf32>
    tpu.vector_store %arg14[%swap3A_68, %swap3A_69], %reshape3A {strides = array<i32>} : memref<400x128xf32, #tpu.memory_space<vmem>>, vector<16x128xf32>,
    %iota3A_71 = tpu.iota {dimensions = array<i32: 1>} : vector<1x2048xi32>
    %mul3A_72 = arith.constant 2048 : i32
    %mul3A_73 = arith.muli %arg0, %mul3A_72 : i32
    %add3A_74 = vector.broadcast %mul3A_73 : i32 to vector<1x2048xi32>
    %add3A_75 = arith.addi %add3A_74, %iota3A_71 : vector<1x2048xi32>
    %lt3A_76 = arith.constant 50000 : i32
    %lt3A_77 = vector.broadcast %lt3A_76 : i32 to vector<1x2048xi32>
    %lt3A_78 = arith.cmpi slt, %add3A_75, %lt3A_77 : vector<1x2048xi32>
    %logistic3A_79 = arith.negf %add3A_63 : vector<1x2048xf32>
    %logistic3A_80 = math.exp %logistic3A_79 : vector<1x2048xf32>
    %logistic3A_81 = arith.constant 1.000000e+00 : f32
    %logistic3A_82 = vector.broadcast %logistic3A_81 : f32 to vector<1x2048xf32>
    %logistic3A_83 = arith.addf %logistic3A_82, %logistic3A_80 : vector<1x2048xf32>
    %logistic3A_84 = arith.divf %logistic3A_82, %logistic3A_83 : vector<1x2048xf32>
    %jit3A_85 = arith.constant 0.000000e+00 : f32
    %broadcast_in_dim3A_86 = vector.broadcast %jit3A_85 : f32 to vector<1x2048xf32>
    %select_n3A_87 = arith.select %lt3A_78, %logistic3A_84, %broadcast_in_dim3A_86 : vector<1x2048xi1>, vector<1x2048xf32>
    %get3A_88 = arith.constant 0 : index
    %get3A_89 = arith.constant 0 : index
    %get3A_90 = vector.load %arg11[%get3A_88, %get3A_89] : memref<1x512xf32, #tpu.memory_space<vmem>>, vector<1x512xf32>
    %convert_element_type3A_91 = arith.truncf %select_n3A_87 : vector<1x2048xf32> to vector<1x2048xbf16>
    %dot_general3A_92 = arith.constant dense<0.000000e+00> : vector<1x512xf32>
    %dot_general3A_93 = tpu.matmul %convert_element_type3A_91, %convert_element_type3A_23, %dot_general3A_92 {dimension_numbers = #tpu.dot_dimension_numbers<[1], [0], [0], [1], [0, 0, 1, 1], [], []>, transpose_lhs_hint = false} : vector<1x2048xbf16>, vector<2048x512xbf16>, vector<1x512xf32> -> vector<1x512xf32>
    %add3A_94 = arith.addf %get3A_90, %dot_general3A_93 : vector<1x512xf32>
    %swap3A_95 = arith.constant 0 : index
    %swap3A_96 = arith.constant 0 : index
    %swap3A_97 = vector.load %arg11[%swap3A_95, %swap3A_96] : memref<1x512xf32, #tpu.memory_space<vmem>>, vector<1x512xf32>
    tpu.vector_store %arg11[%swap3A_95, %swap3A_96], %add3A_94 {strides = array<i32>} : memref<1x512xf32, #tpu.memory_space<vmem>>, vector<1x512xf32>,
    %get3A_98 = arith.constant 0 : index
    %get3A_99 = arith.constant 0 : index
    %get3A_100 = vector.load %arg12[%get3A_98, %get3A_99] : memref<1x1xf32, #tpu.memory_space<vmem>>, vector<1x1xf32>
    %reduce_sum3A = arith.constant dense<0.000000e+00> : vector<1xf32>
    %reduce_sum3A_101 = vector.multi_reduction <add>, %select_n3A_87, %reduce_sum3A [1] : vector<1x2048xf32> to vector<1xf32>
    %broadcast_in_dim3A_102 = vector.shape_cast %reduce_sum3A_101 : vector<1xf32> to vector<1x1xf32>
    %add3A_103 = arith.addf %get3A_100, %broadcast_in_dim3A_102 : vector<1x1xf32>
    %swap3A_104 = arith.constant 0 : index
    %swap3A_105 = arith.constant 0 : index
    %swap3A_106 = vector.load %arg12[%swap3A_104, %swap3A_105] : memref<1x1xf32, #tpu.memory_space<vmem>>, vector<1x1xf32>
    tpu.vector_store %arg12[%swap3A_104, %swap3A_105], %add3A_103 {strides = array<i32>} : memref<1x1xf32, #tpu.memory_space<vmem>>, vector<1x1xf32>,
    %eq3A_107 = arith.constant 24 : i32
    %eq3A_108 = arith.cmpi eq, %arg0, %eq3A_107 : i32
    %convert_element_type3A_109 = arith.extui %eq3A_108 : i1 to i32
    %cond3A_110 = arith.constant 0 : i32
    %cond3A_111 = arith.cmpi ne, %convert_element_type3A_109, %cond3A_110 : i32
    scf.if %cond3A_111 {
      %get3A_112 = arith.constant 0 : index
      %get3A_113 = arith.constant 0 : index
      %get3A_114 = vector.load %arg14[%get3A_112, %get3A_113] : memref<400x128xf32, #tpu.memory_space<vmem>>, vector<400x128xf32>
      %iota3A_115 = tpu.iota {dimensions = array<i32: 0>} : vector<400x128xi32>
      %iota3A_116 = tpu.iota {dimensions = array<i32: 1>} : vector<400x128xi32>
      %mul3A_117 = arith.constant 128 : i32
      %mul3A_118 = vector.broadcast %mul3A_117 : i32 to vector<400x128xi32>
      %mul3A_119 = arith.muli %iota3A_115, %mul3A_118 : vector<400x128xi32>
      %add3A_120 = arith.addi %mul3A_119, %iota3A_116 : vector<400x128xi32>
      %lt3A_121 = arith.constant 50000 : i32
      %lt3A_122 = vector.broadcast %lt3A_121 : i32 to vector<400x128xi32>
      %lt3A_123 = arith.cmpi slt, %add3A_120, %lt3A_122 : vector<400x128xi32>
      %jit3A_124 = arith.constant 0xFF800000 : f32
      %broadcast_in_dim3A_125 = vector.broadcast %jit3A_124 : f32 to vector<400x128xf32>
      %select_n3A_126 = arith.select %lt3A_123, %get3A_114, %broadcast_in_dim3A_125 : vector<400x128xi1>, vector<400x128xf32>
      %jit3A_127 = arith.constant 0x7F800000 : f32
      %broadcast_in_dim3A_128 = vector.broadcast %jit3A_127 : f32 to vector<400x128xf32>
      %select_n3A_129 = arith.select %lt3A_123, %get3A_114, %broadcast_in_dim3A_128 : vector<400x128xi1>, vector<400x128xf32>
      %slice3A = vector.extract_strided_slice %select_n3A_126 {offsets = [0, 0], sizes = [8, 128], strides = [1, 1]} : vector<400x128xf32> to vector<8x128xf32>
      %slice3A_130 = vector.extract_strided_slice %select_n3A_126 {offsets = [8, 0], sizes = [8, 128], strides = [1, 1]} : vector<400x128xf32> to vector<8x128xf32>
      %slice3A_131 = vector.extract_strided_slice %select_n3A_126 {offsets = [16, 0], sizes = [8, 128], strides = [1, 1]} : vector<400x128xf32> to vector<8x128xf32>
      %slice3A_132 = vector.extract_strided_slice %select_n3A_126 {offsets = [24, 0], sizes = [8, 128], strides = [1, 1]} : vector<400x128xf32> to vector<8x128xf32>
      %slice3A_133 = vector.extract_strided_slice %select_n3A_126 {offsets = [32, 0], sizes = [8, 128], strides = [1, 1]} : vector<400x128xf32> to vector<8x128xf32>
      %slice3A_134 = vector.extract_strided_slice %select_n3A_126 {offsets = [40, 0], sizes = [8, 128], strides = [1, 1]} : vector<400x128xf32> to vector<8x128xf32>
      %slice3A_135 = vector.extract_strided_slice %select_n3A_126 {offsets = [48, 0], sizes = [8, 128], strides = [1, 1]} : vector<400x128xf32> to vector<8x128xf32>
      %slice3A_136 = vector.extract_strided_slice %select_n3A_126 {offsets = [56, 0], sizes = [8, 128], strides = [1, 1]} : vector<400x128xf32> to vector<8x128xf32>
      %slice3A_137 = vector.extract_strided_slice %select_n3A_126 {offsets = [64, 0], sizes = [8, 128], strides = [1, 1]} : vector<400x128xf32> to vector<8x128xf32>
      %slice3A_138 = vector.extract_strided_slice %select_n3A_126 {offsets = [72, 0], sizes = [8, 128], strides = [1, 1]} : vector<400x128xf32> to vector<8x128xf32>
      %slice3A_139 = vector.extract_strided_slice %select_n3A_126 {offsets = [80, 0], sizes = [8, 128], strides = [1, 1]} : vector<400x128xf32> to vector<8x128xf32>
      %slice3A_140 = vector.extract_strided_slice %select_n3A_126 {offsets = [88, 0], sizes = [8, 128], strides = [1, 1]} : vector<400x128xf32> to vector<8x128xf32>
      %slice3A_141 = vector.extract_strided_slice %select_n3A_126 {offsets = [96, 0], sizes = [8, 128], strides = [1, 1]} : vector<400x128xf32> to vector<8x128xf32>
      %slice3A_142 = vector.extract_strided_slice %select_n3A_126 {offsets = [104, 0], sizes = [8, 128], strides = [1, 1]} : vector<400x128xf32> to vector<8x128xf32>
      %slice3A_143 = vector.extract_strided_slice %select_n3A_126 {offsets = [112, 0], sizes = [8, 128], strides = [1, 1]} : vector<400x128xf32> to vector<8x128xf32>
      %slice3A_144 = vector.extract_strided_slice %select_n3A_126 {offsets = [120, 0], sizes = [8, 128], strides = [1, 1]} : vector<400x128xf32> to vector<8x128xf32>
      %slice3A_145 = vector.extract_strided_slice %select_n3A_126 {offsets = [128, 0], sizes = [8, 128], strides = [1, 1]} : vector<400x128xf32> to vector<8x128xf32>
      %slice3A_146 = vector.extract_strided_slice %select_n3A_126 {offsets = [136, 0], sizes = [8, 128], strides = [1, 1]} : vector<400x128xf32> to vector<8x128xf32>
      %slice3A_147 = vector.extract_strided_slice %select_n3A_126 {offsets = [144, 0], sizes = [8, 128], strides = [1, 1]} : vector<400x128xf32> to vector<8x128xf32>
      %slice3A_148 = vector.extract_strided_slice %select_n3A_126 {offsets = [152, 0], sizes = [8, 128], strides = [1, 1]} : vector<400x128xf32> to vector<8x128xf32>
      %slice3A_149 = vector.extract_strided_slice %select_n3A_126 {offsets = [160, 0], sizes = [8, 128], strides = [1, 1]} : vector<400x128xf32> to vector<8x128xf32>
      %slice3A_150 = vector.extract_strided_slice %select_n3A_126 {offsets = [168, 0], sizes = [8, 128], strides = [1, 1]} : vector<400x128xf32> to vector<8x128xf32>
      %slice3A_151 = vector.extract_strided_slice %select_n3A_126 {offsets = [176, 0], sizes = [8, 128], strides = [1, 1]} : vector<400x128xf32> to vector<8x128xf32>
      %slice3A_152 = vector.extract_strided_slice %select_n3A_126 {offsets = [184, 0], sizes = [8, 128], strides = [1, 1]} : vector<400x128xf32> to vector<8x128xf32>
      %slice3A_153 = vector.extract_strided_slice %select_n3A_126 {offsets = [192, 0], sizes = [8, 128], strides = [1, 1]} : vector<400x128xf32> to vector<8x128xf32>
      %slice3A_154 = vector.extract_strided_slice %select_n3A_126 {offsets = [200, 0], sizes = [8, 128], strides = [1, 1]} : vector<400x128xf32> to vector<8x128xf32>
      %slice3A_155 = vector.extract_strided_slice %select_n3A_126 {offsets = [208, 0], sizes = [8, 128], strides = [1, 1]} : vector<400x128xf32> to vector<8x128xf32>
      %slice3A_156 = vector.extract_strided_slice %select_n3A_126 {offsets = [216, 0], sizes = [8, 128], strides = [1, 1]} : vector<400x128xf32> to vector<8x128xf32>
      %slice3A_157 = vector.extract_strided_slice %select_n3A_126 {offsets = [224, 0], sizes = [8, 128], strides = [1, 1]} : vector<400x128xf32> to vector<8x128xf32>
      %slice3A_158 = vector.extract_strided_slice %select_n3A_126 {offsets = [232, 0], sizes = [8, 128], strides = [1, 1]} : vector<400x128xf32> to vector<8x128xf32>
      %slice3A_159 = vector.extract_strided_slice %select_n3A_126 {offsets = [240, 0], sizes = [8, 128], strides = [1, 1]} : vector<400x128xf32> to vector<8x128xf32>
      %slice3A_160 = vector.extract_strided_slice %select_n3A_126 {offsets = [248, 0], sizes = [8, 128], strides = [1, 1]} : vector<400x128xf32> to vector<8x128xf32>
      %slice3A_161 = vector.extract_strided_slice %select_n3A_126 {offsets = [256, 0], sizes = [8, 128], strides = [1, 1]} : vector<400x128xf32> to vector<8x128xf32>
      %slice3A_162 = vector.extract_strided_slice %select_n3A_126 {offsets = [264, 0], sizes = [8, 128], strides = [1, 1]} : vector<400x128xf32> to vector<8x128xf32>
      %slice3A_163 = vector.extract_strided_slice %select_n3A_126 {offsets = [272, 0], sizes = [8, 128], strides = [1, 1]} : vector<400x128xf32> to vector<8x128xf32>
      %slice3A_164 = vector.extract_strided_slice %select_n3A_126 {offsets = [280, 0], sizes = [8, 128], strides = [1, 1]} : vector<400x128xf32> to vector<8x128xf32>
      %slice3A_165 = vector.extract_strided_slice %select_n3A_126 {offsets = [288, 0], sizes = [8, 128], strides = [1, 1]} : vector<400x128xf32> to vector<8x128xf32>
      %slice3A_166 = vector.extract_strided_slice %select_n3A_126 {offsets = [296, 0], sizes = [8, 128], strides = [1, 1]} : vector<400x128xf32> to vector<8x128xf32>
      %slice3A_167 = vector.extract_strided_slice %select_n3A_126 {offsets = [304, 0], sizes = [8, 128], strides = [1, 1]} : vector<400x128xf32> to vector<8x128xf32>
      %slice3A_168 = vector.extract_strided_slice %select_n3A_126 {offsets = [312, 0], sizes = [8, 128], strides = [1, 1]} : vector<400x128xf32> to vector<8x128xf32>
      %slice3A_169 = vector.extract_strided_slice %select_n3A_126 {offsets = [320, 0], sizes = [8, 128], strides = [1, 1]} : vector<400x128xf32> to vector<8x128xf32>
      %slice3A_170 = vector.extract_strided_slice %select_n3A_126 {offsets = [328, 0], sizes = [8, 128], strides = [1, 1]} : vector<400x128xf32> to vector<8x128xf32>
      %slice3A_171 = vector.extract_strided_slice %select_n3A_126 {offsets = [336, 0], sizes = [8, 128], strides = [1, 1]} : vector<400x128xf32> to vector<8x128xf32>
      %slice3A_172 = vector.extract_strided_slice %select_n3A_126 {offsets = [344, 0], sizes = [8, 128], strides = [1, 1]} : vector<400x128xf32> to vector<8x128xf32>
      %slice3A_173 = vector.extract_strided_slice %select_n3A_126 {offsets = [352, 0], sizes = [8, 128], strides = [1, 1]} : vector<400x128xf32> to vector<8x128xf32>
      %slice3A_174 = vector.extract_strided_slice %select_n3A_126 {offsets = [360, 0], sizes = [8, 128], strides = [1, 1]} : vector<400x128xf32> to vector<8x128xf32>
      %slice3A_175 = vector.extract_strided_slice %select_n3A_126 {offsets = [368, 0], sizes = [8, 128], strides = [1, 1]} : vector<400x128xf32> to vector<8x128xf32>
      %slice3A_176 = vector.extract_strided_slice %select_n3A_126 {offsets = [376, 0], sizes = [8, 128], strides = [1, 1]} : vector<400x128xf32> to vector<8x128xf32>
      %slice3A_177 = vector.extract_strided_slice %select_n3A_126 {offsets = [384, 0], sizes = [8, 128], strides = [1, 1]} : vector<400x128xf32> to vector<8x128xf32>
      %slice3A_178 = vector.extract_strided_slice %select_n3A_126 {offsets = [392, 0], sizes = [8, 128], strides = [1, 1]} : vector<400x128xf32> to vector<8x128xf32>
      %max3A_179 = arith.maximumf %slice3A, %slice3A_130 : vector<8x128xf32>
      %max3A_180 = arith.maximumf %slice3A_131, %slice3A_132 : vector<8x128xf32>
      %max3A_181 = arith.maximumf %slice3A_133, %slice3A_134 : vector<8x128xf32>
      %max3A_182 = arith.maximumf %slice3A_135, %slice3A_136 : vector<8x128xf32>
      %max3A_183 = arith.maximumf %slice3A_137, %slice3A_138 : vector<8x128xf32>
      %max3A_184 = arith.maximumf %slice3A_139, %slice3A_140 : vector<8x128xf32>
      %max3A_185 = arith.maximumf %slice3A_141, %slice3A_142 : vector<8x128xf32>
      %max3A_186 = arith.maximumf %slice3A_143, %slice3A_144 : vector<8x128xf32>
      %max3A_187 = arith.maximumf %slice3A_145, %slice3A_146 : vector<8x128xf32>
      %max3A_188 = arith.maximumf %slice3A_147, %slice3A_148 : vector<8x128xf32>
      %max3A_189 = arith.maximumf %slice3A_149, %slice3A_150 : vector<8x128xf32>
      %max3A_190 = arith.maximumf %slice3A_151, %slice3A_152 : vector<8x128xf32>
      %max3A_191 = arith.maximumf %slice3A_153, %slice3A_154 : vector<8x128xf32>
      %max3A_192 = arith.maximumf %slice3A_155, %slice3A_156 : vector<8x128xf32>
      %max3A_193 = arith.maximumf %slice3A_157, %slice3A_158 : vector<8x128xf32>
      %max3A_194 = arith.maximumf %slice3A_159, %slice3A_160 : vector<8x128xf32>
      %max3A_195 = arith.maximumf %slice3A_161, %slice3A_162 : vector<8x128xf32>
      %max3A_196 = arith.maximumf %slice3A_163, %slice3A_164 : vector<8x128xf32>
      %max3A_197 = arith.maximumf %slice3A_165, %slice3A_166 : vector<8x128xf32>
      %max3A_198 = arith.maximumf %slice3A_167, %slice3A_168 : vector<8x128xf32>
      %max3A_199 = arith.maximumf %slice3A_169, %slice3A_170 : vector<8x128xf32>
      %max3A_200 = arith.maximumf %slice3A_171, %slice3A_172 : vector<8x128xf32>
      %max3A_201 = arith.maximumf %slice3A_173, %slice3A_174 : vector<8x128xf32>
      %max3A_202 = arith.maximumf %slice3A_175, %slice3A_176 : vector<8x128xf32>
      %max3A_203 = arith.maximumf %slice3A_177, %slice3A_178 : vector<8x128xf32>
      %max3A_204 = arith.maximumf %max3A_179, %max3A_180 : vector<8x128xf32>
      %max3A_205 = arith.maximumf %max3A_181, %max3A_182 : vector<8x128xf32>
      %max3A_206 = arith.maximumf %max3A_183, %max3A_184 : vector<8x128xf32>
      %max3A_207 = arith.maximumf %max3A_185, %max3A_186 : vector<8x128xf32>
      %max3A_208 = arith.maximumf %max3A_187, %max3A_188 : vector<8x128xf32>
      %max3A_209 = arith.maximumf %max3A_189, %max3A_190 : vector<8x128xf32>
      %max3A_210 = arith.maximumf %max3A_191, %max3A_192 : vector<8x128xf32>
      %max3A_211 = arith.maximumf %max3A_193, %max3A_194 : vector<8x128xf32>
      %max3A_212 = arith.maximumf %max3A_195, %max3A_196 : vector<8x128xf32>
      %max3A_213 = arith.maximumf %max3A_197, %max3A_198 : vector<8x128xf32>
      %max3A_214 = arith.maximumf %max3A_199, %max3A_200 : vector<8x128xf32>
      %max3A_215 = arith.maximumf %max3A_201, %max3A_202 : vector<8x128xf32>
      %max3A_216 = arith.maximumf %max3A_204, %max3A_205 : vector<8x128xf32>
      %max3A_217 = arith.maximumf %max3A_206, %max3A_207 : vector<8x128xf32>
      %max3A_218 = arith.maximumf %max3A_208, %max3A_209 : vector<8x128xf32>
      %max3A_219 = arith.maximumf %max3A_210, %max3A_211 : vector<8x128xf32>
      %max3A_220 = arith.maximumf %max3A_212, %max3A_213 : vector<8x128xf32>
      %max3A_221 = arith.maximumf %max3A_214, %max3A_215 : vector<8x128xf32>
      %max3A_222 = arith.maximumf %max3A_216, %max3A_217 : vector<8x128xf32>
      %max3A_223 = arith.maximumf %max3A_218, %max3A_219 : vector<8x128xf32>
      %max3A_224 = arith.maximumf %max3A_220, %max3A_221 : vector<8x128xf32>
      %max3A_225 = arith.maximumf %max3A_222, %max3A_223 : vector<8x128xf32>
      %max3A_226 = arith.maximumf %max3A_224, %max3A_203 : vector<8x128xf32>
      %max3A_227 = arith.maximumf %max3A_225, %max3A_226 : vector<8x128xf32>
      %slice3A_228 = vector.extract_strided_slice %max3A_227 {offsets = [0, 0], sizes = [1, 128], strides = [1, 1]} : vector<8x128xf32> to vector<1x128xf32>
      %slice3A_229 = vector.extract_strided_slice %max3A_227 {offsets = [1, 0], sizes = [1, 128], strides = [1, 1]} : vector<8x128xf32> to vector<1x128xf32>
      %slice3A_230 = vector.extract_strided_slice %max3A_227 {offsets = [2, 0], sizes = [1, 128], strides = [1, 1]} : vector<8x128xf32> to vector<1x128xf32>
      %slice3A_231 = vector.extract_strided_slice %max3A_227 {offsets = [3, 0], sizes = [1, 128], strides = [1, 1]} : vector<8x128xf32> to vector<1x128xf32>
      %slice3A_232 = vector.extract_strided_slice %max3A_227 {offsets = [4, 0], sizes = [1, 128], strides = [1, 1]} : vector<8x128xf32> to vector<1x128xf32>
      %slice3A_233 = vector.extract_strided_slice %max3A_227 {offsets = [5, 0], sizes = [1, 128], strides = [1, 1]} : vector<8x128xf32> to vector<1x128xf32>
      %slice3A_234 = vector.extract_strided_slice %max3A_227 {offsets = [6, 0], sizes = [1, 128], strides = [1, 1]} : vector<8x128xf32> to vector<1x128xf32>
      %slice3A_235 = vector.extract_strided_slice %max3A_227 {offsets = [7, 0], sizes = [1, 128], strides = [1, 1]} : vector<8x128xf32> to vector<1x128xf32>
      %max3A_236 = arith.maximumf %slice3A_228, %slice3A_229 : vector<1x128xf32>
      %max3A_237 = arith.maximumf %slice3A_230, %slice3A_231 : vector<1x128xf32>
      %max3A_238 = arith.maximumf %slice3A_232, %slice3A_233 : vector<1x128xf32>
      %max3A_239 = arith.maximumf %slice3A_234, %slice3A_235 : vector<1x128xf32>
      %max3A_240 = arith.maximumf %max3A_236, %max3A_237 : vector<1x128xf32>
      %max3A_241 = arith.maximumf %max3A_238, %max3A_239 : vector<1x128xf32>
      %max3A_242 = arith.maximumf %max3A_240, %max3A_241 : vector<1x128xf32>
      %eq3A_243 = vector.broadcast %max3A_242 : vector<1x128xf32> to vector<400x128xf32>
      %eq3A_244 = arith.cmpf oeq, %select_n3A_126, %eq3A_243 : vector<400x128xf32>
      %jit3A_245 = arith.constant 2147483647 : i32
      %broadcast_in_dim3A_246 = vector.broadcast %jit3A_245 : i32 to vector<400x128xi32>
      %select_n3A_247 = arith.select %eq3A_244, %iota3A_115, %broadcast_in_dim3A_246 : vector<400x128xi1>, vector<400x128xi32>
      %slice3A_248 = vector.extract_strided_slice %select_n3A_247 {offsets = [0, 0], sizes = [8, 128], strides = [1, 1]} : vector<400x128xi32> to vector<8x128xi32>
      %slice3A_249 = vector.extract_strided_slice %select_n3A_247 {offsets = [8, 0], sizes = [8, 128], strides = [1, 1]} : vector<400x128xi32> to vector<8x128xi32>
      %slice3A_250 = vector.extract_strided_slice %select_n3A_247 {offsets = [16, 0], sizes = [8, 128], strides = [1, 1]} : vector<400x128xi32> to vector<8x128xi32>
      %slice3A_251 = vector.extract_strided_slice %select_n3A_247 {offsets = [24, 0], sizes = [8, 128], strides = [1, 1]} : vector<400x128xi32> to vector<8x128xi32>
      %slice3A_252 = vector.extract_strided_slice %select_n3A_247 {offsets = [32, 0], sizes = [8, 128], strides = [1, 1]} : vector<400x128xi32> to vector<8x128xi32>
      %slice3A_253 = vector.extract_strided_slice %select_n3A_247 {offsets = [40, 0], sizes = [8, 128], strides = [1, 1]} : vector<400x128xi32> to vector<8x128xi32>
      %slice3A_254 = vector.extract_strided_slice %select_n3A_247 {offsets = [48, 0], sizes = [8, 128], strides = [1, 1]} : vector<400x128xi32> to vector<8x128xi32>
      %slice3A_255 = vector.extract_strided_slice %select_n3A_247 {offsets = [56, 0], sizes = [8, 128], strides = [1, 1]} : vector<400x128xi32> to vector<8x128xi32>
      %slice3A_256 = vector.extract_strided_slice %select_n3A_247 {offsets = [64, 0], sizes = [8, 128], strides = [1, 1]} : vector<400x128xi32> to vector<8x128xi32>
      %slice3A_257 = vector.extract_strided_slice %select_n3A_247 {offsets = [72, 0], sizes = [8, 128], strides = [1, 1]} : vector<400x128xi32> to vector<8x128xi32>
      %slice3A_258 = vector.extract_strided_slice %select_n3A_247 {offsets = [80, 0], sizes = [8, 128], strides = [1, 1]} : vector<400x128xi32> to vector<8x128xi32>
      %slice3A_259 = vector.extract_strided_slice %select_n3A_247 {offsets = [88, 0], sizes = [8, 128], strides = [1, 1]} : vector<400x128xi32> to vector<8x128xi32>
      %slice3A_260 = vector.extract_strided_slice %select_n3A_247 {offsets = [96, 0], sizes = [8, 128], strides = [1, 1]} : vector<400x128xi32> to vector<8x128xi32>
      %slice3A_261 = vector.extract_strided_slice %select_n3A_247 {offsets = [104, 0], sizes = [8, 128], strides = [1, 1]} : vector<400x128xi32> to vector<8x128xi32>
      %slice3A_262 = vector.extract_strided_slice %select_n3A_247 {offsets = [112, 0], sizes = [8, 128], strides = [1, 1]} : vector<400x128xi32> to vector<8x128xi32>
      %slice3A_263 = vector.extract_strided_slice %select_n3A_247 {offsets = [120, 0], sizes = [8, 128], strides = [1, 1]} : vector<400x128xi32> to vector<8x128xi32>
      %slice3A_264 = vector.extract_strided_slice %select_n3A_247 {offsets = [128, 0], sizes = [8, 128], strides = [1, 1]} : vector<400x128xi32> to vector<8x128xi32>
      %slice3A_265 = vector.extract_strided_slice %select_n3A_247 {offsets = [136, 0], sizes = [8, 128], strides = [1, 1]} : vector<400x128xi32> to vector<8x128xi32>
      %slice3A_266 = vector.extract_strided_slice %select_n3A_247 {offsets = [144, 0], sizes = [8, 128], strides = [1, 1]} : vector<400x128xi32> to vector<8x128xi32>
      %slice3A_267 = vector.extract_strided_slice %select_n3A_247 {offsets = [152, 0], sizes = [8, 128], strides = [1, 1]} : vector<400x128xi32> to vector<8x128xi32>
      %slice3A_268 = vector.extract_strided_slice %select_n3A_247 {offsets = [160, 0], sizes = [8, 128], strides = [1, 1]} : vector<400x128xi32> to vector<8x128xi32>
      %slice3A_269 = vector.extract_strided_slice %select_n3A_247 {offsets = [168, 0], sizes = [8, 128], strides = [1, 1]} : vector<400x128xi32> to vector<8x128xi32>
      %slice3A_270 = vector.extract_strided_slice %select_n3A_247 {offsets = [176, 0], sizes = [8, 128], strides = [1, 1]} : vector<400x128xi32> to vector<8x128xi32>
      %slice3A_271 = vector.extract_strided_slice %select_n3A_247 {offsets = [184, 0], sizes = [8, 128], strides = [1, 1]} : vector<400x128xi32> to vector<8x128xi32>
      %slice3A_272 = vector.extract_strided_slice %select_n3A_247 {offsets = [192, 0], sizes = [8, 128], strides = [1, 1]} : vector<400x128xi32> to vector<8x128xi32>
      %slice3A_273 = vector.extract_strided_slice %select_n3A_247 {offsets = [200, 0], sizes = [8, 128], strides = [1, 1]} : vector<400x128xi32> to vector<8x128xi32>
      %slice3A_274 = vector.extract_strided_slice %select_n3A_247 {offsets = [208, 0], sizes = [8, 128], strides = [1, 1]} : vector<400x128xi32> to vector<8x128xi32>
      %slice3A_275 = vector.extract_strided_slice %select_n3A_247 {offsets = [216, 0], sizes = [8, 128], strides = [1, 1]} : vector<400x128xi32> to vector<8x128xi32>
      %slice3A_276 = vector.extract_strided_slice %select_n3A_247 {offsets = [224, 0], sizes = [8, 128], strides = [1, 1]} : vector<400x128xi32> to vector<8x128xi32>
      %slice3A_277 = vector.extract_strided_slice %select_n3A_247 {offsets = [232, 0], sizes = [8, 128], strides = [1, 1]} : vector<400x128xi32> to vector<8x128xi32>
      %slice3A_278 = vector.extract_strided_slice %select_n3A_247 {offsets = [240, 0], sizes = [8, 128], strides = [1, 1]} : vector<400x128xi32> to vector<8x128xi32>
      %slice3A_279 = vector.extract_strided_slice %select_n3A_247 {offsets = [248, 0], sizes = [8, 128], strides = [1, 1]} : vector<400x128xi32> to vector<8x128xi32>
      %slice3A_280 = vector.extract_strided_slice %select_n3A_247 {offsets = [256, 0], sizes = [8, 128], strides = [1, 1]} : vector<400x128xi32> to vector<8x128xi32>
      %slice3A_281 = vector.extract_strided_slice %select_n3A_247 {offsets = [264, 0], sizes = [8, 128], strides = [1, 1]} : vector<400x128xi32> to vector<8x128xi32>
      %slice3A_282 = vector.extract_strided_slice %select_n3A_247 {offsets = [272, 0], sizes = [8, 128], strides = [1, 1]} : vector<400x128xi32> to vector<8x128xi32>
      %slice3A_283 = vector.extract_strided_slice %select_n3A_247 {offsets = [280, 0], sizes = [8, 128], strides = [1, 1]} : vector<400x128xi32> to vector<8x128xi32>
      %slice3A_284 = vector.extract_strided_slice %select_n3A_247 {offsets = [288, 0], sizes = [8, 128], strides = [1, 1]} : vector<400x128xi32> to vector<8x128xi32>
      %slice3A_285 = vector.extract_strided_slice %select_n3A_247 {offsets = [296, 0], sizes = [8, 128], strides = [1, 1]} : vector<400x128xi32> to vector<8x128xi32>
      %slice3A_286 = vector.extract_strided_slice %select_n3A_247 {offsets = [304, 0], sizes = [8, 128], strides = [1, 1]} : vector<400x128xi32> to vector<8x128xi32>
      %slice3A_287 = vector.extract_strided_slice %select_n3A_247 {offsets = [312, 0], sizes = [8, 128], strides = [1, 1]} : vector<400x128xi32> to vector<8x128xi32>
      %slice3A_288 = vector.extract_strided_slice %select_n3A_247 {offsets = [320, 0], sizes = [8, 128], strides = [1, 1]} : vector<400x128xi32> to vector<8x128xi32>
      %slice3A_289 = vector.extract_strided_slice %select_n3A_247 {offsets = [328, 0], sizes = [8, 128], strides = [1, 1]} : vector<400x128xi32> to vector<8x128xi32>
      %slice3A_290 = vector.extract_strided_slice %select_n3A_247 {offsets = [336, 0], sizes = [8, 128], strides = [1, 1]} : vector<400x128xi32> to vector<8x128xi32>
      %slice3A_291 = vector.extract_strided_slice %select_n3A_247 {offsets = [344, 0], sizes = [8, 128], strides = [1, 1]} : vector<400x128xi32> to vector<8x128xi32>
      %slice3A_292 = vector.extract_strided_slice %select_n3A_247 {offsets = [352, 0], sizes = [8, 128], strides = [1, 1]} : vector<400x128xi32> to vector<8x128xi32>
      %slice3A_293 = vector.extract_strided_slice %select_n3A_247 {offsets = [360, 0], sizes = [8, 128], strides = [1, 1]} : vector<400x128xi32> to vector<8x128xi32>
      %slice3A_294 = vector.extract_strided_slice %select_n3A_247 {offsets = [368, 0], sizes = [8, 128], strides = [1, 1]} : vector<400x128xi32> to vector<8x128xi32>
      %slice3A_295 = vector.extract_strided_slice %select_n3A_247 {offsets = [376, 0], sizes = [8, 128], strides = [1, 1]} : vector<400x128xi32> to vector<8x128xi32>
      %slice3A_296 = vector.extract_strided_slice %select_n3A_247 {offsets = [384, 0], sizes = [8, 128], strides = [1, 1]} : vector<400x128xi32> to vector<8x128xi32>
      %slice3A_297 = vector.extract_strided_slice %select_n3A_247 {offsets = [392, 0], sizes = [8, 128], strides = [1, 1]} : vector<400x128xi32> to vector<8x128xi32>
      %min3A = arith.minsi %slice3A_248, %slice3A_249 : vector<8x128xi32>
      %min3A_298 = arith.minsi %slice3A_250, %slice3A_251 : vector<8x128xi32>
      %min3A_299 = arith.minsi %slice3A_252, %slice3A_253 : vector<8x128xi32>
      %min3A_300 = arith.minsi %slice3A_254, %slice3A_255 : vector<8x128xi32>
      %min3A_301 = arith.minsi %slice3A_256, %slice3A_257 : vector<8x128xi32>
      %min3A_302 = arith.minsi %slice3A_258, %slice3A_259 : vector<8x128xi32>
      %min3A_303 = arith.minsi %slice3A_260, %slice3A_261 : vector<8x128xi32>
      %min3A_304 = arith.minsi %slice3A_262, %slice3A_263 : vector<8x128xi32>
      %min3A_305 = arith.minsi %slice3A_264, %slice3A_265 : vector<8x128xi32>
      %min3A_306 = arith.minsi %slice3A_266, %slice3A_267 : vector<8x128xi32>
      %min3A_307 = arith.minsi %slice3A_268, %slice3A_269 : vector<8x128xi32>
      %min3A_308 = arith.minsi %slice3A_270, %slice3A_271 : vector<8x128xi32>
      %min3A_309 = arith.minsi %slice3A_272, %slice3A_273 : vector<8x128xi32>
      %min3A_310 = arith.minsi %slice3A_274, %slice3A_275 : vector<8x128xi32>
      %min3A_311 = arith.minsi %slice3A_276, %slice3A_277 : vector<8x128xi32>
      %min3A_312 = arith.minsi %slice3A_278, %slice3A_279 : vector<8x128xi32>
      %min3A_313 = arith.minsi %slice3A_280, %slice3A_281 : vector<8x128xi32>
      %min3A_314 = arith.minsi %slice3A_282, %slice3A_283 : vector<8x128xi32>
      %min3A_315 = arith.minsi %slice3A_284, %slice3A_285 : vector<8x128xi32>
      %min3A_316 = arith.minsi %slice3A_286, %slice3A_287 : vector<8x128xi32>
      %min3A_317 = arith.minsi %slice3A_288, %slice3A_289 : vector<8x128xi32>
      %min3A_318 = arith.minsi %slice3A_290, %slice3A_291 : vector<8x128xi32>
      %min3A_319 = arith.minsi %slice3A_292, %slice3A_293 : vector<8x128xi32>
      %min3A_320 = arith.minsi %slice3A_294, %slice3A_295 : vector<8x128xi32>
      %min3A_321 = arith.minsi %slice3A_296, %slice3A_297 : vector<8x128xi32>
      %min3A_322 = arith.minsi %min3A, %min3A_298 : vector<8x128xi32>
      %min3A_323 = arith.minsi %min3A_299, %min3A_300 : vector<8x128xi32>
      %min3A_324 = arith.minsi %min3A_301, %min3A_302 : vector<8x128xi32>
      %min3A_325 = arith.minsi %min3A_303, %min3A_304 : vector<8x128xi32>
      %min3A_326 = arith.minsi %min3A_305, %min3A_306 : vector<8x128xi32>
      %min3A_327 = arith.minsi %min3A_307, %min3A_308 : vector<8x128xi32>
      %min3A_328 = arith.minsi %min3A_309, %min3A_310 : vector<8x128xi32>
      %min3A_329 = arith.minsi %min3A_311, %min3A_312 : vector<8x128xi32>
      %min3A_330 = arith.minsi %min3A_313, %min3A_314 : vector<8x128xi32>
      %min3A_331 = arith.minsi %min3A_315, %min3A_316 : vector<8x128xi32>
      %min3A_332 = arith.minsi %min3A_317, %min3A_318 : vector<8x128xi32>
      %min3A_333 = arith.minsi %min3A_319, %min3A_320 : vector<8x128xi32>
      %min3A_334 = arith.minsi %min3A_322, %min3A_323 : vector<8x128xi32>
      %min3A_335 = arith.minsi %min3A_324, %min3A_325 : vector<8x128xi32>
      %min3A_336 = arith.minsi %min3A_326, %min3A_327 : vector<8x128xi32>
      %min3A_337 = arith.minsi %min3A_328, %min3A_329 : vector<8x128xi32>
      %min3A_338 = arith.minsi %min3A_330, %min3A_331 : vector<8x128xi32>
      %min3A_339 = arith.minsi %min3A_332, %min3A_333 : vector<8x128xi32>
      %min3A_340 = arith.minsi %min3A_334, %min3A_335 : vector<8x128xi32>
      %min3A_341 = arith.minsi %min3A_336, %min3A_337 : vector<8x128xi32>
      %min3A_342 = arith.minsi %min3A_338, %min3A_339 : vector<8x128xi32>
      %min3A_343 = arith.minsi %min3A_340, %min3A_341 : vector<8x128xi32>
      %min3A_344 = arith.minsi %min3A_342, %min3A_321 : vector<8x128xi32>
      %min3A_345 = arith.minsi %min3A_343, %min3A_344 : vector<8x128xi32>
      %slice3A_346 = vector.extract_strided_slice %min3A_345 {offsets = [0, 0], sizes = [1, 128], strides = [1, 1]} : vector<8x128xi32> to vector<1x128xi32>
      %slice3A_347 = vector.extract_strided_slice %min3A_345 {offsets = [1, 0], sizes = [1, 128], strides = [1, 1]} : vector<8x128xi32> to vector<1x128xi32>
      %slice3A_348 = vector.extract_strided_slice %min3A_345 {offsets = [2, 0], sizes = [1, 128], strides = [1, 1]} : vector<8x128xi32> to vector<1x128xi32>
      %slice3A_349 = vector.extract_strided_slice %min3A_345 {offsets = [3, 0], sizes = [1, 128], strides = [1, 1]} : vector<8x128xi32> to vector<1x128xi32>
      %slice3A_350 = vector.extract_strided_slice %min3A_345 {offsets = [4, 0], sizes = [1, 128], strides = [1, 1]} : vector<8x128xi32> to vector<1x128xi32>
      %slice3A_351 = vector.extract_strided_slice %min3A_345 {offsets = [5, 0], sizes = [1, 128], strides = [1, 1]} : vector<8x128xi32> to vector<1x128xi32>
      %slice3A_352 = vector.extract_strided_slice %min3A_345 {offsets = [6, 0], sizes = [1, 128], strides = [1, 1]} : vector<8x128xi32> to vector<1x128xi32>
      %slice3A_353 = vector.extract_strided_slice %min3A_345 {offsets = [7, 0], sizes = [1, 128], strides = [1, 1]} : vector<8x128xi32> to vector<1x128xi32>
      %min3A_354 = arith.minsi %slice3A_346, %slice3A_347 : vector<1x128xi32>
      %min3A_355 = arith.minsi %slice3A_348, %slice3A_349 : vector<1x128xi32>
      %min3A_356 = arith.minsi %slice3A_350, %slice3A_351 : vector<1x128xi32>
      %min3A_357 = arith.minsi %slice3A_352, %slice3A_353 : vector<1x128xi32>
      %min3A_358 = arith.minsi %min3A_354, %min3A_355 : vector<1x128xi32>
      %min3A_359 = arith.minsi %min3A_356, %min3A_357 : vector<1x128xi32>
      %min3A_360 = arith.minsi %min3A_358, %min3A_359 : vector<1x128xi32>
      %mul3A_361 = arith.constant 128 : i32
      %mul3A_362 = vector.broadcast %mul3A_361 : i32 to vector<1x128xi32>
      %mul3A_363 = arith.muli %min3A_360, %mul3A_362 : vector<1x128xi32>
      %iota3A_364 = tpu.iota {dimensions = array<i32: 1>} : vector<1x128xi32>
      %add3A_365 = arith.addi %mul3A_363, %iota3A_364 : vector<1x128xi32>
      %eq3A_366 = vector.broadcast %min3A_360 : vector<1x128xi32> to vector<400x128xi32>
      %eq3A_367 = arith.cmpi eq, %iota3A_115, %eq3A_366 : vector<400x128xi32>
      %jit3A_368 = arith.constant 0xFF800000 : f32
      %broadcast_in_dim3A_369 = vector.broadcast %jit3A_368 : f32 to vector<400x128xf32>
      %select_n3A_370 = arith.select %eq3A_367, %broadcast_in_dim3A_369, %select_n3A_126 : vector<400x128xi1>, vector<400x128xf32>
      %slice3A_371 = vector.extract_strided_slice %select_n3A_370 {offsets = [0, 0], sizes = [8, 128], strides = [1, 1]} : vector<400x128xf32> to vector<8x128xf32>
      %slice3A_372 = vector.extract_strided_slice %select_n3A_370 {offsets = [8, 0], sizes = [8, 128], strides = [1, 1]} : vector<400x128xf32> to vector<8x128xf32>
      %slice3A_373 = vector.extract_strided_slice %select_n3A_370 {offsets = [16, 0], sizes = [8, 128], strides = [1, 1]} : vector<400x128xf32> to vector<8x128xf32>
      %slice3A_374 = vector.extract_strided_slice %select_n3A_370 {offsets = [24, 0], sizes = [8, 128], strides = [1, 1]} : vector<400x128xf32> to vector<8x128xf32>
      %slice3A_375 = vector.extract_strided_slice %select_n3A_370 {offsets = [32, 0], sizes = [8, 128], strides = [1, 1]} : vector<400x128xf32> to vector<8x128xf32>
      %slice3A_376 = vector.extract_strided_slice %select_n3A_370 {offsets = [40, 0], sizes = [8, 128], strides = [1, 1]} : vector<400x128xf32> to vector<8x128xf32>
      %slice3A_377 = vector.extract_strided_slice %select_n3A_370 {offsets = [48, 0], sizes = [8, 128], strides = [1, 1]} : vector<400x128xf32> to vector<8x128xf32>
      %slice3A_378 = vector.extract_strided_slice %select_n3A_370 {offsets = [56, 0], sizes = [8, 128], strides = [1, 1]} : vector<400x128xf32> to vector<8x128xf32>
      %slice3A_379 = vector.extract_strided_slice %select_n3A_370 {offsets = [64, 0], sizes = [8, 128], strides = [1, 1]} : vector<400x128xf32> to vector<8x128xf32>
      %slice3A_380 = vector.extract_strided_slice %select_n3A_370 {offsets = [72, 0], sizes = [8, 128], strides = [1, 1]} : vector<400x128xf32> to vector<8x128xf32>
      %slice3A_381 = vector.extract_strided_slice %select_n3A_370 {offsets = [80, 0], sizes = [8, 128], strides = [1, 1]} : vector<400x128xf32> to vector<8x128xf32>
      %slice3A_382 = vector.extract_strided_slice %select_n3A_370 {offsets = [88, 0], sizes = [8, 128], strides = [1, 1]} : vector<400x128xf32> to vector<8x128xf32>
      %slice3A_383 = vector.extract_strided_slice %select_n3A_370 {offsets = [96, 0], sizes = [8, 128], strides = [1, 1]} : vector<400x128xf32> to vector<8x128xf32>
      %slice3A_384 = vector.extract_strided_slice %select_n3A_370 {offsets = [104, 0], sizes = [8, 128], strides = [1, 1]} : vector<400x128xf32> to vector<8x128xf32>
      %slice3A_385 = vector.extract_strided_slice %select_n3A_370 {offsets = [112, 0], sizes = [8, 128], strides = [1, 1]} : vector<400x128xf32> to vector<8x128xf32>
      %slice3A_386 = vector.extract_strided_slice %select_n3A_370 {offsets = [120, 0], sizes = [8, 128], strides = [1, 1]} : vector<400x128xf32> to vector<8x128xf32>
      %slice3A_387 = vector.extract_strided_slice %select_n3A_370 {offsets = [128, 0], sizes = [8, 128], strides = [1, 1]} : vector<400x128xf32> to vector<8x128xf32>
      %slice3A_388 = vector.extract_strided_slice %select_n3A_370 {offsets = [136, 0], sizes = [8, 128], strides = [1, 1]} : vector<400x128xf32> to vector<8x128xf32>
      %slice3A_389 = vector.extract_strided_slice %select_n3A_370 {offsets = [144, 0], sizes = [8, 128], strides = [1, 1]} : vector<400x128xf32> to vector<8x128xf32>
      %slice3A_390 = vector.extract_strided_slice %select_n3A_370 {offsets = [152, 0], sizes = [8, 128], strides = [1, 1]} : vector<400x128xf32> to vector<8x128xf32>
      %slice3A_391 = vector.extract_strided_slice %select_n3A_370 {offsets = [160, 0], sizes = [8, 128], strides = [1, 1]} : vector<400x128xf32> to vector<8x128xf32>
      %slice3A_392 = vector.extract_strided_slice %select_n3A_370 {offsets = [168, 0], sizes = [8, 128], strides = [1, 1]} : vector<400x128xf32> to vector<8x128xf32>
      %slice3A_393 = vector.extract_strided_slice %select_n3A_370 {offsets = [176, 0], sizes = [8, 128], strides = [1, 1]} : vector<400x128xf32> to vector<8x128xf32>
      %slice3A_394 = vector.extract_strided_slice %select_n3A_370 {offsets = [184, 0], sizes = [8, 128], strides = [1, 1]} : vector<400x128xf32> to vector<8x128xf32>
      %slice3A_395 = vector.extract_strided_slice %select_n3A_370 {offsets = [192, 0], sizes = [8, 128], strides = [1, 1]} : vector<400x128xf32> to vector<8x128xf32>
      %slice3A_396 = vector.extract_strided_slice %select_n3A_370 {offsets = [200, 0], sizes = [8, 128], strides = [1, 1]} : vector<400x128xf32> to vector<8x128xf32>
      %slice3A_397 = vector.extract_strided_slice %select_n3A_370 {offsets = [208, 0], sizes = [8, 128], strides = [1, 1]} : vector<400x128xf32> to vector<8x128xf32>
      %slice3A_398 = vector.extract_strided_slice %select_n3A_370 {offsets = [216, 0], sizes = [8, 128], strides = [1, 1]} : vector<400x128xf32> to vector<8x128xf32>
      %slice3A_399 = vector.extract_strided_slice %select_n3A_370 {offsets = [224, 0], sizes = [8, 128], strides = [1, 1]} : vector<400x128xf32> to vector<8x128xf32>
      %slice3A_400 = vector.extract_strided_slice %select_n3A_370 {offsets = [232, 0], sizes = [8, 128], strides = [1, 1]} : vector<400x128xf32> to vector<8x128xf32>
      %slice3A_401 = vector.extract_strided_slice %select_n3A_370 {offsets = [240, 0], sizes = [8, 128], strides = [1, 1]} : vector<400x128xf32> to vector<8x128xf32>
      %slice3A_402 = vector.extract_strided_slice %select_n3A_370 {offsets = [248, 0], sizes = [8, 128], strides = [1, 1]} : vector<400x128xf32> to vector<8x128xf32>
      %slice3A_403 = vector.extract_strided_slice %select_n3A_370 {offsets = [256, 0], sizes = [8, 128], strides = [1, 1]} : vector<400x128xf32> to vector<8x128xf32>
      %slice3A_404 = vector.extract_strided_slice %select_n3A_370 {offsets = [264, 0], sizes = [8, 128], strides = [1, 1]} : vector<400x128xf32> to vector<8x128xf32>
      %slice3A_405 = vector.extract_strided_slice %select_n3A_370 {offsets = [272, 0], sizes = [8, 128], strides = [1, 1]} : vector<400x128xf32> to vector<8x128xf32>
      %slice3A_406 = vector.extract_strided_slice %select_n3A_370 {offsets = [280, 0], sizes = [8, 128], strides = [1, 1]} : vector<400x128xf32> to vector<8x128xf32>
      %slice3A_407 = vector.extract_strided_slice %select_n3A_370 {offsets = [288, 0], sizes = [8, 128], strides = [1, 1]} : vector<400x128xf32> to vector<8x128xf32>
      %slice3A_408 = vector.extract_strided_slice %select_n3A_370 {offsets = [296, 0], sizes = [8, 128], strides = [1, 1]} : vector<400x128xf32> to vector<8x128xf32>
      %slice3A_409 = vector.extract_strided_slice %select_n3A_370 {offsets = [304, 0], sizes = [8, 128], strides = [1, 1]} : vector<400x128xf32> to vector<8x128xf32>
      %slice3A_410 = vector.extract_strided_slice %select_n3A_370 {offsets = [312, 0], sizes = [8, 128], strides = [1, 1]} : vector<400x128xf32> to vector<8x128xf32>
      %slice3A_411 = vector.extract_strided_slice %select_n3A_370 {offsets = [320, 0], sizes = [8, 128], strides = [1, 1]} : vector<400x128xf32> to vector<8x128xf32>
      %slice3A_412 = vector.extract_strided_slice %select_n3A_370 {offsets = [328, 0], sizes = [8, 128], strides = [1, 1]} : vector<400x128xf32> to vector<8x128xf32>
      %slice3A_413 = vector.extract_strided_slice %select_n3A_370 {offsets = [336, 0], sizes = [8, 128], strides = [1, 1]} : vector<400x128xf32> to vector<8x128xf32>
      %slice3A_414 = vector.extract_strided_slice %select_n3A_370 {offsets = [344, 0], sizes = [8, 128], strides = [1, 1]} : vector<400x128xf32> to vector<8x128xf32>
      %slice3A_415 = vector.extract_strided_slice %select_n3A_370 {offsets = [352, 0], sizes = [8, 128], strides = [1, 1]} : vector<400x128xf32> to vector<8x128xf32>
      %slice3A_416 = vector.extract_strided_slice %select_n3A_370 {offsets = [360, 0], sizes = [8, 128], strides = [1, 1]} : vector<400x128xf32> to vector<8x128xf32>
      %slice3A_417 = vector.extract_strided_slice %select_n3A_370 {offsets = [368, 0], sizes = [8, 128], strides = [1, 1]} : vector<400x128xf32> to vector<8x128xf32>
      %slice3A_418 = vector.extract_strided_slice %select_n3A_370 {offsets = [376, 0], sizes = [8, 128], strides = [1, 1]} : vector<400x128xf32> to vector<8x128xf32>
      %slice3A_419 = vector.extract_strided_slice %select_n3A_370 {offsets = [384, 0], sizes = [8, 128], strides = [1, 1]} : vector<400x128xf32> to vector<8x128xf32>
      %slice3A_420 = vector.extract_strided_slice %select_n3A_370 {offsets = [392, 0], sizes = [8, 128], strides = [1, 1]} : vector<400x128xf32> to vector<8x128xf32>
      %max3A_421 = arith.maximumf %slice3A_371, %slice3A_372 : vector<8x128xf32>
      %max3A_422 = arith.maximumf %slice3A_373, %slice3A_374 : vector<8x128xf32>
      %max3A_423 = arith.maximumf %slice3A_375, %slice3A_376 : vector<8x128xf32>
      %max3A_424 = arith.maximumf %slice3A_377, %slice3A_378 : vector<8x128xf32>
      %max3A_425 = arith.maximumf %slice3A_379, %slice3A_380 : vector<8x128xf32>
      %max3A_426 = arith.maximumf %slice3A_381, %slice3A_382 : vector<8x128xf32>
      %max3A_427 = arith.maximumf %slice3A_383, %slice3A_384 : vector<8x128xf32>
      %max3A_428 = arith.maximumf %slice3A_385, %slice3A_386 : vector<8x128xf32>
      %max3A_429 = arith.maximumf %slice3A_387, %slice3A_388 : vector<8x128xf32>
      %max3A_430 = arith.maximumf %slice3A_389, %slice3A_390 : vector<8x128xf32>
      %max3A_431 = arith.maximumf %slice3A_391, %slice3A_392 : vector<8x128xf32>
      %max3A_432 = arith.maximumf %slice3A_393, %slice3A_394 : vector<8x128xf32>
      %max3A_433 = arith.maximumf %slice3A_395, %slice3A_396 : vector<8x128xf32>
      %max3A_434 = arith.maximumf %slice3A_397, %slice3A_398 : vector<8x128xf32>
      %max3A_435 = arith.maximumf %slice3A_399, %slice3A_400 : vector<8x128xf32>
      %max3A_436 = arith.maximumf %slice3A_401, %slice3A_402 : vector<8x128xf32>
      %max3A_437 = arith.maximumf %slice3A_403, %slice3A_404 : vector<8x128xf32>
      %max3A_438 = arith.maximumf %slice3A_405, %slice3A_406 : vector<8x128xf32>
      %max3A_439 = arith.maximumf %slice3A_407, %slice3A_408 : vector<8x128xf32>
      %max3A_440 = arith.maximumf %slice3A_409, %slice3A_410 : vector<8x128xf32>
      %max3A_441 = arith.maximumf %slice3A_411, %slice3A_412 : vector<8x128xf32>
      %max3A_442 = arith.maximumf %slice3A_413, %slice3A_414 : vector<8x128xf32>
      %max3A_443 = arith.maximumf %slice3A_415, %slice3A_416 : vector<8x128xf32>
      %max3A_444 = arith.maximumf %slice3A_417, %slice3A_418 : vector<8x128xf32>
      %max3A_445 = arith.maximumf %slice3A_419, %slice3A_420 : vector<8x128xf32>
      %max3A_446 = arith.maximumf %max3A_421, %max3A_422 : vector<8x128xf32>
      %max3A_447 = arith.maximumf %max3A_423, %max3A_424 : vector<8x128xf32>
      %max3A_448 = arith.maximumf %max3A_425, %max3A_426 : vector<8x128xf32>
      %max3A_449 = arith.maximumf %max3A_427, %max3A_428 : vector<8x128xf32>
      %max3A_450 = arith.maximumf %max3A_429, %max3A_430 : vector<8x128xf32>
      %max3A_451 = arith.maximumf %max3A_431, %max3A_432 : vector<8x128xf32>
      %max3A_452 = arith.maximumf %max3A_433, %max3A_434 : vector<8x128xf32>
      %max3A_453 = arith.maximumf %max3A_435, %max3A_436 : vector<8x128xf32>
      %max3A_454 = arith.maximumf %max3A_437, %max3A_438 : vector<8x128xf32>
      %max3A_455 = arith.maximumf %max3A_439, %max3A_440 : vector<8x128xf32>
      %max3A_456 = arith.maximumf %max3A_441, %max3A_442 : vector<8x128xf32>
      %max3A_457 = arith.maximumf %max3A_443, %max3A_444 : vector<8x128xf32>
      %max3A_458 = arith.maximumf %max3A_446, %max3A_447 : vector<8x128xf32>
      %max3A_459 = arith.maximumf %max3A_448, %max3A_449 : vector<8x128xf32>
      %max3A_460 = arith.maximumf %max3A_450, %max3A_451 : vector<8x128xf32>
      %max3A_461 = arith.maximumf %max3A_452, %max3A_453 : vector<8x128xf32>
      %max3A_462 = arith.maximumf %max3A_454, %max3A_455 : vector<8x128xf32>
      %max3A_463 = arith.maximumf %max3A_456, %max3A_457 : vector<8x128xf32>
      %max3A_464 = arith.maximumf %max3A_458, %max3A_459 : vector<8x128xf32>
      %max3A_465 = arith.maximumf %max3A_460, %max3A_461 : vector<8x128xf32>
      %max3A_466 = arith.maximumf %max3A_462, %max3A_463 : vector<8x128xf32>
      %max3A_467 = arith.maximumf %max3A_464, %max3A_465 : vector<8x128xf32>
      %max3A_468 = arith.maximumf %max3A_466, %max3A_445 : vector<8x128xf32>
      %max3A_469 = arith.maximumf %max3A_467, %max3A_468 : vector<8x128xf32>
      %slice3A_470 = vector.extract_strided_slice %max3A_469 {offsets = [0, 0], sizes = [1, 128], strides = [1, 1]} : vector<8x128xf32> to vector<1x128xf32>
      %slice3A_471 = vector.extract_strided_slice %max3A_469 {offsets = [1, 0], sizes = [1, 128], strides = [1, 1]} : vector<8x128xf32> to vector<1x128xf32>
      %slice3A_472 = vector.extract_strided_slice %max3A_469 {offsets = [2, 0], sizes = [1, 128], strides = [1, 1]} : vector<8x128xf32> to vector<1x128xf32>
      %slice3A_473 = vector.extract_strided_slice %max3A_469 {offsets = [3, 0], sizes = [1, 128], strides = [1, 1]} : vector<8x128xf32> to vector<1x128xf32>
      %slice3A_474 = vector.extract_strided_slice %max3A_469 {offsets = [4, 0], sizes = [1, 128], strides = [1, 1]} : vector<8x128xf32> to vector<1x128xf32>
      %slice3A_475 = vector.extract_strided_slice %max3A_469 {offsets = [5, 0], sizes = [1, 128], strides = [1, 1]} : vector<8x128xf32> to vector<1x128xf32>
      %slice3A_476 = vector.extract_strided_slice %max3A_469 {offsets = [6, 0], sizes = [1, 128], strides = [1, 1]} : vector<8x128xf32> to vector<1x128xf32>
      %slice3A_477 = vector.extract_strided_slice %max3A_469 {offsets = [7, 0], sizes = [1, 128], strides = [1, 1]} : vector<8x128xf32> to vector<1x128xf32>
      %max3A_478 = arith.maximumf %slice3A_470, %slice3A_471 : vector<1x128xf32>
      %max3A_479 = arith.maximumf %slice3A_472, %slice3A_473 : vector<1x128xf32>
      %max3A_480 = arith.maximumf %slice3A_474, %slice3A_475 : vector<1x128xf32>
      %max3A_481 = arith.maximumf %slice3A_476, %slice3A_477 : vector<1x128xf32>
      %max3A_482 = arith.maximumf %max3A_478, %max3A_479 : vector<1x128xf32>
      %max3A_483 = arith.maximumf %max3A_480, %max3A_481 : vector<1x128xf32>
      %max3A_484 = arith.maximumf %max3A_482, %max3A_483 : vector<1x128xf32>
      %eq3A_485 = vector.broadcast %max3A_484 : vector<1x128xf32> to vector<400x128xf32>
      %eq3A_486 = arith.cmpf oeq, %select_n3A_370, %eq3A_485 : vector<400x128xf32>
      %jit3A_487 = arith.constant 2147483647 : i32
      %broadcast_in_dim3A_488 = vector.broadcast %jit3A_487 : i32 to vector<400x128xi32>
      %select_n3A_489 = arith.select %eq3A_486, %iota3A_115, %broadcast_in_dim3A_488 : vector<400x128xi1>, vector<400x128xi32>
      %slice3A_490 = vector.extract_strided_slice %select_n3A_489 {offsets = [0, 0], sizes = [8, 128], strides = [1, 1]} : vector<400x128xi32> to vector<8x128xi32>
      %slice3A_491 = vector.extract_strided_slice %select_n3A_489 {offsets = [8, 0], sizes = [8, 128], strides = [1, 1]} : vector<400x128xi32> to vector<8x128xi32>
      %slice3A_492 = vector.extract_strided_slice %select_n3A_489 {offsets = [16, 0], sizes = [8, 128], strides = [1, 1]} : vector<400x128xi32> to vector<8x128xi32>
      %slice3A_493 = vector.extract_strided_slice %select_n3A_489 {offsets = [24, 0], sizes = [8, 128], strides = [1, 1]} : vector<400x128xi32> to vector<8x128xi32>
      %slice3A_494 = vector.extract_strided_slice %select_n3A_489 {offsets = [32, 0], sizes = [8, 128], strides = [1, 1]} : vector<400x128xi32> to vector<8x128xi32>
      %slice3A_495 = vector.extract_strided_slice %select_n3A_489 {offsets = [40, 0], sizes = [8, 128], strides = [1, 1]} : vector<400x128xi32> to vector<8x128xi32>
      %slice3A_496 = vector.extract_strided_slice %select_n3A_489 {offsets = [48, 0], sizes = [8, 128], strides = [1, 1]} : vector<400x128xi32> to vector<8x128xi32>
      %slice3A_497 = vector.extract_strided_slice %select_n3A_489 {offsets = [56, 0], sizes = [8, 128], strides = [1, 1]} : vector<400x128xi32> to vector<8x128xi32>
      %slice3A_498 = vector.extract_strided_slice %select_n3A_489 {offsets = [64, 0], sizes = [8, 128], strides = [1, 1]} : vector<400x128xi32> to vector<8x128xi32>
      %slice3A_499 = vector.extract_strided_slice %select_n3A_489 {offsets = [72, 0], sizes = [8, 128], strides = [1, 1]} : vector<400x128xi32> to vector<8x128xi32>
      %slice3A_500 = vector.extract_strided_slice %select_n3A_489 {offsets = [80, 0], sizes = [8, 128], strides = [1, 1]} : vector<400x128xi32> to vector<8x128xi32>
      %slice3A_501 = vector.extract_strided_slice %select_n3A_489 {offsets = [88, 0], sizes = [8, 128], strides = [1, 1]} : vector<400x128xi32> to vector<8x128xi32>
      %slice3A_502 = vector.extract_strided_slice %select_n3A_489 {offsets = [96, 0], sizes = [8, 128], strides = [1, 1]} : vector<400x128xi32> to vector<8x128xi32>
      %slice3A_503 = vector.extract_strided_slice %select_n3A_489 {offsets = [104, 0], sizes = [8, 128], strides = [1, 1]} : vector<400x128xi32> to vector<8x128xi32>
      %slice3A_504 = vector.extract_strided_slice %select_n3A_489 {offsets = [112, 0], sizes = [8, 128], strides = [1, 1]} : vector<400x128xi32> to vector<8x128xi32>
      %slice3A_505 = vector.extract_strided_slice %select_n3A_489 {offsets = [120, 0], sizes = [8, 128], strides = [1, 1]} : vector<400x128xi32> to vector<8x128xi32>
      %slice3A_506 = vector.extract_strided_slice %select_n3A_489 {offsets = [128, 0], sizes = [8, 128], strides = [1, 1]} : vector<400x128xi32> to vector<8x128xi32>
      %slice3A_507 = vector.extract_strided_slice %select_n3A_489 {offsets = [136, 0], sizes = [8, 128], strides = [1, 1]} : vector<400x128xi32> to vector<8x128xi32>
      %slice3A_508 = vector.extract_strided_slice %select_n3A_489 {offsets = [144, 0], sizes = [8, 128], strides = [1, 1]} : vector<400x128xi32> to vector<8x128xi32>
      %slice3A_509 = vector.extract_strided_slice %select_n3A_489 {offsets = [152, 0], sizes = [8, 128], strides = [1, 1]} : vector<400x128xi32> to vector<8x128xi32>
      %slice3A_510 = vector.extract_strided_slice %select_n3A_489 {offsets = [160, 0], sizes = [8, 128], strides = [1, 1]} : vector<400x128xi32> to vector<8x128xi32>
      %slice3A_511 = vector.extract_strided_slice %select_n3A_489 {offsets = [168, 0], sizes = [8, 128], strides = [1, 1]} : vector<400x128xi32> to vector<8x128xi32>
      %slice3A_512 = vector.extract_strided_slice %select_n3A_489 {offsets = [176, 0], sizes = [8, 128], strides = [1, 1]} : vector<400x128xi32> to vector<8x128xi32>
      %slice3A_513 = vector.extract_strided_slice %select_n3A_489 {offsets = [184, 0], sizes = [8, 128], strides = [1, 1]} : vector<400x128xi32> to vector<8x128xi32>
      %slice3A_514 = vector.extract_strided_slice %select_n3A_489 {offsets = [192, 0], sizes = [8, 128], strides = [1, 1]} : vector<400x128xi32> to vector<8x128xi32>
      %slice3A_515 = vector.extract_strided_slice %select_n3A_489 {offsets = [200, 0], sizes = [8, 128], strides = [1, 1]} : vector<400x128xi32> to vector<8x128xi32>
      %slice3A_516 = vector.extract_strided_slice %select_n3A_489 {offsets = [208, 0], sizes = [8, 128], strides = [1, 1]} : vector<400x128xi32> to vector<8x128xi32>
      %slice3A_517 = vector.extract_strided_slice %select_n3A_489 {offsets = [216, 0], sizes = [8, 128], strides = [1, 1]} : vector<400x128xi32> to vector<8x128xi32>
      %slice3A_518 = vector.extract_strided_slice %select_n3A_489 {offsets = [224, 0], sizes = [8, 128], strides = [1, 1]} : vector<400x128xi32> to vector<8x128xi32>
      %slice3A_519 = vector.extract_strided_slice %select_n3A_489 {offsets = [232, 0], sizes = [8, 128], strides = [1, 1]} : vector<400x128xi32> to vector<8x128xi32>
      %slice3A_520 = vector.extract_strided_slice %select_n3A_489 {offsets = [240, 0], sizes = [8, 128], strides = [1, 1]} : vector<400x128xi32> to vector<8x128xi32>
      %slice3A_521 = vector.extract_strided_slice %select_n3A_489 {offsets = [248, 0], sizes = [8, 128], strides = [1, 1]} : vector<400x128xi32> to vector<8x128xi32>
      %slice3A_522 = vector.extract_strided_slice %select_n3A_489 {offsets = [256, 0], sizes = [8, 128], strides = [1, 1]} : vector<400x128xi32> to vector<8x128xi32>
      %slice3A_523 = vector.extract_strided_slice %select_n3A_489 {offsets = [264, 0], sizes = [8, 128], strides = [1, 1]} : vector<400x128xi32> to vector<8x128xi32>
      %slice3A_524 = vector.extract_strided_slice %select_n3A_489 {offsets = [272, 0], sizes = [8, 128], strides = [1, 1]} : vector<400x128xi32> to vector<8x128xi32>
      %slice3A_525 = vector.extract_strided_slice %select_n3A_489 {offsets = [280, 0], sizes = [8, 128], strides = [1, 1]} : vector<400x128xi32> to vector<8x128xi32>
      %slice3A_526 = vector.extract_strided_slice %select_n3A_489 {offsets = [288, 0], sizes = [8, 128], strides = [1, 1]} : vector<400x128xi32> to vector<8x128xi32>
      %slice3A_527 = vector.extract_strided_slice %select_n3A_489 {offsets = [296, 0], sizes = [8, 128], strides = [1, 1]} : vector<400x128xi32> to vector<8x128xi32>
      %slice3A_528 = vector.extract_strided_slice %select_n3A_489 {offsets = [304, 0], sizes = [8, 128], strides = [1, 1]} : vector<400x128xi32> to vector<8x128xi32>
      %slice3A_529 = vector.extract_strided_slice %select_n3A_489 {offsets = [312, 0], sizes = [8, 128], strides = [1, 1]} : vector<400x128xi32> to vector<8x128xi32>
      %slice3A_530 = vector.extract_strided_slice %select_n3A_489 {offsets = [320, 0], sizes = [8, 128], strides = [1, 1]} : vector<400x128xi32> to vector<8x128xi32>
      %slice3A_531 = vector.extract_strided_slice %select_n3A_489 {offsets = [328, 0], sizes = [8, 128], strides = [1, 1]} : vector<400x128xi32> to vector<8x128xi32>
      %slice3A_532 = vector.extract_strided_slice %select_n3A_489 {offsets = [336, 0], sizes = [8, 128], strides = [1, 1]} : vector<400x128xi32> to vector<8x128xi32>
      %slice3A_533 = vector.extract_strided_slice %select_n3A_489 {offsets = [344, 0], sizes = [8, 128], strides = [1, 1]} : vector<400x128xi32> to vector<8x128xi32>
      %slice3A_534 = vector.extract_strided_slice %select_n3A_489 {offsets = [352, 0], sizes = [8, 128], strides = [1, 1]} : vector<400x128xi32> to vector<8x128xi32>
      %slice3A_535 = vector.extract_strided_slice %select_n3A_489 {offsets = [360, 0], sizes = [8, 128], strides = [1, 1]} : vector<400x128xi32> to vector<8x128xi32>
      %slice3A_536 = vector.extract_strided_slice %select_n3A_489 {offsets = [368, 0], sizes = [8, 128], strides = [1, 1]} : vector<400x128xi32> to vector<8x128xi32>
      %slice3A_537 = vector.extract_strided_slice %select_n3A_489 {offsets = [376, 0], sizes = [8, 128], strides = [1, 1]} : vector<400x128xi32> to vector<8x128xi32>
      %slice3A_538 = vector.extract_strided_slice %select_n3A_489 {offsets = [384, 0], sizes = [8, 128], strides = [1, 1]} : vector<400x128xi32> to vector<8x128xi32>
      %slice3A_539 = vector.extract_strided_slice %select_n3A_489 {offsets = [392, 0], sizes = [8, 128], strides = [1, 1]} : vector<400x128xi32> to vector<8x128xi32>
      %min3A_540 = arith.minsi %slice3A_490, %slice3A_491 : vector<8x128xi32>
      %min3A_541 = arith.minsi %slice3A_492, %slice3A_493 : vector<8x128xi32>
      %min3A_542 = arith.minsi %slice3A_494, %slice3A_495 : vector<8x128xi32>
      %min3A_543 = arith.minsi %slice3A_496, %slice3A_497 : vector<8x128xi32>
      %min3A_544 = arith.minsi %slice3A_498, %slice3A_499 : vector<8x128xi32>
      %min3A_545 = arith.minsi %slice3A_500, %slice3A_501 : vector<8x128xi32>
      %min3A_546 = arith.minsi %slice3A_502, %slice3A_503 : vector<8x128xi32>
      %min3A_547 = arith.minsi %slice3A_504, %slice3A_505 : vector<8x128xi32>
      %min3A_548 = arith.minsi %slice3A_506, %slice3A_507 : vector<8x128xi32>
      %min3A_549 = arith.minsi %slice3A_508, %slice3A_509 : vector<8x128xi32>
      %min3A_550 = arith.minsi %slice3A_510, %slice3A_511 : vector<8x128xi32>
      %min3A_551 = arith.minsi %slice3A_512, %slice3A_513 : vector<8x128xi32>
      %min3A_552 = arith.minsi %slice3A_514, %slice3A_515 : vector<8x128xi32>
      %min3A_553 = arith.minsi %slice3A_516, %slice3A_517 : vector<8x128xi32>
      %min3A_554 = arith.minsi %slice3A_518, %slice3A_519 : vector<8x128xi32>
      %min3A_555 = arith.minsi %slice3A_520, %slice3A_521 : vector<8x128xi32>
      %min3A_556 = arith.minsi %slice3A_522, %slice3A_523 : vector<8x128xi32>
      %min3A_557 = arith.minsi %slice3A_524, %slice3A_525 : vector<8x128xi32>
      %min3A_558 = arith.minsi %slice3A_526, %slice3A_527 : vector<8x128xi32>
      %min3A_559 = arith.minsi %slice3A_528, %slice3A_529 : vector<8x128xi32>
      %min3A_560 = arith.minsi %slice3A_530, %slice3A_531 : vector<8x128xi32>
      %min3A_561 = arith.minsi %slice3A_532, %slice3A_533 : vector<8x128xi32>
      %min3A_562 = arith.minsi %slice3A_534, %slice3A_535 : vector<8x128xi32>
      %min3A_563 = arith.minsi %slice3A_536, %slice3A_537 : vector<8x128xi32>
      %min3A_564 = arith.minsi %slice3A_538, %slice3A_539 : vector<8x128xi32>
      %min3A_565 = arith.minsi %min3A_540, %min3A_541 : vector<8x128xi32>
      %min3A_566 = arith.minsi %min3A_542, %min3A_543 : vector<8x128xi32>
      %min3A_567 = arith.minsi %min3A_544, %min3A_545 : vector<8x128xi32>
      %min3A_568 = arith.minsi %min3A_546, %min3A_547 : vector<8x128xi32>
      %min3A_569 = arith.minsi %min3A_548, %min3A_549 : vector<8x128xi32>
      %min3A_570 = arith.minsi %min3A_550, %min3A_551 : vector<8x128xi32>
      %min3A_571 = arith.minsi %min3A_552, %min3A_553 : vector<8x128xi32>
      %min3A_572 = arith.minsi %min3A_554, %min3A_555 : vector<8x128xi32>
      %min3A_573 = arith.minsi %min3A_556, %min3A_557 : vector<8x128xi32>
      %min3A_574 = arith.minsi %min3A_558, %min3A_559 : vector<8x128xi32>
      %min3A_575 = arith.minsi %min3A_560, %min3A_561 : vector<8x128xi32>
      %min3A_576 = arith.minsi %min3A_562, %min3A_563 : vector<8x128xi32>
      %min3A_577 = arith.minsi %min3A_565, %min3A_566 : vector<8x128xi32>
      %min3A_578 = arith.minsi %min3A_567, %min3A_568 : vector<8x128xi32>
      %min3A_579 = arith.minsi %min3A_569, %min3A_570 : vector<8x128xi32>
      %min3A_580 = arith.minsi %min3A_571, %min3A_572 : vector<8x128xi32>
      %min3A_581 = arith.minsi %min3A_573, %min3A_574 : vector<8x128xi32>
      %min3A_582 = arith.minsi %min3A_575, %min3A_576 : vector<8x128xi32>
      %min3A_583 = arith.minsi %min3A_577, %min3A_578 : vector<8x128xi32>
      %min3A_584 = arith.minsi %min3A_579, %min3A_580 : vector<8x128xi32>
      %min3A_585 = arith.minsi %min3A_581, %min3A_582 : vector<8x128xi32>
      %min3A_586 = arith.minsi %min3A_583, %min3A_584 : vector<8x128xi32>
      %min3A_587 = arith.minsi %min3A_585, %min3A_564 : vector<8x128xi32>
      %min3A_588 = arith.minsi %min3A_586, %min3A_587 : vector<8x128xi32>
      %slice3A_589 = vector.extract_strided_slice %min3A_588 {offsets = [0, 0], sizes = [1, 128], strides = [1, 1]} : vector<8x128xi32> to vector<1x128xi32>
      %slice3A_590 = vector.extract_strided_slice %min3A_588 {offsets = [1, 0], sizes = [1, 128], strides = [1, 1]} : vector<8x128xi32> to vector<1x128xi32>
      %slice3A_591 = vector.extract_strided_slice %min3A_588 {offsets = [2, 0], sizes = [1, 128], strides = [1, 1]} : vector<8x128xi32> to vector<1x128xi32>
      %slice3A_592 = vector.extract_strided_slice %min3A_588 {offsets = [3, 0], sizes = [1, 128], strides = [1, 1]} : vector<8x128xi32> to vector<1x128xi32>
      %slice3A_593 = vector.extract_strided_slice %min3A_588 {offsets = [4, 0], sizes = [1, 128], strides = [1, 1]} : vector<8x128xi32> to vector<1x128xi32>
      %slice3A_594 = vector.extract_strided_slice %min3A_588 {offsets = [5, 0], sizes = [1, 128], strides = [1, 1]} : vector<8x128xi32> to vector<1x128xi32>
      %slice3A_595 = vector.extract_strided_slice %min3A_588 {offsets = [6, 0], sizes = [1, 128], strides = [1, 1]} : vector<8x128xi32> to vector<1x128xi32>
      %slice3A_596 = vector.extract_strided_slice %min3A_588 {offsets = [7, 0], sizes = [1, 128], strides = [1, 1]} : vector<8x128xi32> to vector<1x128xi32>
      %min3A_597 = arith.minsi %slice3A_589, %slice3A_590 : vector<1x128xi32>
      %min3A_598 = arith.minsi %slice3A_591, %slice3A_592 : vector<1x128xi32>
      %min3A_599 = arith.minsi %slice3A_593, %slice3A_594 : vector<1x128xi32>
      %min3A_600 = arith.minsi %slice3A_595, %slice3A_596 : vector<1x128xi32>
      %min3A_601 = arith.minsi %min3A_597, %min3A_598 : vector<1x128xi32>
      %min3A_602 = arith.minsi %min3A_599, %min3A_600 : vector<1x128xi32>
      %min3A_603 = arith.minsi %min3A_601, %min3A_602 : vector<1x128xi32>
      %mul3A_604 = arith.constant 128 : i32
      %mul3A_605 = vector.broadcast %mul3A_604 : i32 to vector<1x128xi32>
      %mul3A_606 = arith.muli %min3A_603, %mul3A_605 : vector<1x128xi32>
      %iota3A_607 = tpu.iota {dimensions = array<i32: 1>} : vector<1x128xi32>
      %add3A_608 = arith.addi %mul3A_606, %iota3A_607 : vector<1x128xi32>
      %eq3A_609 = vector.broadcast %min3A_603 : vector<1x128xi32> to vector<400x128xi32>
      %eq3A_610 = arith.cmpi eq, %iota3A_115, %eq3A_609 : vector<400x128xi32>
      %jit3A_611 = arith.constant 0xFF800000 : f32
      %broadcast_in_dim3A_612 = vector.broadcast %jit3A_611 : f32 to vector<400x128xf32>
      %select_n3A_613 = arith.select %eq3A_610, %broadcast_in_dim3A_612, %select_n3A_370 : vector<400x128xi1>, vector<400x128xf32>
      %slice3A_614 = vector.extract_strided_slice %select_n3A_613 {offsets = [0, 0], sizes = [8, 128], strides = [1, 1]} : vector<400x128xf32> to vector<8x128xf32>
      %slice3A_615 = vector.extract_strided_slice %select_n3A_613 {offsets = [8, 0], sizes = [8, 128], strides = [1, 1]} : vector<400x128xf32> to vector<8x128xf32>
      %slice3A_616 = vector.extract_strided_slice %select_n3A_613 {offsets = [16, 0], sizes = [8, 128], strides = [1, 1]} : vector<400x128xf32> to vector<8x128xf32>
      %slice3A_617 = vector.extract_strided_slice %select_n3A_613 {offsets = [24, 0], sizes = [8, 128], strides = [1, 1]} : vector<400x128xf32> to vector<8x128xf32>
      %slice3A_618 = vector.extract_strided_slice %select_n3A_613 {offsets = [32, 0], sizes = [8, 128], strides = [1, 1]} : vector<400x128xf32> to vector<8x128xf32>
      %slice3A_619 = vector.extract_strided_slice %select_n3A_613 {offsets = [40, 0], sizes = [8, 128], strides = [1, 1]} : vector<400x128xf32> to vector<8x128xf32>
      %slice3A_620 = vector.extract_strided_slice %select_n3A_613 {offsets = [48, 0], sizes = [8, 128], strides = [1, 1]} : vector<400x128xf32> to vector<8x128xf32>
      %slice3A_621 = vector.extract_strided_slice %select_n3A_613 {offsets = [56, 0], sizes = [8, 128], strides = [1, 1]} : vector<400x128xf32> to vector<8x128xf32>
      %slice3A_622 = vector.extract_strided_slice %select_n3A_613 {offsets = [64, 0], sizes = [8, 128], strides = [1, 1]} : vector<400x128xf32> to vector<8x128xf32>
      %slice3A_623 = vector.extract_strided_slice %select_n3A_613 {offsets = [72, 0], sizes = [8, 128], strides = [1, 1]} : vector<400x128xf32> to vector<8x128xf32>
      %slice3A_624 = vector.extract_strided_slice %select_n3A_613 {offsets = [80, 0], sizes = [8, 128], strides = [1, 1]} : vector<400x128xf32> to vector<8x128xf32>
      %slice3A_625 = vector.extract_strided_slice %select_n3A_613 {offsets = [88, 0], sizes = [8, 128], strides = [1, 1]} : vector<400x128xf32> to vector<8x128xf32>
      %slice3A_626 = vector.extract_strided_slice %select_n3A_613 {offsets = [96, 0], sizes = [8, 128], strides = [1, 1]} : vector<400x128xf32> to vector<8x128xf32>
      %slice3A_627 = vector.extract_strided_slice %select_n3A_613 {offsets = [104, 0], sizes = [8, 128], strides = [1, 1]} : vector<400x128xf32> to vector<8x128xf32>
      %slice3A_628 = vector.extract_strided_slice %select_n3A_613 {offsets = [112, 0], sizes = [8, 128], strides = [1, 1]} : vector<400x128xf32> to vector<8x128xf32>
      %slice3A_629 = vector.extract_strided_slice %select_n3A_613 {offsets = [120, 0], sizes = [8, 128], strides = [1, 1]} : vector<400x128xf32> to vector<8x128xf32>
      %slice3A_630 = vector.extract_strided_slice %select_n3A_613 {offsets = [128, 0], sizes = [8, 128], strides = [1, 1]} : vector<400x128xf32> to vector<8x128xf32>
      %slice3A_631 = vector.extract_strided_slice %select_n3A_613 {offsets = [136, 0], sizes = [8, 128], strides = [1, 1]} : vector<400x128xf32> to vector<8x128xf32>
      %slice3A_632 = vector.extract_strided_slice %select_n3A_613 {offsets = [144, 0], sizes = [8, 128], strides = [1, 1]} : vector<400x128xf32> to vector<8x128xf32>
      %slice3A_633 = vector.extract_strided_slice %select_n3A_613 {offsets = [152, 0], sizes = [8, 128], strides = [1, 1]} : vector<400x128xf32> to vector<8x128xf32>
      %slice3A_634 = vector.extract_strided_slice %select_n3A_613 {offsets = [160, 0], sizes = [8, 128], strides = [1, 1]} : vector<400x128xf32> to vector<8x128xf32>
      %slice3A_635 = vector.extract_strided_slice %select_n3A_613 {offsets = [168, 0], sizes = [8, 128], strides = [1, 1]} : vector<400x128xf32> to vector<8x128xf32>
      %slice3A_636 = vector.extract_strided_slice %select_n3A_613 {offsets = [176, 0], sizes = [8, 128], strides = [1, 1]} : vector<400x128xf32> to vector<8x128xf32>
      %slice3A_637 = vector.extract_strided_slice %select_n3A_613 {offsets = [184, 0], sizes = [8, 128], strides = [1, 1]} : vector<400x128xf32> to vector<8x128xf32>
      %slice3A_638 = vector.extract_strided_slice %select_n3A_613 {offsets = [192, 0], sizes = [8, 128], strides = [1, 1]} : vector<400x128xf32> to vector<8x128xf32>
      %slice3A_639 = vector.extract_strided_slice %select_n3A_613 {offsets = [200, 0], sizes = [8, 128], strides = [1, 1]} : vector<400x128xf32> to vector<8x128xf32>
      %slice3A_640 = vector.extract_strided_slice %select_n3A_613 {offsets = [208, 0], sizes = [8, 128], strides = [1, 1]} : vector<400x128xf32> to vector<8x128xf32>
      %slice3A_641 = vector.extract_strided_slice %select_n3A_613 {offsets = [216, 0], sizes = [8, 128], strides = [1, 1]} : vector<400x128xf32> to vector<8x128xf32>
      %slice3A_642 = vector.extract_strided_slice %select_n3A_613 {offsets = [224, 0], sizes = [8, 128], strides = [1, 1]} : vector<400x128xf32> to vector<8x128xf32>
      %slice3A_643 = vector.extract_strided_slice %select_n3A_613 {offsets = [232, 0], sizes = [8, 128], strides = [1, 1]} : vector<400x128xf32> to vector<8x128xf32>
      %slice3A_644 = vector.extract_strided_slice %select_n3A_613 {offsets = [240, 0], sizes = [8, 128], strides = [1, 1]} : vector<400x128xf32> to vector<8x128xf32>
      %slice3A_645 = vector.extract_strided_slice %select_n3A_613 {offsets = [248, 0], sizes = [8, 128], strides = [1, 1]} : vector<400x128xf32> to vector<8x128xf32>
      %slice3A_646 = vector.extract_strided_slice %select_n3A_613 {offsets = [256, 0], sizes = [8, 128], strides = [1, 1]} : vector<400x128xf32> to vector<8x128xf32>
      %slice3A_647 = vector.extract_strided_slice %select_n3A_613 {offsets = [264, 0], sizes = [8, 128], strides = [1, 1]} : vector<400x128xf32> to vector<8x128xf32>
      %slice3A_648 = vector.extract_strided_slice %select_n3A_613 {offsets = [272, 0], sizes = [8, 128], strides = [1, 1]} : vector<400x128xf32> to vector<8x128xf32>
      %slice3A_649 = vector.extract_strided_slice %select_n3A_613 {offsets = [280, 0], sizes = [8, 128], strides = [1, 1]} : vector<400x128xf32> to vector<8x128xf32>
      %slice3A_650 = vector.extract_strided_slice %select_n3A_613 {offsets = [288, 0], sizes = [8, 128], strides = [1, 1]} : vector<400x128xf32> to vector<8x128xf32>
      %slice3A_651 = vector.extract_strided_slice %select_n3A_613 {offsets = [296, 0], sizes = [8, 128], strides = [1, 1]} : vector<400x128xf32> to vector<8x128xf32>
      %slice3A_652 = vector.extract_strided_slice %select_n3A_613 {offsets = [304, 0], sizes = [8, 128], strides = [1, 1]} : vector<400x128xf32> to vector<8x128xf32>
      %slice3A_653 = vector.extract_strided_slice %select_n3A_613 {offsets = [312, 0], sizes = [8, 128], strides = [1, 1]} : vector<400x128xf32> to vector<8x128xf32>
      %slice3A_654 = vector.extract_strided_slice %select_n3A_613 {offsets = [320, 0], sizes = [8, 128], strides = [1, 1]} : vector<400x128xf32> to vector<8x128xf32>
      %slice3A_655 = vector.extract_strided_slice %select_n3A_613 {offsets = [328, 0], sizes = [8, 128], strides = [1, 1]} : vector<400x128xf32> to vector<8x128xf32>
      %slice3A_656 = vector.extract_strided_slice %select_n3A_613 {offsets = [336, 0], sizes = [8, 128], strides = [1, 1]} : vector<400x128xf32> to vector<8x128xf32>
      %slice3A_657 = vector.extract_strided_slice %select_n3A_613 {offsets = [344, 0], sizes = [8, 128], strides = [1, 1]} : vector<400x128xf32> to vector<8x128xf32>
      %slice3A_658 = vector.extract_strided_slice %select_n3A_613 {offsets = [352, 0], sizes = [8, 128], strides = [1, 1]} : vector<400x128xf32> to vector<8x128xf32>
      %slice3A_659 = vector.extract_strided_slice %select_n3A_613 {offsets = [360, 0], sizes = [8, 128], strides = [1, 1]} : vector<400x128xf32> to vector<8x128xf32>
      %slice3A_660 = vector.extract_strided_slice %select_n3A_613 {offsets = [368, 0], sizes = [8, 128], strides = [1, 1]} : vector<400x128xf32> to vector<8x128xf32>
      %slice3A_661 = vector.extract_strided_slice %select_n3A_613 {offsets = [376, 0], sizes = [8, 128], strides = [1, 1]} : vector<400x128xf32> to vector<8x128xf32>
      %slice3A_662 = vector.extract_strided_slice %select_n3A_613 {offsets = [384, 0], sizes = [8, 128], strides = [1, 1]} : vector<400x128xf32> to vector<8x128xf32>
      %slice3A_663 = vector.extract_strided_slice %select_n3A_613 {offsets = [392, 0], sizes = [8, 128], strides = [1, 1]} : vector<400x128xf32> to vector<8x128xf32>
      %max3A_664 = arith.maximumf %slice3A_614, %slice3A_615 : vector<8x128xf32>
      %max3A_665 = arith.maximumf %slice3A_616, %slice3A_617 : vector<8x128xf32>
      %max3A_666 = arith.maximumf %slice3A_618, %slice3A_619 : vector<8x128xf32>
      %max3A_667 = arith.maximumf %slice3A_620, %slice3A_621 : vector<8x128xf32>
      %max3A_668 = arith.maximumf %slice3A_622, %slice3A_623 : vector<8x128xf32>
      %max3A_669 = arith.maximumf %slice3A_624, %slice3A_625 : vector<8x128xf32>
      %max3A_670 = arith.maximumf %slice3A_626, %slice3A_627 : vector<8x128xf32>
      %max3A_671 = arith.maximumf %slice3A_628, %slice3A_629 : vector<8x128xf32>
      %max3A_672 = arith.maximumf %slice3A_630, %slice3A_631 : vector<8x128xf32>
      %max3A_673 = arith.maximumf %slice3A_632, %slice3A_633 : vector<8x128xf32>
      %max3A_674 = arith.maximumf %slice3A_634, %slice3A_635 : vector<8x128xf32>
      %max3A_675 = arith.maximumf %slice3A_636, %slice3A_637 : vector<8x128xf32>
      %max3A_676 = arith.maximumf %slice3A_638, %slice3A_639 : vector<8x128xf32>
      %max3A_677 = arith.maximumf %slice3A_640, %slice3A_641 : vector<8x128xf32>
      %max3A_678 = arith.maximumf %slice3A_642, %slice3A_643 : vector<8x128xf32>
      %max3A_679 = arith.maximumf %slice3A_644, %slice3A_645 : vector<8x128xf32>
      %max3A_680 = arith.maximumf %slice3A_646, %slice3A_647 : vector<8x128xf32>
      %max3A_681 = arith.maximumf %slice3A_648, %slice3A_649 : vector<8x128xf32>
      %max3A_682 = arith.maximumf %slice3A_650, %slice3A_651 : vector<8x128xf32>
      %max3A_683 = arith.maximumf %slice3A_652, %slice3A_653 : vector<8x128xf32>
      %max3A_684 = arith.maximumf %slice3A_654, %slice3A_655 : vector<8x128xf32>
      %max3A_685 = arith.maximumf %slice3A_656, %slice3A_657 : vector<8x128xf32>
      %max3A_686 = arith.maximumf %slice3A_658, %slice3A_659 : vector<8x128xf32>
      %max3A_687 = arith.maximumf %slice3A_660, %slice3A_661 : vector<8x128xf32>
      %max3A_688 = arith.maximumf %slice3A_662, %slice3A_663 : vector<8x128xf32>
      %max3A_689 = arith.maximumf %max3A_664, %max3A_665 : vector<8x128xf32>
      %max3A_690 = arith.maximumf %max3A_666, %max3A_667 : vector<8x128xf32>
      %max3A_691 = arith.maximumf %max3A_668, %max3A_669 : vector<8x128xf32>
      %max3A_692 = arith.maximumf %max3A_670, %max3A_671 : vector<8x128xf32>
      %max3A_693 = arith.maximumf %max3A_672, %max3A_673 : vector<8x128xf32>
      %max3A_694 = arith.maximumf %max3A_674, %max3A_675 : vector<8x128xf32>
      %max3A_695 = arith.maximumf %max3A_676, %max3A_677 : vector<8x128xf32>
      %max3A_696 = arith.maximumf %max3A_678, %max3A_679 : vector<8x128xf32>
      %max3A_697 = arith.maximumf %max3A_680, %max3A_681 : vector<8x128xf32>
      %max3A_698 = arith.maximumf %max3A_682, %max3A_683 : vector<8x128xf32>
      %max3A_699 = arith.maximumf %max3A_684, %max3A_685 : vector<8x128xf32>
      %max3A_700 = arith.maximumf %max3A_686, %max3A_687 : vector<8x128xf32>
      %max3A_701 = arith.maximumf %max3A_689, %max3A_690 : vector<8x128xf32>
      %max3A_702 = arith.maximumf %max3A_691, %max3A_692 : vector<8x128xf32>
      %max3A_703 = arith.maximumf %max3A_693, %max3A_694 : vector<8x128xf32>
      %max3A_704 = arith.maximumf %max3A_695, %max3A_696 : vector<8x128xf32>
      %max3A_705 = arith.maximumf %max3A_697, %max3A_698 : vector<8x128xf32>
      %max3A_706 = arith.maximumf %max3A_699, %max3A_700 : vector<8x128xf32>
      %max3A_707 = arith.maximumf %max3A_701, %max3A_702 : vector<8x128xf32>
      %max3A_708 = arith.maximumf %max3A_703, %max3A_704 : vector<8x128xf32>
      %max3A_709 = arith.maximumf %max3A_705, %max3A_706 : vector<8x128xf32>
      %max3A_710 = arith.maximumf %max3A_707, %max3A_708 : vector<8x128xf32>
      %max3A_711 = arith.maximumf %max3A_709, %max3A_688 : vector<8x128xf32>
      %max3A_712 = arith.maximumf %max3A_710, %max3A_711 : vector<8x128xf32>
      %slice3A_713 = vector.extract_strided_slice %max3A_712 {offsets = [0, 0], sizes = [1, 128], strides = [1, 1]} : vector<8x128xf32> to vector<1x128xf32>
      %slice3A_714 = vector.extract_strided_slice %max3A_712 {offsets = [1, 0], sizes = [1, 128], strides = [1, 1]} : vector<8x128xf32> to vector<1x128xf32>
      %slice3A_715 = vector.extract_strided_slice %max3A_712 {offsets = [2, 0], sizes = [1, 128], strides = [1, 1]} : vector<8x128xf32> to vector<1x128xf32>
      %slice3A_716 = vector.extract_strided_slice %max3A_712 {offsets = [3, 0], sizes = [1, 128], strides = [1, 1]} : vector<8x128xf32> to vector<1x128xf32>
      %slice3A_717 = vector.extract_strided_slice %max3A_712 {offsets = [4, 0], sizes = [1, 128], strides = [1, 1]} : vector<8x128xf32> to vector<1x128xf32>
      %slice3A_718 = vector.extract_strided_slice %max3A_712 {offsets = [5, 0], sizes = [1, 128], strides = [1, 1]} : vector<8x128xf32> to vector<1x128xf32>
      %slice3A_719 = vector.extract_strided_slice %max3A_712 {offsets = [6, 0], sizes = [1, 128], strides = [1, 1]} : vector<8x128xf32> to vector<1x128xf32>
      %slice3A_720 = vector.extract_strided_slice %max3A_712 {offsets = [7, 0], sizes = [1, 128], strides = [1, 1]} : vector<8x128xf32> to vector<1x128xf32>
      %max3A_721 = arith.maximumf %slice3A_713, %slice3A_714 : vector<1x128xf32>
      %max3A_722 = arith.maximumf %slice3A_715, %slice3A_716 : vector<1x128xf32>
      %max3A_723 = arith.maximumf %slice3A_717, %slice3A_718 : vector<1x128xf32>
      %max3A_724 = arith.maximumf %slice3A_719, %slice3A_720 : vector<1x128xf32>
      %max3A_725 = arith.maximumf %max3A_721, %max3A_722 : vector<1x128xf32>
      %max3A_726 = arith.maximumf %max3A_723, %max3A_724 : vector<1x128xf32>
      %max3A_727 = arith.maximumf %max3A_725, %max3A_726 : vector<1x128xf32>
      %eq3A_728 = vector.broadcast %max3A_727 : vector<1x128xf32> to vector<400x128xf32>
      %eq3A_729 = arith.cmpf oeq, %select_n3A_613, %eq3A_728 : vector<400x128xf32>
      %jit3A_730 = arith.constant 2147483647 : i32
      %broadcast_in_dim3A_731 = vector.broadcast %jit3A_730 : i32 to vector<400x128xi32>
      %select_n3A_732 = arith.select %eq3A_729, %iota3A_115, %broadcast_in_dim3A_731 : vector<400x128xi1>, vector<400x128xi32>
      %slice3A_733 = vector.extract_strided_slice %select_n3A_732 {offsets = [0, 0], sizes = [8, 128], strides = [1, 1]} : vector<400x128xi32> to vector<8x128xi32>
      %slice3A_734 = vector.extract_strided_slice %select_n3A_732 {offsets = [8, 0], sizes = [8, 128], strides = [1, 1]} : vector<400x128xi32> to vector<8x128xi32>
      %slice3A_735 = vector.extract_strided_slice %select_n3A_732 {offsets = [16, 0], sizes = [8, 128], strides = [1, 1]} : vector<400x128xi32> to vector<8x128xi32>
      %slice3A_736 = vector.extract_strided_slice %select_n3A_732 {offsets = [24, 0], sizes = [8, 128], strides = [1, 1]} : vector<400x128xi32> to vector<8x128xi32>
      %slice3A_737 = vector.extract_strided_slice %select_n3A_732 {offsets = [32, 0], sizes = [8, 128], strides = [1, 1]} : vector<400x128xi32> to vector<8x128xi32>
      %slice3A_738 = vector.extract_strided_slice %select_n3A_732 {offsets = [40, 0], sizes = [8, 128], strides = [1, 1]} : vector<400x128xi32> to vector<8x128xi32>
      %slice3A_739 = vector.extract_strided_slice %select_n3A_732 {offsets = [48, 0], sizes = [8, 128], strides = [1, 1]} : vector<400x128xi32> to vector<8x128xi32>
      %slice3A_740 = vector.extract_strided_slice %select_n3A_732 {offsets = [56, 0], sizes = [8, 128], strides = [1, 1]} : vector<400x128xi32> to vector<8x128xi32>
      %slice3A_741 = vector.extract_strided_slice %select_n3A_732 {offsets = [64, 0], sizes = [8, 128], strides = [1, 1]} : vector<400x128xi32> to vector<8x128xi32>
      %slice3A_742 = vector.extract_strided_slice %select_n3A_732 {offsets = [72, 0], sizes = [8, 128], strides = [1, 1]} : vector<400x128xi32> to vector<8x128xi32>
      %slice3A_743 = vector.extract_strided_slice %select_n3A_732 {offsets = [80, 0], sizes = [8, 128], strides = [1, 1]} : vector<400x128xi32> to vector<8x128xi32>
      %slice3A_744 = vector.extract_strided_slice %select_n3A_732 {offsets = [88, 0], sizes = [8, 128], strides = [1, 1]} : vector<400x128xi32> to vector<8x128xi32>
      %slice3A_745 = vector.extract_strided_slice %select_n3A_732 {offsets = [96, 0], sizes = [8, 128], strides = [1, 1]} : vector<400x128xi32> to vector<8x128xi32>
      %slice3A_746 = vector.extract_strided_slice %select_n3A_732 {offsets = [104, 0], sizes = [8, 128], strides = [1, 1]} : vector<400x128xi32> to vector<8x128xi32>
      %slice3A_747 = vector.extract_strided_slice %select_n3A_732 {offsets = [112, 0], sizes = [8, 128], strides = [1, 1]} : vector<400x128xi32> to vector<8x128xi32>
      %slice3A_748 = vector.extract_strided_slice %select_n3A_732 {offsets = [120, 0], sizes = [8, 128], strides = [1, 1]} : vector<400x128xi32> to vector<8x128xi32>
      %slice3A_749 = vector.extract_strided_slice %select_n3A_732 {offsets = [128, 0], sizes = [8, 128], strides = [1, 1]} : vector<400x128xi32> to vector<8x128xi32>
      %slice3A_750 = vector.extract_strided_slice %select_n3A_732 {offsets = [136, 0], sizes = [8, 128], strides = [1, 1]} : vector<400x128xi32> to vector<8x128xi32>
      %slice3A_751 = vector.extract_strided_slice %select_n3A_732 {offsets = [144, 0], sizes = [8, 128], strides = [1, 1]} : vector<400x128xi32> to vector<8x128xi32>
      %slice3A_752 = vector.extract_strided_slice %select_n3A_732 {offsets = [152, 0], sizes = [8, 128], strides = [1, 1]} : vector<400x128xi32> to vector<8x128xi32>
      %slice3A_753 = vector.extract_strided_slice %select_n3A_732 {offsets = [160, 0], sizes = [8, 128], strides = [1, 1]} : vector<400x128xi32> to vector<8x128xi32>
      %slice3A_754 = vector.extract_strided_slice %select_n3A_732 {offsets = [168, 0], sizes = [8, 128], strides = [1, 1]} : vector<400x128xi32> to vector<8x128xi32>
      %slice3A_755 = vector.extract_strided_slice %select_n3A_732 {offsets = [176, 0], sizes = [8, 128], strides = [1, 1]} : vector<400x128xi32> to vector<8x128xi32>
      %slice3A_756 = vector.extract_strided_slice %select_n3A_732 {offsets = [184, 0], sizes = [8, 128], strides = [1, 1]} : vector<400x128xi32> to vector<8x128xi32>
      %slice3A_757 = vector.extract_strided_slice %select_n3A_732 {offsets = [192, 0], sizes = [8, 128], strides = [1, 1]} : vector<400x128xi32> to vector<8x128xi32>
      %slice3A_758 = vector.extract_strided_slice %select_n3A_732 {offsets = [200, 0], sizes = [8, 128], strides = [1, 1]} : vector<400x128xi32> to vector<8x128xi32>
      %slice3A_759 = vector.extract_strided_slice %select_n3A_732 {offsets = [208, 0], sizes = [8, 128], strides = [1, 1]} : vector<400x128xi32> to vector<8x128xi32>
      %slice3A_760 = vector.extract_strided_slice %select_n3A_732 {offsets = [216, 0], sizes = [8, 128], strides = [1, 1]} : vector<400x128xi32> to vector<8x128xi32>
      %slice3A_761 = vector.extract_strided_slice %select_n3A_732 {offsets = [224, 0], sizes = [8, 128], strides = [1, 1]} : vector<400x128xi32> to vector<8x128xi32>
      %slice3A_762 = vector.extract_strided_slice %select_n3A_732 {offsets = [232, 0], sizes = [8, 128], strides = [1, 1]} : vector<400x128xi32> to vector<8x128xi32>
      %slice3A_763 = vector.extract_strided_slice %select_n3A_732 {offsets = [240, 0], sizes = [8, 128], strides = [1, 1]} : vector<400x128xi32> to vector<8x128xi32>
      %slice3A_764 = vector.extract_strided_slice %select_n3A_732 {offsets = [248, 0], sizes = [8, 128], strides = [1, 1]} : vector<400x128xi32> to vector<8x128xi32>
      %slice3A_765 = vector.extract_strided_slice %select_n3A_732 {offsets = [256, 0], sizes = [8, 128], strides = [1, 1]} : vector<400x128xi32> to vector<8x128xi32>
      %slice3A_766 = vector.extract_strided_slice %select_n3A_732 {offsets = [264, 0], sizes = [8, 128], strides = [1, 1]} : vector<400x128xi32> to vector<8x128xi32>
      %slice3A_767 = vector.extract_strided_slice %select_n3A_732 {offsets = [272, 0], sizes = [8, 128], strides = [1, 1]} : vector<400x128xi32> to vector<8x128xi32>
      %slice3A_768 = vector.extract_strided_slice %select_n3A_732 {offsets = [280, 0], sizes = [8, 128], strides = [1, 1]} : vector<400x128xi32> to vector<8x128xi32>
      %slice3A_769 = vector.extract_strided_slice %select_n3A_732 {offsets = [288, 0], sizes = [8, 128], strides = [1, 1]} : vector<400x128xi32> to vector<8x128xi32>
      %slice3A_770 = vector.extract_strided_slice %select_n3A_732 {offsets = [296, 0], sizes = [8, 128], strides = [1, 1]} : vector<400x128xi32> to vector<8x128xi32>
      %slice3A_771 = vector.extract_strided_slice %select_n3A_732 {offsets = [304, 0], sizes = [8, 128], strides = [1, 1]} : vector<400x128xi32> to vector<8x128xi32>
      %slice3A_772 = vector.extract_strided_slice %select_n3A_732 {offsets = [312, 0], sizes = [8, 128], strides = [1, 1]} : vector<400x128xi32> to vector<8x128xi32>
      %slice3A_773 = vector.extract_strided_slice %select_n3A_732 {offsets = [320, 0], sizes = [8, 128], strides = [1, 1]} : vector<400x128xi32> to vector<8x128xi32>
      %slice3A_774 = vector.extract_strided_slice %select_n3A_732 {offsets = [328, 0], sizes = [8, 128], strides = [1, 1]} : vector<400x128xi32> to vector<8x128xi32>
      %slice3A_775 = vector.extract_strided_slice %select_n3A_732 {offsets = [336, 0], sizes = [8, 128], strides = [1, 1]} : vector<400x128xi32> to vector<8x128xi32>
      %slice3A_776 = vector.extract_strided_slice %select_n3A_732 {offsets = [344, 0], sizes = [8, 128], strides = [1, 1]} : vector<400x128xi32> to vector<8x128xi32>
      %slice3A_777 = vector.extract_strided_slice %select_n3A_732 {offsets = [352, 0], sizes = [8, 128], strides = [1, 1]} : vector<400x128xi32> to vector<8x128xi32>
      %slice3A_778 = vector.extract_strided_slice %select_n3A_732 {offsets = [360, 0], sizes = [8, 128], strides = [1, 1]} : vector<400x128xi32> to vector<8x128xi32>
      %slice3A_779 = vector.extract_strided_slice %select_n3A_732 {offsets = [368, 0], sizes = [8, 128], strides = [1, 1]} : vector<400x128xi32> to vector<8x128xi32>
      %slice3A_780 = vector.extract_strided_slice %select_n3A_732 {offsets = [376, 0], sizes = [8, 128], strides = [1, 1]} : vector<400x128xi32> to vector<8x128xi32>
      %slice3A_781 = vector.extract_strided_slice %select_n3A_732 {offsets = [384, 0], sizes = [8, 128], strides = [1, 1]} : vector<400x128xi32> to vector<8x128xi32>
      %slice3A_782 = vector.extract_strided_slice %select_n3A_732 {offsets = [392, 0], sizes = [8, 128], strides = [1, 1]} : vector<400x128xi32> to vector<8x128xi32>
      %min3A_783 = arith.minsi %slice3A_733, %slice3A_734 : vector<8x128xi32>
      %min3A_784 = arith.minsi %slice3A_735, %slice3A_736 : vector<8x128xi32>
      %min3A_785 = arith.minsi %slice3A_737, %slice3A_738 : vector<8x128xi32>
      %min3A_786 = arith.minsi %slice3A_739, %slice3A_740 : vector<8x128xi32>
      %min3A_787 = arith.minsi %slice3A_741, %slice3A_742 : vector<8x128xi32>
      %min3A_788 = arith.minsi %slice3A_743, %slice3A_744 : vector<8x128xi32>
      %min3A_789 = arith.minsi %slice3A_745, %slice3A_746 : vector<8x128xi32>
      %min3A_790 = arith.minsi %slice3A_747, %slice3A_748 : vector<8x128xi32>
      %min3A_791 = arith.minsi %slice3A_749, %slice3A_750 : vector<8x128xi32>
      %min3A_792 = arith.minsi %slice3A_751, %slice3A_752 : vector<8x128xi32>
      %min3A_793 = arith.minsi %slice3A_753, %slice3A_754 : vector<8x128xi32>
      %min3A_794 = arith.minsi %slice3A_755, %slice3A_756 : vector<8x128xi32>
      %min3A_795 = arith.minsi %slice3A_757, %slice3A_758 : vector<8x128xi32>
      %min3A_796 = arith.minsi %slice3A_759, %slice3A_760 : vector<8x128xi32>
      %min3A_797 = arith.minsi %slice3A_761, %slice3A_762 : vector<8x128xi32>
      %min3A_798 = arith.minsi %slice3A_763, %slice3A_764 : vector<8x128xi32>
      %min3A_799 = arith.minsi %slice3A_765, %slice3A_766 : vector<8x128xi32>
      %min3A_800 = arith.minsi %slice3A_767, %slice3A_768 : vector<8x128xi32>
      %min3A_801 = arith.minsi %slice3A_769, %slice3A_770 : vector<8x128xi32>
      %min3A_802 = arith.minsi %slice3A_771, %slice3A_772 : vector<8x128xi32>
      %min3A_803 = arith.minsi %slice3A_773, %slice3A_774 : vector<8x128xi32>
      %min3A_804 = arith.minsi %slice3A_775, %slice3A_776 : vector<8x128xi32>
      %min3A_805 = arith.minsi %slice3A_777, %slice3A_778 : vector<8x128xi32>
      %min3A_806 = arith.minsi %slice3A_779, %slice3A_780 : vector<8x128xi32>
      %min3A_807 = arith.minsi %slice3A_781, %slice3A_782 : vector<8x128xi32>
      %min3A_808 = arith.minsi %min3A_783, %min3A_784 : vector<8x128xi32>
      %min3A_809 = arith.minsi %min3A_785, %min3A_786 : vector<8x128xi32>
      %min3A_810 = arith.minsi %min3A_787, %min3A_788 : vector<8x128xi32>
      %min3A_811 = arith.minsi %min3A_789, %min3A_790 : vector<8x128xi32>
      %min3A_812 = arith.minsi %min3A_791, %min3A_792 : vector<8x128xi32>
      %min3A_813 = arith.minsi %min3A_793, %min3A_794 : vector<8x128xi32>
      %min3A_814 = arith.minsi %min3A_795, %min3A_796 : vector<8x128xi32>
      %min3A_815 = arith.minsi %min3A_797, %min3A_798 : vector<8x128xi32>
      %min3A_816 = arith.minsi %min3A_799, %min3A_800 : vector<8x128xi32>
      %min3A_817 = arith.minsi %min3A_801, %min3A_802 : vector<8x128xi32>
      %min3A_818 = arith.minsi %min3A_803, %min3A_804 : vector<8x128xi32>
      %min3A_819 = arith.minsi %min3A_805, %min3A_806 : vector<8x128xi32>
      %min3A_820 = arith.minsi %min3A_808, %min3A_809 : vector<8x128xi32>
      %min3A_821 = arith.minsi %min3A_810, %min3A_811 : vector<8x128xi32>
      %min3A_822 = arith.minsi %min3A_812, %min3A_813 : vector<8x128xi32>
      %min3A_823 = arith.minsi %min3A_814, %min3A_815 : vector<8x128xi32>
      %min3A_824 = arith.minsi %min3A_816, %min3A_817 : vector<8x128xi32>
      %min3A_825 = arith.minsi %min3A_818, %min3A_819 : vector<8x128xi32>
      %min3A_826 = arith.minsi %min3A_820, %min3A_821 : vector<8x128xi32>
      %min3A_827 = arith.minsi %min3A_822, %min3A_823 : vector<8x128xi32>
      %min3A_828 = arith.minsi %min3A_824, %min3A_825 : vector<8x128xi32>
      %min3A_829 = arith.minsi %min3A_826, %min3A_827 : vector<8x128xi32>
      %min3A_830 = arith.minsi %min3A_828, %min3A_807 : vector<8x128xi32>
      %min3A_831 = arith.minsi %min3A_829, %min3A_830 : vector<8x128xi32>
      %slice3A_832 = vector.extract_strided_slice %min3A_831 {offsets = [0, 0], sizes = [1, 128], strides = [1, 1]} : vector<8x128xi32> to vector<1x128xi32>
      %slice3A_833 = vector.extract_strided_slice %min3A_831 {offsets = [1, 0], sizes = [1, 128], strides = [1, 1]} : vector<8x128xi32> to vector<1x128xi32>
      %slice3A_834 = vector.extract_strided_slice %min3A_831 {offsets = [2, 0], sizes = [1, 128], strides = [1, 1]} : vector<8x128xi32> to vector<1x128xi32>
      %slice3A_835 = vector.extract_strided_slice %min3A_831 {offsets = [3, 0], sizes = [1, 128], strides = [1, 1]} : vector<8x128xi32> to vector<1x128xi32>
      %slice3A_836 = vector.extract_strided_slice %min3A_831 {offsets = [4, 0], sizes = [1, 128], strides = [1, 1]} : vector<8x128xi32> to vector<1x128xi32>
      %slice3A_837 = vector.extract_strided_slice %min3A_831 {offsets = [5, 0], sizes = [1, 128], strides = [1, 1]} : vector<8x128xi32> to vector<1x128xi32>
      %slice3A_838 = vector.extract_strided_slice %min3A_831 {offsets = [6, 0], sizes = [1, 128], strides = [1, 1]} : vector<8x128xi32> to vector<1x128xi32>
      %slice3A_839 = vector.extract_strided_slice %min3A_831 {offsets = [7, 0], sizes = [1, 128], strides = [1, 1]} : vector<8x128xi32> to vector<1x128xi32>
      %min3A_840 = arith.minsi %slice3A_832, %slice3A_833 : vector<1x128xi32>
      %min3A_841 = arith.minsi %slice3A_834, %slice3A_835 : vector<1x128xi32>
      %min3A_842 = arith.minsi %slice3A_836, %slice3A_837 : vector<1x128xi32>
      %min3A_843 = arith.minsi %slice3A_838, %slice3A_839 : vector<1x128xi32>
      %min3A_844 = arith.minsi %min3A_840, %min3A_841 : vector<1x128xi32>
      %min3A_845 = arith.minsi %min3A_842, %min3A_843 : vector<1x128xi32>
      %min3A_846 = arith.minsi %min3A_844, %min3A_845 : vector<1x128xi32>
      %mul3A_847 = arith.constant 128 : i32
      %mul3A_848 = vector.broadcast %mul3A_847 : i32 to vector<1x128xi32>
      %mul3A_849 = arith.muli %min3A_846, %mul3A_848 : vector<1x128xi32>
      %iota3A_850 = tpu.iota {dimensions = array<i32: 1>} : vector<1x128xi32>
      %add3A_851 = arith.addi %mul3A_849, %iota3A_850 : vector<1x128xi32>
      %eq3A_852 = vector.broadcast %min3A_846 : vector<1x128xi32> to vector<400x128xi32>
      %eq3A_853 = arith.cmpi eq, %iota3A_115, %eq3A_852 : vector<400x128xi32>
      %jit3A_854 = arith.constant 0xFF800000 : f32
      %broadcast_in_dim3A_855 = vector.broadcast %jit3A_854 : f32 to vector<400x128xf32>
      %select_n3A_856 = arith.select %eq3A_853, %broadcast_in_dim3A_855, %select_n3A_613 : vector<400x128xi1>, vector<400x128xf32>
      %slice3A_857 = vector.extract_strided_slice %select_n3A_856 {offsets = [0, 0], sizes = [8, 128], strides = [1, 1]} : vector<400x128xf32> to vector<8x128xf32>
      %slice3A_858 = vector.extract_strided_slice %select_n3A_856 {offsets = [8, 0], sizes = [8, 128], strides = [1, 1]} : vector<400x128xf32> to vector<8x128xf32>
      %slice3A_859 = vector.extract_strided_slice %select_n3A_856 {offsets = [16, 0], sizes = [8, 128], strides = [1, 1]} : vector<400x128xf32> to vector<8x128xf32>
      %slice3A_860 = vector.extract_strided_slice %select_n3A_856 {offsets = [24, 0], sizes = [8, 128], strides = [1, 1]} : vector<400x128xf32> to vector<8x128xf32>
      %slice3A_861 = vector.extract_strided_slice %select_n3A_856 {offsets = [32, 0], sizes = [8, 128], strides = [1, 1]} : vector<400x128xf32> to vector<8x128xf32>
      %slice3A_862 = vector.extract_strided_slice %select_n3A_856 {offsets = [40, 0], sizes = [8, 128], strides = [1, 1]} : vector<400x128xf32> to vector<8x128xf32>
      %slice3A_863 = vector.extract_strided_slice %select_n3A_856 {offsets = [48, 0], sizes = [8, 128], strides = [1, 1]} : vector<400x128xf32> to vector<8x128xf32>
      %slice3A_864 = vector.extract_strided_slice %select_n3A_856 {offsets = [56, 0], sizes = [8, 128], strides = [1, 1]} : vector<400x128xf32> to vector<8x128xf32>
      %slice3A_865 = vector.extract_strided_slice %select_n3A_856 {offsets = [64, 0], sizes = [8, 128], strides = [1, 1]} : vector<400x128xf32> to vector<8x128xf32>
      %slice3A_866 = vector.extract_strided_slice %select_n3A_856 {offsets = [72, 0], sizes = [8, 128], strides = [1, 1]} : vector<400x128xf32> to vector<8x128xf32>
      %slice3A_867 = vector.extract_strided_slice %select_n3A_856 {offsets = [80, 0], sizes = [8, 128], strides = [1, 1]} : vector<400x128xf32> to vector<8x128xf32>
      %slice3A_868 = vector.extract_strided_slice %select_n3A_856 {offsets = [88, 0], sizes = [8, 128], strides = [1, 1]} : vector<400x128xf32> to vector<8x128xf32>
      %slice3A_869 = vector.extract_strided_slice %select_n3A_856 {offsets = [96, 0], sizes = [8, 128], strides = [1, 1]} : vector<400x128xf32> to vector<8x128xf32>
      %slice3A_870 = vector.extract_strided_slice %select_n3A_856 {offsets = [104, 0], sizes = [8, 128], strides = [1, 1]} : vector<400x128xf32> to vector<8x128xf32>
      %slice3A_871 = vector.extract_strided_slice %select_n3A_856 {offsets = [112, 0], sizes = [8, 128], strides = [1, 1]} : vector<400x128xf32> to vector<8x128xf32>
      %slice3A_872 = vector.extract_strided_slice %select_n3A_856 {offsets = [120, 0], sizes = [8, 128], strides = [1, 1]} : vector<400x128xf32> to vector<8x128xf32>
      %slice3A_873 = vector.extract_strided_slice %select_n3A_856 {offsets = [128, 0], sizes = [8, 128], strides = [1, 1]} : vector<400x128xf32> to vector<8x128xf32>
      %slice3A_874 = vector.extract_strided_slice %select_n3A_856 {offsets = [136, 0], sizes = [8, 128], strides = [1, 1]} : vector<400x128xf32> to vector<8x128xf32>
      %slice3A_875 = vector.extract_strided_slice %select_n3A_856 {offsets = [144, 0], sizes = [8, 128], strides = [1, 1]} : vector<400x128xf32> to vector<8x128xf32>
      %slice3A_876 = vector.extract_strided_slice %select_n3A_856 {offsets = [152, 0], sizes = [8, 128], strides = [1, 1]} : vector<400x128xf32> to vector<8x128xf32>
      %slice3A_877 = vector.extract_strided_slice %select_n3A_856 {offsets = [160, 0], sizes = [8, 128], strides = [1, 1]} : vector<400x128xf32> to vector<8x128xf32>
      %slice3A_878 = vector.extract_strided_slice %select_n3A_856 {offsets = [168, 0], sizes = [8, 128], strides = [1, 1]} : vector<400x128xf32> to vector<8x128xf32>
      %slice3A_879 = vector.extract_strided_slice %select_n3A_856 {offsets = [176, 0], sizes = [8, 128], strides = [1, 1]} : vector<400x128xf32> to vector<8x128xf32>
      %slice3A_880 = vector.extract_strided_slice %select_n3A_856 {offsets = [184, 0], sizes = [8, 128], strides = [1, 1]} : vector<400x128xf32> to vector<8x128xf32>
      %slice3A_881 = vector.extract_strided_slice %select_n3A_856 {offsets = [192, 0], sizes = [8, 128], strides = [1, 1]} : vector<400x128xf32> to vector<8x128xf32>
      %slice3A_882 = vector.extract_strided_slice %select_n3A_856 {offsets = [200, 0], sizes = [8, 128], strides = [1, 1]} : vector<400x128xf32> to vector<8x128xf32>
      %slice3A_883 = vector.extract_strided_slice %select_n3A_856 {offsets = [208, 0], sizes = [8, 128], strides = [1, 1]} : vector<400x128xf32> to vector<8x128xf32>
      %slice3A_884 = vector.extract_strided_slice %select_n3A_856 {offsets = [216, 0], sizes = [8, 128], strides = [1, 1]} : vector<400x128xf32> to vector<8x128xf32>
      %slice3A_885 = vector.extract_strided_slice %select_n3A_856 {offsets = [224, 0], sizes = [8, 128], strides = [1, 1]} : vector<400x128xf32> to vector<8x128xf32>
      %slice3A_886 = vector.extract_strided_slice %select_n3A_856 {offsets = [232, 0], sizes = [8, 128], strides = [1, 1]} : vector<400x128xf32> to vector<8x128xf32>
      %slice3A_887 = vector.extract_strided_slice %select_n3A_856 {offsets = [240, 0], sizes = [8, 128], strides = [1, 1]} : vector<400x128xf32> to vector<8x128xf32>
      %slice3A_888 = vector.extract_strided_slice %select_n3A_856 {offsets = [248, 0], sizes = [8, 128], strides = [1, 1]} : vector<400x128xf32> to vector<8x128xf32>
      %slice3A_889 = vector.extract_strided_slice %select_n3A_856 {offsets = [256, 0], sizes = [8, 128], strides = [1, 1]} : vector<400x128xf32> to vector<8x128xf32>
      %slice3A_890 = vector.extract_strided_slice %select_n3A_856 {offsets = [264, 0], sizes = [8, 128], strides = [1, 1]} : vector<400x128xf32> to vector<8x128xf32>
      %slice3A_891 = vector.extract_strided_slice %select_n3A_856 {offsets = [272, 0], sizes = [8, 128], strides = [1, 1]} : vector<400x128xf32> to vector<8x128xf32>
      %slice3A_892 = vector.extract_strided_slice %select_n3A_856 {offsets = [280, 0], sizes = [8, 128], strides = [1, 1]} : vector<400x128xf32> to vector<8x128xf32>
      %slice3A_893 = vector.extract_strided_slice %select_n3A_856 {offsets = [288, 0], sizes = [8, 128], strides = [1, 1]} : vector<400x128xf32> to vector<8x128xf32>
      %slice3A_894 = vector.extract_strided_slice %select_n3A_856 {offsets = [296, 0], sizes = [8, 128], strides = [1, 1]} : vector<400x128xf32> to vector<8x128xf32>
      %slice3A_895 = vector.extract_strided_slice %select_n3A_856 {offsets = [304, 0], sizes = [8, 128], strides = [1, 1]} : vector<400x128xf32> to vector<8x128xf32>
      %slice3A_896 = vector.extract_strided_slice %select_n3A_856 {offsets = [312, 0], sizes = [8, 128], strides = [1, 1]} : vector<400x128xf32> to vector<8x128xf32>
      %slice3A_897 = vector.extract_strided_slice %select_n3A_856 {offsets = [320, 0], sizes = [8, 128], strides = [1, 1]} : vector<400x128xf32> to vector<8x128xf32>
      %slice3A_898 = vector.extract_strided_slice %select_n3A_856 {offsets = [328, 0], sizes = [8, 128], strides = [1, 1]} : vector<400x128xf32> to vector<8x128xf32>
      %slice3A_899 = vector.extract_strided_slice %select_n3A_856 {offsets = [336, 0], sizes = [8, 128], strides = [1, 1]} : vector<400x128xf32> to vector<8x128xf32>
      %slice3A_900 = vector.extract_strided_slice %select_n3A_856 {offsets = [344, 0], sizes = [8, 128], strides = [1, 1]} : vector<400x128xf32> to vector<8x128xf32>
      %slice3A_901 = vector.extract_strided_slice %select_n3A_856 {offsets = [352, 0], sizes = [8, 128], strides = [1, 1]} : vector<400x128xf32> to vector<8x128xf32>
      %slice3A_902 = vector.extract_strided_slice %select_n3A_856 {offsets = [360, 0], sizes = [8, 128], strides = [1, 1]} : vector<400x128xf32> to vector<8x128xf32>
      %slice3A_903 = vector.extract_strided_slice %select_n3A_856 {offsets = [368, 0], sizes = [8, 128], strides = [1, 1]} : vector<400x128xf32> to vector<8x128xf32>
      %slice3A_904 = vector.extract_strided_slice %select_n3A_856 {offsets = [376, 0], sizes = [8, 128], strides = [1, 1]} : vector<400x128xf32> to vector<8x128xf32>
      %slice3A_905 = vector.extract_strided_slice %select_n3A_856 {offsets = [384, 0], sizes = [8, 128], strides = [1, 1]} : vector<400x128xf32> to vector<8x128xf32>
      %slice3A_906 = vector.extract_strided_slice %select_n3A_856 {offsets = [392, 0], sizes = [8, 128], strides = [1, 1]} : vector<400x128xf32> to vector<8x128xf32>
      %max3A_907 = arith.maximumf %slice3A_857, %slice3A_858 : vector<8x128xf32>
      %max3A_908 = arith.maximumf %slice3A_859, %slice3A_860 : vector<8x128xf32>
      %max3A_909 = arith.maximumf %slice3A_861, %slice3A_862 : vector<8x128xf32>
      %max3A_910 = arith.maximumf %slice3A_863, %slice3A_864 : vector<8x128xf32>
      %max3A_911 = arith.maximumf %slice3A_865, %slice3A_866 : vector<8x128xf32>
      %max3A_912 = arith.maximumf %slice3A_867, %slice3A_868 : vector<8x128xf32>
      %max3A_913 = arith.maximumf %slice3A_869, %slice3A_870 : vector<8x128xf32>
      %max3A_914 = arith.maximumf %slice3A_871, %slice3A_872 : vector<8x128xf32>
      %max3A_915 = arith.maximumf %slice3A_873, %slice3A_874 : vector<8x128xf32>
      %max3A_916 = arith.maximumf %slice3A_875, %slice3A_876 : vector<8x128xf32>
      %max3A_917 = arith.maximumf %slice3A_877, %slice3A_878 : vector<8x128xf32>
      %max3A_918 = arith.maximumf %slice3A_879, %slice3A_880 : vector<8x128xf32>
      %max3A_919 = arith.maximumf %slice3A_881, %slice3A_882 : vector<8x128xf32>
      %max3A_920 = arith.maximumf %slice3A_883, %slice3A_884 : vector<8x128xf32>
      %max3A_921 = arith.maximumf %slice3A_885, %slice3A_886 : vector<8x128xf32>
      %max3A_922 = arith.maximumf %slice3A_887, %slice3A_888 : vector<8x128xf32>
      %max3A_923 = arith.maximumf %slice3A_889, %slice3A_890 : vector<8x128xf32>
      %max3A_924 = arith.maximumf %slice3A_891, %slice3A_892 : vector<8x128xf32>
      %max3A_925 = arith.maximumf %slice3A_893, %slice3A_894 : vector<8x128xf32>
      %max3A_926 = arith.maximumf %slice3A_895, %slice3A_896 : vector<8x128xf32>
      %max3A_927 = arith.maximumf %slice3A_897, %slice3A_898 : vector<8x128xf32>
      %max3A_928 = arith.maximumf %slice3A_899, %slice3A_900 : vector<8x128xf32>
      %max3A_929 = arith.maximumf %slice3A_901, %slice3A_902 : vector<8x128xf32>
      %max3A_930 = arith.maximumf %slice3A_903, %slice3A_904 : vector<8x128xf32>
      %max3A_931 = arith.maximumf %slice3A_905, %slice3A_906 : vector<8x128xf32>
      %max3A_932 = arith.maximumf %max3A_907, %max3A_908 : vector<8x128xf32>
      %max3A_933 = arith.maximumf %max3A_909, %max3A_910 : vector<8x128xf32>
      %max3A_934 = arith.maximumf %max3A_911, %max3A_912 : vector<8x128xf32>
      %max3A_935 = arith.maximumf %max3A_913, %max3A_914 : vector<8x128xf32>
      %max3A_936 = arith.maximumf %max3A_915, %max3A_916 : vector<8x128xf32>
      %max3A_937 = arith.maximumf %max3A_917, %max3A_918 : vector<8x128xf32>
      %max3A_938 = arith.maximumf %max3A_919, %max3A_920 : vector<8x128xf32>
      %max3A_939 = arith.maximumf %max3A_921, %max3A_922 : vector<8x128xf32>
      %max3A_940 = arith.maximumf %max3A_923, %max3A_924 : vector<8x128xf32>
      %max3A_941 = arith.maximumf %max3A_925, %max3A_926 : vector<8x128xf32>
      %max3A_942 = arith.maximumf %max3A_927, %max3A_928 : vector<8x128xf32>
      %max3A_943 = arith.maximumf %max3A_929, %max3A_930 : vector<8x128xf32>
      %max3A_944 = arith.maximumf %max3A_932, %max3A_933 : vector<8x128xf32>
      %max3A_945 = arith.maximumf %max3A_934, %max3A_935 : vector<8x128xf32>
      %max3A_946 = arith.maximumf %max3A_936, %max3A_937 : vector<8x128xf32>
      %max3A_947 = arith.maximumf %max3A_938, %max3A_939 : vector<8x128xf32>
      %max3A_948 = arith.maximumf %max3A_940, %max3A_941 : vector<8x128xf32>
      %max3A_949 = arith.maximumf %max3A_942, %max3A_943 : vector<8x128xf32>
      %max3A_950 = arith.maximumf %max3A_944, %max3A_945 : vector<8x128xf32>
      %max3A_951 = arith.maximumf %max3A_946, %max3A_947 : vector<8x128xf32>
      %max3A_952 = arith.maximumf %max3A_948, %max3A_949 : vector<8x128xf32>
      %max3A_953 = arith.maximumf %max3A_950, %max3A_951 : vector<8x128xf32>
      %max3A_954 = arith.maximumf %max3A_952, %max3A_931 : vector<8x128xf32>
      %max3A_955 = arith.maximumf %max3A_953, %max3A_954 : vector<8x128xf32>
      %slice3A_956 = vector.extract_strided_slice %max3A_955 {offsets = [0, 0], sizes = [1, 128], strides = [1, 1]} : vector<8x128xf32> to vector<1x128xf32>
      %slice3A_957 = vector.extract_strided_slice %max3A_955 {offsets = [1, 0], sizes = [1, 128], strides = [1, 1]} : vector<8x128xf32> to vector<1x128xf32>
      %slice3A_958 = vector.extract_strided_slice %max3A_955 {offsets = [2, 0], sizes = [1, 128], strides = [1, 1]} : vector<8x128xf32> to vector<1x128xf32>
      %slice3A_959 = vector.extract_strided_slice %max3A_955 {offsets = [3, 0], sizes = [1, 128], strides = [1, 1]} : vector<8x128xf32> to vector<1x128xf32>
      %slice3A_960 = vector.extract_strided_slice %max3A_955 {offsets = [4, 0], sizes = [1, 128], strides = [1, 1]} : vector<8x128xf32> to vector<1x128xf32>
      %slice3A_961 = vector.extract_strided_slice %max3A_955 {offsets = [5, 0], sizes = [1, 128], strides = [1, 1]} : vector<8x128xf32> to vector<1x128xf32>
      %slice3A_962 = vector.extract_strided_slice %max3A_955 {offsets = [6, 0], sizes = [1, 128], strides = [1, 1]} : vector<8x128xf32> to vector<1x128xf32>
      %slice3A_963 = vector.extract_strided_slice %max3A_955 {offsets = [7, 0], sizes = [1, 128], strides = [1, 1]} : vector<8x128xf32> to vector<1x128xf32>
      %max3A_964 = arith.maximumf %slice3A_956, %slice3A_957 : vector<1x128xf32>
      %max3A_965 = arith.maximumf %slice3A_958, %slice3A_959 : vector<1x128xf32>
      %max3A_966 = arith.maximumf %slice3A_960, %slice3A_961 : vector<1x128xf32>
      %max3A_967 = arith.maximumf %slice3A_962, %slice3A_963 : vector<1x128xf32>
      %max3A_968 = arith.maximumf %max3A_964, %max3A_965 : vector<1x128xf32>
      %max3A_969 = arith.maximumf %max3A_966, %max3A_967 : vector<1x128xf32>
      %max3A_970 = arith.maximumf %max3A_968, %max3A_969 : vector<1x128xf32>
      %eq3A_971 = vector.broadcast %max3A_970 : vector<1x128xf32> to vector<400x128xf32>
      %eq3A_972 = arith.cmpf oeq, %select_n3A_856, %eq3A_971 : vector<400x128xf32>
      %jit3A_973 = arith.constant 2147483647 : i32
      %broadcast_in_dim3A_974 = vector.broadcast %jit3A_973 : i32 to vector<400x128xi32>
      %select_n3A_975 = arith.select %eq3A_972, %iota3A_115, %broadcast_in_dim3A_974 : vector<400x128xi1>, vector<400x128xi32>
      %slice3A_976 = vector.extract_strided_slice %select_n3A_975 {offsets = [0, 0], sizes = [8, 128], strides = [1, 1]} : vector<400x128xi32> to vector<8x128xi32>
      %slice3A_977 = vector.extract_strided_slice %select_n3A_975 {offsets = [8, 0], sizes = [8, 128], strides = [1, 1]} : vector<400x128xi32> to vector<8x128xi32>
      %slice3A_978 = vector.extract_strided_slice %select_n3A_975 {offsets = [16, 0], sizes = [8, 128], strides = [1, 1]} : vector<400x128xi32> to vector<8x128xi32>
      %slice3A_979 = vector.extract_strided_slice %select_n3A_975 {offsets = [24, 0], sizes = [8, 128], strides = [1, 1]} : vector<400x128xi32> to vector<8x128xi32>
      %slice3A_980 = vector.extract_strided_slice %select_n3A_975 {offsets = [32, 0], sizes = [8, 128], strides = [1, 1]} : vector<400x128xi32> to vector<8x128xi32>
      %slice3A_981 = vector.extract_strided_slice %select_n3A_975 {offsets = [40, 0], sizes = [8, 128], strides = [1, 1]} : vector<400x128xi32> to vector<8x128xi32>
      %slice3A_982 = vector.extract_strided_slice %select_n3A_975 {offsets = [48, 0], sizes = [8, 128], strides = [1, 1]} : vector<400x128xi32> to vector<8x128xi32>
      %slice3A_983 = vector.extract_strided_slice %select_n3A_975 {offsets = [56, 0], sizes = [8, 128], strides = [1, 1]} : vector<400x128xi32> to vector<8x128xi32>
      %slice3A_984 = vector.extract_strided_slice %select_n3A_975 {offsets = [64, 0], sizes = [8, 128], strides = [1, 1]} : vector<400x128xi32> to vector<8x128xi32>
      %slice3A_985 = vector.extract_strided_slice %select_n3A_975 {offsets = [72, 0], sizes = [8, 128], strides = [1, 1]} : vector<400x128xi32> to vector<8x128xi32>
      %slice3A_986 = vector.extract_strided_slice %select_n3A_975 {offsets = [80, 0], sizes = [8, 128], strides = [1, 1]} : vector<400x128xi32> to vector<8x128xi32>
      %slice3A_987 = vector.extract_strided_slice %select_n3A_975 {offsets = [88, 0], sizes = [8, 128], strides = [1, 1]} : vector<400x128xi32> to vector<8x128xi32>
      %slice3A_988 = vector.extract_strided_slice %select_n3A_975 {offsets = [96, 0], sizes = [8, 128], strides = [1, 1]} : vector<400x128xi32> to vector<8x128xi32>
      %slice3A_989 = vector.extract_strided_slice %select_n3A_975 {offsets = [104, 0], sizes = [8, 128], strides = [1, 1]} : vector<400x128xi32> to vector<8x128xi32>
      %slice3A_990 = vector.extract_strided_slice %select_n3A_975 {offsets = [112, 0], sizes = [8, 128], strides = [1, 1]} : vector<400x128xi32> to vector<8x128xi32>
      %slice3A_991 = vector.extract_strided_slice %select_n3A_975 {offsets = [120, 0], sizes = [8, 128], strides = [1, 1]} : vector<400x128xi32> to vector<8x128xi32>
      %slice3A_992 = vector.extract_strided_slice %select_n3A_975 {offsets = [128, 0], sizes = [8, 128], strides = [1, 1]} : vector<400x128xi32> to vector<8x128xi32>
      %slice3A_993 = vector.extract_strided_slice %select_n3A_975 {offsets = [136, 0], sizes = [8, 128], strides = [1, 1]} : vector<400x128xi32> to vector<8x128xi32>
      %slice3A_994 = vector.extract_strided_slice %select_n3A_975 {offsets = [144, 0], sizes = [8, 128], strides = [1, 1]} : vector<400x128xi32> to vector<8x128xi32>
      %slice3A_995 = vector.extract_strided_slice %select_n3A_975 {offsets = [152, 0], sizes = [8, 128], strides = [1, 1]} : vector<400x128xi32> to vector<8x128xi32>
      %slice3A_996 = vector.extract_strided_slice %select_n3A_975 {offsets = [160, 0], sizes = [8, 128], strides = [1, 1]} : vector<400x128xi32> to vector<8x128xi32>
      %slice3A_997 = vector.extract_strided_slice %select_n3A_975 {offsets = [168, 0], sizes = [8, 128], strides = [1, 1]} : vector<400x128xi32> to vector<8x128xi32>
      %slice3A_998 = vector.extract_strided_slice %select_n3A_975 {offsets = [176, 0], sizes = [8, 128], strides = [1, 1]} : vector<400x128xi32> to vector<8x128xi32>
      %slice3A_999 = vector.extract_strided_slice %select_n3A_975 {offsets = [184, 0], sizes = [8, 128], strides = [1, 1]} : vector<400x128xi32> to vector<8x128xi32>
      %slice3A_1000 = vector.extract_strided_slice %select_n3A_975 {offsets = [192, 0], sizes = [8, 128], strides = [1, 1]} : vector<400x128xi32> to vector<8x128xi32>
      %slice3A_1001 = vector.extract_strided_slice %select_n3A_975 {offsets = [200, 0], sizes = [8, 128], strides = [1, 1]} : vector<400x128xi32> to vector<8x128xi32>
      %slice3A_1002 = vector.extract_strided_slice %select_n3A_975 {offsets = [208, 0], sizes = [8, 128], strides = [1, 1]} : vector<400x128xi32> to vector<8x128xi32>
      %slice3A_1003 = vector.extract_strided_slice %select_n3A_975 {offsets = [216, 0], sizes = [8, 128], strides = [1, 1]} : vector<400x128xi32> to vector<8x128xi32>
      %slice3A_1004 = vector.extract_strided_slice %select_n3A_975 {offsets = [224, 0], sizes = [8, 128], strides = [1, 1]} : vector<400x128xi32> to vector<8x128xi32>
      %slice3A_1005 = vector.extract_strided_slice %select_n3A_975 {offsets = [232, 0], sizes = [8, 128], strides = [1, 1]} : vector<400x128xi32> to vector<8x128xi32>
      %slice3A_1006 = vector.extract_strided_slice %select_n3A_975 {offsets = [240, 0], sizes = [8, 128], strides = [1, 1]} : vector<400x128xi32> to vector<8x128xi32>
      %slice3A_1007 = vector.extract_strided_slice %select_n3A_975 {offsets = [248, 0], sizes = [8, 128], strides = [1, 1]} : vector<400x128xi32> to vector<8x128xi32>
      %slice3A_1008 = vector.extract_strided_slice %select_n3A_975 {offsets = [256, 0], sizes = [8, 128], strides = [1, 1]} : vector<400x128xi32> to vector<8x128xi32>
      %slice3A_1009 = vector.extract_strided_slice %select_n3A_975 {offsets = [264, 0], sizes = [8, 128], strides = [1, 1]} : vector<400x128xi32> to vector<8x128xi32>
      %slice3A_1010 = vector.extract_strided_slice %select_n3A_975 {offsets = [272, 0], sizes = [8, 128], strides = [1, 1]} : vector<400x128xi32> to vector<8x128xi32>
      %slice3A_1011 = vector.extract_strided_slice %select_n3A_975 {offsets = [280, 0], sizes = [8, 128], strides = [1, 1]} : vector<400x128xi32> to vector<8x128xi32>
      %slice3A_1012 = vector.extract_strided_slice %select_n3A_975 {offsets = [288, 0], sizes = [8, 128], strides = [1, 1]} : vector<400x128xi32> to vector<8x128xi32>
      %slice3A_1013 = vector.extract_strided_slice %select_n3A_975 {offsets = [296, 0], sizes = [8, 128], strides = [1, 1]} : vector<400x128xi32> to vector<8x128xi32>
      %slice3A_1014 = vector.extract_strided_slice %select_n3A_975 {offsets = [304, 0], sizes = [8, 128], strides = [1, 1]} : vector<400x128xi32> to vector<8x128xi32>
      %slice3A_1015 = vector.extract_strided_slice %select_n3A_975 {offsets = [312, 0], sizes = [8, 128], strides = [1, 1]} : vector<400x128xi32> to vector<8x128xi32>
      %slice3A_1016 = vector.extract_strided_slice %select_n3A_975 {offsets = [320, 0], sizes = [8, 128], strides = [1, 1]} : vector<400x128xi32> to vector<8x128xi32>
      %slice3A_1017 = vector.extract_strided_slice %select_n3A_975 {offsets = [328, 0], sizes = [8, 128], strides = [1, 1]} : vector<400x128xi32> to vector<8x128xi32>
      %slice3A_1018 = vector.extract_strided_slice %select_n3A_975 {offsets = [336, 0], sizes = [8, 128], strides = [1, 1]} : vector<400x128xi32> to vector<8x128xi32>
      %slice3A_1019 = vector.extract_strided_slice %select_n3A_975 {offsets = [344, 0], sizes = [8, 128], strides = [1, 1]} : vector<400x128xi32> to vector<8x128xi32>
      %slice3A_1020 = vector.extract_strided_slice %select_n3A_975 {offsets = [352, 0], sizes = [8, 128], strides = [1, 1]} : vector<400x128xi32> to vector<8x128xi32>
      %slice3A_1021 = vector.extract_strided_slice %select_n3A_975 {offsets = [360, 0], sizes = [8, 128], strides = [1, 1]} : vector<400x128xi32> to vector<8x128xi32>
      %slice3A_1022 = vector.extract_strided_slice %select_n3A_975 {offsets = [368, 0], sizes = [8, 128], strides = [1, 1]} : vector<400x128xi32> to vector<8x128xi32>
      %slice3A_1023 = vector.extract_strided_slice %select_n3A_975 {offsets = [376, 0], sizes = [8, 128], strides = [1, 1]} : vector<400x128xi32> to vector<8x128xi32>
      %slice3A_1024 = vector.extract_strided_slice %select_n3A_975 {offsets = [384, 0], sizes = [8, 128], strides = [1, 1]} : vector<400x128xi32> to vector<8x128xi32>
      %slice3A_1025 = vector.extract_strided_slice %select_n3A_975 {offsets = [392, 0], sizes = [8, 128], strides = [1, 1]} : vector<400x128xi32> to vector<8x128xi32>
      %min3A_1026 = arith.minsi %slice3A_976, %slice3A_977 : vector<8x128xi32>
      %min3A_1027 = arith.minsi %slice3A_978, %slice3A_979 : vector<8x128xi32>
      %min3A_1028 = arith.minsi %slice3A_980, %slice3A_981 : vector<8x128xi32>
      %min3A_1029 = arith.minsi %slice3A_982, %slice3A_983 : vector<8x128xi32>
      %min3A_1030 = arith.minsi %slice3A_984, %slice3A_985 : vector<8x128xi32>
      %min3A_1031 = arith.minsi %slice3A_986, %slice3A_987 : vector<8x128xi32>
      %min3A_1032 = arith.minsi %slice3A_988, %slice3A_989 : vector<8x128xi32>
      %min3A_1033 = arith.minsi %slice3A_990, %slice3A_991 : vector<8x128xi32>
      %min3A_1034 = arith.minsi %slice3A_992, %slice3A_993 : vector<8x128xi32>
      %min3A_1035 = arith.minsi %slice3A_994, %slice3A_995 : vector<8x128xi32>
      %min3A_1036 = arith.minsi %slice3A_996, %slice3A_997 : vector<8x128xi32>
      %min3A_1037 = arith.minsi %slice3A_998, %slice3A_999 : vector<8x128xi32>
      %min3A_1038 = arith.minsi %slice3A_1000, %slice3A_1001 : vector<8x128xi32>
      %min3A_1039 = arith.minsi %slice3A_1002, %slice3A_1003 : vector<8x128xi32>
      %min3A_1040 = arith.minsi %slice3A_1004, %slice3A_1005 : vector<8x128xi32>
      %min3A_1041 = arith.minsi %slice3A_1006, %slice3A_1007 : vector<8x128xi32>
      %min3A_1042 = arith.minsi %slice3A_1008, %slice3A_1009 : vector<8x128xi32>
      %min3A_1043 = arith.minsi %slice3A_1010, %slice3A_1011 : vector<8x128xi32>
      %min3A_1044 = arith.minsi %slice3A_1012, %slice3A_1013 : vector<8x128xi32>
      %min3A_1045 = arith.minsi %slice3A_1014, %slice3A_1015 : vector<8x128xi32>
      %min3A_1046 = arith.minsi %slice3A_1016, %slice3A_1017 : vector<8x128xi32>
      %min3A_1047 = arith.minsi %slice3A_1018, %slice3A_1019 : vector<8x128xi32>
      %min3A_1048 = arith.minsi %slice3A_1020, %slice3A_1021 : vector<8x128xi32>
      %min3A_1049 = arith.minsi %slice3A_1022, %slice3A_1023 : vector<8x128xi32>
      %min3A_1050 = arith.minsi %slice3A_1024, %slice3A_1025 : vector<8x128xi32>
      %min3A_1051 = arith.minsi %min3A_1026, %min3A_1027 : vector<8x128xi32>
      %min3A_1052 = arith.minsi %min3A_1028, %min3A_1029 : vector<8x128xi32>
      %min3A_1053 = arith.minsi %min3A_1030, %min3A_1031 : vector<8x128xi32>
      %min3A_1054 = arith.minsi %min3A_1032, %min3A_1033 : vector<8x128xi32>
      %min3A_1055 = arith.minsi %min3A_1034, %min3A_1035 : vector<8x128xi32>
      %min3A_1056 = arith.minsi %min3A_1036, %min3A_1037 : vector<8x128xi32>
      %min3A_1057 = arith.minsi %min3A_1038, %min3A_1039 : vector<8x128xi32>
      %min3A_1058 = arith.minsi %min3A_1040, %min3A_1041 : vector<8x128xi32>
      %min3A_1059 = arith.minsi %min3A_1042, %min3A_1043 : vector<8x128xi32>
      %min3A_1060 = arith.minsi %min3A_1044, %min3A_1045 : vector<8x128xi32>
      %min3A_1061 = arith.minsi %min3A_1046, %min3A_1047 : vector<8x128xi32>
      %min3A_1062 = arith.minsi %min3A_1048, %min3A_1049 : vector<8x128xi32>
      %min3A_1063 = arith.minsi %min3A_1051, %min3A_1052 : vector<8x128xi32>
      %min3A_1064 = arith.minsi %min3A_1053, %min3A_1054 : vector<8x128xi32>
      %min3A_1065 = arith.minsi %min3A_1055, %min3A_1056 : vector<8x128xi32>
      %min3A_1066 = arith.minsi %min3A_1057, %min3A_1058 : vector<8x128xi32>
      %min3A_1067 = arith.minsi %min3A_1059, %min3A_1060 : vector<8x128xi32>
      %min3A_1068 = arith.minsi %min3A_1061, %min3A_1062 : vector<8x128xi32>
      %min3A_1069 = arith.minsi %min3A_1063, %min3A_1064 : vector<8x128xi32>
      %min3A_1070 = arith.minsi %min3A_1065, %min3A_1066 : vector<8x128xi32>
      %min3A_1071 = arith.minsi %min3A_1067, %min3A_1068 : vector<8x128xi32>
      %min3A_1072 = arith.minsi %min3A_1069, %min3A_1070 : vector<8x128xi32>
      %min3A_1073 = arith.minsi %min3A_1071, %min3A_1050 : vector<8x128xi32>
      %min3A_1074 = arith.minsi %min3A_1072, %min3A_1073 : vector<8x128xi32>
      %slice3A_1075 = vector.extract_strided_slice %min3A_1074 {offsets = [0, 0], sizes = [1, 128], strides = [1, 1]} : vector<8x128xi32> to vector<1x128xi32>
      %slice3A_1076 = vector.extract_strided_slice %min3A_1074 {offsets = [1, 0], sizes = [1, 128], strides = [1, 1]} : vector<8x128xi32> to vector<1x128xi32>
      %slice3A_1077 = vector.extract_strided_slice %min3A_1074 {offsets = [2, 0], sizes = [1, 128], strides = [1, 1]} : vector<8x128xi32> to vector<1x128xi32>
      %slice3A_1078 = vector.extract_strided_slice %min3A_1074 {offsets = [3, 0], sizes = [1, 128], strides = [1, 1]} : vector<8x128xi32> to vector<1x128xi32>
      %slice3A_1079 = vector.extract_strided_slice %min3A_1074 {offsets = [4, 0], sizes = [1, 128], strides = [1, 1]} : vector<8x128xi32> to vector<1x128xi32>
      %slice3A_1080 = vector.extract_strided_slice %min3A_1074 {offsets = [5, 0], sizes = [1, 128], strides = [1, 1]} : vector<8x128xi32> to vector<1x128xi32>
      %slice3A_1081 = vector.extract_strided_slice %min3A_1074 {offsets = [6, 0], sizes = [1, 128], strides = [1, 1]} : vector<8x128xi32> to vector<1x128xi32>
      %slice3A_1082 = vector.extract_strided_slice %min3A_1074 {offsets = [7, 0], sizes = [1, 128], strides = [1, 1]} : vector<8x128xi32> to vector<1x128xi32>
      %min3A_1083 = arith.minsi %slice3A_1075, %slice3A_1076 : vector<1x128xi32>
      %min3A_1084 = arith.minsi %slice3A_1077, %slice3A_1078 : vector<1x128xi32>
      %min3A_1085 = arith.minsi %slice3A_1079, %slice3A_1080 : vector<1x128xi32>
      %min3A_1086 = arith.minsi %slice3A_1081, %slice3A_1082 : vector<1x128xi32>
      %min3A_1087 = arith.minsi %min3A_1083, %min3A_1084 : vector<1x128xi32>
      %min3A_1088 = arith.minsi %min3A_1085, %min3A_1086 : vector<1x128xi32>
      %min3A_1089 = arith.minsi %min3A_1087, %min3A_1088 : vector<1x128xi32>
      %mul3A_1090 = arith.constant 128 : i32
      %mul3A_1091 = vector.broadcast %mul3A_1090 : i32 to vector<1x128xi32>
      %mul3A_1092 = arith.muli %min3A_1089, %mul3A_1091 : vector<1x128xi32>
      %iota3A_1093 = tpu.iota {dimensions = array<i32: 1>} : vector<1x128xi32>
      %add3A_1094 = arith.addi %mul3A_1092, %iota3A_1093 : vector<1x128xi32>
      %eq3A_1095 = vector.broadcast %min3A_1089 : vector<1x128xi32> to vector<400x128xi32>
      %eq3A_1096 = arith.cmpi eq, %iota3A_115, %eq3A_1095 : vector<400x128xi32>
      %jit3A_1097 = arith.constant 0xFF800000 : f32
      %broadcast_in_dim3A_1098 = vector.broadcast %jit3A_1097 : f32 to vector<400x128xf32>
      %select_n3A_1099 = arith.select %eq3A_1096, %broadcast_in_dim3A_1098, %select_n3A_856 : vector<400x128xi1>, vector<400x128xf32>
      %slice3A_1100 = vector.extract_strided_slice %select_n3A_1099 {offsets = [0, 0], sizes = [8, 128], strides = [1, 1]} : vector<400x128xf32> to vector<8x128xf32>
      %slice3A_1101 = vector.extract_strided_slice %select_n3A_1099 {offsets = [8, 0], sizes = [8, 128], strides = [1, 1]} : vector<400x128xf32> to vector<8x128xf32>
      %slice3A_1102 = vector.extract_strided_slice %select_n3A_1099 {offsets = [16, 0], sizes = [8, 128], strides = [1, 1]} : vector<400x128xf32> to vector<8x128xf32>
      %slice3A_1103 = vector.extract_strided_slice %select_n3A_1099 {offsets = [24, 0], sizes = [8, 128], strides = [1, 1]} : vector<400x128xf32> to vector<8x128xf32>
      %slice3A_1104 = vector.extract_strided_slice %select_n3A_1099 {offsets = [32, 0], sizes = [8, 128], strides = [1, 1]} : vector<400x128xf32> to vector<8x128xf32>
      %slice3A_1105 = vector.extract_strided_slice %select_n3A_1099 {offsets = [40, 0], sizes = [8, 128], strides = [1, 1]} : vector<400x128xf32> to vector<8x128xf32>
      %slice3A_1106 = vector.extract_strided_slice %select_n3A_1099 {offsets = [48, 0], sizes = [8, 128], strides = [1, 1]} : vector<400x128xf32> to vector<8x128xf32>
      %slice3A_1107 = vector.extract_strided_slice %select_n3A_1099 {offsets = [56, 0], sizes = [8, 128], strides = [1, 1]} : vector<400x128xf32> to vector<8x128xf32>
      %slice3A_1108 = vector.extract_strided_slice %select_n3A_1099 {offsets = [64, 0], sizes = [8, 128], strides = [1, 1]} : vector<400x128xf32> to vector<8x128xf32>
      %slice3A_1109 = vector.extract_strided_slice %select_n3A_1099 {offsets = [72, 0], sizes = [8, 128], strides = [1, 1]} : vector<400x128xf32> to vector<8x128xf32>
      %slice3A_1110 = vector.extract_strided_slice %select_n3A_1099 {offsets = [80, 0], sizes = [8, 128], strides = [1, 1]} : vector<400x128xf32> to vector<8x128xf32>
      %slice3A_1111 = vector.extract_strided_slice %select_n3A_1099 {offsets = [88, 0], sizes = [8, 128], strides = [1, 1]} : vector<400x128xf32> to vector<8x128xf32>
      %slice3A_1112 = vector.extract_strided_slice %select_n3A_1099 {offsets = [96, 0], sizes = [8, 128], strides = [1, 1]} : vector<400x128xf32> to vector<8x128xf32>
      %slice3A_1113 = vector.extract_strided_slice %select_n3A_1099 {offsets = [104, 0], sizes = [8, 128], strides = [1, 1]} : vector<400x128xf32> to vector<8x128xf32>
      %slice3A_1114 = vector.extract_strided_slice %select_n3A_1099 {offsets = [112, 0], sizes = [8, 128], strides = [1, 1]} : vector<400x128xf32> to vector<8x128xf32>
      %slice3A_1115 = vector.extract_strided_slice %select_n3A_1099 {offsets = [120, 0], sizes = [8, 128], strides = [1, 1]} : vector<400x128xf32> to vector<8x128xf32>
      %slice3A_1116 = vector.extract_strided_slice %select_n3A_1099 {offsets = [128, 0], sizes = [8, 128], strides = [1, 1]} : vector<400x128xf32> to vector<8x128xf32>
      %slice3A_1117 = vector.extract_strided_slice %select_n3A_1099 {offsets = [136, 0], sizes = [8, 128], strides = [1, 1]} : vector<400x128xf32> to vector<8x128xf32>
      %slice3A_1118 = vector.extract_strided_slice %select_n3A_1099 {offsets = [144, 0], sizes = [8, 128], strides = [1, 1]} : vector<400x128xf32> to vector<8x128xf32>
      %slice3A_1119 = vector.extract_strided_slice %select_n3A_1099 {offsets = [152, 0], sizes = [8, 128], strides = [1, 1]} : vector<400x128xf32> to vector<8x128xf32>
      %slice3A_1120 = vector.extract_strided_slice %select_n3A_1099 {offsets = [160, 0], sizes = [8, 128], strides = [1, 1]} : vector<400x128xf32> to vector<8x128xf32>
      %slice3A_1121 = vector.extract_strided_slice %select_n3A_1099 {offsets = [168, 0], sizes = [8, 128], strides = [1, 1]} : vector<400x128xf32> to vector<8x128xf32>
      %slice3A_1122 = vector.extract_strided_slice %select_n3A_1099 {offsets = [176, 0], sizes = [8, 128], strides = [1, 1]} : vector<400x128xf32> to vector<8x128xf32>
      %slice3A_1123 = vector.extract_strided_slice %select_n3A_1099 {offsets = [184, 0], sizes = [8, 128], strides = [1, 1]} : vector<400x128xf32> to vector<8x128xf32>
      %slice3A_1124 = vector.extract_strided_slice %select_n3A_1099 {offsets = [192, 0], sizes = [8, 128], strides = [1, 1]} : vector<400x128xf32> to vector<8x128xf32>
      %slice3A_1125 = vector.extract_strided_slice %select_n3A_1099 {offsets = [200, 0], sizes = [8, 128], strides = [1, 1]} : vector<400x128xf32> to vector<8x128xf32>
      %slice3A_1126 = vector.extract_strided_slice %select_n3A_1099 {offsets = [208, 0], sizes = [8, 128], strides = [1, 1]} : vector<400x128xf32> to vector<8x128xf32>
      %slice3A_1127 = vector.extract_strided_slice %select_n3A_1099 {offsets = [216, 0], sizes = [8, 128], strides = [1, 1]} : vector<400x128xf32> to vector<8x128xf32>
      %slice3A_1128 = vector.extract_strided_slice %select_n3A_1099 {offsets = [224, 0], sizes = [8, 128], strides = [1, 1]} : vector<400x128xf32> to vector<8x128xf32>
      %slice3A_1129 = vector.extract_strided_slice %select_n3A_1099 {offsets = [232, 0], sizes = [8, 128], strides = [1, 1]} : vector<400x128xf32> to vector<8x128xf32>
      %slice3A_1130 = vector.extract_strided_slice %select_n3A_1099 {offsets = [240, 0], sizes = [8, 128], strides = [1, 1]} : vector<400x128xf32> to vector<8x128xf32>
      %slice3A_1131 = vector.extract_strided_slice %select_n3A_1099 {offsets = [248, 0], sizes = [8, 128], strides = [1, 1]} : vector<400x128xf32> to vector<8x128xf32>
      %slice3A_1132 = vector.extract_strided_slice %select_n3A_1099 {offsets = [256, 0], sizes = [8, 128], strides = [1, 1]} : vector<400x128xf32> to vector<8x128xf32>
      %slice3A_1133 = vector.extract_strided_slice %select_n3A_1099 {offsets = [264, 0], sizes = [8, 128], strides = [1, 1]} : vector<400x128xf32> to vector<8x128xf32>
      %slice3A_1134 = vector.extract_strided_slice %select_n3A_1099 {offsets = [272, 0], sizes = [8, 128], strides = [1, 1]} : vector<400x128xf32> to vector<8x128xf32>
      %slice3A_1135 = vector.extract_strided_slice %select_n3A_1099 {offsets = [280, 0], sizes = [8, 128], strides = [1, 1]} : vector<400x128xf32> to vector<8x128xf32>
      %slice3A_1136 = vector.extract_strided_slice %select_n3A_1099 {offsets = [288, 0], sizes = [8, 128], strides = [1, 1]} : vector<400x128xf32> to vector<8x128xf32>
      %slice3A_1137 = vector.extract_strided_slice %select_n3A_1099 {offsets = [296, 0], sizes = [8, 128], strides = [1, 1]} : vector<400x128xf32> to vector<8x128xf32>
      %slice3A_1138 = vector.extract_strided_slice %select_n3A_1099 {offsets = [304, 0], sizes = [8, 128], strides = [1, 1]} : vector<400x128xf32> to vector<8x128xf32>
      %slice3A_1139 = vector.extract_strided_slice %select_n3A_1099 {offsets = [312, 0], sizes = [8, 128], strides = [1, 1]} : vector<400x128xf32> to vector<8x128xf32>
      %slice3A_1140 = vector.extract_strided_slice %select_n3A_1099 {offsets = [320, 0], sizes = [8, 128], strides = [1, 1]} : vector<400x128xf32> to vector<8x128xf32>
      %slice3A_1141 = vector.extract_strided_slice %select_n3A_1099 {offsets = [328, 0], sizes = [8, 128], strides = [1, 1]} : vector<400x128xf32> to vector<8x128xf32>
      %slice3A_1142 = vector.extract_strided_slice %select_n3A_1099 {offsets = [336, 0], sizes = [8, 128], strides = [1, 1]} : vector<400x128xf32> to vector<8x128xf32>
      %slice3A_1143 = vector.extract_strided_slice %select_n3A_1099 {offsets = [344, 0], sizes = [8, 128], strides = [1, 1]} : vector<400x128xf32> to vector<8x128xf32>
      %slice3A_1144 = vector.extract_strided_slice %select_n3A_1099 {offsets = [352, 0], sizes = [8, 128], strides = [1, 1]} : vector<400x128xf32> to vector<8x128xf32>
      %slice3A_1145 = vector.extract_strided_slice %select_n3A_1099 {offsets = [360, 0], sizes = [8, 128], strides = [1, 1]} : vector<400x128xf32> to vector<8x128xf32>
      %slice3A_1146 = vector.extract_strided_slice %select_n3A_1099 {offsets = [368, 0], sizes = [8, 128], strides = [1, 1]} : vector<400x128xf32> to vector<8x128xf32>
      %slice3A_1147 = vector.extract_strided_slice %select_n3A_1099 {offsets = [376, 0], sizes = [8, 128], strides = [1, 1]} : vector<400x128xf32> to vector<8x128xf32>
      %slice3A_1148 = vector.extract_strided_slice %select_n3A_1099 {offsets = [384, 0], sizes = [8, 128], strides = [1, 1]} : vector<400x128xf32> to vector<8x128xf32>
      %slice3A_1149 = vector.extract_strided_slice %select_n3A_1099 {offsets = [392, 0], sizes = [8, 128], strides = [1, 1]} : vector<400x128xf32> to vector<8x128xf32>
      %max3A_1150 = arith.maximumf %slice3A_1100, %slice3A_1101 : vector<8x128xf32>
      %max3A_1151 = arith.maximumf %slice3A_1102, %slice3A_1103 : vector<8x128xf32>
      %max3A_1152 = arith.maximumf %slice3A_1104, %slice3A_1105 : vector<8x128xf32>
      %max3A_1153 = arith.maximumf %slice3A_1106, %slice3A_1107 : vector<8x128xf32>
      %max3A_1154 = arith.maximumf %slice3A_1108, %slice3A_1109 : vector<8x128xf32>
      %max3A_1155 = arith.maximumf %slice3A_1110, %slice3A_1111 : vector<8x128xf32>
      %max3A_1156 = arith.maximumf %slice3A_1112, %slice3A_1113 : vector<8x128xf32>
      %max3A_1157 = arith.maximumf %slice3A_1114, %slice3A_1115 : vector<8x128xf32>
      %max3A_1158 = arith.maximumf %slice3A_1116, %slice3A_1117 : vector<8x128xf32>
      %max3A_1159 = arith.maximumf %slice3A_1118, %slice3A_1119 : vector<8x128xf32>
      %max3A_1160 = arith.maximumf %slice3A_1120, %slice3A_1121 : vector<8x128xf32>
      %max3A_1161 = arith.maximumf %slice3A_1122, %slice3A_1123 : vector<8x128xf32>
      %max3A_1162 = arith.maximumf %slice3A_1124, %slice3A_1125 : vector<8x128xf32>
      %max3A_1163 = arith.maximumf %slice3A_1126, %slice3A_1127 : vector<8x128xf32>
      %max3A_1164 = arith.maximumf %slice3A_1128, %slice3A_1129 : vector<8x128xf32>
      %max3A_1165 = arith.maximumf %slice3A_1130, %slice3A_1131 : vector<8x128xf32>
      %max3A_1166 = arith.maximumf %slice3A_1132, %slice3A_1133 : vector<8x128xf32>
      %max3A_1167 = arith.maximumf %slice3A_1134, %slice3A_1135 : vector<8x128xf32>
      %max3A_1168 = arith.maximumf %slice3A_1136, %slice3A_1137 : vector<8x128xf32>
      %max3A_1169 = arith.maximumf %slice3A_1138, %slice3A_1139 : vector<8x128xf32>
      %max3A_1170 = arith.maximumf %slice3A_1140, %slice3A_1141 : vector<8x128xf32>
      %max3A_1171 = arith.maximumf %slice3A_1142, %slice3A_1143 : vector<8x128xf32>
      %max3A_1172 = arith.maximumf %slice3A_1144, %slice3A_1145 : vector<8x128xf32>
      %max3A_1173 = arith.maximumf %slice3A_1146, %slice3A_1147 : vector<8x128xf32>
      %max3A_1174 = arith.maximumf %slice3A_1148, %slice3A_1149 : vector<8x128xf32>
      %max3A_1175 = arith.maximumf %max3A_1150, %max3A_1151 : vector<8x128xf32>
      %max3A_1176 = arith.maximumf %max3A_1152, %max3A_1153 : vector<8x128xf32>
      %max3A_1177 = arith.maximumf %max3A_1154, %max3A_1155 : vector<8x128xf32>
      %max3A_1178 = arith.maximumf %max3A_1156, %max3A_1157 : vector<8x128xf32>
      %max3A_1179 = arith.maximumf %max3A_1158, %max3A_1159 : vector<8x128xf32>
      %max3A_1180 = arith.maximumf %max3A_1160, %max3A_1161 : vector<8x128xf32>
      %max3A_1181 = arith.maximumf %max3A_1162, %max3A_1163 : vector<8x128xf32>
      %max3A_1182 = arith.maximumf %max3A_1164, %max3A_1165 : vector<8x128xf32>
      %max3A_1183 = arith.maximumf %max3A_1166, %max3A_1167 : vector<8x128xf32>
      %max3A_1184 = arith.maximumf %max3A_1168, %max3A_1169 : vector<8x128xf32>
      %max3A_1185 = arith.maximumf %max3A_1170, %max3A_1171 : vector<8x128xf32>
      %max3A_1186 = arith.maximumf %max3A_1172, %max3A_1173 : vector<8x128xf32>
      %max3A_1187 = arith.maximumf %max3A_1175, %max3A_1176 : vector<8x128xf32>
      %max3A_1188 = arith.maximumf %max3A_1177, %max3A_1178 : vector<8x128xf32>
      %max3A_1189 = arith.maximumf %max3A_1179, %max3A_1180 : vector<8x128xf32>
      %max3A_1190 = arith.maximumf %max3A_1181, %max3A_1182 : vector<8x128xf32>
      %max3A_1191 = arith.maximumf %max3A_1183, %max3A_1184 : vector<8x128xf32>
      %max3A_1192 = arith.maximumf %max3A_1185, %max3A_1186 : vector<8x128xf32>
      %max3A_1193 = arith.maximumf %max3A_1187, %max3A_1188 : vector<8x128xf32>
      %max3A_1194 = arith.maximumf %max3A_1189, %max3A_1190 : vector<8x128xf32>
      %max3A_1195 = arith.maximumf %max3A_1191, %max3A_1192 : vector<8x128xf32>
      %max3A_1196 = arith.maximumf %max3A_1193, %max3A_1194 : vector<8x128xf32>
      %max3A_1197 = arith.maximumf %max3A_1195, %max3A_1174 : vector<8x128xf32>
      %max3A_1198 = arith.maximumf %max3A_1196, %max3A_1197 : vector<8x128xf32>
      %slice3A_1199 = vector.extract_strided_slice %max3A_1198 {offsets = [0, 0], sizes = [1, 128], strides = [1, 1]} : vector<8x128xf32> to vector<1x128xf32>
      %slice3A_1200 = vector.extract_strided_slice %max3A_1198 {offsets = [1, 0], sizes = [1, 128], strides = [1, 1]} : vector<8x128xf32> to vector<1x128xf32>
      %slice3A_1201 = vector.extract_strided_slice %max3A_1198 {offsets = [2, 0], sizes = [1, 128], strides = [1, 1]} : vector<8x128xf32> to vector<1x128xf32>
      %slice3A_1202 = vector.extract_strided_slice %max3A_1198 {offsets = [3, 0], sizes = [1, 128], strides = [1, 1]} : vector<8x128xf32> to vector<1x128xf32>
      %slice3A_1203 = vector.extract_strided_slice %max3A_1198 {offsets = [4, 0], sizes = [1, 128], strides = [1, 1]} : vector<8x128xf32> to vector<1x128xf32>
      %slice3A_1204 = vector.extract_strided_slice %max3A_1198 {offsets = [5, 0], sizes = [1, 128], strides = [1, 1]} : vector<8x128xf32> to vector<1x128xf32>
      %slice3A_1205 = vector.extract_strided_slice %max3A_1198 {offsets = [6, 0], sizes = [1, 128], strides = [1, 1]} : vector<8x128xf32> to vector<1x128xf32>
      %slice3A_1206 = vector.extract_strided_slice %max3A_1198 {offsets = [7, 0], sizes = [1, 128], strides = [1, 1]} : vector<8x128xf32> to vector<1x128xf32>
      %max3A_1207 = arith.maximumf %slice3A_1199, %slice3A_1200 : vector<1x128xf32>
      %max3A_1208 = arith.maximumf %slice3A_1201, %slice3A_1202 : vector<1x128xf32>
      %max3A_1209 = arith.maximumf %slice3A_1203, %slice3A_1204 : vector<1x128xf32>
      %max3A_1210 = arith.maximumf %slice3A_1205, %slice3A_1206 : vector<1x128xf32>
      %max3A_1211 = arith.maximumf %max3A_1207, %max3A_1208 : vector<1x128xf32>
      %max3A_1212 = arith.maximumf %max3A_1209, %max3A_1210 : vector<1x128xf32>
      %max3A_1213 = arith.maximumf %max3A_1211, %max3A_1212 : vector<1x128xf32>
      %eq3A_1214 = vector.broadcast %max3A_1213 : vector<1x128xf32> to vector<400x128xf32>
      %eq3A_1215 = arith.cmpf oeq, %select_n3A_1099, %eq3A_1214 : vector<400x128xf32>
      %jit3A_1216 = arith.constant 2147483647 : i32
      %broadcast_in_dim3A_1217 = vector.broadcast %jit3A_1216 : i32 to vector<400x128xi32>
      %select_n3A_1218 = arith.select %eq3A_1215, %iota3A_115, %broadcast_in_dim3A_1217 : vector<400x128xi1>, vector<400x128xi32>
      %slice3A_1219 = vector.extract_strided_slice %select_n3A_1218 {offsets = [0, 0], sizes = [8, 128], strides = [1, 1]} : vector<400x128xi32> to vector<8x128xi32>
      %slice3A_1220 = vector.extract_strided_slice %select_n3A_1218 {offsets = [8, 0], sizes = [8, 128], strides = [1, 1]} : vector<400x128xi32> to vector<8x128xi32>
      %slice3A_1221 = vector.extract_strided_slice %select_n3A_1218 {offsets = [16, 0], sizes = [8, 128], strides = [1, 1]} : vector<400x128xi32> to vector<8x128xi32>
      %slice3A_1222 = vector.extract_strided_slice %select_n3A_1218 {offsets = [24, 0], sizes = [8, 128], strides = [1, 1]} : vector<400x128xi32> to vector<8x128xi32>
      %slice3A_1223 = vector.extract_strided_slice %select_n3A_1218 {offsets = [32, 0], sizes = [8, 128], strides = [1, 1]} : vector<400x128xi32> to vector<8x128xi32>
      %slice3A_1224 = vector.extract_strided_slice %select_n3A_1218 {offsets = [40, 0], sizes = [8, 128], strides = [1, 1]} : vector<400x128xi32> to vector<8x128xi32>
      %slice3A_1225 = vector.extract_strided_slice %select_n3A_1218 {offsets = [48, 0], sizes = [8, 128], strides = [1, 1]} : vector<400x128xi32> to vector<8x128xi32>
      %slice3A_1226 = vector.extract_strided_slice %select_n3A_1218 {offsets = [56, 0], sizes = [8, 128], strides = [1, 1]} : vector<400x128xi32> to vector<8x128xi32>
      %slice3A_1227 = vector.extract_strided_slice %select_n3A_1218 {offsets = [64, 0], sizes = [8, 128], strides = [1, 1]} : vector<400x128xi32> to vector<8x128xi32>
      %slice3A_1228 = vector.extract_strided_slice %select_n3A_1218 {offsets = [72, 0], sizes = [8, 128], strides = [1, 1]} : vector<400x128xi32> to vector<8x128xi32>
      %slice3A_1229 = vector.extract_strided_slice %select_n3A_1218 {offsets = [80, 0], sizes = [8, 128], strides = [1, 1]} : vector<400x128xi32> to vector<8x128xi32>
      %slice3A_1230 = vector.extract_strided_slice %select_n3A_1218 {offsets = [88, 0], sizes = [8, 128], strides = [1, 1]} : vector<400x128xi32> to vector<8x128xi32>
      %slice3A_1231 = vector.extract_strided_slice %select_n3A_1218 {offsets = [96, 0], sizes = [8, 128], strides = [1, 1]} : vector<400x128xi32> to vector<8x128xi32>
      %slice3A_1232 = vector.extract_strided_slice %select_n3A_1218 {offsets = [104, 0], sizes = [8, 128], strides = [1, 1]} : vector<400x128xi32> to vector<8x128xi32>
      %slice3A_1233 = vector.extract_strided_slice %select_n3A_1218 {offsets = [112, 0], sizes = [8, 128], strides = [1, 1]} : vector<400x128xi32> to vector<8x128xi32>
      %slice3A_1234 = vector.extract_strided_slice %select_n3A_1218 {offsets = [120, 0], sizes = [8, 128], strides = [1, 1]} : vector<400x128xi32> to vector<8x128xi32>
      %slice3A_1235 = vector.extract_strided_slice %select_n3A_1218 {offsets = [128, 0], sizes = [8, 128], strides = [1, 1]} : vector<400x128xi32> to vector<8x128xi32>
      %slice3A_1236 = vector.extract_strided_slice %select_n3A_1218 {offsets = [136, 0], sizes = [8, 128], strides = [1, 1]} : vector<400x128xi32> to vector<8x128xi32>
      %slice3A_1237 = vector.extract_strided_slice %select_n3A_1218 {offsets = [144, 0], sizes = [8, 128], strides = [1, 1]} : vector<400x128xi32> to vector<8x128xi32>
      %slice3A_1238 = vector.extract_strided_slice %select_n3A_1218 {offsets = [152, 0], sizes = [8, 128], strides = [1, 1]} : vector<400x128xi32> to vector<8x128xi32>
      %slice3A_1239 = vector.extract_strided_slice %select_n3A_1218 {offsets = [160, 0], sizes = [8, 128], strides = [1, 1]} : vector<400x128xi32> to vector<8x128xi32>
      %slice3A_1240 = vector.extract_strided_slice %select_n3A_1218 {offsets = [168, 0], sizes = [8, 128], strides = [1, 1]} : vector<400x128xi32> to vector<8x128xi32>
      %slice3A_1241 = vector.extract_strided_slice %select_n3A_1218 {offsets = [176, 0], sizes = [8, 128], strides = [1, 1]} : vector<400x128xi32> to vector<8x128xi32>
      %slice3A_1242 = vector.extract_strided_slice %select_n3A_1218 {offsets = [184, 0], sizes = [8, 128], strides = [1, 1]} : vector<400x128xi32> to vector<8x128xi32>
      %slice3A_1243 = vector.extract_strided_slice %select_n3A_1218 {offsets = [192, 0], sizes = [8, 128], strides = [1, 1]} : vector<400x128xi32> to vector<8x128xi32>
      %slice3A_1244 = vector.extract_strided_slice %select_n3A_1218 {offsets = [200, 0], sizes = [8, 128], strides = [1, 1]} : vector<400x128xi32> to vector<8x128xi32>
      %slice3A_1245 = vector.extract_strided_slice %select_n3A_1218 {offsets = [208, 0], sizes = [8, 128], strides = [1, 1]} : vector<400x128xi32> to vector<8x128xi32>
      %slice3A_1246 = vector.extract_strided_slice %select_n3A_1218 {offsets = [216, 0], sizes = [8, 128], strides = [1, 1]} : vector<400x128xi32> to vector<8x128xi32>
      %slice3A_1247 = vector.extract_strided_slice %select_n3A_1218 {offsets = [224, 0], sizes = [8, 128], strides = [1, 1]} : vector<400x128xi32> to vector<8x128xi32>
      %slice3A_1248 = vector.extract_strided_slice %select_n3A_1218 {offsets = [232, 0], sizes = [8, 128], strides = [1, 1]} : vector<400x128xi32> to vector<8x128xi32>
      %slice3A_1249 = vector.extract_strided_slice %select_n3A_1218 {offsets = [240, 0], sizes = [8, 128], strides = [1, 1]} : vector<400x128xi32> to vector<8x128xi32>
      %slice3A_1250 = vector.extract_strided_slice %select_n3A_1218 {offsets = [248, 0], sizes = [8, 128], strides = [1, 1]} : vector<400x128xi32> to vector<8x128xi32>
      %slice3A_1251 = vector.extract_strided_slice %select_n3A_1218 {offsets = [256, 0], sizes = [8, 128], strides = [1, 1]} : vector<400x128xi32> to vector<8x128xi32>
      %slice3A_1252 = vector.extract_strided_slice %select_n3A_1218 {offsets = [264, 0], sizes = [8, 128], strides = [1, 1]} : vector<400x128xi32> to vector<8x128xi32>
      %slice3A_1253 = vector.extract_strided_slice %select_n3A_1218 {offsets = [272, 0], sizes = [8, 128], strides = [1, 1]} : vector<400x128xi32> to vector<8x128xi32>
      %slice3A_1254 = vector.extract_strided_slice %select_n3A_1218 {offsets = [280, 0], sizes = [8, 128], strides = [1, 1]} : vector<400x128xi32> to vector<8x128xi32>
      %slice3A_1255 = vector.extract_strided_slice %select_n3A_1218 {offsets = [288, 0], sizes = [8, 128], strides = [1, 1]} : vector<400x128xi32> to vector<8x128xi32>
      %slice3A_1256 = vector.extract_strided_slice %select_n3A_1218 {offsets = [296, 0], sizes = [8, 128], strides = [1, 1]} : vector<400x128xi32> to vector<8x128xi32>
      %slice3A_1257 = vector.extract_strided_slice %select_n3A_1218 {offsets = [304, 0], sizes = [8, 128], strides = [1, 1]} : vector<400x128xi32> to vector<8x128xi32>
      %slice3A_1258 = vector.extract_strided_slice %select_n3A_1218 {offsets = [312, 0], sizes = [8, 128], strides = [1, 1]} : vector<400x128xi32> to vector<8x128xi32>
      %slice3A_1259 = vector.extract_strided_slice %select_n3A_1218 {offsets = [320, 0], sizes = [8, 128], strides = [1, 1]} : vector<400x128xi32> to vector<8x128xi32>
      %slice3A_1260 = vector.extract_strided_slice %select_n3A_1218 {offsets = [328, 0], sizes = [8, 128], strides = [1, 1]} : vector<400x128xi32> to vector<8x128xi32>
      %slice3A_1261 = vector.extract_strided_slice %select_n3A_1218 {offsets = [336, 0], sizes = [8, 128], strides = [1, 1]} : vector<400x128xi32> to vector<8x128xi32>
      %slice3A_1262 = vector.extract_strided_slice %select_n3A_1218 {offsets = [344, 0], sizes = [8, 128], strides = [1, 1]} : vector<400x128xi32> to vector<8x128xi32>
      %slice3A_1263 = vector.extract_strided_slice %select_n3A_1218 {offsets = [352, 0], sizes = [8, 128], strides = [1, 1]} : vector<400x128xi32> to vector<8x128xi32>
      %slice3A_1264 = vector.extract_strided_slice %select_n3A_1218 {offsets = [360, 0], sizes = [8, 128], strides = [1, 1]} : vector<400x128xi32> to vector<8x128xi32>
      %slice3A_1265 = vector.extract_strided_slice %select_n3A_1218 {offsets = [368, 0], sizes = [8, 128], strides = [1, 1]} : vector<400x128xi32> to vector<8x128xi32>
      %slice3A_1266 = vector.extract_strided_slice %select_n3A_1218 {offsets = [376, 0], sizes = [8, 128], strides = [1, 1]} : vector<400x128xi32> to vector<8x128xi32>
      %slice3A_1267 = vector.extract_strided_slice %select_n3A_1218 {offsets = [384, 0], sizes = [8, 128], strides = [1, 1]} : vector<400x128xi32> to vector<8x128xi32>
      %slice3A_1268 = vector.extract_strided_slice %select_n3A_1218 {offsets = [392, 0], sizes = [8, 128], strides = [1, 1]} : vector<400x128xi32> to vector<8x128xi32>
      %min3A_1269 = arith.minsi %slice3A_1219, %slice3A_1220 : vector<8x128xi32>
      %min3A_1270 = arith.minsi %slice3A_1221, %slice3A_1222 : vector<8x128xi32>
      %min3A_1271 = arith.minsi %slice3A_1223, %slice3A_1224 : vector<8x128xi32>
      %min3A_1272 = arith.minsi %slice3A_1225, %slice3A_1226 : vector<8x128xi32>
      %min3A_1273 = arith.minsi %slice3A_1227, %slice3A_1228 : vector<8x128xi32>
      %min3A_1274 = arith.minsi %slice3A_1229, %slice3A_1230 : vector<8x128xi32>
      %min3A_1275 = arith.minsi %slice3A_1231, %slice3A_1232 : vector<8x128xi32>
      %min3A_1276 = arith.minsi %slice3A_1233, %slice3A_1234 : vector<8x128xi32>
      %min3A_1277 = arith.minsi %slice3A_1235, %slice3A_1236 : vector<8x128xi32>
      %min3A_1278 = arith.minsi %slice3A_1237, %slice3A_1238 : vector<8x128xi32>
      %min3A_1279 = arith.minsi %slice3A_1239, %slice3A_1240 : vector<8x128xi32>
      %min3A_1280 = arith.minsi %slice3A_1241, %slice3A_1242 : vector<8x128xi32>
      %min3A_1281 = arith.minsi %slice3A_1243, %slice3A_1244 : vector<8x128xi32>
      %min3A_1282 = arith.minsi %slice3A_1245, %slice3A_1246 : vector<8x128xi32>
      %min3A_1283 = arith.minsi %slice3A_1247, %slice3A_1248 : vector<8x128xi32>
      %min3A_1284 = arith.minsi %slice3A_1249, %slice3A_1250 : vector<8x128xi32>
      %min3A_1285 = arith.minsi %slice3A_1251, %slice3A_1252 : vector<8x128xi32>
      %min3A_1286 = arith.minsi %slice3A_1253, %slice3A_1254 : vector<8x128xi32>
      %min3A_1287 = arith.minsi %slice3A_1255, %slice3A_1256 : vector<8x128xi32>
      %min3A_1288 = arith.minsi %slice3A_1257, %slice3A_1258 : vector<8x128xi32>
      %min3A_1289 = arith.minsi %slice3A_1259, %slice3A_1260 : vector<8x128xi32>
      %min3A_1290 = arith.minsi %slice3A_1261, %slice3A_1262 : vector<8x128xi32>
      %min3A_1291 = arith.minsi %slice3A_1263, %slice3A_1264 : vector<8x128xi32>
      %min3A_1292 = arith.minsi %slice3A_1265, %slice3A_1266 : vector<8x128xi32>
      %min3A_1293 = arith.minsi %slice3A_1267, %slice3A_1268 : vector<8x128xi32>
      %min3A_1294 = arith.minsi %min3A_1269, %min3A_1270 : vector<8x128xi32>
      %min3A_1295 = arith.minsi %min3A_1271, %min3A_1272 : vector<8x128xi32>
      %min3A_1296 = arith.minsi %min3A_1273, %min3A_1274 : vector<8x128xi32>
      %min3A_1297 = arith.minsi %min3A_1275, %min3A_1276 : vector<8x128xi32>
      %min3A_1298 = arith.minsi %min3A_1277, %min3A_1278 : vector<8x128xi32>
      %min3A_1299 = arith.minsi %min3A_1279, %min3A_1280 : vector<8x128xi32>
      %min3A_1300 = arith.minsi %min3A_1281, %min3A_1282 : vector<8x128xi32>
      %min3A_1301 = arith.minsi %min3A_1283, %min3A_1284 : vector<8x128xi32>
      %min3A_1302 = arith.minsi %min3A_1285, %min3A_1286 : vector<8x128xi32>
      %min3A_1303 = arith.minsi %min3A_1287, %min3A_1288 : vector<8x128xi32>
      %min3A_1304 = arith.minsi %min3A_1289, %min3A_1290 : vector<8x128xi32>
      %min3A_1305 = arith.minsi %min3A_1291, %min3A_1292 : vector<8x128xi32>
      %min3A_1306 = arith.minsi %min3A_1294, %min3A_1295 : vector<8x128xi32>
      %min3A_1307 = arith.minsi %min3A_1296, %min3A_1297 : vector<8x128xi32>
      %min3A_1308 = arith.minsi %min3A_1298, %min3A_1299 : vector<8x128xi32>
      %min3A_1309 = arith.minsi %min3A_1300, %min3A_1301 : vector<8x128xi32>
      %min3A_1310 = arith.minsi %min3A_1302, %min3A_1303 : vector<8x128xi32>
      %min3A_1311 = arith.minsi %min3A_1304, %min3A_1305 : vector<8x128xi32>
      %min3A_1312 = arith.minsi %min3A_1306, %min3A_1307 : vector<8x128xi32>
      %min3A_1313 = arith.minsi %min3A_1308, %min3A_1309 : vector<8x128xi32>
      %min3A_1314 = arith.minsi %min3A_1310, %min3A_1311 : vector<8x128xi32>
      %min3A_1315 = arith.minsi %min3A_1312, %min3A_1313 : vector<8x128xi32>
      %min3A_1316 = arith.minsi %min3A_1314, %min3A_1293 : vector<8x128xi32>
      %min3A_1317 = arith.minsi %min3A_1315, %min3A_1316 : vector<8x128xi32>
      %slice3A_1318 = vector.extract_strided_slice %min3A_1317 {offsets = [0, 0], sizes = [1, 128], strides = [1, 1]} : vector<8x128xi32> to vector<1x128xi32>
      %slice3A_1319 = vector.extract_strided_slice %min3A_1317 {offsets = [1, 0], sizes = [1, 128], strides = [1, 1]} : vector<8x128xi32> to vector<1x128xi32>
      %slice3A_1320 = vector.extract_strided_slice %min3A_1317 {offsets = [2, 0], sizes = [1, 128], strides = [1, 1]} : vector<8x128xi32> to vector<1x128xi32>
      %slice3A_1321 = vector.extract_strided_slice %min3A_1317 {offsets = [3, 0], sizes = [1, 128], strides = [1, 1]} : vector<8x128xi32> to vector<1x128xi32>
      %slice3A_1322 = vector.extract_strided_slice %min3A_1317 {offsets = [4, 0], sizes = [1, 128], strides = [1, 1]} : vector<8x128xi32> to vector<1x128xi32>
      %slice3A_1323 = vector.extract_strided_slice %min3A_1317 {offsets = [5, 0], sizes = [1, 128], strides = [1, 1]} : vector<8x128xi32> to vector<1x128xi32>
      %slice3A_1324 = vector.extract_strided_slice %min3A_1317 {offsets = [6, 0], sizes = [1, 128], strides = [1, 1]} : vector<8x128xi32> to vector<1x128xi32>
      %slice3A_1325 = vector.extract_strided_slice %min3A_1317 {offsets = [7, 0], sizes = [1, 128], strides = [1, 1]} : vector<8x128xi32> to vector<1x128xi32>
      %min3A_1326 = arith.minsi %slice3A_1318, %slice3A_1319 : vector<1x128xi32>
      %min3A_1327 = arith.minsi %slice3A_1320, %slice3A_1321 : vector<1x128xi32>
      %min3A_1328 = arith.minsi %slice3A_1322, %slice3A_1323 : vector<1x128xi32>
      %min3A_1329 = arith.minsi %slice3A_1324, %slice3A_1325 : vector<1x128xi32>
      %min3A_1330 = arith.minsi %min3A_1326, %min3A_1327 : vector<1x128xi32>
      %min3A_1331 = arith.minsi %min3A_1328, %min3A_1329 : vector<1x128xi32>
      %min3A_1332 = arith.minsi %min3A_1330, %min3A_1331 : vector<1x128xi32>
      %mul3A_1333 = arith.constant 128 : i32
      %mul3A_1334 = vector.broadcast %mul3A_1333 : i32 to vector<1x128xi32>
      %mul3A_1335 = arith.muli %min3A_1332, %mul3A_1334 : vector<1x128xi32>
      %iota3A_1336 = tpu.iota {dimensions = array<i32: 1>} : vector<1x128xi32>
      %add3A_1337 = arith.addi %mul3A_1335, %iota3A_1336 : vector<1x128xi32>
      %eq3A_1338 = vector.broadcast %min3A_1332 : vector<1x128xi32> to vector<400x128xi32>
      %eq3A_1339 = arith.cmpi eq, %iota3A_115, %eq3A_1338 : vector<400x128xi32>
      %jit3A_1340 = arith.constant 0xFF800000 : f32
      %broadcast_in_dim3A_1341 = vector.broadcast %jit3A_1340 : f32 to vector<400x128xf32>
      %select_n3A_1342 = arith.select %eq3A_1339, %broadcast_in_dim3A_1341, %select_n3A_1099 : vector<400x128xi1>, vector<400x128xf32>
      %slice3A_1343 = vector.extract_strided_slice %select_n3A_1342 {offsets = [0, 0], sizes = [8, 128], strides = [1, 1]} : vector<400x128xf32> to vector<8x128xf32>
      %slice3A_1344 = vector.extract_strided_slice %select_n3A_1342 {offsets = [8, 0], sizes = [8, 128], strides = [1, 1]} : vector<400x128xf32> to vector<8x128xf32>
      %slice3A_1345 = vector.extract_strided_slice %select_n3A_1342 {offsets = [16, 0], sizes = [8, 128], strides = [1, 1]} : vector<400x128xf32> to vector<8x128xf32>
      %slice3A_1346 = vector.extract_strided_slice %select_n3A_1342 {offsets = [24, 0], sizes = [8, 128], strides = [1, 1]} : vector<400x128xf32> to vector<8x128xf32>
      %slice3A_1347 = vector.extract_strided_slice %select_n3A_1342 {offsets = [32, 0], sizes = [8, 128], strides = [1, 1]} : vector<400x128xf32> to vector<8x128xf32>
      %slice3A_1348 = vector.extract_strided_slice %select_n3A_1342 {offsets = [40, 0], sizes = [8, 128], strides = [1, 1]} : vector<400x128xf32> to vector<8x128xf32>
      %slice3A_1349 = vector.extract_strided_slice %select_n3A_1342 {offsets = [48, 0], sizes = [8, 128], strides = [1, 1]} : vector<400x128xf32> to vector<8x128xf32>
      %slice3A_1350 = vector.extract_strided_slice %select_n3A_1342 {offsets = [56, 0], sizes = [8, 128], strides = [1, 1]} : vector<400x128xf32> to vector<8x128xf32>
      %slice3A_1351 = vector.extract_strided_slice %select_n3A_1342 {offsets = [64, 0], sizes = [8, 128], strides = [1, 1]} : vector<400x128xf32> to vector<8x128xf32>
      %slice3A_1352 = vector.extract_strided_slice %select_n3A_1342 {offsets = [72, 0], sizes = [8, 128], strides = [1, 1]} : vector<400x128xf32> to vector<8x128xf32>
      %slice3A_1353 = vector.extract_strided_slice %select_n3A_1342 {offsets = [80, 0], sizes = [8, 128], strides = [1, 1]} : vector<400x128xf32> to vector<8x128xf32>
      %slice3A_1354 = vector.extract_strided_slice %select_n3A_1342 {offsets = [88, 0], sizes = [8, 128], strides = [1, 1]} : vector<400x128xf32> to vector<8x128xf32>
      %slice3A_1355 = vector.extract_strided_slice %select_n3A_1342 {offsets = [96, 0], sizes = [8, 128], strides = [1, 1]} : vector<400x128xf32> to vector<8x128xf32>
      %slice3A_1356 = vector.extract_strided_slice %select_n3A_1342 {offsets = [104, 0], sizes = [8, 128], strides = [1, 1]} : vector<400x128xf32> to vector<8x128xf32>
      %slice3A_1357 = vector.extract_strided_slice %select_n3A_1342 {offsets = [112, 0], sizes = [8, 128], strides = [1, 1]} : vector<400x128xf32> to vector<8x128xf32>
      %slice3A_1358 = vector.extract_strided_slice %select_n3A_1342 {offsets = [120, 0], sizes = [8, 128], strides = [1, 1]} : vector<400x128xf32> to vector<8x128xf32>
      %slice3A_1359 = vector.extract_strided_slice %select_n3A_1342 {offsets = [128, 0], sizes = [8, 128], strides = [1, 1]} : vector<400x128xf32> to vector<8x128xf32>
      %slice3A_1360 = vector.extract_strided_slice %select_n3A_1342 {offsets = [136, 0], sizes = [8, 128], strides = [1, 1]} : vector<400x128xf32> to vector<8x128xf32>
      %slice3A_1361 = vector.extract_strided_slice %select_n3A_1342 {offsets = [144, 0], sizes = [8, 128], strides = [1, 1]} : vector<400x128xf32> to vector<8x128xf32>
      %slice3A_1362 = vector.extract_strided_slice %select_n3A_1342 {offsets = [152, 0], sizes = [8, 128], strides = [1, 1]} : vector<400x128xf32> to vector<8x128xf32>
      %slice3A_1363 = vector.extract_strided_slice %select_n3A_1342 {offsets = [160, 0], sizes = [8, 128], strides = [1, 1]} : vector<400x128xf32> to vector<8x128xf32>
      %slice3A_1364 = vector.extract_strided_slice %select_n3A_1342 {offsets = [168, 0], sizes = [8, 128], strides = [1, 1]} : vector<400x128xf32> to vector<8x128xf32>
      %slice3A_1365 = vector.extract_strided_slice %select_n3A_1342 {offsets = [176, 0], sizes = [8, 128], strides = [1, 1]} : vector<400x128xf32> to vector<8x128xf32>
      %slice3A_1366 = vector.extract_strided_slice %select_n3A_1342 {offsets = [184, 0], sizes = [8, 128], strides = [1, 1]} : vector<400x128xf32> to vector<8x128xf32>
      %slice3A_1367 = vector.extract_strided_slice %select_n3A_1342 {offsets = [192, 0], sizes = [8, 128], strides = [1, 1]} : vector<400x128xf32> to vector<8x128xf32>
      %slice3A_1368 = vector.extract_strided_slice %select_n3A_1342 {offsets = [200, 0], sizes = [8, 128], strides = [1, 1]} : vector<400x128xf32> to vector<8x128xf32>
      %slice3A_1369 = vector.extract_strided_slice %select_n3A_1342 {offsets = [208, 0], sizes = [8, 128], strides = [1, 1]} : vector<400x128xf32> to vector<8x128xf32>
      %slice3A_1370 = vector.extract_strided_slice %select_n3A_1342 {offsets = [216, 0], sizes = [8, 128], strides = [1, 1]} : vector<400x128xf32> to vector<8x128xf32>
      %slice3A_1371 = vector.extract_strided_slice %select_n3A_1342 {offsets = [224, 0], sizes = [8, 128], strides = [1, 1]} : vector<400x128xf32> to vector<8x128xf32>
      %slice3A_1372 = vector.extract_strided_slice %select_n3A_1342 {offsets = [232, 0], sizes = [8, 128], strides = [1, 1]} : vector<400x128xf32> to vector<8x128xf32>
      %slice3A_1373 = vector.extract_strided_slice %select_n3A_1342 {offsets = [240, 0], sizes = [8, 128], strides = [1, 1]} : vector<400x128xf32> to vector<8x128xf32>
      %slice3A_1374 = vector.extract_strided_slice %select_n3A_1342 {offsets = [248, 0], sizes = [8, 128], strides = [1, 1]} : vector<400x128xf32> to vector<8x128xf32>
      %slice3A_1375 = vector.extract_strided_slice %select_n3A_1342 {offsets = [256, 0], sizes = [8, 128], strides = [1, 1]} : vector<400x128xf32> to vector<8x128xf32>
      %slice3A_1376 = vector.extract_strided_slice %select_n3A_1342 {offsets = [264, 0], sizes = [8, 128], strides = [1, 1]} : vector<400x128xf32> to vector<8x128xf32>
      %slice3A_1377 = vector.extract_strided_slice %select_n3A_1342 {offsets = [272, 0], sizes = [8, 128], strides = [1, 1]} : vector<400x128xf32> to vector<8x128xf32>
      %slice3A_1378 = vector.extract_strided_slice %select_n3A_1342 {offsets = [280, 0], sizes = [8, 128], strides = [1, 1]} : vector<400x128xf32> to vector<8x128xf32>
      %slice3A_1379 = vector.extract_strided_slice %select_n3A_1342 {offsets = [288, 0], sizes = [8, 128], strides = [1, 1]} : vector<400x128xf32> to vector<8x128xf32>
      %slice3A_1380 = vector.extract_strided_slice %select_n3A_1342 {offsets = [296, 0], sizes = [8, 128], strides = [1, 1]} : vector<400x128xf32> to vector<8x128xf32>
      %slice3A_1381 = vector.extract_strided_slice %select_n3A_1342 {offsets = [304, 0], sizes = [8, 128], strides = [1, 1]} : vector<400x128xf32> to vector<8x128xf32>
      %slice3A_1382 = vector.extract_strided_slice %select_n3A_1342 {offsets = [312, 0], sizes = [8, 128], strides = [1, 1]} : vector<400x128xf32> to vector<8x128xf32>
      %slice3A_1383 = vector.extract_strided_slice %select_n3A_1342 {offsets = [320, 0], sizes = [8, 128], strides = [1, 1]} : vector<400x128xf32> to vector<8x128xf32>
      %slice3A_1384 = vector.extract_strided_slice %select_n3A_1342 {offsets = [328, 0], sizes = [8, 128], strides = [1, 1]} : vector<400x128xf32> to vector<8x128xf32>
      %slice3A_1385 = vector.extract_strided_slice %select_n3A_1342 {offsets = [336, 0], sizes = [8, 128], strides = [1, 1]} : vector<400x128xf32> to vector<8x128xf32>
      %slice3A_1386 = vector.extract_strided_slice %select_n3A_1342 {offsets = [344, 0], sizes = [8, 128], strides = [1, 1]} : vector<400x128xf32> to vector<8x128xf32>
      %slice3A_1387 = vector.extract_strided_slice %select_n3A_1342 {offsets = [352, 0], sizes = [8, 128], strides = [1, 1]} : vector<400x128xf32> to vector<8x128xf32>
      %slice3A_1388 = vector.extract_strided_slice %select_n3A_1342 {offsets = [360, 0], sizes = [8, 128], strides = [1, 1]} : vector<400x128xf32> to vector<8x128xf32>
      %slice3A_1389 = vector.extract_strided_slice %select_n3A_1342 {offsets = [368, 0], sizes = [8, 128], strides = [1, 1]} : vector<400x128xf32> to vector<8x128xf32>
      %slice3A_1390 = vector.extract_strided_slice %select_n3A_1342 {offsets = [376, 0], sizes = [8, 128], strides = [1, 1]} : vector<400x128xf32> to vector<8x128xf32>
      %slice3A_1391 = vector.extract_strided_slice %select_n3A_1342 {offsets = [384, 0], sizes = [8, 128], strides = [1, 1]} : vector<400x128xf32> to vector<8x128xf32>
      %slice3A_1392 = vector.extract_strided_slice %select_n3A_1342 {offsets = [392, 0], sizes = [8, 128], strides = [1, 1]} : vector<400x128xf32> to vector<8x128xf32>
      %max3A_1393 = arith.maximumf %slice3A_1343, %slice3A_1344 : vector<8x128xf32>
      %max3A_1394 = arith.maximumf %slice3A_1345, %slice3A_1346 : vector<8x128xf32>
      %max3A_1395 = arith.maximumf %slice3A_1347, %slice3A_1348 : vector<8x128xf32>
      %max3A_1396 = arith.maximumf %slice3A_1349, %slice3A_1350 : vector<8x128xf32>
      %max3A_1397 = arith.maximumf %slice3A_1351, %slice3A_1352 : vector<8x128xf32>
      %max3A_1398 = arith.maximumf %slice3A_1353, %slice3A_1354 : vector<8x128xf32>
      %max3A_1399 = arith.maximumf %slice3A_1355, %slice3A_1356 : vector<8x128xf32>
      %max3A_1400 = arith.maximumf %slice3A_1357, %slice3A_1358 : vector<8x128xf32>
      %max3A_1401 = arith.maximumf %slice3A_1359, %slice3A_1360 : vector<8x128xf32>
      %max3A_1402 = arith.maximumf %slice3A_1361, %slice3A_1362 : vector<8x128xf32>
      %max3A_1403 = arith.maximumf %slice3A_1363, %slice3A_1364 : vector<8x128xf32>
      %max3A_1404 = arith.maximumf %slice3A_1365, %slice3A_1366 : vector<8x128xf32>
      %max3A_1405 = arith.maximumf %slice3A_1367, %slice3A_1368 : vector<8x128xf32>
      %max3A_1406 = arith.maximumf %slice3A_1369, %slice3A_1370 : vector<8x128xf32>
      %max3A_1407 = arith.maximumf %slice3A_1371, %slice3A_1372 : vector<8x128xf32>
      %max3A_1408 = arith.maximumf %slice3A_1373, %slice3A_1374 : vector<8x128xf32>
      %max3A_1409 = arith.maximumf %slice3A_1375, %slice3A_1376 : vector<8x128xf32>
      %max3A_1410 = arith.maximumf %slice3A_1377, %slice3A_1378 : vector<8x128xf32>
      %max3A_1411 = arith.maximumf %slice3A_1379, %slice3A_1380 : vector<8x128xf32>
      %max3A_1412 = arith.maximumf %slice3A_1381, %slice3A_1382 : vector<8x128xf32>
      %max3A_1413 = arith.maximumf %slice3A_1383, %slice3A_1384 : vector<8x128xf32>
      %max3A_1414 = arith.maximumf %slice3A_1385, %slice3A_1386 : vector<8x128xf32>
      %max3A_1415 = arith.maximumf %slice3A_1387, %slice3A_1388 : vector<8x128xf32>
      %max3A_1416 = arith.maximumf %slice3A_1389, %slice3A_1390 : vector<8x128xf32>
      %max3A_1417 = arith.maximumf %slice3A_1391, %slice3A_1392 : vector<8x128xf32>
      %max3A_1418 = arith.maximumf %max3A_1393, %max3A_1394 : vector<8x128xf32>
      %max3A_1419 = arith.maximumf %max3A_1395, %max3A_1396 : vector<8x128xf32>
      %max3A_1420 = arith.maximumf %max3A_1397, %max3A_1398 : vector<8x128xf32>
      %max3A_1421 = arith.maximumf %max3A_1399, %max3A_1400 : vector<8x128xf32>
      %max3A_1422 = arith.maximumf %max3A_1401, %max3A_1402 : vector<8x128xf32>
      %max3A_1423 = arith.maximumf %max3A_1403, %max3A_1404 : vector<8x128xf32>
      %max3A_1424 = arith.maximumf %max3A_1405, %max3A_1406 : vector<8x128xf32>
      %max3A_1425 = arith.maximumf %max3A_1407, %max3A_1408 : vector<8x128xf32>
      %max3A_1426 = arith.maximumf %max3A_1409, %max3A_1410 : vector<8x128xf32>
      %max3A_1427 = arith.maximumf %max3A_1411, %max3A_1412 : vector<8x128xf32>
      %max3A_1428 = arith.maximumf %max3A_1413, %max3A_1414 : vector<8x128xf32>
      %max3A_1429 = arith.maximumf %max3A_1415, %max3A_1416 : vector<8x128xf32>
      %max3A_1430 = arith.maximumf %max3A_1418, %max3A_1419 : vector<8x128xf32>
      %max3A_1431 = arith.maximumf %max3A_1420, %max3A_1421 : vector<8x128xf32>
      %max3A_1432 = arith.maximumf %max3A_1422, %max3A_1423 : vector<8x128xf32>
      %max3A_1433 = arith.maximumf %max3A_1424, %max3A_1425 : vector<8x128xf32>
      %max3A_1434 = arith.maximumf %max3A_1426, %max3A_1427 : vector<8x128xf32>
      %max3A_1435 = arith.maximumf %max3A_1428, %max3A_1429 : vector<8x128xf32>
      %max3A_1436 = arith.maximumf %max3A_1430, %max3A_1431 : vector<8x128xf32>
      %max3A_1437 = arith.maximumf %max3A_1432, %max3A_1433 : vector<8x128xf32>
      %max3A_1438 = arith.maximumf %max3A_1434, %max3A_1435 : vector<8x128xf32>
      %max3A_1439 = arith.maximumf %max3A_1436, %max3A_1437 : vector<8x128xf32>
      %max3A_1440 = arith.maximumf %max3A_1438, %max3A_1417 : vector<8x128xf32>
      %max3A_1441 = arith.maximumf %max3A_1439, %max3A_1440 : vector<8x128xf32>
      %slice3A_1442 = vector.extract_strided_slice %max3A_1441 {offsets = [0, 0], sizes = [1, 128], strides = [1, 1]} : vector<8x128xf32> to vector<1x128xf32>
      %slice3A_1443 = vector.extract_strided_slice %max3A_1441 {offsets = [1, 0], sizes = [1, 128], strides = [1, 1]} : vector<8x128xf32> to vector<1x128xf32>
      %slice3A_1444 = vector.extract_strided_slice %max3A_1441 {offsets = [2, 0], sizes = [1, 128], strides = [1, 1]} : vector<8x128xf32> to vector<1x128xf32>
      %slice3A_1445 = vector.extract_strided_slice %max3A_1441 {offsets = [3, 0], sizes = [1, 128], strides = [1, 1]} : vector<8x128xf32> to vector<1x128xf32>
      %slice3A_1446 = vector.extract_strided_slice %max3A_1441 {offsets = [4, 0], sizes = [1, 128], strides = [1, 1]} : vector<8x128xf32> to vector<1x128xf32>
      %slice3A_1447 = vector.extract_strided_slice %max3A_1441 {offsets = [5, 0], sizes = [1, 128], strides = [1, 1]} : vector<8x128xf32> to vector<1x128xf32>
      %slice3A_1448 = vector.extract_strided_slice %max3A_1441 {offsets = [6, 0], sizes = [1, 128], strides = [1, 1]} : vector<8x128xf32> to vector<1x128xf32>
      %slice3A_1449 = vector.extract_strided_slice %max3A_1441 {offsets = [7, 0], sizes = [1, 128], strides = [1, 1]} : vector<8x128xf32> to vector<1x128xf32>
      %max3A_1450 = arith.maximumf %slice3A_1442, %slice3A_1443 : vector<1x128xf32>
      %max3A_1451 = arith.maximumf %slice3A_1444, %slice3A_1445 : vector<1x128xf32>
      %max3A_1452 = arith.maximumf %slice3A_1446, %slice3A_1447 : vector<1x128xf32>
      %max3A_1453 = arith.maximumf %slice3A_1448, %slice3A_1449 : vector<1x128xf32>
      %max3A_1454 = arith.maximumf %max3A_1450, %max3A_1451 : vector<1x128xf32>
      %max3A_1455 = arith.maximumf %max3A_1452, %max3A_1453 : vector<1x128xf32>
      %max3A_1456 = arith.maximumf %max3A_1454, %max3A_1455 : vector<1x128xf32>
      %eq3A_1457 = vector.broadcast %max3A_1456 : vector<1x128xf32> to vector<400x128xf32>
      %eq3A_1458 = arith.cmpf oeq, %select_n3A_1342, %eq3A_1457 : vector<400x128xf32>
      %jit3A_1459 = arith.constant 2147483647 : i32
      %broadcast_in_dim3A_1460 = vector.broadcast %jit3A_1459 : i32 to vector<400x128xi32>
      %select_n3A_1461 = arith.select %eq3A_1458, %iota3A_115, %broadcast_in_dim3A_1460 : vector<400x128xi1>, vector<400x128xi32>
      %slice3A_1462 = vector.extract_strided_slice %select_n3A_1461 {offsets = [0, 0], sizes = [8, 128], strides = [1, 1]} : vector<400x128xi32> to vector<8x128xi32>
      %slice3A_1463 = vector.extract_strided_slice %select_n3A_1461 {offsets = [8, 0], sizes = [8, 128], strides = [1, 1]} : vector<400x128xi32> to vector<8x128xi32>
      %slice3A_1464 = vector.extract_strided_slice %select_n3A_1461 {offsets = [16, 0], sizes = [8, 128], strides = [1, 1]} : vector<400x128xi32> to vector<8x128xi32>
      %slice3A_1465 = vector.extract_strided_slice %select_n3A_1461 {offsets = [24, 0], sizes = [8, 128], strides = [1, 1]} : vector<400x128xi32> to vector<8x128xi32>
      %slice3A_1466 = vector.extract_strided_slice %select_n3A_1461 {offsets = [32, 0], sizes = [8, 128], strides = [1, 1]} : vector<400x128xi32> to vector<8x128xi32>
      %slice3A_1467 = vector.extract_strided_slice %select_n3A_1461 {offsets = [40, 0], sizes = [8, 128], strides = [1, 1]} : vector<400x128xi32> to vector<8x128xi32>
      %slice3A_1468 = vector.extract_strided_slice %select_n3A_1461 {offsets = [48, 0], sizes = [8, 128], strides = [1, 1]} : vector<400x128xi32> to vector<8x128xi32>
      %slice3A_1469 = vector.extract_strided_slice %select_n3A_1461 {offsets = [56, 0], sizes = [8, 128], strides = [1, 1]} : vector<400x128xi32> to vector<8x128xi32>
      %slice3A_1470 = vector.extract_strided_slice %select_n3A_1461 {offsets = [64, 0], sizes = [8, 128], strides = [1, 1]} : vector<400x128xi32> to vector<8x128xi32>
      %slice3A_1471 = vector.extract_strided_slice %select_n3A_1461 {offsets = [72, 0], sizes = [8, 128], strides = [1, 1]} : vector<400x128xi32> to vector<8x128xi32>
      %slice3A_1472 = vector.extract_strided_slice %select_n3A_1461 {offsets = [80, 0], sizes = [8, 128], strides = [1, 1]} : vector<400x128xi32> to vector<8x128xi32>
      %slice3A_1473 = vector.extract_strided_slice %select_n3A_1461 {offsets = [88, 0], sizes = [8, 128], strides = [1, 1]} : vector<400x128xi32> to vector<8x128xi32>
      %slice3A_1474 = vector.extract_strided_slice %select_n3A_1461 {offsets = [96, 0], sizes = [8, 128], strides = [1, 1]} : vector<400x128xi32> to vector<8x128xi32>
      %slice3A_1475 = vector.extract_strided_slice %select_n3A_1461 {offsets = [104, 0], sizes = [8, 128], strides = [1, 1]} : vector<400x128xi32> to vector<8x128xi32>
      %slice3A_1476 = vector.extract_strided_slice %select_n3A_1461 {offsets = [112, 0], sizes = [8, 128], strides = [1, 1]} : vector<400x128xi32> to vector<8x128xi32>
      %slice3A_1477 = vector.extract_strided_slice %select_n3A_1461 {offsets = [120, 0], sizes = [8, 128], strides = [1, 1]} : vector<400x128xi32> to vector<8x128xi32>
      %slice3A_1478 = vector.extract_strided_slice %select_n3A_1461 {offsets = [128, 0], sizes = [8, 128], strides = [1, 1]} : vector<400x128xi32> to vector<8x128xi32>
      %slice3A_1479 = vector.extract_strided_slice %select_n3A_1461 {offsets = [136, 0], sizes = [8, 128], strides = [1, 1]} : vector<400x128xi32> to vector<8x128xi32>
      %slice3A_1480 = vector.extract_strided_slice %select_n3A_1461 {offsets = [144, 0], sizes = [8, 128], strides = [1, 1]} : vector<400x128xi32> to vector<8x128xi32>
      %slice3A_1481 = vector.extract_strided_slice %select_n3A_1461 {offsets = [152, 0], sizes = [8, 128], strides = [1, 1]} : vector<400x128xi32> to vector<8x128xi32>
      %slice3A_1482 = vector.extract_strided_slice %select_n3A_1461 {offsets = [160, 0], sizes = [8, 128], strides = [1, 1]} : vector<400x128xi32> to vector<8x128xi32>
      %slice3A_1483 = vector.extract_strided_slice %select_n3A_1461 {offsets = [168, 0], sizes = [8, 128], strides = [1, 1]} : vector<400x128xi32> to vector<8x128xi32>
      %slice3A_1484 = vector.extract_strided_slice %select_n3A_1461 {offsets = [176, 0], sizes = [8, 128], strides = [1, 1]} : vector<400x128xi32> to vector<8x128xi32>
      %slice3A_1485 = vector.extract_strided_slice %select_n3A_1461 {offsets = [184, 0], sizes = [8, 128], strides = [1, 1]} : vector<400x128xi32> to vector<8x128xi32>
      %slice3A_1486 = vector.extract_strided_slice %select_n3A_1461 {offsets = [192, 0], sizes = [8, 128], strides = [1, 1]} : vector<400x128xi32> to vector<8x128xi32>
      %slice3A_1487 = vector.extract_strided_slice %select_n3A_1461 {offsets = [200, 0], sizes = [8, 128], strides = [1, 1]} : vector<400x128xi32> to vector<8x128xi32>
      %slice3A_1488 = vector.extract_strided_slice %select_n3A_1461 {offsets = [208, 0], sizes = [8, 128], strides = [1, 1]} : vector<400x128xi32> to vector<8x128xi32>
      %slice3A_1489 = vector.extract_strided_slice %select_n3A_1461 {offsets = [216, 0], sizes = [8, 128], strides = [1, 1]} : vector<400x128xi32> to vector<8x128xi32>
      %slice3A_1490 = vector.extract_strided_slice %select_n3A_1461 {offsets = [224, 0], sizes = [8, 128], strides = [1, 1]} : vector<400x128xi32> to vector<8x128xi32>
      %slice3A_1491 = vector.extract_strided_slice %select_n3A_1461 {offsets = [232, 0], sizes = [8, 128], strides = [1, 1]} : vector<400x128xi32> to vector<8x128xi32>
      %slice3A_1492 = vector.extract_strided_slice %select_n3A_1461 {offsets = [240, 0], sizes = [8, 128], strides = [1, 1]} : vector<400x128xi32> to vector<8x128xi32>
      %slice3A_1493 = vector.extract_strided_slice %select_n3A_1461 {offsets = [248, 0], sizes = [8, 128], strides = [1, 1]} : vector<400x128xi32> to vector<8x128xi32>
      %slice3A_1494 = vector.extract_strided_slice %select_n3A_1461 {offsets = [256, 0], sizes = [8, 128], strides = [1, 1]} : vector<400x128xi32> to vector<8x128xi32>
      %slice3A_1495 = vector.extract_strided_slice %select_n3A_1461 {offsets = [264, 0], sizes = [8, 128], strides = [1, 1]} : vector<400x128xi32> to vector<8x128xi32>
      %slice3A_1496 = vector.extract_strided_slice %select_n3A_1461 {offsets = [272, 0], sizes = [8, 128], strides = [1, 1]} : vector<400x128xi32> to vector<8x128xi32>
      %slice3A_1497 = vector.extract_strided_slice %select_n3A_1461 {offsets = [280, 0], sizes = [8, 128], strides = [1, 1]} : vector<400x128xi32> to vector<8x128xi32>
      %slice3A_1498 = vector.extract_strided_slice %select_n3A_1461 {offsets = [288, 0], sizes = [8, 128], strides = [1, 1]} : vector<400x128xi32> to vector<8x128xi32>
      %slice3A_1499 = vector.extract_strided_slice %select_n3A_1461 {offsets = [296, 0], sizes = [8, 128], strides = [1, 1]} : vector<400x128xi32> to vector<8x128xi32>
      %slice3A_1500 = vector.extract_strided_slice %select_n3A_1461 {offsets = [304, 0], sizes = [8, 128], strides = [1, 1]} : vector<400x128xi32> to vector<8x128xi32>
      %slice3A_1501 = vector.extract_strided_slice %select_n3A_1461 {offsets = [312, 0], sizes = [8, 128], strides = [1, 1]} : vector<400x128xi32> to vector<8x128xi32>
      %slice3A_1502 = vector.extract_strided_slice %select_n3A_1461 {offsets = [320, 0], sizes = [8, 128], strides = [1, 1]} : vector<400x128xi32> to vector<8x128xi32>
      %slice3A_1503 = vector.extract_strided_slice %select_n3A_1461 {offsets = [328, 0], sizes = [8, 128], strides = [1, 1]} : vector<400x128xi32> to vector<8x128xi32>
      %slice3A_1504 = vector.extract_strided_slice %select_n3A_1461 {offsets = [336, 0], sizes = [8, 128], strides = [1, 1]} : vector<400x128xi32> to vector<8x128xi32>
      %slice3A_1505 = vector.extract_strided_slice %select_n3A_1461 {offsets = [344, 0], sizes = [8, 128], strides = [1, 1]} : vector<400x128xi32> to vector<8x128xi32>
      %slice3A_1506 = vector.extract_strided_slice %select_n3A_1461 {offsets = [352, 0], sizes = [8, 128], strides = [1, 1]} : vector<400x128xi32> to vector<8x128xi32>
      %slice3A_1507 = vector.extract_strided_slice %select_n3A_1461 {offsets = [360, 0], sizes = [8, 128], strides = [1, 1]} : vector<400x128xi32> to vector<8x128xi32>
      %slice3A_1508 = vector.extract_strided_slice %select_n3A_1461 {offsets = [368, 0], sizes = [8, 128], strides = [1, 1]} : vector<400x128xi32> to vector<8x128xi32>
      %slice3A_1509 = vector.extract_strided_slice %select_n3A_1461 {offsets = [376, 0], sizes = [8, 128], strides = [1, 1]} : vector<400x128xi32> to vector<8x128xi32>
      %slice3A_1510 = vector.extract_strided_slice %select_n3A_1461 {offsets = [384, 0], sizes = [8, 128], strides = [1, 1]} : vector<400x128xi32> to vector<8x128xi32>
      %slice3A_1511 = vector.extract_strided_slice %select_n3A_1461 {offsets = [392, 0], sizes = [8, 128], strides = [1, 1]} : vector<400x128xi32> to vector<8x128xi32>
      %min3A_1512 = arith.minsi %slice3A_1462, %slice3A_1463 : vector<8x128xi32>
      %min3A_1513 = arith.minsi %slice3A_1464, %slice3A_1465 : vector<8x128xi32>
      %min3A_1514 = arith.minsi %slice3A_1466, %slice3A_1467 : vector<8x128xi32>
      %min3A_1515 = arith.minsi %slice3A_1468, %slice3A_1469 : vector<8x128xi32>
      %min3A_1516 = arith.minsi %slice3A_1470, %slice3A_1471 : vector<8x128xi32>
      %min3A_1517 = arith.minsi %slice3A_1472, %slice3A_1473 : vector<8x128xi32>
      %min3A_1518 = arith.minsi %slice3A_1474, %slice3A_1475 : vector<8x128xi32>
      %min3A_1519 = arith.minsi %slice3A_1476, %slice3A_1477 : vector<8x128xi32>
      %min3A_1520 = arith.minsi %slice3A_1478, %slice3A_1479 : vector<8x128xi32>
      %min3A_1521 = arith.minsi %slice3A_1480, %slice3A_1481 : vector<8x128xi32>
      %min3A_1522 = arith.minsi %slice3A_1482, %slice3A_1483 : vector<8x128xi32>
      %min3A_1523 = arith.minsi %slice3A_1484, %slice3A_1485 : vector<8x128xi32>
      %min3A_1524 = arith.minsi %slice3A_1486, %slice3A_1487 : vector<8x128xi32>
      %min3A_1525 = arith.minsi %slice3A_1488, %slice3A_1489 : vector<8x128xi32>
      %min3A_1526 = arith.minsi %slice3A_1490, %slice3A_1491 : vector<8x128xi32>
      %min3A_1527 = arith.minsi %slice3A_1492, %slice3A_1493 : vector<8x128xi32>
      %min3A_1528 = arith.minsi %slice3A_1494, %slice3A_1495 : vector<8x128xi32>
      %min3A_1529 = arith.minsi %slice3A_1496, %slice3A_1497 : vector<8x128xi32>
      %min3A_1530 = arith.minsi %slice3A_1498, %slice3A_1499 : vector<8x128xi32>
      %min3A_1531 = arith.minsi %slice3A_1500, %slice3A_1501 : vector<8x128xi32>
      %min3A_1532 = arith.minsi %slice3A_1502, %slice3A_1503 : vector<8x128xi32>
      %min3A_1533 = arith.minsi %slice3A_1504, %slice3A_1505 : vector<8x128xi32>
      %min3A_1534 = arith.minsi %slice3A_1506, %slice3A_1507 : vector<8x128xi32>
      %min3A_1535 = arith.minsi %slice3A_1508, %slice3A_1509 : vector<8x128xi32>
      %min3A_1536 = arith.minsi %slice3A_1510, %slice3A_1511 : vector<8x128xi32>
      %min3A_1537 = arith.minsi %min3A_1512, %min3A_1513 : vector<8x128xi32>
      %min3A_1538 = arith.minsi %min3A_1514, %min3A_1515 : vector<8x128xi32>
      %min3A_1539 = arith.minsi %min3A_1516, %min3A_1517 : vector<8x128xi32>
      %min3A_1540 = arith.minsi %min3A_1518, %min3A_1519 : vector<8x128xi32>
      %min3A_1541 = arith.minsi %min3A_1520, %min3A_1521 : vector<8x128xi32>
      %min3A_1542 = arith.minsi %min3A_1522, %min3A_1523 : vector<8x128xi32>
      %min3A_1543 = arith.minsi %min3A_1524, %min3A_1525 : vector<8x128xi32>
      %min3A_1544 = arith.minsi %min3A_1526, %min3A_1527 : vector<8x128xi32>
      %min3A_1545 = arith.minsi %min3A_1528, %min3A_1529 : vector<8x128xi32>
      %min3A_1546 = arith.minsi %min3A_1530, %min3A_1531 : vector<8x128xi32>
      %min3A_1547 = arith.minsi %min3A_1532, %min3A_1533 : vector<8x128xi32>
      %min3A_1548 = arith.minsi %min3A_1534, %min3A_1535 : vector<8x128xi32>
      %min3A_1549 = arith.minsi %min3A_1537, %min3A_1538 : vector<8x128xi32>
      %min3A_1550 = arith.minsi %min3A_1539, %min3A_1540 : vector<8x128xi32>
      %min3A_1551 = arith.minsi %min3A_1541, %min3A_1542 : vector<8x128xi32>
      %min3A_1552 = arith.minsi %min3A_1543, %min3A_1544 : vector<8x128xi32>
      %min3A_1553 = arith.minsi %min3A_1545, %min3A_1546 : vector<8x128xi32>
      %min3A_1554 = arith.minsi %min3A_1547, %min3A_1548 : vector<8x128xi32>
      %min3A_1555 = arith.minsi %min3A_1549, %min3A_1550 : vector<8x128xi32>
      %min3A_1556 = arith.minsi %min3A_1551, %min3A_1552 : vector<8x128xi32>
      %min3A_1557 = arith.minsi %min3A_1553, %min3A_1554 : vector<8x128xi32>
      %min3A_1558 = arith.minsi %min3A_1555, %min3A_1556 : vector<8x128xi32>
      %min3A_1559 = arith.minsi %min3A_1557, %min3A_1536 : vector<8x128xi32>
      %min3A_1560 = arith.minsi %min3A_1558, %min3A_1559 : vector<8x128xi32>
      %slice3A_1561 = vector.extract_strided_slice %min3A_1560 {offsets = [0, 0], sizes = [1, 128], strides = [1, 1]} : vector<8x128xi32> to vector<1x128xi32>
      %slice3A_1562 = vector.extract_strided_slice %min3A_1560 {offsets = [1, 0], sizes = [1, 128], strides = [1, 1]} : vector<8x128xi32> to vector<1x128xi32>
      %slice3A_1563 = vector.extract_strided_slice %min3A_1560 {offsets = [2, 0], sizes = [1, 128], strides = [1, 1]} : vector<8x128xi32> to vector<1x128xi32>
      %slice3A_1564 = vector.extract_strided_slice %min3A_1560 {offsets = [3, 0], sizes = [1, 128], strides = [1, 1]} : vector<8x128xi32> to vector<1x128xi32>
      %slice3A_1565 = vector.extract_strided_slice %min3A_1560 {offsets = [4, 0], sizes = [1, 128], strides = [1, 1]} : vector<8x128xi32> to vector<1x128xi32>
      %slice3A_1566 = vector.extract_strided_slice %min3A_1560 {offsets = [5, 0], sizes = [1, 128], strides = [1, 1]} : vector<8x128xi32> to vector<1x128xi32>
      %slice3A_1567 = vector.extract_strided_slice %min3A_1560 {offsets = [6, 0], sizes = [1, 128], strides = [1, 1]} : vector<8x128xi32> to vector<1x128xi32>
      %slice3A_1568 = vector.extract_strided_slice %min3A_1560 {offsets = [7, 0], sizes = [1, 128], strides = [1, 1]} : vector<8x128xi32> to vector<1x128xi32>
      %min3A_1569 = arith.minsi %slice3A_1561, %slice3A_1562 : vector<1x128xi32>
      %min3A_1570 = arith.minsi %slice3A_1563, %slice3A_1564 : vector<1x128xi32>
      %min3A_1571 = arith.minsi %slice3A_1565, %slice3A_1566 : vector<1x128xi32>
      %min3A_1572 = arith.minsi %slice3A_1567, %slice3A_1568 : vector<1x128xi32>
      %min3A_1573 = arith.minsi %min3A_1569, %min3A_1570 : vector<1x128xi32>
      %min3A_1574 = arith.minsi %min3A_1571, %min3A_1572 : vector<1x128xi32>
      %min3A_1575 = arith.minsi %min3A_1573, %min3A_1574 : vector<1x128xi32>
      %mul3A_1576 = arith.constant 128 : i32
      %mul3A_1577 = vector.broadcast %mul3A_1576 : i32 to vector<1x128xi32>
      %mul3A_1578 = arith.muli %min3A_1575, %mul3A_1577 : vector<1x128xi32>
      %iota3A_1579 = tpu.iota {dimensions = array<i32: 1>} : vector<1x128xi32>
      %add3A_1580 = arith.addi %mul3A_1578, %iota3A_1579 : vector<1x128xi32>
      %eq3A_1581 = vector.broadcast %min3A_1575 : vector<1x128xi32> to vector<400x128xi32>
      %eq3A_1582 = arith.cmpi eq, %iota3A_115, %eq3A_1581 : vector<400x128xi32>
      %jit3A_1583 = arith.constant 0xFF800000 : f32
      %broadcast_in_dim3A_1584 = vector.broadcast %jit3A_1583 : f32 to vector<400x128xf32>
      %select_n3A_1585 = arith.select %eq3A_1582, %broadcast_in_dim3A_1584, %select_n3A_1342 : vector<400x128xi1>, vector<400x128xf32>
      %slice3A_1586 = vector.extract_strided_slice %select_n3A_1585 {offsets = [0, 0], sizes = [8, 128], strides = [1, 1]} : vector<400x128xf32> to vector<8x128xf32>
      %slice3A_1587 = vector.extract_strided_slice %select_n3A_1585 {offsets = [8, 0], sizes = [8, 128], strides = [1, 1]} : vector<400x128xf32> to vector<8x128xf32>
      %slice3A_1588 = vector.extract_strided_slice %select_n3A_1585 {offsets = [16, 0], sizes = [8, 128], strides = [1, 1]} : vector<400x128xf32> to vector<8x128xf32>
      %slice3A_1589 = vector.extract_strided_slice %select_n3A_1585 {offsets = [24, 0], sizes = [8, 128], strides = [1, 1]} : vector<400x128xf32> to vector<8x128xf32>
      %slice3A_1590 = vector.extract_strided_slice %select_n3A_1585 {offsets = [32, 0], sizes = [8, 128], strides = [1, 1]} : vector<400x128xf32> to vector<8x128xf32>
      %slice3A_1591 = vector.extract_strided_slice %select_n3A_1585 {offsets = [40, 0], sizes = [8, 128], strides = [1, 1]} : vector<400x128xf32> to vector<8x128xf32>
      %slice3A_1592 = vector.extract_strided_slice %select_n3A_1585 {offsets = [48, 0], sizes = [8, 128], strides = [1, 1]} : vector<400x128xf32> to vector<8x128xf32>
      %slice3A_1593 = vector.extract_strided_slice %select_n3A_1585 {offsets = [56, 0], sizes = [8, 128], strides = [1, 1]} : vector<400x128xf32> to vector<8x128xf32>
      %slice3A_1594 = vector.extract_strided_slice %select_n3A_1585 {offsets = [64, 0], sizes = [8, 128], strides = [1, 1]} : vector<400x128xf32> to vector<8x128xf32>
      %slice3A_1595 = vector.extract_strided_slice %select_n3A_1585 {offsets = [72, 0], sizes = [8, 128], strides = [1, 1]} : vector<400x128xf32> to vector<8x128xf32>
      %slice3A_1596 = vector.extract_strided_slice %select_n3A_1585 {offsets = [80, 0], sizes = [8, 128], strides = [1, 1]} : vector<400x128xf32> to vector<8x128xf32>
      %slice3A_1597 = vector.extract_strided_slice %select_n3A_1585 {offsets = [88, 0], sizes = [8, 128], strides = [1, 1]} : vector<400x128xf32> to vector<8x128xf32>
      %slice3A_1598 = vector.extract_strided_slice %select_n3A_1585 {offsets = [96, 0], sizes = [8, 128], strides = [1, 1]} : vector<400x128xf32> to vector<8x128xf32>
      %slice3A_1599 = vector.extract_strided_slice %select_n3A_1585 {offsets = [104, 0], sizes = [8, 128], strides = [1, 1]} : vector<400x128xf32> to vector<8x128xf32>
      %slice3A_1600 = vector.extract_strided_slice %select_n3A_1585 {offsets = [112, 0], sizes = [8, 128], strides = [1, 1]} : vector<400x128xf32> to vector<8x128xf32>
      %slice3A_1601 = vector.extract_strided_slice %select_n3A_1585 {offsets = [120, 0], sizes = [8, 128], strides = [1, 1]} : vector<400x128xf32> to vector<8x128xf32>
      %slice3A_1602 = vector.extract_strided_slice %select_n3A_1585 {offsets = [128, 0], sizes = [8, 128], strides = [1, 1]} : vector<400x128xf32> to vector<8x128xf32>
      %slice3A_1603 = vector.extract_strided_slice %select_n3A_1585 {offsets = [136, 0], sizes = [8, 128], strides = [1, 1]} : vector<400x128xf32> to vector<8x128xf32>
      %slice3A_1604 = vector.extract_strided_slice %select_n3A_1585 {offsets = [144, 0], sizes = [8, 128], strides = [1, 1]} : vector<400x128xf32> to vector<8x128xf32>
      %slice3A_1605 = vector.extract_strided_slice %select_n3A_1585 {offsets = [152, 0], sizes = [8, 128], strides = [1, 1]} : vector<400x128xf32> to vector<8x128xf32>
      %slice3A_1606 = vector.extract_strided_slice %select_n3A_1585 {offsets = [160, 0], sizes = [8, 128], strides = [1, 1]} : vector<400x128xf32> to vector<8x128xf32>
      %slice3A_1607 = vector.extract_strided_slice %select_n3A_1585 {offsets = [168, 0], sizes = [8, 128], strides = [1, 1]} : vector<400x128xf32> to vector<8x128xf32>
      %slice3A_1608 = vector.extract_strided_slice %select_n3A_1585 {offsets = [176, 0], sizes = [8, 128], strides = [1, 1]} : vector<400x128xf32> to vector<8x128xf32>
      %slice3A_1609 = vector.extract_strided_slice %select_n3A_1585 {offsets = [184, 0], sizes = [8, 128], strides = [1, 1]} : vector<400x128xf32> to vector<8x128xf32>
      %slice3A_1610 = vector.extract_strided_slice %select_n3A_1585 {offsets = [192, 0], sizes = [8, 128], strides = [1, 1]} : vector<400x128xf32> to vector<8x128xf32>
      %slice3A_1611 = vector.extract_strided_slice %select_n3A_1585 {offsets = [200, 0], sizes = [8, 128], strides = [1, 1]} : vector<400x128xf32> to vector<8x128xf32>
      %slice3A_1612 = vector.extract_strided_slice %select_n3A_1585 {offsets = [208, 0], sizes = [8, 128], strides = [1, 1]} : vector<400x128xf32> to vector<8x128xf32>
      %slice3A_1613 = vector.extract_strided_slice %select_n3A_1585 {offsets = [216, 0], sizes = [8, 128], strides = [1, 1]} : vector<400x128xf32> to vector<8x128xf32>
      %slice3A_1614 = vector.extract_strided_slice %select_n3A_1585 {offsets = [224, 0], sizes = [8, 128], strides = [1, 1]} : vector<400x128xf32> to vector<8x128xf32>
      %slice3A_1615 = vector.extract_strided_slice %select_n3A_1585 {offsets = [232, 0], sizes = [8, 128], strides = [1, 1]} : vector<400x128xf32> to vector<8x128xf32>
      %slice3A_1616 = vector.extract_strided_slice %select_n3A_1585 {offsets = [240, 0], sizes = [8, 128], strides = [1, 1]} : vector<400x128xf32> to vector<8x128xf32>
      %slice3A_1617 = vector.extract_strided_slice %select_n3A_1585 {offsets = [248, 0], sizes = [8, 128], strides = [1, 1]} : vector<400x128xf32> to vector<8x128xf32>
      %slice3A_1618 = vector.extract_strided_slice %select_n3A_1585 {offsets = [256, 0], sizes = [8, 128], strides = [1, 1]} : vector<400x128xf32> to vector<8x128xf32>
      %slice3A_1619 = vector.extract_strided_slice %select_n3A_1585 {offsets = [264, 0], sizes = [8, 128], strides = [1, 1]} : vector<400x128xf32> to vector<8x128xf32>
      %slice3A_1620 = vector.extract_strided_slice %select_n3A_1585 {offsets = [272, 0], sizes = [8, 128], strides = [1, 1]} : vector<400x128xf32> to vector<8x128xf32>
      %slice3A_1621 = vector.extract_strided_slice %select_n3A_1585 {offsets = [280, 0], sizes = [8, 128], strides = [1, 1]} : vector<400x128xf32> to vector<8x128xf32>
      %slice3A_1622 = vector.extract_strided_slice %select_n3A_1585 {offsets = [288, 0], sizes = [8, 128], strides = [1, 1]} : vector<400x128xf32> to vector<8x128xf32>
      %slice3A_1623 = vector.extract_strided_slice %select_n3A_1585 {offsets = [296, 0], sizes = [8, 128], strides = [1, 1]} : vector<400x128xf32> to vector<8x128xf32>
      %slice3A_1624 = vector.extract_strided_slice %select_n3A_1585 {offsets = [304, 0], sizes = [8, 128], strides = [1, 1]} : vector<400x128xf32> to vector<8x128xf32>
      %slice3A_1625 = vector.extract_strided_slice %select_n3A_1585 {offsets = [312, 0], sizes = [8, 128], strides = [1, 1]} : vector<400x128xf32> to vector<8x128xf32>
      %slice3A_1626 = vector.extract_strided_slice %select_n3A_1585 {offsets = [320, 0], sizes = [8, 128], strides = [1, 1]} : vector<400x128xf32> to vector<8x128xf32>
      %slice3A_1627 = vector.extract_strided_slice %select_n3A_1585 {offsets = [328, 0], sizes = [8, 128], strides = [1, 1]} : vector<400x128xf32> to vector<8x128xf32>
      %slice3A_1628 = vector.extract_strided_slice %select_n3A_1585 {offsets = [336, 0], sizes = [8, 128], strides = [1, 1]} : vector<400x128xf32> to vector<8x128xf32>
      %slice3A_1629 = vector.extract_strided_slice %select_n3A_1585 {offsets = [344, 0], sizes = [8, 128], strides = [1, 1]} : vector<400x128xf32> to vector<8x128xf32>
      %slice3A_1630 = vector.extract_strided_slice %select_n3A_1585 {offsets = [352, 0], sizes = [8, 128], strides = [1, 1]} : vector<400x128xf32> to vector<8x128xf32>
      %slice3A_1631 = vector.extract_strided_slice %select_n3A_1585 {offsets = [360, 0], sizes = [8, 128], strides = [1, 1]} : vector<400x128xf32> to vector<8x128xf32>
      %slice3A_1632 = vector.extract_strided_slice %select_n3A_1585 {offsets = [368, 0], sizes = [8, 128], strides = [1, 1]} : vector<400x128xf32> to vector<8x128xf32>
      %slice3A_1633 = vector.extract_strided_slice %select_n3A_1585 {offsets = [376, 0], sizes = [8, 128], strides = [1, 1]} : vector<400x128xf32> to vector<8x128xf32>
      %slice3A_1634 = vector.extract_strided_slice %select_n3A_1585 {offsets = [384, 0], sizes = [8, 128], strides = [1, 1]} : vector<400x128xf32> to vector<8x128xf32>
      %slice3A_1635 = vector.extract_strided_slice %select_n3A_1585 {offsets = [392, 0], sizes = [8, 128], strides = [1, 1]} : vector<400x128xf32> to vector<8x128xf32>
      %max3A_1636 = arith.maximumf %slice3A_1586, %slice3A_1587 : vector<8x128xf32>
      %max3A_1637 = arith.maximumf %slice3A_1588, %slice3A_1589 : vector<8x128xf32>
      %max3A_1638 = arith.maximumf %slice3A_1590, %slice3A_1591 : vector<8x128xf32>
      %max3A_1639 = arith.maximumf %slice3A_1592, %slice3A_1593 : vector<8x128xf32>
      %max3A_1640 = arith.maximumf %slice3A_1594, %slice3A_1595 : vector<8x128xf32>
      %max3A_1641 = arith.maximumf %slice3A_1596, %slice3A_1597 : vector<8x128xf32>
      %max3A_1642 = arith.maximumf %slice3A_1598, %slice3A_1599 : vector<8x128xf32>
      %max3A_1643 = arith.maximumf %slice3A_1600, %slice3A_1601 : vector<8x128xf32>
      %max3A_1644 = arith.maximumf %slice3A_1602, %slice3A_1603 : vector<8x128xf32>
      %max3A_1645 = arith.maximumf %slice3A_1604, %slice3A_1605 : vector<8x128xf32>
      %max3A_1646 = arith.maximumf %slice3A_1606, %slice3A_1607 : vector<8x128xf32>
      %max3A_1647 = arith.maximumf %slice3A_1608, %slice3A_1609 : vector<8x128xf32>
      %max3A_1648 = arith.maximumf %slice3A_1610, %slice3A_1611 : vector<8x128xf32>
      %max3A_1649 = arith.maximumf %slice3A_1612, %slice3A_1613 : vector<8x128xf32>
      %max3A_1650 = arith.maximumf %slice3A_1614, %slice3A_1615 : vector<8x128xf32>
      %max3A_1651 = arith.maximumf %slice3A_1616, %slice3A_1617 : vector<8x128xf32>
      %max3A_1652 = arith.maximumf %slice3A_1618, %slice3A_1619 : vector<8x128xf32>
      %max3A_1653 = arith.maximumf %slice3A_1620, %slice3A_1621 : vector<8x128xf32>
      %max3A_1654 = arith.maximumf %slice3A_1622, %slice3A_1623 : vector<8x128xf32>
      %max3A_1655 = arith.maximumf %slice3A_1624, %slice3A_1625 : vector<8x128xf32>
      %max3A_1656 = arith.maximumf %slice3A_1626, %slice3A_1627 : vector<8x128xf32>
      %max3A_1657 = arith.maximumf %slice3A_1628, %slice3A_1629 : vector<8x128xf32>
      %max3A_1658 = arith.maximumf %slice3A_1630, %slice3A_1631 : vector<8x128xf32>
      %max3A_1659 = arith.maximumf %slice3A_1632, %slice3A_1633 : vector<8x128xf32>
      %max3A_1660 = arith.maximumf %slice3A_1634, %slice3A_1635 : vector<8x128xf32>
      %max3A_1661 = arith.maximumf %max3A_1636, %max3A_1637 : vector<8x128xf32>
      %max3A_1662 = arith.maximumf %max3A_1638, %max3A_1639 : vector<8x128xf32>
      %max3A_1663 = arith.maximumf %max3A_1640, %max3A_1641 : vector<8x128xf32>
      %max3A_1664 = arith.maximumf %max3A_1642, %max3A_1643 : vector<8x128xf32>
      %max3A_1665 = arith.maximumf %max3A_1644, %max3A_1645 : vector<8x128xf32>
      %max3A_1666 = arith.maximumf %max3A_1646, %max3A_1647 : vector<8x128xf32>
      %max3A_1667 = arith.maximumf %max3A_1648, %max3A_1649 : vector<8x128xf32>
      %max3A_1668 = arith.maximumf %max3A_1650, %max3A_1651 : vector<8x128xf32>
      %max3A_1669 = arith.maximumf %max3A_1652, %max3A_1653 : vector<8x128xf32>
      %max3A_1670 = arith.maximumf %max3A_1654, %max3A_1655 : vector<8x128xf32>
      %max3A_1671 = arith.maximumf %max3A_1656, %max3A_1657 : vector<8x128xf32>
      %max3A_1672 = arith.maximumf %max3A_1658, %max3A_1659 : vector<8x128xf32>
      %max3A_1673 = arith.maximumf %max3A_1661, %max3A_1662 : vector<8x128xf32>
      %max3A_1674 = arith.maximumf %max3A_1663, %max3A_1664 : vector<8x128xf32>
      %max3A_1675 = arith.maximumf %max3A_1665, %max3A_1666 : vector<8x128xf32>
      %max3A_1676 = arith.maximumf %max3A_1667, %max3A_1668 : vector<8x128xf32>
      %max3A_1677 = arith.maximumf %max3A_1669, %max3A_1670 : vector<8x128xf32>
      %max3A_1678 = arith.maximumf %max3A_1671, %max3A_1672 : vector<8x128xf32>
      %max3A_1679 = arith.maximumf %max3A_1673, %max3A_1674 : vector<8x128xf32>
      %max3A_1680 = arith.maximumf %max3A_1675, %max3A_1676 : vector<8x128xf32>
      %max3A_1681 = arith.maximumf %max3A_1677, %max3A_1678 : vector<8x128xf32>
      %max3A_1682 = arith.maximumf %max3A_1679, %max3A_1680 : vector<8x128xf32>
      %max3A_1683 = arith.maximumf %max3A_1681, %max3A_1660 : vector<8x128xf32>
      %max3A_1684 = arith.maximumf %max3A_1682, %max3A_1683 : vector<8x128xf32>
      %slice3A_1685 = vector.extract_strided_slice %max3A_1684 {offsets = [0, 0], sizes = [1, 128], strides = [1, 1]} : vector<8x128xf32> to vector<1x128xf32>
      %slice3A_1686 = vector.extract_strided_slice %max3A_1684 {offsets = [1, 0], sizes = [1, 128], strides = [1, 1]} : vector<8x128xf32> to vector<1x128xf32>
      %slice3A_1687 = vector.extract_strided_slice %max3A_1684 {offsets = [2, 0], sizes = [1, 128], strides = [1, 1]} : vector<8x128xf32> to vector<1x128xf32>
      %slice3A_1688 = vector.extract_strided_slice %max3A_1684 {offsets = [3, 0], sizes = [1, 128], strides = [1, 1]} : vector<8x128xf32> to vector<1x128xf32>
      %slice3A_1689 = vector.extract_strided_slice %max3A_1684 {offsets = [4, 0], sizes = [1, 128], strides = [1, 1]} : vector<8x128xf32> to vector<1x128xf32>
      %slice3A_1690 = vector.extract_strided_slice %max3A_1684 {offsets = [5, 0], sizes = [1, 128], strides = [1, 1]} : vector<8x128xf32> to vector<1x128xf32>
      %slice3A_1691 = vector.extract_strided_slice %max3A_1684 {offsets = [6, 0], sizes = [1, 128], strides = [1, 1]} : vector<8x128xf32> to vector<1x128xf32>
      %slice3A_1692 = vector.extract_strided_slice %max3A_1684 {offsets = [7, 0], sizes = [1, 128], strides = [1, 1]} : vector<8x128xf32> to vector<1x128xf32>
      %max3A_1693 = arith.maximumf %slice3A_1685, %slice3A_1686 : vector<1x128xf32>
      %max3A_1694 = arith.maximumf %slice3A_1687, %slice3A_1688 : vector<1x128xf32>
      %max3A_1695 = arith.maximumf %slice3A_1689, %slice3A_1690 : vector<1x128xf32>
      %max3A_1696 = arith.maximumf %slice3A_1691, %slice3A_1692 : vector<1x128xf32>
      %max3A_1697 = arith.maximumf %max3A_1693, %max3A_1694 : vector<1x128xf32>
      %max3A_1698 = arith.maximumf %max3A_1695, %max3A_1696 : vector<1x128xf32>
      %max3A_1699 = arith.maximumf %max3A_1697, %max3A_1698 : vector<1x128xf32>
      %eq3A_1700 = vector.broadcast %max3A_1699 : vector<1x128xf32> to vector<400x128xf32>
      %eq3A_1701 = arith.cmpf oeq, %select_n3A_1585, %eq3A_1700 : vector<400x128xf32>
      %jit3A_1702 = arith.constant 2147483647 : i32
      %broadcast_in_dim3A_1703 = vector.broadcast %jit3A_1702 : i32 to vector<400x128xi32>
      %select_n3A_1704 = arith.select %eq3A_1701, %iota3A_115, %broadcast_in_dim3A_1703 : vector<400x128xi1>, vector<400x128xi32>
      %slice3A_1705 = vector.extract_strided_slice %select_n3A_1704 {offsets = [0, 0], sizes = [8, 128], strides = [1, 1]} : vector<400x128xi32> to vector<8x128xi32>
      %slice3A_1706 = vector.extract_strided_slice %select_n3A_1704 {offsets = [8, 0], sizes = [8, 128], strides = [1, 1]} : vector<400x128xi32> to vector<8x128xi32>
      %slice3A_1707 = vector.extract_strided_slice %select_n3A_1704 {offsets = [16, 0], sizes = [8, 128], strides = [1, 1]} : vector<400x128xi32> to vector<8x128xi32>
      %slice3A_1708 = vector.extract_strided_slice %select_n3A_1704 {offsets = [24, 0], sizes = [8, 128], strides = [1, 1]} : vector<400x128xi32> to vector<8x128xi32>
      %slice3A_1709 = vector.extract_strided_slice %select_n3A_1704 {offsets = [32, 0], sizes = [8, 128], strides = [1, 1]} : vector<400x128xi32> to vector<8x128xi32>
      %slice3A_1710 = vector.extract_strided_slice %select_n3A_1704 {offsets = [40, 0], sizes = [8, 128], strides = [1, 1]} : vector<400x128xi32> to vector<8x128xi32>
      %slice3A_1711 = vector.extract_strided_slice %select_n3A_1704 {offsets = [48, 0], sizes = [8, 128], strides = [1, 1]} : vector<400x128xi32> to vector<8x128xi32>
      %slice3A_1712 = vector.extract_strided_slice %select_n3A_1704 {offsets = [56, 0], sizes = [8, 128], strides = [1, 1]} : vector<400x128xi32> to vector<8x128xi32>
      %slice3A_1713 = vector.extract_strided_slice %select_n3A_1704 {offsets = [64, 0], sizes = [8, 128], strides = [1, 1]} : vector<400x128xi32> to vector<8x128xi32>
      %slice3A_1714 = vector.extract_strided_slice %select_n3A_1704 {offsets = [72, 0], sizes = [8, 128], strides = [1, 1]} : vector<400x128xi32> to vector<8x128xi32>
      %slice3A_1715 = vector.extract_strided_slice %select_n3A_1704 {offsets = [80, 0], sizes = [8, 128], strides = [1, 1]} : vector<400x128xi32> to vector<8x128xi32>
      %slice3A_1716 = vector.extract_strided_slice %select_n3A_1704 {offsets = [88, 0], sizes = [8, 128], strides = [1, 1]} : vector<400x128xi32> to vector<8x128xi32>
      %slice3A_1717 = vector.extract_strided_slice %select_n3A_1704 {offsets = [96, 0], sizes = [8, 128], strides = [1, 1]} : vector<400x128xi32> to vector<8x128xi32>
      %slice3A_1718 = vector.extract_strided_slice %select_n3A_1704 {offsets = [104, 0], sizes = [8, 128], strides = [1, 1]} : vector<400x128xi32> to vector<8x128xi32>
      %slice3A_1719 = vector.extract_strided_slice %select_n3A_1704 {offsets = [112, 0], sizes = [8, 128], strides = [1, 1]} : vector<400x128xi32> to vector<8x128xi32>
      %slice3A_1720 = vector.extract_strided_slice %select_n3A_1704 {offsets = [120, 0], sizes = [8, 128], strides = [1, 1]} : vector<400x128xi32> to vector<8x128xi32>
      %slice3A_1721 = vector.extract_strided_slice %select_n3A_1704 {offsets = [128, 0], sizes = [8, 128], strides = [1, 1]} : vector<400x128xi32> to vector<8x128xi32>
      %slice3A_1722 = vector.extract_strided_slice %select_n3A_1704 {offsets = [136, 0], sizes = [8, 128], strides = [1, 1]} : vector<400x128xi32> to vector<8x128xi32>
      %slice3A_1723 = vector.extract_strided_slice %select_n3A_1704 {offsets = [144, 0], sizes = [8, 128], strides = [1, 1]} : vector<400x128xi32> to vector<8x128xi32>
      %slice3A_1724 = vector.extract_strided_slice %select_n3A_1704 {offsets = [152, 0], sizes = [8, 128], strides = [1, 1]} : vector<400x128xi32> to vector<8x128xi32>
      %slice3A_1725 = vector.extract_strided_slice %select_n3A_1704 {offsets = [160, 0], sizes = [8, 128], strides = [1, 1]} : vector<400x128xi32> to vector<8x128xi32>
      %slice3A_1726 = vector.extract_strided_slice %select_n3A_1704 {offsets = [168, 0], sizes = [8, 128], strides = [1, 1]} : vector<400x128xi32> to vector<8x128xi32>
      %slice3A_1727 = vector.extract_strided_slice %select_n3A_1704 {offsets = [176, 0], sizes = [8, 128], strides = [1, 1]} : vector<400x128xi32> to vector<8x128xi32>
      %slice3A_1728 = vector.extract_strided_slice %select_n3A_1704 {offsets = [184, 0], sizes = [8, 128], strides = [1, 1]} : vector<400x128xi32> to vector<8x128xi32>
      %slice3A_1729 = vector.extract_strided_slice %select_n3A_1704 {offsets = [192, 0], sizes = [8, 128], strides = [1, 1]} : vector<400x128xi32> to vector<8x128xi32>
      %slice3A_1730 = vector.extract_strided_slice %select_n3A_1704 {offsets = [200, 0], sizes = [8, 128], strides = [1, 1]} : vector<400x128xi32> to vector<8x128xi32>
      %slice3A_1731 = vector.extract_strided_slice %select_n3A_1704 {offsets = [208, 0], sizes = [8, 128], strides = [1, 1]} : vector<400x128xi32> to vector<8x128xi32>
      %slice3A_1732 = vector.extract_strided_slice %select_n3A_1704 {offsets = [216, 0], sizes = [8, 128], strides = [1, 1]} : vector<400x128xi32> to vector<8x128xi32>
      %slice3A_1733 = vector.extract_strided_slice %select_n3A_1704 {offsets = [224, 0], sizes = [8, 128], strides = [1, 1]} : vector<400x128xi32> to vector<8x128xi32>
      %slice3A_1734 = vector.extract_strided_slice %select_n3A_1704 {offsets = [232, 0], sizes = [8, 128], strides = [1, 1]} : vector<400x128xi32> to vector<8x128xi32>
      %slice3A_1735 = vector.extract_strided_slice %select_n3A_1704 {offsets = [240, 0], sizes = [8, 128], strides = [1, 1]} : vector<400x128xi32> to vector<8x128xi32>
      %slice3A_1736 = vector.extract_strided_slice %select_n3A_1704 {offsets = [248, 0], sizes = [8, 128], strides = [1, 1]} : vector<400x128xi32> to vector<8x128xi32>
      %slice3A_1737 = vector.extract_strided_slice %select_n3A_1704 {offsets = [256, 0], sizes = [8, 128], strides = [1, 1]} : vector<400x128xi32> to vector<8x128xi32>
      %slice3A_1738 = vector.extract_strided_slice %select_n3A_1704 {offsets = [264, 0], sizes = [8, 128], strides = [1, 1]} : vector<400x128xi32> to vector<8x128xi32>
      %slice3A_1739 = vector.extract_strided_slice %select_n3A_1704 {offsets = [272, 0], sizes = [8, 128], strides = [1, 1]} : vector<400x128xi32> to vector<8x128xi32>
      %slice3A_1740 = vector.extract_strided_slice %select_n3A_1704 {offsets = [280, 0], sizes = [8, 128], strides = [1, 1]} : vector<400x128xi32> to vector<8x128xi32>
      %slice3A_1741 = vector.extract_strided_slice %select_n3A_1704 {offsets = [288, 0], sizes = [8, 128], strides = [1, 1]} : vector<400x128xi32> to vector<8x128xi32>
      %slice3A_1742 = vector.extract_strided_slice %select_n3A_1704 {offsets = [296, 0], sizes = [8, 128], strides = [1, 1]} : vector<400x128xi32> to vector<8x128xi32>
      %slice3A_1743 = vector.extract_strided_slice %select_n3A_1704 {offsets = [304, 0], sizes = [8, 128], strides = [1, 1]} : vector<400x128xi32> to vector<8x128xi32>
      %slice3A_1744 = vector.extract_strided_slice %select_n3A_1704 {offsets = [312, 0], sizes = [8, 128], strides = [1, 1]} : vector<400x128xi32> to vector<8x128xi32>
      %slice3A_1745 = vector.extract_strided_slice %select_n3A_1704 {offsets = [320, 0], sizes = [8, 128], strides = [1, 1]} : vector<400x128xi32> to vector<8x128xi32>
      %slice3A_1746 = vector.extract_strided_slice %select_n3A_1704 {offsets = [328, 0], sizes = [8, 128], strides = [1, 1]} : vector<400x128xi32> to vector<8x128xi32>
      %slice3A_1747 = vector.extract_strided_slice %select_n3A_1704 {offsets = [336, 0], sizes = [8, 128], strides = [1, 1]} : vector<400x128xi32> to vector<8x128xi32>
      %slice3A_1748 = vector.extract_strided_slice %select_n3A_1704 {offsets = [344, 0], sizes = [8, 128], strides = [1, 1]} : vector<400x128xi32> to vector<8x128xi32>
      %slice3A_1749 = vector.extract_strided_slice %select_n3A_1704 {offsets = [352, 0], sizes = [8, 128], strides = [1, 1]} : vector<400x128xi32> to vector<8x128xi32>
      %slice3A_1750 = vector.extract_strided_slice %select_n3A_1704 {offsets = [360, 0], sizes = [8, 128], strides = [1, 1]} : vector<400x128xi32> to vector<8x128xi32>
      %slice3A_1751 = vector.extract_strided_slice %select_n3A_1704 {offsets = [368, 0], sizes = [8, 128], strides = [1, 1]} : vector<400x128xi32> to vector<8x128xi32>
      %slice3A_1752 = vector.extract_strided_slice %select_n3A_1704 {offsets = [376, 0], sizes = [8, 128], strides = [1, 1]} : vector<400x128xi32> to vector<8x128xi32>
      %slice3A_1753 = vector.extract_strided_slice %select_n3A_1704 {offsets = [384, 0], sizes = [8, 128], strides = [1, 1]} : vector<400x128xi32> to vector<8x128xi32>
      %slice3A_1754 = vector.extract_strided_slice %select_n3A_1704 {offsets = [392, 0], sizes = [8, 128], strides = [1, 1]} : vector<400x128xi32> to vector<8x128xi32>
      %min3A_1755 = arith.minsi %slice3A_1705, %slice3A_1706 : vector<8x128xi32>
      %min3A_1756 = arith.minsi %slice3A_1707, %slice3A_1708 : vector<8x128xi32>
      %min3A_1757 = arith.minsi %slice3A_1709, %slice3A_1710 : vector<8x128xi32>
      %min3A_1758 = arith.minsi %slice3A_1711, %slice3A_1712 : vector<8x128xi32>
      %min3A_1759 = arith.minsi %slice3A_1713, %slice3A_1714 : vector<8x128xi32>
      %min3A_1760 = arith.minsi %slice3A_1715, %slice3A_1716 : vector<8x128xi32>
      %min3A_1761 = arith.minsi %slice3A_1717, %slice3A_1718 : vector<8x128xi32>
      %min3A_1762 = arith.minsi %slice3A_1719, %slice3A_1720 : vector<8x128xi32>
      %min3A_1763 = arith.minsi %slice3A_1721, %slice3A_1722 : vector<8x128xi32>
      %min3A_1764 = arith.minsi %slice3A_1723, %slice3A_1724 : vector<8x128xi32>
      %min3A_1765 = arith.minsi %slice3A_1725, %slice3A_1726 : vector<8x128xi32>
      %min3A_1766 = arith.minsi %slice3A_1727, %slice3A_1728 : vector<8x128xi32>
      %min3A_1767 = arith.minsi %slice3A_1729, %slice3A_1730 : vector<8x128xi32>
      %min3A_1768 = arith.minsi %slice3A_1731, %slice3A_1732 : vector<8x128xi32>
      %min3A_1769 = arith.minsi %slice3A_1733, %slice3A_1734 : vector<8x128xi32>
      %min3A_1770 = arith.minsi %slice3A_1735, %slice3A_1736 : vector<8x128xi32>
      %min3A_1771 = arith.minsi %slice3A_1737, %slice3A_1738 : vector<8x128xi32>
      %min3A_1772 = arith.minsi %slice3A_1739, %slice3A_1740 : vector<8x128xi32>
      %min3A_1773 = arith.minsi %slice3A_1741, %slice3A_1742 : vector<8x128xi32>
      %min3A_1774 = arith.minsi %slice3A_1743, %slice3A_1744 : vector<8x128xi32>
      %min3A_1775 = arith.minsi %slice3A_1745, %slice3A_1746 : vector<8x128xi32>
      %min3A_1776 = arith.minsi %slice3A_1747, %slice3A_1748 : vector<8x128xi32>
      %min3A_1777 = arith.minsi %slice3A_1749, %slice3A_1750 : vector<8x128xi32>
      %min3A_1778 = arith.minsi %slice3A_1751, %slice3A_1752 : vector<8x128xi32>
      %min3A_1779 = arith.minsi %slice3A_1753, %slice3A_1754 : vector<8x128xi32>
      %min3A_1780 = arith.minsi %min3A_1755, %min3A_1756 : vector<8x128xi32>
      %min3A_1781 = arith.minsi %min3A_1757, %min3A_1758 : vector<8x128xi32>
      %min3A_1782 = arith.minsi %min3A_1759, %min3A_1760 : vector<8x128xi32>
      %min3A_1783 = arith.minsi %min3A_1761, %min3A_1762 : vector<8x128xi32>
      %min3A_1784 = arith.minsi %min3A_1763, %min3A_1764 : vector<8x128xi32>
      %min3A_1785 = arith.minsi %min3A_1765, %min3A_1766 : vector<8x128xi32>
      %min3A_1786 = arith.minsi %min3A_1767, %min3A_1768 : vector<8x128xi32>
      %min3A_1787 = arith.minsi %min3A_1769, %min3A_1770 : vector<8x128xi32>
      %min3A_1788 = arith.minsi %min3A_1771, %min3A_1772 : vector<8x128xi32>
      %min3A_1789 = arith.minsi %min3A_1773, %min3A_1774 : vector<8x128xi32>
      %min3A_1790 = arith.minsi %min3A_1775, %min3A_1776 : vector<8x128xi32>
      %min3A_1791 = arith.minsi %min3A_1777, %min3A_1778 : vector<8x128xi32>
      %min3A_1792 = arith.minsi %min3A_1780, %min3A_1781 : vector<8x128xi32>
      %min3A_1793 = arith.minsi %min3A_1782, %min3A_1783 : vector<8x128xi32>
      %min3A_1794 = arith.minsi %min3A_1784, %min3A_1785 : vector<8x128xi32>
      %min3A_1795 = arith.minsi %min3A_1786, %min3A_1787 : vector<8x128xi32>
      %min3A_1796 = arith.minsi %min3A_1788, %min3A_1789 : vector<8x128xi32>
      %min3A_1797 = arith.minsi %min3A_1790, %min3A_1791 : vector<8x128xi32>
      %min3A_1798 = arith.minsi %min3A_1792, %min3A_1793 : vector<8x128xi32>
      %min3A_1799 = arith.minsi %min3A_1794, %min3A_1795 : vector<8x128xi32>
      %min3A_1800 = arith.minsi %min3A_1796, %min3A_1797 : vector<8x128xi32>
      %min3A_1801 = arith.minsi %min3A_1798, %min3A_1799 : vector<8x128xi32>
      %min3A_1802 = arith.minsi %min3A_1800, %min3A_1779 : vector<8x128xi32>
      %min3A_1803 = arith.minsi %min3A_1801, %min3A_1802 : vector<8x128xi32>
      %slice3A_1804 = vector.extract_strided_slice %min3A_1803 {offsets = [0, 0], sizes = [1, 128], strides = [1, 1]} : vector<8x128xi32> to vector<1x128xi32>
      %slice3A_1805 = vector.extract_strided_slice %min3A_1803 {offsets = [1, 0], sizes = [1, 128], strides = [1, 1]} : vector<8x128xi32> to vector<1x128xi32>
      %slice3A_1806 = vector.extract_strided_slice %min3A_1803 {offsets = [2, 0], sizes = [1, 128], strides = [1, 1]} : vector<8x128xi32> to vector<1x128xi32>
      %slice3A_1807 = vector.extract_strided_slice %min3A_1803 {offsets = [3, 0], sizes = [1, 128], strides = [1, 1]} : vector<8x128xi32> to vector<1x128xi32>
      %slice3A_1808 = vector.extract_strided_slice %min3A_1803 {offsets = [4, 0], sizes = [1, 128], strides = [1, 1]} : vector<8x128xi32> to vector<1x128xi32>
      %slice3A_1809 = vector.extract_strided_slice %min3A_1803 {offsets = [5, 0], sizes = [1, 128], strides = [1, 1]} : vector<8x128xi32> to vector<1x128xi32>
      %slice3A_1810 = vector.extract_strided_slice %min3A_1803 {offsets = [6, 0], sizes = [1, 128], strides = [1, 1]} : vector<8x128xi32> to vector<1x128xi32>
      %slice3A_1811 = vector.extract_strided_slice %min3A_1803 {offsets = [7, 0], sizes = [1, 128], strides = [1, 1]} : vector<8x128xi32> to vector<1x128xi32>
      %min3A_1812 = arith.minsi %slice3A_1804, %slice3A_1805 : vector<1x128xi32>
      %min3A_1813 = arith.minsi %slice3A_1806, %slice3A_1807 : vector<1x128xi32>
      %min3A_1814 = arith.minsi %slice3A_1808, %slice3A_1809 : vector<1x128xi32>
      %min3A_1815 = arith.minsi %slice3A_1810, %slice3A_1811 : vector<1x128xi32>
      %min3A_1816 = arith.minsi %min3A_1812, %min3A_1813 : vector<1x128xi32>
      %min3A_1817 = arith.minsi %min3A_1814, %min3A_1815 : vector<1x128xi32>
      %min3A_1818 = arith.minsi %min3A_1816, %min3A_1817 : vector<1x128xi32>
      %mul3A_1819 = arith.constant 128 : i32
      %mul3A_1820 = vector.broadcast %mul3A_1819 : i32 to vector<1x128xi32>
      %mul3A_1821 = arith.muli %min3A_1818, %mul3A_1820 : vector<1x128xi32>
      %iota3A_1822 = tpu.iota {dimensions = array<i32: 1>} : vector<1x128xi32>
      %add3A_1823 = arith.addi %mul3A_1821, %iota3A_1822 : vector<1x128xi32>
      %eq3A_1824 = vector.broadcast %min3A_1818 : vector<1x128xi32> to vector<400x128xi32>
      %eq3A_1825 = arith.cmpi eq, %iota3A_115, %eq3A_1824 : vector<400x128xi32>
      %jit3A_1826 = arith.constant 0xFF800000 : f32
      %broadcast_in_dim3A_1827 = vector.broadcast %jit3A_1826 : f32 to vector<400x128xf32>
      %select_n3A_1828 = arith.select %eq3A_1825, %broadcast_in_dim3A_1827, %select_n3A_1585 : vector<400x128xi1>, vector<400x128xf32>
      %slice3A_1829 = vector.extract_strided_slice %select_n3A_1828 {offsets = [0, 0], sizes = [8, 128], strides = [1, 1]} : vector<400x128xf32> to vector<8x128xf32>
      %slice3A_1830 = vector.extract_strided_slice %select_n3A_1828 {offsets = [8, 0], sizes = [8, 128], strides = [1, 1]} : vector<400x128xf32> to vector<8x128xf32>
      %slice3A_1831 = vector.extract_strided_slice %select_n3A_1828 {offsets = [16, 0], sizes = [8, 128], strides = [1, 1]} : vector<400x128xf32> to vector<8x128xf32>
      %slice3A_1832 = vector.extract_strided_slice %select_n3A_1828 {offsets = [24, 0], sizes = [8, 128], strides = [1, 1]} : vector<400x128xf32> to vector<8x128xf32>
      %slice3A_1833 = vector.extract_strided_slice %select_n3A_1828 {offsets = [32, 0], sizes = [8, 128], strides = [1, 1]} : vector<400x128xf32> to vector<8x128xf32>
      %slice3A_1834 = vector.extract_strided_slice %select_n3A_1828 {offsets = [40, 0], sizes = [8, 128], strides = [1, 1]} : vector<400x128xf32> to vector<8x128xf32>
      %slice3A_1835 = vector.extract_strided_slice %select_n3A_1828 {offsets = [48, 0], sizes = [8, 128], strides = [1, 1]} : vector<400x128xf32> to vector<8x128xf32>
      %slice3A_1836 = vector.extract_strided_slice %select_n3A_1828 {offsets = [56, 0], sizes = [8, 128], strides = [1, 1]} : vector<400x128xf32> to vector<8x128xf32>
      %slice3A_1837 = vector.extract_strided_slice %select_n3A_1828 {offsets = [64, 0], sizes = [8, 128], strides = [1, 1]} : vector<400x128xf32> to vector<8x128xf32>
      %slice3A_1838 = vector.extract_strided_slice %select_n3A_1828 {offsets = [72, 0], sizes = [8, 128], strides = [1, 1]} : vector<400x128xf32> to vector<8x128xf32>
      %slice3A_1839 = vector.extract_strided_slice %select_n3A_1828 {offsets = [80, 0], sizes = [8, 128], strides = [1, 1]} : vector<400x128xf32> to vector<8x128xf32>
      %slice3A_1840 = vector.extract_strided_slice %select_n3A_1828 {offsets = [88, 0], sizes = [8, 128], strides = [1, 1]} : vector<400x128xf32> to vector<8x128xf32>
      %slice3A_1841 = vector.extract_strided_slice %select_n3A_1828 {offsets = [96, 0], sizes = [8, 128], strides = [1, 1]} : vector<400x128xf32> to vector<8x128xf32>
      %slice3A_1842 = vector.extract_strided_slice %select_n3A_1828 {offsets = [104, 0], sizes = [8, 128], strides = [1, 1]} : vector<400x128xf32> to vector<8x128xf32>
      %slice3A_1843 = vector.extract_strided_slice %select_n3A_1828 {offsets = [112, 0], sizes = [8, 128], strides = [1, 1]} : vector<400x128xf32> to vector<8x128xf32>
      %slice3A_1844 = vector.extract_strided_slice %select_n3A_1828 {offsets = [120, 0], sizes = [8, 128], strides = [1, 1]} : vector<400x128xf32> to vector<8x128xf32>
      %slice3A_1845 = vector.extract_strided_slice %select_n3A_1828 {offsets = [128, 0], sizes = [8, 128], strides = [1, 1]} : vector<400x128xf32> to vector<8x128xf32>
      %slice3A_1846 = vector.extract_strided_slice %select_n3A_1828 {offsets = [136, 0], sizes = [8, 128], strides = [1, 1]} : vector<400x128xf32> to vector<8x128xf32>
      %slice3A_1847 = vector.extract_strided_slice %select_n3A_1828 {offsets = [144, 0], sizes = [8, 128], strides = [1, 1]} : vector<400x128xf32> to vector<8x128xf32>
      %slice3A_1848 = vector.extract_strided_slice %select_n3A_1828 {offsets = [152, 0], sizes = [8, 128], strides = [1, 1]} : vector<400x128xf32> to vector<8x128xf32>
      %slice3A_1849 = vector.extract_strided_slice %select_n3A_1828 {offsets = [160, 0], sizes = [8, 128], strides = [1, 1]} : vector<400x128xf32> to vector<8x128xf32>
      %slice3A_1850 = vector.extract_strided_slice %select_n3A_1828 {offsets = [168, 0], sizes = [8, 128], strides = [1, 1]} : vector<400x128xf32> to vector<8x128xf32>
      %slice3A_1851 = vector.extract_strided_slice %select_n3A_1828 {offsets = [176, 0], sizes = [8, 128], strides = [1, 1]} : vector<400x128xf32> to vector<8x128xf32>
      %slice3A_1852 = vector.extract_strided_slice %select_n3A_1828 {offsets = [184, 0], sizes = [8, 128], strides = [1, 1]} : vector<400x128xf32> to vector<8x128xf32>
      %slice3A_1853 = vector.extract_strided_slice %select_n3A_1828 {offsets = [192, 0], sizes = [8, 128], strides = [1, 1]} : vector<400x128xf32> to vector<8x128xf32>
      %slice3A_1854 = vector.extract_strided_slice %select_n3A_1828 {offsets = [200, 0], sizes = [8, 128], strides = [1, 1]} : vector<400x128xf32> to vector<8x128xf32>
      %slice3A_1855 = vector.extract_strided_slice %select_n3A_1828 {offsets = [208, 0], sizes = [8, 128], strides = [1, 1]} : vector<400x128xf32> to vector<8x128xf32>
      %slice3A_1856 = vector.extract_strided_slice %select_n3A_1828 {offsets = [216, 0], sizes = [8, 128], strides = [1, 1]} : vector<400x128xf32> to vector<8x128xf32>
      %slice3A_1857 = vector.extract_strided_slice %select_n3A_1828 {offsets = [224, 0], sizes = [8, 128], strides = [1, 1]} : vector<400x128xf32> to vector<8x128xf32>
      %slice3A_1858 = vector.extract_strided_slice %select_n3A_1828 {offsets = [232, 0], sizes = [8, 128], strides = [1, 1]} : vector<400x128xf32> to vector<8x128xf32>
      %slice3A_1859 = vector.extract_strided_slice %select_n3A_1828 {offsets = [240, 0], sizes = [8, 128], strides = [1, 1]} : vector<400x128xf32> to vector<8x128xf32>
      %slice3A_1860 = vector.extract_strided_slice %select_n3A_1828 {offsets = [248, 0], sizes = [8, 128], strides = [1, 1]} : vector<400x128xf32> to vector<8x128xf32>
      %slice3A_1861 = vector.extract_strided_slice %select_n3A_1828 {offsets = [256, 0], sizes = [8, 128], strides = [1, 1]} : vector<400x128xf32> to vector<8x128xf32>
      %slice3A_1862 = vector.extract_strided_slice %select_n3A_1828 {offsets = [264, 0], sizes = [8, 128], strides = [1, 1]} : vector<400x128xf32> to vector<8x128xf32>
      %slice3A_1863 = vector.extract_strided_slice %select_n3A_1828 {offsets = [272, 0], sizes = [8, 128], strides = [1, 1]} : vector<400x128xf32> to vector<8x128xf32>
      %slice3A_1864 = vector.extract_strided_slice %select_n3A_1828 {offsets = [280, 0], sizes = [8, 128], strides = [1, 1]} : vector<400x128xf32> to vector<8x128xf32>
      %slice3A_1865 = vector.extract_strided_slice %select_n3A_1828 {offsets = [288, 0], sizes = [8, 128], strides = [1, 1]} : vector<400x128xf32> to vector<8x128xf32>
      %slice3A_1866 = vector.extract_strided_slice %select_n3A_1828 {offsets = [296, 0], sizes = [8, 128], strides = [1, 1]} : vector<400x128xf32> to vector<8x128xf32>
      %slice3A_1867 = vector.extract_strided_slice %select_n3A_1828 {offsets = [304, 0], sizes = [8, 128], strides = [1, 1]} : vector<400x128xf32> to vector<8x128xf32>
      %slice3A_1868 = vector.extract_strided_slice %select_n3A_1828 {offsets = [312, 0], sizes = [8, 128], strides = [1, 1]} : vector<400x128xf32> to vector<8x128xf32>
      %slice3A_1869 = vector.extract_strided_slice %select_n3A_1828 {offsets = [320, 0], sizes = [8, 128], strides = [1, 1]} : vector<400x128xf32> to vector<8x128xf32>
      %slice3A_1870 = vector.extract_strided_slice %select_n3A_1828 {offsets = [328, 0], sizes = [8, 128], strides = [1, 1]} : vector<400x128xf32> to vector<8x128xf32>
      %slice3A_1871 = vector.extract_strided_slice %select_n3A_1828 {offsets = [336, 0], sizes = [8, 128], strides = [1, 1]} : vector<400x128xf32> to vector<8x128xf32>
      %slice3A_1872 = vector.extract_strided_slice %select_n3A_1828 {offsets = [344, 0], sizes = [8, 128], strides = [1, 1]} : vector<400x128xf32> to vector<8x128xf32>
      %slice3A_1873 = vector.extract_strided_slice %select_n3A_1828 {offsets = [352, 0], sizes = [8, 128], strides = [1, 1]} : vector<400x128xf32> to vector<8x128xf32>
      %slice3A_1874 = vector.extract_strided_slice %select_n3A_1828 {offsets = [360, 0], sizes = [8, 128], strides = [1, 1]} : vector<400x128xf32> to vector<8x128xf32>
      %slice3A_1875 = vector.extract_strided_slice %select_n3A_1828 {offsets = [368, 0], sizes = [8, 128], strides = [1, 1]} : vector<400x128xf32> to vector<8x128xf32>
      %slice3A_1876 = vector.extract_strided_slice %select_n3A_1828 {offsets = [376, 0], sizes = [8, 128], strides = [1, 1]} : vector<400x128xf32> to vector<8x128xf32>
      %slice3A_1877 = vector.extract_strided_slice %select_n3A_1828 {offsets = [384, 0], sizes = [8, 128], strides = [1, 1]} : vector<400x128xf32> to vector<8x128xf32>
      %slice3A_1878 = vector.extract_strided_slice %select_n3A_1828 {offsets = [392, 0], sizes = [8, 128], strides = [1, 1]} : vector<400x128xf32> to vector<8x128xf32>
      %max3A_1879 = arith.maximumf %slice3A_1829, %slice3A_1830 : vector<8x128xf32>
      %max3A_1880 = arith.maximumf %slice3A_1831, %slice3A_1832 : vector<8x128xf32>
      %max3A_1881 = arith.maximumf %slice3A_1833, %slice3A_1834 : vector<8x128xf32>
      %max3A_1882 = arith.maximumf %slice3A_1835, %slice3A_1836 : vector<8x128xf32>
      %max3A_1883 = arith.maximumf %slice3A_1837, %slice3A_1838 : vector<8x128xf32>
      %max3A_1884 = arith.maximumf %slice3A_1839, %slice3A_1840 : vector<8x128xf32>
      %max3A_1885 = arith.maximumf %slice3A_1841, %slice3A_1842 : vector<8x128xf32>
      %max3A_1886 = arith.maximumf %slice3A_1843, %slice3A_1844 : vector<8x128xf32>
      %max3A_1887 = arith.maximumf %slice3A_1845, %slice3A_1846 : vector<8x128xf32>
      %max3A_1888 = arith.maximumf %slice3A_1847, %slice3A_1848 : vector<8x128xf32>
      %max3A_1889 = arith.maximumf %slice3A_1849, %slice3A_1850 : vector<8x128xf32>
      %max3A_1890 = arith.maximumf %slice3A_1851, %slice3A_1852 : vector<8x128xf32>
      %max3A_1891 = arith.maximumf %slice3A_1853, %slice3A_1854 : vector<8x128xf32>
      %max3A_1892 = arith.maximumf %slice3A_1855, %slice3A_1856 : vector<8x128xf32>
      %max3A_1893 = arith.maximumf %slice3A_1857, %slice3A_1858 : vector<8x128xf32>
      %max3A_1894 = arith.maximumf %slice3A_1859, %slice3A_1860 : vector<8x128xf32>
      %max3A_1895 = arith.maximumf %slice3A_1861, %slice3A_1862 : vector<8x128xf32>
      %max3A_1896 = arith.maximumf %slice3A_1863, %slice3A_1864 : vector<8x128xf32>
      %max3A_1897 = arith.maximumf %slice3A_1865, %slice3A_1866 : vector<8x128xf32>
      %max3A_1898 = arith.maximumf %slice3A_1867, %slice3A_1868 : vector<8x128xf32>
      %max3A_1899 = arith.maximumf %slice3A_1869, %slice3A_1870 : vector<8x128xf32>
      %max3A_1900 = arith.maximumf %slice3A_1871, %slice3A_1872 : vector<8x128xf32>
      %max3A_1901 = arith.maximumf %slice3A_1873, %slice3A_1874 : vector<8x128xf32>
      %max3A_1902 = arith.maximumf %slice3A_1875, %slice3A_1876 : vector<8x128xf32>
      %max3A_1903 = arith.maximumf %slice3A_1877, %slice3A_1878 : vector<8x128xf32>
      %max3A_1904 = arith.maximumf %max3A_1879, %max3A_1880 : vector<8x128xf32>
      %max3A_1905 = arith.maximumf %max3A_1881, %max3A_1882 : vector<8x128xf32>
      %max3A_1906 = arith.maximumf %max3A_1883, %max3A_1884 : vector<8x128xf32>
      %max3A_1907 = arith.maximumf %max3A_1885, %max3A_1886 : vector<8x128xf32>
      %max3A_1908 = arith.maximumf %max3A_1887, %max3A_1888 : vector<8x128xf32>
      %max3A_1909 = arith.maximumf %max3A_1889, %max3A_1890 : vector<8x128xf32>
      %max3A_1910 = arith.maximumf %max3A_1891, %max3A_1892 : vector<8x128xf32>
      %max3A_1911 = arith.maximumf %max3A_1893, %max3A_1894 : vector<8x128xf32>
      %max3A_1912 = arith.maximumf %max3A_1895, %max3A_1896 : vector<8x128xf32>
      %max3A_1913 = arith.maximumf %max3A_1897, %max3A_1898 : vector<8x128xf32>
      %max3A_1914 = arith.maximumf %max3A_1899, %max3A_1900 : vector<8x128xf32>
      %max3A_1915 = arith.maximumf %max3A_1901, %max3A_1902 : vector<8x128xf32>
      %max3A_1916 = arith.maximumf %max3A_1904, %max3A_1905 : vector<8x128xf32>
      %max3A_1917 = arith.maximumf %max3A_1906, %max3A_1907 : vector<8x128xf32>
      %max3A_1918 = arith.maximumf %max3A_1908, %max3A_1909 : vector<8x128xf32>
      %max3A_1919 = arith.maximumf %max3A_1910, %max3A_1911 : vector<8x128xf32>
      %max3A_1920 = arith.maximumf %max3A_1912, %max3A_1913 : vector<8x128xf32>
      %max3A_1921 = arith.maximumf %max3A_1914, %max3A_1915 : vector<8x128xf32>
      %max3A_1922 = arith.maximumf %max3A_1916, %max3A_1917 : vector<8x128xf32>
      %max3A_1923 = arith.maximumf %max3A_1918, %max3A_1919 : vector<8x128xf32>
      %max3A_1924 = arith.maximumf %max3A_1920, %max3A_1921 : vector<8x128xf32>
      %max3A_1925 = arith.maximumf %max3A_1922, %max3A_1923 : vector<8x128xf32>
      %max3A_1926 = arith.maximumf %max3A_1924, %max3A_1903 : vector<8x128xf32>
      %max3A_1927 = arith.maximumf %max3A_1925, %max3A_1926 : vector<8x128xf32>
      %slice3A_1928 = vector.extract_strided_slice %max3A_1927 {offsets = [0, 0], sizes = [1, 128], strides = [1, 1]} : vector<8x128xf32> to vector<1x128xf32>
      %slice3A_1929 = vector.extract_strided_slice %max3A_1927 {offsets = [1, 0], sizes = [1, 128], strides = [1, 1]} : vector<8x128xf32> to vector<1x128xf32>
      %slice3A_1930 = vector.extract_strided_slice %max3A_1927 {offsets = [2, 0], sizes = [1, 128], strides = [1, 1]} : vector<8x128xf32> to vector<1x128xf32>
      %slice3A_1931 = vector.extract_strided_slice %max3A_1927 {offsets = [3, 0], sizes = [1, 128], strides = [1, 1]} : vector<8x128xf32> to vector<1x128xf32>
      %slice3A_1932 = vector.extract_strided_slice %max3A_1927 {offsets = [4, 0], sizes = [1, 128], strides = [1, 1]} : vector<8x128xf32> to vector<1x128xf32>
      %slice3A_1933 = vector.extract_strided_slice %max3A_1927 {offsets = [5, 0], sizes = [1, 128], strides = [1, 1]} : vector<8x128xf32> to vector<1x128xf32>
      %slice3A_1934 = vector.extract_strided_slice %max3A_1927 {offsets = [6, 0], sizes = [1, 128], strides = [1, 1]} : vector<8x128xf32> to vector<1x128xf32>
      %slice3A_1935 = vector.extract_strided_slice %max3A_1927 {offsets = [7, 0], sizes = [1, 128], strides = [1, 1]} : vector<8x128xf32> to vector<1x128xf32>
      %max3A_1936 = arith.maximumf %slice3A_1928, %slice3A_1929 : vector<1x128xf32>
      %max3A_1937 = arith.maximumf %slice3A_1930, %slice3A_1931 : vector<1x128xf32>
      %max3A_1938 = arith.maximumf %slice3A_1932, %slice3A_1933 : vector<1x128xf32>
      %max3A_1939 = arith.maximumf %slice3A_1934, %slice3A_1935 : vector<1x128xf32>
      %max3A_1940 = arith.maximumf %max3A_1936, %max3A_1937 : vector<1x128xf32>
      %max3A_1941 = arith.maximumf %max3A_1938, %max3A_1939 : vector<1x128xf32>
      %max3A_1942 = arith.maximumf %max3A_1940, %max3A_1941 : vector<1x128xf32>
      %eq3A_1943 = vector.broadcast %max3A_1942 : vector<1x128xf32> to vector<400x128xf32>
      %eq3A_1944 = arith.cmpf oeq, %select_n3A_1828, %eq3A_1943 : vector<400x128xf32>
      %jit3A_1945 = arith.constant 2147483647 : i32
      %broadcast_in_dim3A_1946 = vector.broadcast %jit3A_1945 : i32 to vector<400x128xi32>
      %select_n3A_1947 = arith.select %eq3A_1944, %iota3A_115, %broadcast_in_dim3A_1946 : vector<400x128xi1>, vector<400x128xi32>
      %slice3A_1948 = vector.extract_strided_slice %select_n3A_1947 {offsets = [0, 0], sizes = [8, 128], strides = [1, 1]} : vector<400x128xi32> to vector<8x128xi32>
      %slice3A_1949 = vector.extract_strided_slice %select_n3A_1947 {offsets = [8, 0], sizes = [8, 128], strides = [1, 1]} : vector<400x128xi32> to vector<8x128xi32>
      %slice3A_1950 = vector.extract_strided_slice %select_n3A_1947 {offsets = [16, 0], sizes = [8, 128], strides = [1, 1]} : vector<400x128xi32> to vector<8x128xi32>
      %slice3A_1951 = vector.extract_strided_slice %select_n3A_1947 {offsets = [24, 0], sizes = [8, 128], strides = [1, 1]} : vector<400x128xi32> to vector<8x128xi32>
      %slice3A_1952 = vector.extract_strided_slice %select_n3A_1947 {offsets = [32, 0], sizes = [8, 128], strides = [1, 1]} : vector<400x128xi32> to vector<8x128xi32>
      %slice3A_1953 = vector.extract_strided_slice %select_n3A_1947 {offsets = [40, 0], sizes = [8, 128], strides = [1, 1]} : vector<400x128xi32> to vector<8x128xi32>
      %slice3A_1954 = vector.extract_strided_slice %select_n3A_1947 {offsets = [48, 0], sizes = [8, 128], strides = [1, 1]} : vector<400x128xi32> to vector<8x128xi32>
      %slice3A_1955 = vector.extract_strided_slice %select_n3A_1947 {offsets = [56, 0], sizes = [8, 128], strides = [1, 1]} : vector<400x128xi32> to vector<8x128xi32>
      %slice3A_1956 = vector.extract_strided_slice %select_n3A_1947 {offsets = [64, 0], sizes = [8, 128], strides = [1, 1]} : vector<400x128xi32> to vector<8x128xi32>
      %slice3A_1957 = vector.extract_strided_slice %select_n3A_1947 {offsets = [72, 0], sizes = [8, 128], strides = [1, 1]} : vector<400x128xi32> to vector<8x128xi32>
      %slice3A_1958 = vector.extract_strided_slice %select_n3A_1947 {offsets = [80, 0], sizes = [8, 128], strides = [1, 1]} : vector<400x128xi32> to vector<8x128xi32>
      %slice3A_1959 = vector.extract_strided_slice %select_n3A_1947 {offsets = [88, 0], sizes = [8, 128], strides = [1, 1]} : vector<400x128xi32> to vector<8x128xi32>
      %slice3A_1960 = vector.extract_strided_slice %select_n3A_1947 {offsets = [96, 0], sizes = [8, 128], strides = [1, 1]} : vector<400x128xi32> to vector<8x128xi32>
      %slice3A_1961 = vector.extract_strided_slice %select_n3A_1947 {offsets = [104, 0], sizes = [8, 128], strides = [1, 1]} : vector<400x128xi32> to vector<8x128xi32>
      %slice3A_1962 = vector.extract_strided_slice %select_n3A_1947 {offsets = [112, 0], sizes = [8, 128], strides = [1, 1]} : vector<400x128xi32> to vector<8x128xi32>
      %slice3A_1963 = vector.extract_strided_slice %select_n3A_1947 {offsets = [120, 0], sizes = [8, 128], strides = [1, 1]} : vector<400x128xi32> to vector<8x128xi32>
      %slice3A_1964 = vector.extract_strided_slice %select_n3A_1947 {offsets = [128, 0], sizes = [8, 128], strides = [1, 1]} : vector<400x128xi32> to vector<8x128xi32>
      %slice3A_1965 = vector.extract_strided_slice %select_n3A_1947 {offsets = [136, 0], sizes = [8, 128], strides = [1, 1]} : vector<400x128xi32> to vector<8x128xi32>
      %slice3A_1966 = vector.extract_strided_slice %select_n3A_1947 {offsets = [144, 0], sizes = [8, 128], strides = [1, 1]} : vector<400x128xi32> to vector<8x128xi32>
      %slice3A_1967 = vector.extract_strided_slice %select_n3A_1947 {offsets = [152, 0], sizes = [8, 128], strides = [1, 1]} : vector<400x128xi32> to vector<8x128xi32>
      %slice3A_1968 = vector.extract_strided_slice %select_n3A_1947 {offsets = [160, 0], sizes = [8, 128], strides = [1, 1]} : vector<400x128xi32> to vector<8x128xi32>
      %slice3A_1969 = vector.extract_strided_slice %select_n3A_1947 {offsets = [168, 0], sizes = [8, 128], strides = [1, 1]} : vector<400x128xi32> to vector<8x128xi32>
      %slice3A_1970 = vector.extract_strided_slice %select_n3A_1947 {offsets = [176, 0], sizes = [8, 128], strides = [1, 1]} : vector<400x128xi32> to vector<8x128xi32>
      %slice3A_1971 = vector.extract_strided_slice %select_n3A_1947 {offsets = [184, 0], sizes = [8, 128], strides = [1, 1]} : vector<400x128xi32> to vector<8x128xi32>
      %slice3A_1972 = vector.extract_strided_slice %select_n3A_1947 {offsets = [192, 0], sizes = [8, 128], strides = [1, 1]} : vector<400x128xi32> to vector<8x128xi32>
      %slice3A_1973 = vector.extract_strided_slice %select_n3A_1947 {offsets = [200, 0], sizes = [8, 128], strides = [1, 1]} : vector<400x128xi32> to vector<8x128xi32>
      %slice3A_1974 = vector.extract_strided_slice %select_n3A_1947 {offsets = [208, 0], sizes = [8, 128], strides = [1, 1]} : vector<400x128xi32> to vector<8x128xi32>
      %slice3A_1975 = vector.extract_strided_slice %select_n3A_1947 {offsets = [216, 0], sizes = [8, 128], strides = [1, 1]} : vector<400x128xi32> to vector<8x128xi32>
      %slice3A_1976 = vector.extract_strided_slice %select_n3A_1947 {offsets = [224, 0], sizes = [8, 128], strides = [1, 1]} : vector<400x128xi32> to vector<8x128xi32>
      %slice3A_1977 = vector.extract_strided_slice %select_n3A_1947 {offsets = [232, 0], sizes = [8, 128], strides = [1, 1]} : vector<400x128xi32> to vector<8x128xi32>
      %slice3A_1978 = vector.extract_strided_slice %select_n3A_1947 {offsets = [240, 0], sizes = [8, 128], strides = [1, 1]} : vector<400x128xi32> to vector<8x128xi32>
      %slice3A_1979 = vector.extract_strided_slice %select_n3A_1947 {offsets = [248, 0], sizes = [8, 128], strides = [1, 1]} : vector<400x128xi32> to vector<8x128xi32>
      %slice3A_1980 = vector.extract_strided_slice %select_n3A_1947 {offsets = [256, 0], sizes = [8, 128], strides = [1, 1]} : vector<400x128xi32> to vector<8x128xi32>
      %slice3A_1981 = vector.extract_strided_slice %select_n3A_1947 {offsets = [264, 0], sizes = [8, 128], strides = [1, 1]} : vector<400x128xi32> to vector<8x128xi32>
      %slice3A_1982 = vector.extract_strided_slice %select_n3A_1947 {offsets = [272, 0], sizes = [8, 128], strides = [1, 1]} : vector<400x128xi32> to vector<8x128xi32>
      %slice3A_1983 = vector.extract_strided_slice %select_n3A_1947 {offsets = [280, 0], sizes = [8, 128], strides = [1, 1]} : vector<400x128xi32> to vector<8x128xi32>
      %slice3A_1984 = vector.extract_strided_slice %select_n3A_1947 {offsets = [288, 0], sizes = [8, 128], strides = [1, 1]} : vector<400x128xi32> to vector<8x128xi32>
      %slice3A_1985 = vector.extract_strided_slice %select_n3A_1947 {offsets = [296, 0], sizes = [8, 128], strides = [1, 1]} : vector<400x128xi32> to vector<8x128xi32>
      %slice3A_1986 = vector.extract_strided_slice %select_n3A_1947 {offsets = [304, 0], sizes = [8, 128], strides = [1, 1]} : vector<400x128xi32> to vector<8x128xi32>
      %slice3A_1987 = vector.extract_strided_slice %select_n3A_1947 {offsets = [312, 0], sizes = [8, 128], strides = [1, 1]} : vector<400x128xi32> to vector<8x128xi32>
      %slice3A_1988 = vector.extract_strided_slice %select_n3A_1947 {offsets = [320, 0], sizes = [8, 128], strides = [1, 1]} : vector<400x128xi32> to vector<8x128xi32>
      %slice3A_1989 = vector.extract_strided_slice %select_n3A_1947 {offsets = [328, 0], sizes = [8, 128], strides = [1, 1]} : vector<400x128xi32> to vector<8x128xi32>
      %slice3A_1990 = vector.extract_strided_slice %select_n3A_1947 {offsets = [336, 0], sizes = [8, 128], strides = [1, 1]} : vector<400x128xi32> to vector<8x128xi32>
      %slice3A_1991 = vector.extract_strided_slice %select_n3A_1947 {offsets = [344, 0], sizes = [8, 128], strides = [1, 1]} : vector<400x128xi32> to vector<8x128xi32>
      %slice3A_1992 = vector.extract_strided_slice %select_n3A_1947 {offsets = [352, 0], sizes = [8, 128], strides = [1, 1]} : vector<400x128xi32> to vector<8x128xi32>
      %slice3A_1993 = vector.extract_strided_slice %select_n3A_1947 {offsets = [360, 0], sizes = [8, 128], strides = [1, 1]} : vector<400x128xi32> to vector<8x128xi32>
      %slice3A_1994 = vector.extract_strided_slice %select_n3A_1947 {offsets = [368, 0], sizes = [8, 128], strides = [1, 1]} : vector<400x128xi32> to vector<8x128xi32>
      %slice3A_1995 = vector.extract_strided_slice %select_n3A_1947 {offsets = [376, 0], sizes = [8, 128], strides = [1, 1]} : vector<400x128xi32> to vector<8x128xi32>
      %slice3A_1996 = vector.extract_strided_slice %select_n3A_1947 {offsets = [384, 0], sizes = [8, 128], strides = [1, 1]} : vector<400x128xi32> to vector<8x128xi32>
      %slice3A_1997 = vector.extract_strided_slice %select_n3A_1947 {offsets = [392, 0], sizes = [8, 128], strides = [1, 1]} : vector<400x128xi32> to vector<8x128xi32>
      %min3A_1998 = arith.minsi %slice3A_1948, %slice3A_1949 : vector<8x128xi32>
      %min3A_1999 = arith.minsi %slice3A_1950, %slice3A_1951 : vector<8x128xi32>
      %min3A_2000 = arith.minsi %slice3A_1952, %slice3A_1953 : vector<8x128xi32>
      %min3A_2001 = arith.minsi %slice3A_1954, %slice3A_1955 : vector<8x128xi32>
      %min3A_2002 = arith.minsi %slice3A_1956, %slice3A_1957 : vector<8x128xi32>
      %min3A_2003 = arith.minsi %slice3A_1958, %slice3A_1959 : vector<8x128xi32>
      %min3A_2004 = arith.minsi %slice3A_1960, %slice3A_1961 : vector<8x128xi32>
      %min3A_2005 = arith.minsi %slice3A_1962, %slice3A_1963 : vector<8x128xi32>
      %min3A_2006 = arith.minsi %slice3A_1964, %slice3A_1965 : vector<8x128xi32>
      %min3A_2007 = arith.minsi %slice3A_1966, %slice3A_1967 : vector<8x128xi32>
      %min3A_2008 = arith.minsi %slice3A_1968, %slice3A_1969 : vector<8x128xi32>
      %min3A_2009 = arith.minsi %slice3A_1970, %slice3A_1971 : vector<8x128xi32>
      %min3A_2010 = arith.minsi %slice3A_1972, %slice3A_1973 : vector<8x128xi32>
      %min3A_2011 = arith.minsi %slice3A_1974, %slice3A_1975 : vector<8x128xi32>
      %min3A_2012 = arith.minsi %slice3A_1976, %slice3A_1977 : vector<8x128xi32>
      %min3A_2013 = arith.minsi %slice3A_1978, %slice3A_1979 : vector<8x128xi32>
      %min3A_2014 = arith.minsi %slice3A_1980, %slice3A_1981 : vector<8x128xi32>
      %min3A_2015 = arith.minsi %slice3A_1982, %slice3A_1983 : vector<8x128xi32>
      %min3A_2016 = arith.minsi %slice3A_1984, %slice3A_1985 : vector<8x128xi32>
      %min3A_2017 = arith.minsi %slice3A_1986, %slice3A_1987 : vector<8x128xi32>
      %min3A_2018 = arith.minsi %slice3A_1988, %slice3A_1989 : vector<8x128xi32>
      %min3A_2019 = arith.minsi %slice3A_1990, %slice3A_1991 : vector<8x128xi32>
      %min3A_2020 = arith.minsi %slice3A_1992, %slice3A_1993 : vector<8x128xi32>
      %min3A_2021 = arith.minsi %slice3A_1994, %slice3A_1995 : vector<8x128xi32>
      %min3A_2022 = arith.minsi %slice3A_1996, %slice3A_1997 : vector<8x128xi32>
      %min3A_2023 = arith.minsi %min3A_1998, %min3A_1999 : vector<8x128xi32>
      %min3A_2024 = arith.minsi %min3A_2000, %min3A_2001 : vector<8x128xi32>
      %min3A_2025 = arith.minsi %min3A_2002, %min3A_2003 : vector<8x128xi32>
      %min3A_2026 = arith.minsi %min3A_2004, %min3A_2005 : vector<8x128xi32>
      %min3A_2027 = arith.minsi %min3A_2006, %min3A_2007 : vector<8x128xi32>
      %min3A_2028 = arith.minsi %min3A_2008, %min3A_2009 : vector<8x128xi32>
      %min3A_2029 = arith.minsi %min3A_2010, %min3A_2011 : vector<8x128xi32>
      %min3A_2030 = arith.minsi %min3A_2012, %min3A_2013 : vector<8x128xi32>
      %min3A_2031 = arith.minsi %min3A_2014, %min3A_2015 : vector<8x128xi32>
      %min3A_2032 = arith.minsi %min3A_2016, %min3A_2017 : vector<8x128xi32>
      %min3A_2033 = arith.minsi %min3A_2018, %min3A_2019 : vector<8x128xi32>
      %min3A_2034 = arith.minsi %min3A_2020, %min3A_2021 : vector<8x128xi32>
      %min3A_2035 = arith.minsi %min3A_2023, %min3A_2024 : vector<8x128xi32>
      %min3A_2036 = arith.minsi %min3A_2025, %min3A_2026 : vector<8x128xi32>
      %min3A_2037 = arith.minsi %min3A_2027, %min3A_2028 : vector<8x128xi32>
      %min3A_2038 = arith.minsi %min3A_2029, %min3A_2030 : vector<8x128xi32>
      %min3A_2039 = arith.minsi %min3A_2031, %min3A_2032 : vector<8x128xi32>
      %min3A_2040 = arith.minsi %min3A_2033, %min3A_2034 : vector<8x128xi32>
      %min3A_2041 = arith.minsi %min3A_2035, %min3A_2036 : vector<8x128xi32>
      %min3A_2042 = arith.minsi %min3A_2037, %min3A_2038 : vector<8x128xi32>
      %min3A_2043 = arith.minsi %min3A_2039, %min3A_2040 : vector<8x128xi32>
      %min3A_2044 = arith.minsi %min3A_2041, %min3A_2042 : vector<8x128xi32>
      %min3A_2045 = arith.minsi %min3A_2043, %min3A_2022 : vector<8x128xi32>
      %min3A_2046 = arith.minsi %min3A_2044, %min3A_2045 : vector<8x128xi32>
      %slice3A_2047 = vector.extract_strided_slice %min3A_2046 {offsets = [0, 0], sizes = [1, 128], strides = [1, 1]} : vector<8x128xi32> to vector<1x128xi32>
      %slice3A_2048 = vector.extract_strided_slice %min3A_2046 {offsets = [1, 0], sizes = [1, 128], strides = [1, 1]} : vector<8x128xi32> to vector<1x128xi32>
      %slice3A_2049 = vector.extract_strided_slice %min3A_2046 {offsets = [2, 0], sizes = [1, 128], strides = [1, 1]} : vector<8x128xi32> to vector<1x128xi32>
      %slice3A_2050 = vector.extract_strided_slice %min3A_2046 {offsets = [3, 0], sizes = [1, 128], strides = [1, 1]} : vector<8x128xi32> to vector<1x128xi32>
      %slice3A_2051 = vector.extract_strided_slice %min3A_2046 {offsets = [4, 0], sizes = [1, 128], strides = [1, 1]} : vector<8x128xi32> to vector<1x128xi32>
      %slice3A_2052 = vector.extract_strided_slice %min3A_2046 {offsets = [5, 0], sizes = [1, 128], strides = [1, 1]} : vector<8x128xi32> to vector<1x128xi32>
      %slice3A_2053 = vector.extract_strided_slice %min3A_2046 {offsets = [6, 0], sizes = [1, 128], strides = [1, 1]} : vector<8x128xi32> to vector<1x128xi32>
      %slice3A_2054 = vector.extract_strided_slice %min3A_2046 {offsets = [7, 0], sizes = [1, 128], strides = [1, 1]} : vector<8x128xi32> to vector<1x128xi32>
      %min3A_2055 = arith.minsi %slice3A_2047, %slice3A_2048 : vector<1x128xi32>
      %min3A_2056 = arith.minsi %slice3A_2049, %slice3A_2050 : vector<1x128xi32>
      %min3A_2057 = arith.minsi %slice3A_2051, %slice3A_2052 : vector<1x128xi32>
      %min3A_2058 = arith.minsi %slice3A_2053, %slice3A_2054 : vector<1x128xi32>
      %min3A_2059 = arith.minsi %min3A_2055, %min3A_2056 : vector<1x128xi32>
      %min3A_2060 = arith.minsi %min3A_2057, %min3A_2058 : vector<1x128xi32>
      %min3A_2061 = arith.minsi %min3A_2059, %min3A_2060 : vector<1x128xi32>
      %mul3A_2062 = arith.constant 128 : i32
      %mul3A_2063 = vector.broadcast %mul3A_2062 : i32 to vector<1x128xi32>
      %mul3A_2064 = arith.muli %min3A_2061, %mul3A_2063 : vector<1x128xi32>
      %iota3A_2065 = tpu.iota {dimensions = array<i32: 1>} : vector<1x128xi32>
      %add3A_2066 = arith.addi %mul3A_2064, %iota3A_2065 : vector<1x128xi32>
      %concatenate3A = tpu.concatenate %max3A_242, %max3A_484, %max3A_727, %max3A_970, %max3A_1213, %max3A_1456, %max3A_1699, %max3A_1942 in 0 : vector<1x128xf32>, vector<1x128xf32>, vector<1x128xf32>, vector<1x128xf32>, vector<1x128xf32>, vector<1x128xf32>, vector<1x128xf32>, vector<1x128xf32> -> vector<8x128xf32>
      %concatenate3A_2067 = tpu.concatenate %add3A_365, %add3A_608, %add3A_851, %add3A_1094, %add3A_1337, %add3A_1580, %add3A_1823, %add3A_2066 in 0 : vector<1x128xi32>, vector<1x128xi32>, vector<1x128xi32>, vector<1x128xi32>, vector<1x128xi32>, vector<1x128xi32>, vector<1x128xi32>, vector<1x128xi32> -> vector<8x128xi32>
      %slice3A_2068 = vector.extract_strided_slice %select_n3A_129 {offsets = [0, 0], sizes = [8, 128], strides = [1, 1]} : vector<400x128xf32> to vector<8x128xf32>
      %slice3A_2069 = vector.extract_strided_slice %select_n3A_129 {offsets = [8, 0], sizes = [8, 128], strides = [1, 1]} : vector<400x128xf32> to vector<8x128xf32>
      %slice3A_2070 = vector.extract_strided_slice %select_n3A_129 {offsets = [16, 0], sizes = [8, 128], strides = [1, 1]} : vector<400x128xf32> to vector<8x128xf32>
      %slice3A_2071 = vector.extract_strided_slice %select_n3A_129 {offsets = [24, 0], sizes = [8, 128], strides = [1, 1]} : vector<400x128xf32> to vector<8x128xf32>
      %slice3A_2072 = vector.extract_strided_slice %select_n3A_129 {offsets = [32, 0], sizes = [8, 128], strides = [1, 1]} : vector<400x128xf32> to vector<8x128xf32>
      %slice3A_2073 = vector.extract_strided_slice %select_n3A_129 {offsets = [40, 0], sizes = [8, 128], strides = [1, 1]} : vector<400x128xf32> to vector<8x128xf32>
      %slice3A_2074 = vector.extract_strided_slice %select_n3A_129 {offsets = [48, 0], sizes = [8, 128], strides = [1, 1]} : vector<400x128xf32> to vector<8x128xf32>
      %slice3A_2075 = vector.extract_strided_slice %select_n3A_129 {offsets = [56, 0], sizes = [8, 128], strides = [1, 1]} : vector<400x128xf32> to vector<8x128xf32>
      %slice3A_2076 = vector.extract_strided_slice %select_n3A_129 {offsets = [64, 0], sizes = [8, 128], strides = [1, 1]} : vector<400x128xf32> to vector<8x128xf32>
      %slice3A_2077 = vector.extract_strided_slice %select_n3A_129 {offsets = [72, 0], sizes = [8, 128], strides = [1, 1]} : vector<400x128xf32> to vector<8x128xf32>
      %slice3A_2078 = vector.extract_strided_slice %select_n3A_129 {offsets = [80, 0], sizes = [8, 128], strides = [1, 1]} : vector<400x128xf32> to vector<8x128xf32>
      %slice3A_2079 = vector.extract_strided_slice %select_n3A_129 {offsets = [88, 0], sizes = [8, 128], strides = [1, 1]} : vector<400x128xf32> to vector<8x128xf32>
      %slice3A_2080 = vector.extract_strided_slice %select_n3A_129 {offsets = [96, 0], sizes = [8, 128], strides = [1, 1]} : vector<400x128xf32> to vector<8x128xf32>
      %slice3A_2081 = vector.extract_strided_slice %select_n3A_129 {offsets = [104, 0], sizes = [8, 128], strides = [1, 1]} : vector<400x128xf32> to vector<8x128xf32>
      %slice3A_2082 = vector.extract_strided_slice %select_n3A_129 {offsets = [112, 0], sizes = [8, 128], strides = [1, 1]} : vector<400x128xf32> to vector<8x128xf32>
      %slice3A_2083 = vector.extract_strided_slice %select_n3A_129 {offsets = [120, 0], sizes = [8, 128], strides = [1, 1]} : vector<400x128xf32> to vector<8x128xf32>
      %slice3A_2084 = vector.extract_strided_slice %select_n3A_129 {offsets = [128, 0], sizes = [8, 128], strides = [1, 1]} : vector<400x128xf32> to vector<8x128xf32>
      %slice3A_2085 = vector.extract_strided_slice %select_n3A_129 {offsets = [136, 0], sizes = [8, 128], strides = [1, 1]} : vector<400x128xf32> to vector<8x128xf32>
      %slice3A_2086 = vector.extract_strided_slice %select_n3A_129 {offsets = [144, 0], sizes = [8, 128], strides = [1, 1]} : vector<400x128xf32> to vector<8x128xf32>
      %slice3A_2087 = vector.extract_strided_slice %select_n3A_129 {offsets = [152, 0], sizes = [8, 128], strides = [1, 1]} : vector<400x128xf32> to vector<8x128xf32>
      %slice3A_2088 = vector.extract_strided_slice %select_n3A_129 {offsets = [160, 0], sizes = [8, 128], strides = [1, 1]} : vector<400x128xf32> to vector<8x128xf32>
      %slice3A_2089 = vector.extract_strided_slice %select_n3A_129 {offsets = [168, 0], sizes = [8, 128], strides = [1, 1]} : vector<400x128xf32> to vector<8x128xf32>
      %slice3A_2090 = vector.extract_strided_slice %select_n3A_129 {offsets = [176, 0], sizes = [8, 128], strides = [1, 1]} : vector<400x128xf32> to vector<8x128xf32>
      %slice3A_2091 = vector.extract_strided_slice %select_n3A_129 {offsets = [184, 0], sizes = [8, 128], strides = [1, 1]} : vector<400x128xf32> to vector<8x128xf32>
      %slice3A_2092 = vector.extract_strided_slice %select_n3A_129 {offsets = [192, 0], sizes = [8, 128], strides = [1, 1]} : vector<400x128xf32> to vector<8x128xf32>
      %slice3A_2093 = vector.extract_strided_slice %select_n3A_129 {offsets = [200, 0], sizes = [8, 128], strides = [1, 1]} : vector<400x128xf32> to vector<8x128xf32>
      %slice3A_2094 = vector.extract_strided_slice %select_n3A_129 {offsets = [208, 0], sizes = [8, 128], strides = [1, 1]} : vector<400x128xf32> to vector<8x128xf32>
      %slice3A_2095 = vector.extract_strided_slice %select_n3A_129 {offsets = [216, 0], sizes = [8, 128], strides = [1, 1]} : vector<400x128xf32> to vector<8x128xf32>
      %slice3A_2096 = vector.extract_strided_slice %select_n3A_129 {offsets = [224, 0], sizes = [8, 128], strides = [1, 1]} : vector<400x128xf32> to vector<8x128xf32>
      %slice3A_2097 = vector.extract_strided_slice %select_n3A_129 {offsets = [232, 0], sizes = [8, 128], strides = [1, 1]} : vector<400x128xf32> to vector<8x128xf32>
      %slice3A_2098 = vector.extract_strided_slice %select_n3A_129 {offsets = [240, 0], sizes = [8, 128], strides = [1, 1]} : vector<400x128xf32> to vector<8x128xf32>
      %slice3A_2099 = vector.extract_strided_slice %select_n3A_129 {offsets = [248, 0], sizes = [8, 128], strides = [1, 1]} : vector<400x128xf32> to vector<8x128xf32>
      %slice3A_2100 = vector.extract_strided_slice %select_n3A_129 {offsets = [256, 0], sizes = [8, 128], strides = [1, 1]} : vector<400x128xf32> to vector<8x128xf32>
      %slice3A_2101 = vector.extract_strided_slice %select_n3A_129 {offsets = [264, 0], sizes = [8, 128], strides = [1, 1]} : vector<400x128xf32> to vector<8x128xf32>
      %slice3A_2102 = vector.extract_strided_slice %select_n3A_129 {offsets = [272, 0], sizes = [8, 128], strides = [1, 1]} : vector<400x128xf32> to vector<8x128xf32>
      %slice3A_2103 = vector.extract_strided_slice %select_n3A_129 {offsets = [280, 0], sizes = [8, 128], strides = [1, 1]} : vector<400x128xf32> to vector<8x128xf32>
      %slice3A_2104 = vector.extract_strided_slice %select_n3A_129 {offsets = [288, 0], sizes = [8, 128], strides = [1, 1]} : vector<400x128xf32> to vector<8x128xf32>
      %slice3A_2105 = vector.extract_strided_slice %select_n3A_129 {offsets = [296, 0], sizes = [8, 128], strides = [1, 1]} : vector<400x128xf32> to vector<8x128xf32>
      %slice3A_2106 = vector.extract_strided_slice %select_n3A_129 {offsets = [304, 0], sizes = [8, 128], strides = [1, 1]} : vector<400x128xf32> to vector<8x128xf32>
      %slice3A_2107 = vector.extract_strided_slice %select_n3A_129 {offsets = [312, 0], sizes = [8, 128], strides = [1, 1]} : vector<400x128xf32> to vector<8x128xf32>
      %slice3A_2108 = vector.extract_strided_slice %select_n3A_129 {offsets = [320, 0], sizes = [8, 128], strides = [1, 1]} : vector<400x128xf32> to vector<8x128xf32>
      %slice3A_2109 = vector.extract_strided_slice %select_n3A_129 {offsets = [328, 0], sizes = [8, 128], strides = [1, 1]} : vector<400x128xf32> to vector<8x128xf32>
      %slice3A_2110 = vector.extract_strided_slice %select_n3A_129 {offsets = [336, 0], sizes = [8, 128], strides = [1, 1]} : vector<400x128xf32> to vector<8x128xf32>
      %slice3A_2111 = vector.extract_strided_slice %select_n3A_129 {offsets = [344, 0], sizes = [8, 128], strides = [1, 1]} : vector<400x128xf32> to vector<8x128xf32>
      %slice3A_2112 = vector.extract_strided_slice %select_n3A_129 {offsets = [352, 0], sizes = [8, 128], strides = [1, 1]} : vector<400x128xf32> to vector<8x128xf32>
      %slice3A_2113 = vector.extract_strided_slice %select_n3A_129 {offsets = [360, 0], sizes = [8, 128], strides = [1, 1]} : vector<400x128xf32> to vector<8x128xf32>
      %slice3A_2114 = vector.extract_strided_slice %select_n3A_129 {offsets = [368, 0], sizes = [8, 128], strides = [1, 1]} : vector<400x128xf32> to vector<8x128xf32>
      %slice3A_2115 = vector.extract_strided_slice %select_n3A_129 {offsets = [376, 0], sizes = [8, 128], strides = [1, 1]} : vector<400x128xf32> to vector<8x128xf32>
      %slice3A_2116 = vector.extract_strided_slice %select_n3A_129 {offsets = [384, 0], sizes = [8, 128], strides = [1, 1]} : vector<400x128xf32> to vector<8x128xf32>
      %slice3A_2117 = vector.extract_strided_slice %select_n3A_129 {offsets = [392, 0], sizes = [8, 128], strides = [1, 1]} : vector<400x128xf32> to vector<8x128xf32>
      %min3A_2118 = arith.minimumf %slice3A_2068, %slice3A_2069 : vector<8x128xf32>
      %min3A_2119 = arith.minimumf %slice3A_2070, %slice3A_2071 : vector<8x128xf32>
      %min3A_2120 = arith.minimumf %slice3A_2072, %slice3A_2073 : vector<8x128xf32>
      %min3A_2121 = arith.minimumf %slice3A_2074, %slice3A_2075 : vector<8x128xf32>
      %min3A_2122 = arith.minimumf %slice3A_2076, %slice3A_2077 : vector<8x128xf32>
      %min3A_2123 = arith.minimumf %slice3A_2078, %slice3A_2079 : vector<8x128xf32>
      %min3A_2124 = arith.minimumf %slice3A_2080, %slice3A_2081 : vector<8x128xf32>
      %min3A_2125 = arith.minimumf %slice3A_2082, %slice3A_2083 : vector<8x128xf32>
      %min3A_2126 = arith.minimumf %slice3A_2084, %slice3A_2085 : vector<8x128xf32>
      %min3A_2127 = arith.minimumf %slice3A_2086, %slice3A_2087 : vector<8x128xf32>
      %min3A_2128 = arith.minimumf %slice3A_2088, %slice3A_2089 : vector<8x128xf32>
      %min3A_2129 = arith.minimumf %slice3A_2090, %slice3A_2091 : vector<8x128xf32>
      %min3A_2130 = arith.minimumf %slice3A_2092, %slice3A_2093 : vector<8x128xf32>
      %min3A_2131 = arith.minimumf %slice3A_2094, %slice3A_2095 : vector<8x128xf32>
      %min3A_2132 = arith.minimumf %slice3A_2096, %slice3A_2097 : vector<8x128xf32>
      %min3A_2133 = arith.minimumf %slice3A_2098, %slice3A_2099 : vector<8x128xf32>
      %min3A_2134 = arith.minimumf %slice3A_2100, %slice3A_2101 : vector<8x128xf32>
      %min3A_2135 = arith.minimumf %slice3A_2102, %slice3A_2103 : vector<8x128xf32>
      %min3A_2136 = arith.minimumf %slice3A_2104, %slice3A_2105 : vector<8x128xf32>
      %min3A_2137 = arith.minimumf %slice3A_2106, %slice3A_2107 : vector<8x128xf32>
      %min3A_2138 = arith.minimumf %slice3A_2108, %slice3A_2109 : vector<8x128xf32>
      %min3A_2139 = arith.minimumf %slice3A_2110, %slice3A_2111 : vector<8x128xf32>
      %min3A_2140 = arith.minimumf %slice3A_2112, %slice3A_2113 : vector<8x128xf32>
      %min3A_2141 = arith.minimumf %slice3A_2114, %slice3A_2115 : vector<8x128xf32>
      %min3A_2142 = arith.minimumf %slice3A_2116, %slice3A_2117 : vector<8x128xf32>
      %min3A_2143 = arith.minimumf %min3A_2118, %min3A_2119 : vector<8x128xf32>
      %min3A_2144 = arith.minimumf %min3A_2120, %min3A_2121 : vector<8x128xf32>
      %min3A_2145 = arith.minimumf %min3A_2122, %min3A_2123 : vector<8x128xf32>
      %min3A_2146 = arith.minimumf %min3A_2124, %min3A_2125 : vector<8x128xf32>
      %min3A_2147 = arith.minimumf %min3A_2126, %min3A_2127 : vector<8x128xf32>
      %min3A_2148 = arith.minimumf %min3A_2128, %min3A_2129 : vector<8x128xf32>
      %min3A_2149 = arith.minimumf %min3A_2130, %min3A_2131 : vector<8x128xf32>
      %min3A_2150 = arith.minimumf %min3A_2132, %min3A_2133 : vector<8x128xf32>
      %min3A_2151 = arith.minimumf %min3A_2134, %min3A_2135 : vector<8x128xf32>
      %min3A_2152 = arith.minimumf %min3A_2136, %min3A_2137 : vector<8x128xf32>
      %min3A_2153 = arith.minimumf %min3A_2138, %min3A_2139 : vector<8x128xf32>
      %min3A_2154 = arith.minimumf %min3A_2140, %min3A_2141 : vector<8x128xf32>
      %min3A_2155 = arith.minimumf %min3A_2143, %min3A_2144 : vector<8x128xf32>
      %min3A_2156 = arith.minimumf %min3A_2145, %min3A_2146 : vector<8x128xf32>
      %min3A_2157 = arith.minimumf %min3A_2147, %min3A_2148 : vector<8x128xf32>
      %min3A_2158 = arith.minimumf %min3A_2149, %min3A_2150 : vector<8x128xf32>
      %min3A_2159 = arith.minimumf %min3A_2151, %min3A_2152 : vector<8x128xf32>
      %min3A_2160 = arith.minimumf %min3A_2153, %min3A_2154 : vector<8x128xf32>
      %min3A_2161 = arith.minimumf %min3A_2155, %min3A_2156 : vector<8x128xf32>
      %min3A_2162 = arith.minimumf %min3A_2157, %min3A_2158 : vector<8x128xf32>
      %min3A_2163 = arith.minimumf %min3A_2159, %min3A_2160 : vector<8x128xf32>
      %min3A_2164 = arith.minimumf %min3A_2161, %min3A_2162 : vector<8x128xf32>
      %min3A_2165 = arith.minimumf %min3A_2163, %min3A_2142 : vector<8x128xf32>
      %min3A_2166 = arith.minimumf %min3A_2164, %min3A_2165 : vector<8x128xf32>
      %slice3A_2167 = vector.extract_strided_slice %min3A_2166 {offsets = [0, 0], sizes = [1, 128], strides = [1, 1]} : vector<8x128xf32> to vector<1x128xf32>
      %slice3A_2168 = vector.extract_strided_slice %min3A_2166 {offsets = [1, 0], sizes = [1, 128], strides = [1, 1]} : vector<8x128xf32> to vector<1x128xf32>
      %slice3A_2169 = vector.extract_strided_slice %min3A_2166 {offsets = [2, 0], sizes = [1, 128], strides = [1, 1]} : vector<8x128xf32> to vector<1x128xf32>
      %slice3A_2170 = vector.extract_strided_slice %min3A_2166 {offsets = [3, 0], sizes = [1, 128], strides = [1, 1]} : vector<8x128xf32> to vector<1x128xf32>
      %slice3A_2171 = vector.extract_strided_slice %min3A_2166 {offsets = [4, 0], sizes = [1, 128], strides = [1, 1]} : vector<8x128xf32> to vector<1x128xf32>
      %slice3A_2172 = vector.extract_strided_slice %min3A_2166 {offsets = [5, 0], sizes = [1, 128], strides = [1, 1]} : vector<8x128xf32> to vector<1x128xf32>
      %slice3A_2173 = vector.extract_strided_slice %min3A_2166 {offsets = [6, 0], sizes = [1, 128], strides = [1, 1]} : vector<8x128xf32> to vector<1x128xf32>
      %slice3A_2174 = vector.extract_strided_slice %min3A_2166 {offsets = [7, 0], sizes = [1, 128], strides = [1, 1]} : vector<8x128xf32> to vector<1x128xf32>
      %min3A_2175 = arith.minimumf %slice3A_2167, %slice3A_2168 : vector<1x128xf32>
      %min3A_2176 = arith.minimumf %slice3A_2169, %slice3A_2170 : vector<1x128xf32>
      %min3A_2177 = arith.minimumf %slice3A_2171, %slice3A_2172 : vector<1x128xf32>
      %min3A_2178 = arith.minimumf %slice3A_2173, %slice3A_2174 : vector<1x128xf32>
      %min3A_2179 = arith.minimumf %min3A_2175, %min3A_2176 : vector<1x128xf32>
      %min3A_2180 = arith.minimumf %min3A_2177, %min3A_2178 : vector<1x128xf32>
      %min3A_2181 = arith.minimumf %min3A_2179, %min3A_2180 : vector<1x128xf32>
      %eq3A_2182 = vector.broadcast %min3A_2181 : vector<1x128xf32> to vector<400x128xf32>
      %eq3A_2183 = arith.cmpf oeq, %select_n3A_129, %eq3A_2182 : vector<400x128xf32>
      %jit3A_2184 = arith.constant 2147483647 : i32
      %broadcast_in_dim3A_2185 = vector.broadcast %jit3A_2184 : i32 to vector<400x128xi32>
      %select_n3A_2186 = arith.select %eq3A_2183, %iota3A_115, %broadcast_in_dim3A_2185 : vector<400x128xi1>, vector<400x128xi32>
      %slice3A_2187 = vector.extract_strided_slice %select_n3A_2186 {offsets = [0, 0], sizes = [8, 128], strides = [1, 1]} : vector<400x128xi32> to vector<8x128xi32>
      %slice3A_2188 = vector.extract_strided_slice %select_n3A_2186 {offsets = [8, 0], sizes = [8, 128], strides = [1, 1]} : vector<400x128xi32> to vector<8x128xi32>
      %slice3A_2189 = vector.extract_strided_slice %select_n3A_2186 {offsets = [16, 0], sizes = [8, 128], strides = [1, 1]} : vector<400x128xi32> to vector<8x128xi32>
      %slice3A_2190 = vector.extract_strided_slice %select_n3A_2186 {offsets = [24, 0], sizes = [8, 128], strides = [1, 1]} : vector<400x128xi32> to vector<8x128xi32>
      %slice3A_2191 = vector.extract_strided_slice %select_n3A_2186 {offsets = [32, 0], sizes = [8, 128], strides = [1, 1]} : vector<400x128xi32> to vector<8x128xi32>
      %slice3A_2192 = vector.extract_strided_slice %select_n3A_2186 {offsets = [40, 0], sizes = [8, 128], strides = [1, 1]} : vector<400x128xi32> to vector<8x128xi32>
      %slice3A_2193 = vector.extract_strided_slice %select_n3A_2186 {offsets = [48, 0], sizes = [8, 128], strides = [1, 1]} : vector<400x128xi32> to vector<8x128xi32>
      %slice3A_2194 = vector.extract_strided_slice %select_n3A_2186 {offsets = [56, 0], sizes = [8, 128], strides = [1, 1]} : vector<400x128xi32> to vector<8x128xi32>
      %slice3A_2195 = vector.extract_strided_slice %select_n3A_2186 {offsets = [64, 0], sizes = [8, 128], strides = [1, 1]} : vector<400x128xi32> to vector<8x128xi32>
      %slice3A_2196 = vector.extract_strided_slice %select_n3A_2186 {offsets = [72, 0], sizes = [8, 128], strides = [1, 1]} : vector<400x128xi32> to vector<8x128xi32>
      %slice3A_2197 = vector.extract_strided_slice %select_n3A_2186 {offsets = [80, 0], sizes = [8, 128], strides = [1, 1]} : vector<400x128xi32> to vector<8x128xi32>
      %slice3A_2198 = vector.extract_strided_slice %select_n3A_2186 {offsets = [88, 0], sizes = [8, 128], strides = [1, 1]} : vector<400x128xi32> to vector<8x128xi32>
      %slice3A_2199 = vector.extract_strided_slice %select_n3A_2186 {offsets = [96, 0], sizes = [8, 128], strides = [1, 1]} : vector<400x128xi32> to vector<8x128xi32>
      %slice3A_2200 = vector.extract_strided_slice %select_n3A_2186 {offsets = [104, 0], sizes = [8, 128], strides = [1, 1]} : vector<400x128xi32> to vector<8x128xi32>
      %slice3A_2201 = vector.extract_strided_slice %select_n3A_2186 {offsets = [112, 0], sizes = [8, 128], strides = [1, 1]} : vector<400x128xi32> to vector<8x128xi32>
      %slice3A_2202 = vector.extract_strided_slice %select_n3A_2186 {offsets = [120, 0], sizes = [8, 128], strides = [1, 1]} : vector<400x128xi32> to vector<8x128xi32>
      %slice3A_2203 = vector.extract_strided_slice %select_n3A_2186 {offsets = [128, 0], sizes = [8, 128], strides = [1, 1]} : vector<400x128xi32> to vector<8x128xi32>
      %slice3A_2204 = vector.extract_strided_slice %select_n3A_2186 {offsets = [136, 0], sizes = [8, 128], strides = [1, 1]} : vector<400x128xi32> to vector<8x128xi32>
      %slice3A_2205 = vector.extract_strided_slice %select_n3A_2186 {offsets = [144, 0], sizes = [8, 128], strides = [1, 1]} : vector<400x128xi32> to vector<8x128xi32>
      %slice3A_2206 = vector.extract_strided_slice %select_n3A_2186 {offsets = [152, 0], sizes = [8, 128], strides = [1, 1]} : vector<400x128xi32> to vector<8x128xi32>
      %slice3A_2207 = vector.extract_strided_slice %select_n3A_2186 {offsets = [160, 0], sizes = [8, 128], strides = [1, 1]} : vector<400x128xi32> to vector<8x128xi32>
      %slice3A_2208 = vector.extract_strided_slice %select_n3A_2186 {offsets = [168, 0], sizes = [8, 128], strides = [1, 1]} : vector<400x128xi32> to vector<8x128xi32>
      %slice3A_2209 = vector.extract_strided_slice %select_n3A_2186 {offsets = [176, 0], sizes = [8, 128], strides = [1, 1]} : vector<400x128xi32> to vector<8x128xi32>
      %slice3A_2210 = vector.extract_strided_slice %select_n3A_2186 {offsets = [184, 0], sizes = [8, 128], strides = [1, 1]} : vector<400x128xi32> to vector<8x128xi32>
      %slice3A_2211 = vector.extract_strided_slice %select_n3A_2186 {offsets = [192, 0], sizes = [8, 128], strides = [1, 1]} : vector<400x128xi32> to vector<8x128xi32>
      %slice3A_2212 = vector.extract_strided_slice %select_n3A_2186 {offsets = [200, 0], sizes = [8, 128], strides = [1, 1]} : vector<400x128xi32> to vector<8x128xi32>
      %slice3A_2213 = vector.extract_strided_slice %select_n3A_2186 {offsets = [208, 0], sizes = [8, 128], strides = [1, 1]} : vector<400x128xi32> to vector<8x128xi32>
      %slice3A_2214 = vector.extract_strided_slice %select_n3A_2186 {offsets = [216, 0], sizes = [8, 128], strides = [1, 1]} : vector<400x128xi32> to vector<8x128xi32>
      %slice3A_2215 = vector.extract_strided_slice %select_n3A_2186 {offsets = [224, 0], sizes = [8, 128], strides = [1, 1]} : vector<400x128xi32> to vector<8x128xi32>
      %slice3A_2216 = vector.extract_strided_slice %select_n3A_2186 {offsets = [232, 0], sizes = [8, 128], strides = [1, 1]} : vector<400x128xi32> to vector<8x128xi32>
      %slice3A_2217 = vector.extract_strided_slice %select_n3A_2186 {offsets = [240, 0], sizes = [8, 128], strides = [1, 1]} : vector<400x128xi32> to vector<8x128xi32>
      %slice3A_2218 = vector.extract_strided_slice %select_n3A_2186 {offsets = [248, 0], sizes = [8, 128], strides = [1, 1]} : vector<400x128xi32> to vector<8x128xi32>
      %slice3A_2219 = vector.extract_strided_slice %select_n3A_2186 {offsets = [256, 0], sizes = [8, 128], strides = [1, 1]} : vector<400x128xi32> to vector<8x128xi32>
      %slice3A_2220 = vector.extract_strided_slice %select_n3A_2186 {offsets = [264, 0], sizes = [8, 128], strides = [1, 1]} : vector<400x128xi32> to vector<8x128xi32>
      %slice3A_2221 = vector.extract_strided_slice %select_n3A_2186 {offsets = [272, 0], sizes = [8, 128], strides = [1, 1]} : vector<400x128xi32> to vector<8x128xi32>
      %slice3A_2222 = vector.extract_strided_slice %select_n3A_2186 {offsets = [280, 0], sizes = [8, 128], strides = [1, 1]} : vector<400x128xi32> to vector<8x128xi32>
      %slice3A_2223 = vector.extract_strided_slice %select_n3A_2186 {offsets = [288, 0], sizes = [8, 128], strides = [1, 1]} : vector<400x128xi32> to vector<8x128xi32>
      %slice3A_2224 = vector.extract_strided_slice %select_n3A_2186 {offsets = [296, 0], sizes = [8, 128], strides = [1, 1]} : vector<400x128xi32> to vector<8x128xi32>
      %slice3A_2225 = vector.extract_strided_slice %select_n3A_2186 {offsets = [304, 0], sizes = [8, 128], strides = [1, 1]} : vector<400x128xi32> to vector<8x128xi32>
      %slice3A_2226 = vector.extract_strided_slice %select_n3A_2186 {offsets = [312, 0], sizes = [8, 128], strides = [1, 1]} : vector<400x128xi32> to vector<8x128xi32>
      %slice3A_2227 = vector.extract_strided_slice %select_n3A_2186 {offsets = [320, 0], sizes = [8, 128], strides = [1, 1]} : vector<400x128xi32> to vector<8x128xi32>
      %slice3A_2228 = vector.extract_strided_slice %select_n3A_2186 {offsets = [328, 0], sizes = [8, 128], strides = [1, 1]} : vector<400x128xi32> to vector<8x128xi32>
      %slice3A_2229 = vector.extract_strided_slice %select_n3A_2186 {offsets = [336, 0], sizes = [8, 128], strides = [1, 1]} : vector<400x128xi32> to vector<8x128xi32>
      %slice3A_2230 = vector.extract_strided_slice %select_n3A_2186 {offsets = [344, 0], sizes = [8, 128], strides = [1, 1]} : vector<400x128xi32> to vector<8x128xi32>
      %slice3A_2231 = vector.extract_strided_slice %select_n3A_2186 {offsets = [352, 0], sizes = [8, 128], strides = [1, 1]} : vector<400x128xi32> to vector<8x128xi32>
      %slice3A_2232 = vector.extract_strided_slice %select_n3A_2186 {offsets = [360, 0], sizes = [8, 128], strides = [1, 1]} : vector<400x128xi32> to vector<8x128xi32>
      %slice3A_2233 = vector.extract_strided_slice %select_n3A_2186 {offsets = [368, 0], sizes = [8, 128], strides = [1, 1]} : vector<400x128xi32> to vector<8x128xi32>
      %slice3A_2234 = vector.extract_strided_slice %select_n3A_2186 {offsets = [376, 0], sizes = [8, 128], strides = [1, 1]} : vector<400x128xi32> to vector<8x128xi32>
      %slice3A_2235 = vector.extract_strided_slice %select_n3A_2186 {offsets = [384, 0], sizes = [8, 128], strides = [1, 1]} : vector<400x128xi32> to vector<8x128xi32>
      %slice3A_2236 = vector.extract_strided_slice %select_n3A_2186 {offsets = [392, 0], sizes = [8, 128], strides = [1, 1]} : vector<400x128xi32> to vector<8x128xi32>
      %min3A_2237 = arith.minsi %slice3A_2187, %slice3A_2188 : vector<8x128xi32>
      %min3A_2238 = arith.minsi %slice3A_2189, %slice3A_2190 : vector<8x128xi32>
      %min3A_2239 = arith.minsi %slice3A_2191, %slice3A_2192 : vector<8x128xi32>
      %min3A_2240 = arith.minsi %slice3A_2193, %slice3A_2194 : vector<8x128xi32>
      %min3A_2241 = arith.minsi %slice3A_2195, %slice3A_2196 : vector<8x128xi32>
      %min3A_2242 = arith.minsi %slice3A_2197, %slice3A_2198 : vector<8x128xi32>
      %min3A_2243 = arith.minsi %slice3A_2199, %slice3A_2200 : vector<8x128xi32>
      %min3A_2244 = arith.minsi %slice3A_2201, %slice3A_2202 : vector<8x128xi32>
      %min3A_2245 = arith.minsi %slice3A_2203, %slice3A_2204 : vector<8x128xi32>
      %min3A_2246 = arith.minsi %slice3A_2205, %slice3A_2206 : vector<8x128xi32>
      %min3A_2247 = arith.minsi %slice3A_2207, %slice3A_2208 : vector<8x128xi32>
      %min3A_2248 = arith.minsi %slice3A_2209, %slice3A_2210 : vector<8x128xi32>
      %min3A_2249 = arith.minsi %slice3A_2211, %slice3A_2212 : vector<8x128xi32>
      %min3A_2250 = arith.minsi %slice3A_2213, %slice3A_2214 : vector<8x128xi32>
      %min3A_2251 = arith.minsi %slice3A_2215, %slice3A_2216 : vector<8x128xi32>
      %min3A_2252 = arith.minsi %slice3A_2217, %slice3A_2218 : vector<8x128xi32>
      %min3A_2253 = arith.minsi %slice3A_2219, %slice3A_2220 : vector<8x128xi32>
      %min3A_2254 = arith.minsi %slice3A_2221, %slice3A_2222 : vector<8x128xi32>
      %min3A_2255 = arith.minsi %slice3A_2223, %slice3A_2224 : vector<8x128xi32>
      %min3A_2256 = arith.minsi %slice3A_2225, %slice3A_2226 : vector<8x128xi32>
      %min3A_2257 = arith.minsi %slice3A_2227, %slice3A_2228 : vector<8x128xi32>
      %min3A_2258 = arith.minsi %slice3A_2229, %slice3A_2230 : vector<8x128xi32>
      %min3A_2259 = arith.minsi %slice3A_2231, %slice3A_2232 : vector<8x128xi32>
      %min3A_2260 = arith.minsi %slice3A_2233, %slice3A_2234 : vector<8x128xi32>
      %min3A_2261 = arith.minsi %slice3A_2235, %slice3A_2236 : vector<8x128xi32>
      %min3A_2262 = arith.minsi %min3A_2237, %min3A_2238 : vector<8x128xi32>
      %min3A_2263 = arith.minsi %min3A_2239, %min3A_2240 : vector<8x128xi32>
      %min3A_2264 = arith.minsi %min3A_2241, %min3A_2242 : vector<8x128xi32>
      %min3A_2265 = arith.minsi %min3A_2243, %min3A_2244 : vector<8x128xi32>
      %min3A_2266 = arith.minsi %min3A_2245, %min3A_2246 : vector<8x128xi32>
      %min3A_2267 = arith.minsi %min3A_2247, %min3A_2248 : vector<8x128xi32>
      %min3A_2268 = arith.minsi %min3A_2249, %min3A_2250 : vector<8x128xi32>
      %min3A_2269 = arith.minsi %min3A_2251, %min3A_2252 : vector<8x128xi32>
      %min3A_2270 = arith.minsi %min3A_2253, %min3A_2254 : vector<8x128xi32>
      %min3A_2271 = arith.minsi %min3A_2255, %min3A_2256 : vector<8x128xi32>
      %min3A_2272 = arith.minsi %min3A_2257, %min3A_2258 : vector<8x128xi32>
      %min3A_2273 = arith.minsi %min3A_2259, %min3A_2260 : vector<8x128xi32>
      %min3A_2274 = arith.minsi %min3A_2262, %min3A_2263 : vector<8x128xi32>
      %min3A_2275 = arith.minsi %min3A_2264, %min3A_2265 : vector<8x128xi32>
      %min3A_2276 = arith.minsi %min3A_2266, %min3A_2267 : vector<8x128xi32>
      %min3A_2277 = arith.minsi %min3A_2268, %min3A_2269 : vector<8x128xi32>
      %min3A_2278 = arith.minsi %min3A_2270, %min3A_2271 : vector<8x128xi32>
      %min3A_2279 = arith.minsi %min3A_2272, %min3A_2273 : vector<8x128xi32>
      %min3A_2280 = arith.minsi %min3A_2274, %min3A_2275 : vector<8x128xi32>
      %min3A_2281 = arith.minsi %min3A_2276, %min3A_2277 : vector<8x128xi32>
      %min3A_2282 = arith.minsi %min3A_2278, %min3A_2279 : vector<8x128xi32>
      %min3A_2283 = arith.minsi %min3A_2280, %min3A_2281 : vector<8x128xi32>
      %min3A_2284 = arith.minsi %min3A_2282, %min3A_2261 : vector<8x128xi32>
      %min3A_2285 = arith.minsi %min3A_2283, %min3A_2284 : vector<8x128xi32>
      %slice3A_2286 = vector.extract_strided_slice %min3A_2285 {offsets = [0, 0], sizes = [1, 128], strides = [1, 1]} : vector<8x128xi32> to vector<1x128xi32>
      %slice3A_2287 = vector.extract_strided_slice %min3A_2285 {offsets = [1, 0], sizes = [1, 128], strides = [1, 1]} : vector<8x128xi32> to vector<1x128xi32>
      %slice3A_2288 = vector.extract_strided_slice %min3A_2285 {offsets = [2, 0], sizes = [1, 128], strides = [1, 1]} : vector<8x128xi32> to vector<1x128xi32>
      %slice3A_2289 = vector.extract_strided_slice %min3A_2285 {offsets = [3, 0], sizes = [1, 128], strides = [1, 1]} : vector<8x128xi32> to vector<1x128xi32>
      %slice3A_2290 = vector.extract_strided_slice %min3A_2285 {offsets = [4, 0], sizes = [1, 128], strides = [1, 1]} : vector<8x128xi32> to vector<1x128xi32>
      %slice3A_2291 = vector.extract_strided_slice %min3A_2285 {offsets = [5, 0], sizes = [1, 128], strides = [1, 1]} : vector<8x128xi32> to vector<1x128xi32>
      %slice3A_2292 = vector.extract_strided_slice %min3A_2285 {offsets = [6, 0], sizes = [1, 128], strides = [1, 1]} : vector<8x128xi32> to vector<1x128xi32>
      %slice3A_2293 = vector.extract_strided_slice %min3A_2285 {offsets = [7, 0], sizes = [1, 128], strides = [1, 1]} : vector<8x128xi32> to vector<1x128xi32>
      %min3A_2294 = arith.minsi %slice3A_2286, %slice3A_2287 : vector<1x128xi32>
      %min3A_2295 = arith.minsi %slice3A_2288, %slice3A_2289 : vector<1x128xi32>
      %min3A_2296 = arith.minsi %slice3A_2290, %slice3A_2291 : vector<1x128xi32>
      %min3A_2297 = arith.minsi %slice3A_2292, %slice3A_2293 : vector<1x128xi32>
      %min3A_2298 = arith.minsi %min3A_2294, %min3A_2295 : vector<1x128xi32>
      %min3A_2299 = arith.minsi %min3A_2296, %min3A_2297 : vector<1x128xi32>
      %min3A_2300 = arith.minsi %min3A_2298, %min3A_2299 : vector<1x128xi32>
      %mul3A_2301 = arith.constant 128 : i32
      %mul3A_2302 = vector.broadcast %mul3A_2301 : i32 to vector<1x128xi32>
      %mul3A_2303 = arith.muli %min3A_2300, %mul3A_2302 : vector<1x128xi32>
      %iota3A_2304 = tpu.iota {dimensions = array<i32: 1>} : vector<1x128xi32>
      %add3A_2305 = arith.addi %mul3A_2303, %iota3A_2304 : vector<1x128xi32>
      %eq3A_2306 = vector.broadcast %min3A_2300 : vector<1x128xi32> to vector<400x128xi32>
      %eq3A_2307 = arith.cmpi eq, %iota3A_115, %eq3A_2306 : vector<400x128xi32>
      %jit3A_2308 = arith.constant 0x7F800000 : f32
      %broadcast_in_dim3A_2309 = vector.broadcast %jit3A_2308 : f32 to vector<400x128xf32>
      %select_n3A_2310 = arith.select %eq3A_2307, %broadcast_in_dim3A_2309, %select_n3A_129 : vector<400x128xi1>, vector<400x128xf32>
      %slice3A_2311 = vector.extract_strided_slice %select_n3A_2310 {offsets = [0, 0], sizes = [8, 128], strides = [1, 1]} : vector<400x128xf32> to vector<8x128xf32>
      %slice3A_2312 = vector.extract_strided_slice %select_n3A_2310 {offsets = [8, 0], sizes = [8, 128], strides = [1, 1]} : vector<400x128xf32> to vector<8x128xf32>
      %slice3A_2313 = vector.extract_strided_slice %select_n3A_2310 {offsets = [16, 0], sizes = [8, 128], strides = [1, 1]} : vector<400x128xf32> to vector<8x128xf32>
      %slice3A_2314 = vector.extract_strided_slice %select_n3A_2310 {offsets = [24, 0], sizes = [8, 128], strides = [1, 1]} : vector<400x128xf32> to vector<8x128xf32>
      %slice3A_2315 = vector.extract_strided_slice %select_n3A_2310 {offsets = [32, 0], sizes = [8, 128], strides = [1, 1]} : vector<400x128xf32> to vector<8x128xf32>
      %slice3A_2316 = vector.extract_strided_slice %select_n3A_2310 {offsets = [40, 0], sizes = [8, 128], strides = [1, 1]} : vector<400x128xf32> to vector<8x128xf32>
      %slice3A_2317 = vector.extract_strided_slice %select_n3A_2310 {offsets = [48, 0], sizes = [8, 128], strides = [1, 1]} : vector<400x128xf32> to vector<8x128xf32>
      %slice3A_2318 = vector.extract_strided_slice %select_n3A_2310 {offsets = [56, 0], sizes = [8, 128], strides = [1, 1]} : vector<400x128xf32> to vector<8x128xf32>
      %slice3A_2319 = vector.extract_strided_slice %select_n3A_2310 {offsets = [64, 0], sizes = [8, 128], strides = [1, 1]} : vector<400x128xf32> to vector<8x128xf32>
      %slice3A_2320 = vector.extract_strided_slice %select_n3A_2310 {offsets = [72, 0], sizes = [8, 128], strides = [1, 1]} : vector<400x128xf32> to vector<8x128xf32>
      %slice3A_2321 = vector.extract_strided_slice %select_n3A_2310 {offsets = [80, 0], sizes = [8, 128], strides = [1, 1]} : vector<400x128xf32> to vector<8x128xf32>
      %slice3A_2322 = vector.extract_strided_slice %select_n3A_2310 {offsets = [88, 0], sizes = [8, 128], strides = [1, 1]} : vector<400x128xf32> to vector<8x128xf32>
      %slice3A_2323 = vector.extract_strided_slice %select_n3A_2310 {offsets = [96, 0], sizes = [8, 128], strides = [1, 1]} : vector<400x128xf32> to vector<8x128xf32>
      %slice3A_2324 = vector.extract_strided_slice %select_n3A_2310 {offsets = [104, 0], sizes = [8, 128], strides = [1, 1]} : vector<400x128xf32> to vector<8x128xf32>
      %slice3A_2325 = vector.extract_strided_slice %select_n3A_2310 {offsets = [112, 0], sizes = [8, 128], strides = [1, 1]} : vector<400x128xf32> to vector<8x128xf32>
      %slice3A_2326 = vector.extract_strided_slice %select_n3A_2310 {offsets = [120, 0], sizes = [8, 128], strides = [1, 1]} : vector<400x128xf32> to vector<8x128xf32>
      %slice3A_2327 = vector.extract_strided_slice %select_n3A_2310 {offsets = [128, 0], sizes = [8, 128], strides = [1, 1]} : vector<400x128xf32> to vector<8x128xf32>
      %slice3A_2328 = vector.extract_strided_slice %select_n3A_2310 {offsets = [136, 0], sizes = [8, 128], strides = [1, 1]} : vector<400x128xf32> to vector<8x128xf32>
      %slice3A_2329 = vector.extract_strided_slice %select_n3A_2310 {offsets = [144, 0], sizes = [8, 128], strides = [1, 1]} : vector<400x128xf32> to vector<8x128xf32>
      %slice3A_2330 = vector.extract_strided_slice %select_n3A_2310 {offsets = [152, 0], sizes = [8, 128], strides = [1, 1]} : vector<400x128xf32> to vector<8x128xf32>
      %slice3A_2331 = vector.extract_strided_slice %select_n3A_2310 {offsets = [160, 0], sizes = [8, 128], strides = [1, 1]} : vector<400x128xf32> to vector<8x128xf32>
      %slice3A_2332 = vector.extract_strided_slice %select_n3A_2310 {offsets = [168, 0], sizes = [8, 128], strides = [1, 1]} : vector<400x128xf32> to vector<8x128xf32>
      %slice3A_2333 = vector.extract_strided_slice %select_n3A_2310 {offsets = [176, 0], sizes = [8, 128], strides = [1, 1]} : vector<400x128xf32> to vector<8x128xf32>
      %slice3A_2334 = vector.extract_strided_slice %select_n3A_2310 {offsets = [184, 0], sizes = [8, 128], strides = [1, 1]} : vector<400x128xf32> to vector<8x128xf32>
      %slice3A_2335 = vector.extract_strided_slice %select_n3A_2310 {offsets = [192, 0], sizes = [8, 128], strides = [1, 1]} : vector<400x128xf32> to vector<8x128xf32>
      %slice3A_2336 = vector.extract_strided_slice %select_n3A_2310 {offsets = [200, 0], sizes = [8, 128], strides = [1, 1]} : vector<400x128xf32> to vector<8x128xf32>
      %slice3A_2337 = vector.extract_strided_slice %select_n3A_2310 {offsets = [208, 0], sizes = [8, 128], strides = [1, 1]} : vector<400x128xf32> to vector<8x128xf32>
      %slice3A_2338 = vector.extract_strided_slice %select_n3A_2310 {offsets = [216, 0], sizes = [8, 128], strides = [1, 1]} : vector<400x128xf32> to vector<8x128xf32>
      %slice3A_2339 = vector.extract_strided_slice %select_n3A_2310 {offsets = [224, 0], sizes = [8, 128], strides = [1, 1]} : vector<400x128xf32> to vector<8x128xf32>
      %slice3A_2340 = vector.extract_strided_slice %select_n3A_2310 {offsets = [232, 0], sizes = [8, 128], strides = [1, 1]} : vector<400x128xf32> to vector<8x128xf32>
      %slice3A_2341 = vector.extract_strided_slice %select_n3A_2310 {offsets = [240, 0], sizes = [8, 128], strides = [1, 1]} : vector<400x128xf32> to vector<8x128xf32>
      %slice3A_2342 = vector.extract_strided_slice %select_n3A_2310 {offsets = [248, 0], sizes = [8, 128], strides = [1, 1]} : vector<400x128xf32> to vector<8x128xf32>
      %slice3A_2343 = vector.extract_strided_slice %select_n3A_2310 {offsets = [256, 0], sizes = [8, 128], strides = [1, 1]} : vector<400x128xf32> to vector<8x128xf32>
      %slice3A_2344 = vector.extract_strided_slice %select_n3A_2310 {offsets = [264, 0], sizes = [8, 128], strides = [1, 1]} : vector<400x128xf32> to vector<8x128xf32>
      %slice3A_2345 = vector.extract_strided_slice %select_n3A_2310 {offsets = [272, 0], sizes = [8, 128], strides = [1, 1]} : vector<400x128xf32> to vector<8x128xf32>
      %slice3A_2346 = vector.extract_strided_slice %select_n3A_2310 {offsets = [280, 0], sizes = [8, 128], strides = [1, 1]} : vector<400x128xf32> to vector<8x128xf32>
      %slice3A_2347 = vector.extract_strided_slice %select_n3A_2310 {offsets = [288, 0], sizes = [8, 128], strides = [1, 1]} : vector<400x128xf32> to vector<8x128xf32>
      %slice3A_2348 = vector.extract_strided_slice %select_n3A_2310 {offsets = [296, 0], sizes = [8, 128], strides = [1, 1]} : vector<400x128xf32> to vector<8x128xf32>
      %slice3A_2349 = vector.extract_strided_slice %select_n3A_2310 {offsets = [304, 0], sizes = [8, 128], strides = [1, 1]} : vector<400x128xf32> to vector<8x128xf32>
      %slice3A_2350 = vector.extract_strided_slice %select_n3A_2310 {offsets = [312, 0], sizes = [8, 128], strides = [1, 1]} : vector<400x128xf32> to vector<8x128xf32>
      %slice3A_2351 = vector.extract_strided_slice %select_n3A_2310 {offsets = [320, 0], sizes = [8, 128], strides = [1, 1]} : vector<400x128xf32> to vector<8x128xf32>
      %slice3A_2352 = vector.extract_strided_slice %select_n3A_2310 {offsets = [328, 0], sizes = [8, 128], strides = [1, 1]} : vector<400x128xf32> to vector<8x128xf32>
      %slice3A_2353 = vector.extract_strided_slice %select_n3A_2310 {offsets = [336, 0], sizes = [8, 128], strides = [1, 1]} : vector<400x128xf32> to vector<8x128xf32>
      %slice3A_2354 = vector.extract_strided_slice %select_n3A_2310 {offsets = [344, 0], sizes = [8, 128], strides = [1, 1]} : vector<400x128xf32> to vector<8x128xf32>
      %slice3A_2355 = vector.extract_strided_slice %select_n3A_2310 {offsets = [352, 0], sizes = [8, 128], strides = [1, 1]} : vector<400x128xf32> to vector<8x128xf32>
      %slice3A_2356 = vector.extract_strided_slice %select_n3A_2310 {offsets = [360, 0], sizes = [8, 128], strides = [1, 1]} : vector<400x128xf32> to vector<8x128xf32>
      %slice3A_2357 = vector.extract_strided_slice %select_n3A_2310 {offsets = [368, 0], sizes = [8, 128], strides = [1, 1]} : vector<400x128xf32> to vector<8x128xf32>
      %slice3A_2358 = vector.extract_strided_slice %select_n3A_2310 {offsets = [376, 0], sizes = [8, 128], strides = [1, 1]} : vector<400x128xf32> to vector<8x128xf32>
      %slice3A_2359 = vector.extract_strided_slice %select_n3A_2310 {offsets = [384, 0], sizes = [8, 128], strides = [1, 1]} : vector<400x128xf32> to vector<8x128xf32>
      %slice3A_2360 = vector.extract_strided_slice %select_n3A_2310 {offsets = [392, 0], sizes = [8, 128], strides = [1, 1]} : vector<400x128xf32> to vector<8x128xf32>
      %min3A_2361 = arith.minimumf %slice3A_2311, %slice3A_2312 : vector<8x128xf32>
      %min3A_2362 = arith.minimumf %slice3A_2313, %slice3A_2314 : vector<8x128xf32>
      %min3A_2363 = arith.minimumf %slice3A_2315, %slice3A_2316 : vector<8x128xf32>
      %min3A_2364 = arith.minimumf %slice3A_2317, %slice3A_2318 : vector<8x128xf32>
      %min3A_2365 = arith.minimumf %slice3A_2319, %slice3A_2320 : vector<8x128xf32>
      %min3A_2366 = arith.minimumf %slice3A_2321, %slice3A_2322 : vector<8x128xf32>
      %min3A_2367 = arith.minimumf %slice3A_2323, %slice3A_2324 : vector<8x128xf32>
      %min3A_2368 = arith.minimumf %slice3A_2325, %slice3A_2326 : vector<8x128xf32>
      %min3A_2369 = arith.minimumf %slice3A_2327, %slice3A_2328 : vector<8x128xf32>
      %min3A_2370 = arith.minimumf %slice3A_2329, %slice3A_2330 : vector<8x128xf32>
      %min3A_2371 = arith.minimumf %slice3A_2331, %slice3A_2332 : vector<8x128xf32>
      %min3A_2372 = arith.minimumf %slice3A_2333, %slice3A_2334 : vector<8x128xf32>
      %min3A_2373 = arith.minimumf %slice3A_2335, %slice3A_2336 : vector<8x128xf32>
      %min3A_2374 = arith.minimumf %slice3A_2337, %slice3A_2338 : vector<8x128xf32>
      %min3A_2375 = arith.minimumf %slice3A_2339, %slice3A_2340 : vector<8x128xf32>
      %min3A_2376 = arith.minimumf %slice3A_2341, %slice3A_2342 : vector<8x128xf32>
      %min3A_2377 = arith.minimumf %slice3A_2343, %slice3A_2344 : vector<8x128xf32>
      %min3A_2378 = arith.minimumf %slice3A_2345, %slice3A_2346 : vector<8x128xf32>
      %min3A_2379 = arith.minimumf %slice3A_2347, %slice3A_2348 : vector<8x128xf32>
      %min3A_2380 = arith.minimumf %slice3A_2349, %slice3A_2350 : vector<8x128xf32>
      %min3A_2381 = arith.minimumf %slice3A_2351, %slice3A_2352 : vector<8x128xf32>
      %min3A_2382 = arith.minimumf %slice3A_2353, %slice3A_2354 : vector<8x128xf32>
      %min3A_2383 = arith.minimumf %slice3A_2355, %slice3A_2356 : vector<8x128xf32>
      %min3A_2384 = arith.minimumf %slice3A_2357, %slice3A_2358 : vector<8x128xf32>
      %min3A_2385 = arith.minimumf %slice3A_2359, %slice3A_2360 : vector<8x128xf32>
      %min3A_2386 = arith.minimumf %min3A_2361, %min3A_2362 : vector<8x128xf32>
      %min3A_2387 = arith.minimumf %min3A_2363, %min3A_2364 : vector<8x128xf32>
      %min3A_2388 = arith.minimumf %min3A_2365, %min3A_2366 : vector<8x128xf32>
      %min3A_2389 = arith.minimumf %min3A_2367, %min3A_2368 : vector<8x128xf32>
      %min3A_2390 = arith.minimumf %min3A_2369, %min3A_2370 : vector<8x128xf32>
      %min3A_2391 = arith.minimumf %min3A_2371, %min3A_2372 : vector<8x128xf32>
      %min3A_2392 = arith.minimumf %min3A_2373, %min3A_2374 : vector<8x128xf32>
      %min3A_2393 = arith.minimumf %min3A_2375, %min3A_2376 : vector<8x128xf32>
      %min3A_2394 = arith.minimumf %min3A_2377, %min3A_2378 : vector<8x128xf32>
      %min3A_2395 = arith.minimumf %min3A_2379, %min3A_2380 : vector<8x128xf32>
      %min3A_2396 = arith.minimumf %min3A_2381, %min3A_2382 : vector<8x128xf32>
      %min3A_2397 = arith.minimumf %min3A_2383, %min3A_2384 : vector<8x128xf32>
      %min3A_2398 = arith.minimumf %min3A_2386, %min3A_2387 : vector<8x128xf32>
      %min3A_2399 = arith.minimumf %min3A_2388, %min3A_2389 : vector<8x128xf32>
      %min3A_2400 = arith.minimumf %min3A_2390, %min3A_2391 : vector<8x128xf32>
      %min3A_2401 = arith.minimumf %min3A_2392, %min3A_2393 : vector<8x128xf32>
      %min3A_2402 = arith.minimumf %min3A_2394, %min3A_2395 : vector<8x128xf32>
      %min3A_2403 = arith.minimumf %min3A_2396, %min3A_2397 : vector<8x128xf32>
      %min3A_2404 = arith.minimumf %min3A_2398, %min3A_2399 : vector<8x128xf32>
      %min3A_2405 = arith.minimumf %min3A_2400, %min3A_2401 : vector<8x128xf32>
      %min3A_2406 = arith.minimumf %min3A_2402, %min3A_2403 : vector<8x128xf32>
      %min3A_2407 = arith.minimumf %min3A_2404, %min3A_2405 : vector<8x128xf32>
      %min3A_2408 = arith.minimumf %min3A_2406, %min3A_2385 : vector<8x128xf32>
      %min3A_2409 = arith.minimumf %min3A_2407, %min3A_2408 : vector<8x128xf32>
      %slice3A_2410 = vector.extract_strided_slice %min3A_2409 {offsets = [0, 0], sizes = [1, 128], strides = [1, 1]} : vector<8x128xf32> to vector<1x128xf32>
      %slice3A_2411 = vector.extract_strided_slice %min3A_2409 {offsets = [1, 0], sizes = [1, 128], strides = [1, 1]} : vector<8x128xf32> to vector<1x128xf32>
      %slice3A_2412 = vector.extract_strided_slice %min3A_2409 {offsets = [2, 0], sizes = [1, 128], strides = [1, 1]} : vector<8x128xf32> to vector<1x128xf32>
      %slice3A_2413 = vector.extract_strided_slice %min3A_2409 {offsets = [3, 0], sizes = [1, 128], strides = [1, 1]} : vector<8x128xf32> to vector<1x128xf32>
      %slice3A_2414 = vector.extract_strided_slice %min3A_2409 {offsets = [4, 0], sizes = [1, 128], strides = [1, 1]} : vector<8x128xf32> to vector<1x128xf32>
      %slice3A_2415 = vector.extract_strided_slice %min3A_2409 {offsets = [5, 0], sizes = [1, 128], strides = [1, 1]} : vector<8x128xf32> to vector<1x128xf32>
      %slice3A_2416 = vector.extract_strided_slice %min3A_2409 {offsets = [6, 0], sizes = [1, 128], strides = [1, 1]} : vector<8x128xf32> to vector<1x128xf32>
      %slice3A_2417 = vector.extract_strided_slice %min3A_2409 {offsets = [7, 0], sizes = [1, 128], strides = [1, 1]} : vector<8x128xf32> to vector<1x128xf32>
      %min3A_2418 = arith.minimumf %slice3A_2410, %slice3A_2411 : vector<1x128xf32>
      %min3A_2419 = arith.minimumf %slice3A_2412, %slice3A_2413 : vector<1x128xf32>
      %min3A_2420 = arith.minimumf %slice3A_2414, %slice3A_2415 : vector<1x128xf32>
      %min3A_2421 = arith.minimumf %slice3A_2416, %slice3A_2417 : vector<1x128xf32>
      %min3A_2422 = arith.minimumf %min3A_2418, %min3A_2419 : vector<1x128xf32>
      %min3A_2423 = arith.minimumf %min3A_2420, %min3A_2421 : vector<1x128xf32>
      %min3A_2424 = arith.minimumf %min3A_2422, %min3A_2423 : vector<1x128xf32>
      %eq3A_2425 = vector.broadcast %min3A_2424 : vector<1x128xf32> to vector<400x128xf32>
      %eq3A_2426 = arith.cmpf oeq, %select_n3A_2310, %eq3A_2425 : vector<400x128xf32>
      %jit3A_2427 = arith.constant 2147483647 : i32
      %broadcast_in_dim3A_2428 = vector.broadcast %jit3A_2427 : i32 to vector<400x128xi32>
      %select_n3A_2429 = arith.select %eq3A_2426, %iota3A_115, %broadcast_in_dim3A_2428 : vector<400x128xi1>, vector<400x128xi32>
      %slice3A_2430 = vector.extract_strided_slice %select_n3A_2429 {offsets = [0, 0], sizes = [8, 128], strides = [1, 1]} : vector<400x128xi32> to vector<8x128xi32>
      %slice3A_2431 = vector.extract_strided_slice %select_n3A_2429 {offsets = [8, 0], sizes = [8, 128], strides = [1, 1]} : vector<400x128xi32> to vector<8x128xi32>
      %slice3A_2432 = vector.extract_strided_slice %select_n3A_2429 {offsets = [16, 0], sizes = [8, 128], strides = [1, 1]} : vector<400x128xi32> to vector<8x128xi32>
      %slice3A_2433 = vector.extract_strided_slice %select_n3A_2429 {offsets = [24, 0], sizes = [8, 128], strides = [1, 1]} : vector<400x128xi32> to vector<8x128xi32>
      %slice3A_2434 = vector.extract_strided_slice %select_n3A_2429 {offsets = [32, 0], sizes = [8, 128], strides = [1, 1]} : vector<400x128xi32> to vector<8x128xi32>
      %slice3A_2435 = vector.extract_strided_slice %select_n3A_2429 {offsets = [40, 0], sizes = [8, 128], strides = [1, 1]} : vector<400x128xi32> to vector<8x128xi32>
      %slice3A_2436 = vector.extract_strided_slice %select_n3A_2429 {offsets = [48, 0], sizes = [8, 128], strides = [1, 1]} : vector<400x128xi32> to vector<8x128xi32>
      %slice3A_2437 = vector.extract_strided_slice %select_n3A_2429 {offsets = [56, 0], sizes = [8, 128], strides = [1, 1]} : vector<400x128xi32> to vector<8x128xi32>
      %slice3A_2438 = vector.extract_strided_slice %select_n3A_2429 {offsets = [64, 0], sizes = [8, 128], strides = [1, 1]} : vector<400x128xi32> to vector<8x128xi32>
      %slice3A_2439 = vector.extract_strided_slice %select_n3A_2429 {offsets = [72, 0], sizes = [8, 128], strides = [1, 1]} : vector<400x128xi32> to vector<8x128xi32>
      %slice3A_2440 = vector.extract_strided_slice %select_n3A_2429 {offsets = [80, 0], sizes = [8, 128], strides = [1, 1]} : vector<400x128xi32> to vector<8x128xi32>
      %slice3A_2441 = vector.extract_strided_slice %select_n3A_2429 {offsets = [88, 0], sizes = [8, 128], strides = [1, 1]} : vector<400x128xi32> to vector<8x128xi32>
      %slice3A_2442 = vector.extract_strided_slice %select_n3A_2429 {offsets = [96, 0], sizes = [8, 128], strides = [1, 1]} : vector<400x128xi32> to vector<8x128xi32>
      %slice3A_2443 = vector.extract_strided_slice %select_n3A_2429 {offsets = [104, 0], sizes = [8, 128], strides = [1, 1]} : vector<400x128xi32> to vector<8x128xi32>
      %slice3A_2444 = vector.extract_strided_slice %select_n3A_2429 {offsets = [112, 0], sizes = [8, 128], strides = [1, 1]} : vector<400x128xi32> to vector<8x128xi32>
      %slice3A_2445 = vector.extract_strided_slice %select_n3A_2429 {offsets = [120, 0], sizes = [8, 128], strides = [1, 1]} : vector<400x128xi32> to vector<8x128xi32>
      %slice3A_2446 = vector.extract_strided_slice %select_n3A_2429 {offsets = [128, 0], sizes = [8, 128], strides = [1, 1]} : vector<400x128xi32> to vector<8x128xi32>
      %slice3A_2447 = vector.extract_strided_slice %select_n3A_2429 {offsets = [136, 0], sizes = [8, 128], strides = [1, 1]} : vector<400x128xi32> to vector<8x128xi32>
      %slice3A_2448 = vector.extract_strided_slice %select_n3A_2429 {offsets = [144, 0], sizes = [8, 128], strides = [1, 1]} : vector<400x128xi32> to vector<8x128xi32>
      %slice3A_2449 = vector.extract_strided_slice %select_n3A_2429 {offsets = [152, 0], sizes = [8, 128], strides = [1, 1]} : vector<400x128xi32> to vector<8x128xi32>
      %slice3A_2450 = vector.extract_strided_slice %select_n3A_2429 {offsets = [160, 0], sizes = [8, 128], strides = [1, 1]} : vector<400x128xi32> to vector<8x128xi32>
      %slice3A_2451 = vector.extract_strided_slice %select_n3A_2429 {offsets = [168, 0], sizes = [8, 128], strides = [1, 1]} : vector<400x128xi32> to vector<8x128xi32>
      %slice3A_2452 = vector.extract_strided_slice %select_n3A_2429 {offsets = [176, 0], sizes = [8, 128], strides = [1, 1]} : vector<400x128xi32> to vector<8x128xi32>
      %slice3A_2453 = vector.extract_strided_slice %select_n3A_2429 {offsets = [184, 0], sizes = [8, 128], strides = [1, 1]} : vector<400x128xi32> to vector<8x128xi32>
      %slice3A_2454 = vector.extract_strided_slice %select_n3A_2429 {offsets = [192, 0], sizes = [8, 128], strides = [1, 1]} : vector<400x128xi32> to vector<8x128xi32>
      %slice3A_2455 = vector.extract_strided_slice %select_n3A_2429 {offsets = [200, 0], sizes = [8, 128], strides = [1, 1]} : vector<400x128xi32> to vector<8x128xi32>
      %slice3A_2456 = vector.extract_strided_slice %select_n3A_2429 {offsets = [208, 0], sizes = [8, 128], strides = [1, 1]} : vector<400x128xi32> to vector<8x128xi32>
      %slice3A_2457 = vector.extract_strided_slice %select_n3A_2429 {offsets = [216, 0], sizes = [8, 128], strides = [1, 1]} : vector<400x128xi32> to vector<8x128xi32>
      %slice3A_2458 = vector.extract_strided_slice %select_n3A_2429 {offsets = [224, 0], sizes = [8, 128], strides = [1, 1]} : vector<400x128xi32> to vector<8x128xi32>
      %slice3A_2459 = vector.extract_strided_slice %select_n3A_2429 {offsets = [232, 0], sizes = [8, 128], strides = [1, 1]} : vector<400x128xi32> to vector<8x128xi32>
      %slice3A_2460 = vector.extract_strided_slice %select_n3A_2429 {offsets = [240, 0], sizes = [8, 128], strides = [1, 1]} : vector<400x128xi32> to vector<8x128xi32>
      %slice3A_2461 = vector.extract_strided_slice %select_n3A_2429 {offsets = [248, 0], sizes = [8, 128], strides = [1, 1]} : vector<400x128xi32> to vector<8x128xi32>
      %slice3A_2462 = vector.extract_strided_slice %select_n3A_2429 {offsets = [256, 0], sizes = [8, 128], strides = [1, 1]} : vector<400x128xi32> to vector<8x128xi32>
      %slice3A_2463 = vector.extract_strided_slice %select_n3A_2429 {offsets = [264, 0], sizes = [8, 128], strides = [1, 1]} : vector<400x128xi32> to vector<8x128xi32>
      %slice3A_2464 = vector.extract_strided_slice %select_n3A_2429 {offsets = [272, 0], sizes = [8, 128], strides = [1, 1]} : vector<400x128xi32> to vector<8x128xi32>
      %slice3A_2465 = vector.extract_strided_slice %select_n3A_2429 {offsets = [280, 0], sizes = [8, 128], strides = [1, 1]} : vector<400x128xi32> to vector<8x128xi32>
      %slice3A_2466 = vector.extract_strided_slice %select_n3A_2429 {offsets = [288, 0], sizes = [8, 128], strides = [1, 1]} : vector<400x128xi32> to vector<8x128xi32>
      %slice3A_2467 = vector.extract_strided_slice %select_n3A_2429 {offsets = [296, 0], sizes = [8, 128], strides = [1, 1]} : vector<400x128xi32> to vector<8x128xi32>
      %slice3A_2468 = vector.extract_strided_slice %select_n3A_2429 {offsets = [304, 0], sizes = [8, 128], strides = [1, 1]} : vector<400x128xi32> to vector<8x128xi32>
      %slice3A_2469 = vector.extract_strided_slice %select_n3A_2429 {offsets = [312, 0], sizes = [8, 128], strides = [1, 1]} : vector<400x128xi32> to vector<8x128xi32>
      %slice3A_2470 = vector.extract_strided_slice %select_n3A_2429 {offsets = [320, 0], sizes = [8, 128], strides = [1, 1]} : vector<400x128xi32> to vector<8x128xi32>
      %slice3A_2471 = vector.extract_strided_slice %select_n3A_2429 {offsets = [328, 0], sizes = [8, 128], strides = [1, 1]} : vector<400x128xi32> to vector<8x128xi32>
      %slice3A_2472 = vector.extract_strided_slice %select_n3A_2429 {offsets = [336, 0], sizes = [8, 128], strides = [1, 1]} : vector<400x128xi32> to vector<8x128xi32>
      %slice3A_2473 = vector.extract_strided_slice %select_n3A_2429 {offsets = [344, 0], sizes = [8, 128], strides = [1, 1]} : vector<400x128xi32> to vector<8x128xi32>
      %slice3A_2474 = vector.extract_strided_slice %select_n3A_2429 {offsets = [352, 0], sizes = [8, 128], strides = [1, 1]} : vector<400x128xi32> to vector<8x128xi32>
      %slice3A_2475 = vector.extract_strided_slice %select_n3A_2429 {offsets = [360, 0], sizes = [8, 128], strides = [1, 1]} : vector<400x128xi32> to vector<8x128xi32>
      %slice3A_2476 = vector.extract_strided_slice %select_n3A_2429 {offsets = [368, 0], sizes = [8, 128], strides = [1, 1]} : vector<400x128xi32> to vector<8x128xi32>
      %slice3A_2477 = vector.extract_strided_slice %select_n3A_2429 {offsets = [376, 0], sizes = [8, 128], strides = [1, 1]} : vector<400x128xi32> to vector<8x128xi32>
      %slice3A_2478 = vector.extract_strided_slice %select_n3A_2429 {offsets = [384, 0], sizes = [8, 128], strides = [1, 1]} : vector<400x128xi32> to vector<8x128xi32>
      %slice3A_2479 = vector.extract_strided_slice %select_n3A_2429 {offsets = [392, 0], sizes = [8, 128], strides = [1, 1]} : vector<400x128xi32> to vector<8x128xi32>
      %min3A_2480 = arith.minsi %slice3A_2430, %slice3A_2431 : vector<8x128xi32>
      %min3A_2481 = arith.minsi %slice3A_2432, %slice3A_2433 : vector<8x128xi32>
      %min3A_2482 = arith.minsi %slice3A_2434, %slice3A_2435 : vector<8x128xi32>
      %min3A_2483 = arith.minsi %slice3A_2436, %slice3A_2437 : vector<8x128xi32>
      %min3A_2484 = arith.minsi %slice3A_2438, %slice3A_2439 : vector<8x128xi32>
      %min3A_2485 = arith.minsi %slice3A_2440, %slice3A_2441 : vector<8x128xi32>
      %min3A_2486 = arith.minsi %slice3A_2442, %slice3A_2443 : vector<8x128xi32>
      %min3A_2487 = arith.minsi %slice3A_2444, %slice3A_2445 : vector<8x128xi32>
      %min3A_2488 = arith.minsi %slice3A_2446, %slice3A_2447 : vector<8x128xi32>
      %min3A_2489 = arith.minsi %slice3A_2448, %slice3A_2449 : vector<8x128xi32>
      %min3A_2490 = arith.minsi %slice3A_2450, %slice3A_2451 : vector<8x128xi32>
      %min3A_2491 = arith.minsi %slice3A_2452, %slice3A_2453 : vector<8x128xi32>
      %min3A_2492 = arith.minsi %slice3A_2454, %slice3A_2455 : vector<8x128xi32>
      %min3A_2493 = arith.minsi %slice3A_2456, %slice3A_2457 : vector<8x128xi32>
      %min3A_2494 = arith.minsi %slice3A_2458, %slice3A_2459 : vector<8x128xi32>
      %min3A_2495 = arith.minsi %slice3A_2460, %slice3A_2461 : vector<8x128xi32>
      %min3A_2496 = arith.minsi %slice3A_2462, %slice3A_2463 : vector<8x128xi32>
      %min3A_2497 = arith.minsi %slice3A_2464, %slice3A_2465 : vector<8x128xi32>
      %min3A_2498 = arith.minsi %slice3A_2466, %slice3A_2467 : vector<8x128xi32>
      %min3A_2499 = arith.minsi %slice3A_2468, %slice3A_2469 : vector<8x128xi32>
      %min3A_2500 = arith.minsi %slice3A_2470, %slice3A_2471 : vector<8x128xi32>
      %min3A_2501 = arith.minsi %slice3A_2472, %slice3A_2473 : vector<8x128xi32>
      %min3A_2502 = arith.minsi %slice3A_2474, %slice3A_2475 : vector<8x128xi32>
      %min3A_2503 = arith.minsi %slice3A_2476, %slice3A_2477 : vector<8x128xi32>
      %min3A_2504 = arith.minsi %slice3A_2478, %slice3A_2479 : vector<8x128xi32>
      %min3A_2505 = arith.minsi %min3A_2480, %min3A_2481 : vector<8x128xi32>
      %min3A_2506 = arith.minsi %min3A_2482, %min3A_2483 : vector<8x128xi32>
      %min3A_2507 = arith.minsi %min3A_2484, %min3A_2485 : vector<8x128xi32>
      %min3A_2508 = arith.minsi %min3A_2486, %min3A_2487 : vector<8x128xi32>
      %min3A_2509 = arith.minsi %min3A_2488, %min3A_2489 : vector<8x128xi32>
      %min3A_2510 = arith.minsi %min3A_2490, %min3A_2491 : vector<8x128xi32>
      %min3A_2511 = arith.minsi %min3A_2492, %min3A_2493 : vector<8x128xi32>
      %min3A_2512 = arith.minsi %min3A_2494, %min3A_2495 : vector<8x128xi32>
      %min3A_2513 = arith.minsi %min3A_2496, %min3A_2497 : vector<8x128xi32>
      %min3A_2514 = arith.minsi %min3A_2498, %min3A_2499 : vector<8x128xi32>
      %min3A_2515 = arith.minsi %min3A_2500, %min3A_2501 : vector<8x128xi32>
      %min3A_2516 = arith.minsi %min3A_2502, %min3A_2503 : vector<8x128xi32>
      %min3A_2517 = arith.minsi %min3A_2505, %min3A_2506 : vector<8x128xi32>
      %min3A_2518 = arith.minsi %min3A_2507, %min3A_2508 : vector<8x128xi32>
      %min3A_2519 = arith.minsi %min3A_2509, %min3A_2510 : vector<8x128xi32>
      %min3A_2520 = arith.minsi %min3A_2511, %min3A_2512 : vector<8x128xi32>
      %min3A_2521 = arith.minsi %min3A_2513, %min3A_2514 : vector<8x128xi32>
      %min3A_2522 = arith.minsi %min3A_2515, %min3A_2516 : vector<8x128xi32>
      %min3A_2523 = arith.minsi %min3A_2517, %min3A_2518 : vector<8x128xi32>
      %min3A_2524 = arith.minsi %min3A_2519, %min3A_2520 : vector<8x128xi32>
      %min3A_2525 = arith.minsi %min3A_2521, %min3A_2522 : vector<8x128xi32>
      %min3A_2526 = arith.minsi %min3A_2523, %min3A_2524 : vector<8x128xi32>
      %min3A_2527 = arith.minsi %min3A_2525, %min3A_2504 : vector<8x128xi32>
      %min3A_2528 = arith.minsi %min3A_2526, %min3A_2527 : vector<8x128xi32>
      %slice3A_2529 = vector.extract_strided_slice %min3A_2528 {offsets = [0, 0], sizes = [1, 128], strides = [1, 1]} : vector<8x128xi32> to vector<1x128xi32>
      %slice3A_2530 = vector.extract_strided_slice %min3A_2528 {offsets = [1, 0], sizes = [1, 128], strides = [1, 1]} : vector<8x128xi32> to vector<1x128xi32>
      %slice3A_2531 = vector.extract_strided_slice %min3A_2528 {offsets = [2, 0], sizes = [1, 128], strides = [1, 1]} : vector<8x128xi32> to vector<1x128xi32>
      %slice3A_2532 = vector.extract_strided_slice %min3A_2528 {offsets = [3, 0], sizes = [1, 128], strides = [1, 1]} : vector<8x128xi32> to vector<1x128xi32>
      %slice3A_2533 = vector.extract_strided_slice %min3A_2528 {offsets = [4, 0], sizes = [1, 128], strides = [1, 1]} : vector<8x128xi32> to vector<1x128xi32>
      %slice3A_2534 = vector.extract_strided_slice %min3A_2528 {offsets = [5, 0], sizes = [1, 128], strides = [1, 1]} : vector<8x128xi32> to vector<1x128xi32>
      %slice3A_2535 = vector.extract_strided_slice %min3A_2528 {offsets = [6, 0], sizes = [1, 128], strides = [1, 1]} : vector<8x128xi32> to vector<1x128xi32>
      %slice3A_2536 = vector.extract_strided_slice %min3A_2528 {offsets = [7, 0], sizes = [1, 128], strides = [1, 1]} : vector<8x128xi32> to vector<1x128xi32>
      %min3A_2537 = arith.minsi %slice3A_2529, %slice3A_2530 : vector<1x128xi32>
      %min3A_2538 = arith.minsi %slice3A_2531, %slice3A_2532 : vector<1x128xi32>
      %min3A_2539 = arith.minsi %slice3A_2533, %slice3A_2534 : vector<1x128xi32>
      %min3A_2540 = arith.minsi %slice3A_2535, %slice3A_2536 : vector<1x128xi32>
      %min3A_2541 = arith.minsi %min3A_2537, %min3A_2538 : vector<1x128xi32>
      %min3A_2542 = arith.minsi %min3A_2539, %min3A_2540 : vector<1x128xi32>
      %min3A_2543 = arith.minsi %min3A_2541, %min3A_2542 : vector<1x128xi32>
      %mul3A_2544 = arith.constant 128 : i32
      %mul3A_2545 = vector.broadcast %mul3A_2544 : i32 to vector<1x128xi32>
      %mul3A_2546 = arith.muli %min3A_2543, %mul3A_2545 : vector<1x128xi32>
      %iota3A_2547 = tpu.iota {dimensions = array<i32: 1>} : vector<1x128xi32>
      %add3A_2548 = arith.addi %mul3A_2546, %iota3A_2547 : vector<1x128xi32>
      %eq3A_2549 = vector.broadcast %min3A_2543 : vector<1x128xi32> to vector<400x128xi32>
      %eq3A_2550 = arith.cmpi eq, %iota3A_115, %eq3A_2549 : vector<400x128xi32>
      %jit3A_2551 = arith.constant 0x7F800000 : f32
      %broadcast_in_dim3A_2552 = vector.broadcast %jit3A_2551 : f32 to vector<400x128xf32>
      %select_n3A_2553 = arith.select %eq3A_2550, %broadcast_in_dim3A_2552, %select_n3A_2310 : vector<400x128xi1>, vector<400x128xf32>
      %slice3A_2554 = vector.extract_strided_slice %select_n3A_2553 {offsets = [0, 0], sizes = [8, 128], strides = [1, 1]} : vector<400x128xf32> to vector<8x128xf32>
      %slice3A_2555 = vector.extract_strided_slice %select_n3A_2553 {offsets = [8, 0], sizes = [8, 128], strides = [1, 1]} : vector<400x128xf32> to vector<8x128xf32>
      %slice3A_2556 = vector.extract_strided_slice %select_n3A_2553 {offsets = [16, 0], sizes = [8, 128], strides = [1, 1]} : vector<400x128xf32> to vector<8x128xf32>
      %slice3A_2557 = vector.extract_strided_slice %select_n3A_2553 {offsets = [24, 0], sizes = [8, 128], strides = [1, 1]} : vector<400x128xf32> to vector<8x128xf32>
      %slice3A_2558 = vector.extract_strided_slice %select_n3A_2553 {offsets = [32, 0], sizes = [8, 128], strides = [1, 1]} : vector<400x128xf32> to vector<8x128xf32>
      %slice3A_2559 = vector.extract_strided_slice %select_n3A_2553 {offsets = [40, 0], sizes = [8, 128], strides = [1, 1]} : vector<400x128xf32> to vector<8x128xf32>
      %slice3A_2560 = vector.extract_strided_slice %select_n3A_2553 {offsets = [48, 0], sizes = [8, 128], strides = [1, 1]} : vector<400x128xf32> to vector<8x128xf32>
      %slice3A_2561 = vector.extract_strided_slice %select_n3A_2553 {offsets = [56, 0], sizes = [8, 128], strides = [1, 1]} : vector<400x128xf32> to vector<8x128xf32>
      %slice3A_2562 = vector.extract_strided_slice %select_n3A_2553 {offsets = [64, 0], sizes = [8, 128], strides = [1, 1]} : vector<400x128xf32> to vector<8x128xf32>
      %slice3A_2563 = vector.extract_strided_slice %select_n3A_2553 {offsets = [72, 0], sizes = [8, 128], strides = [1, 1]} : vector<400x128xf32> to vector<8x128xf32>
      %slice3A_2564 = vector.extract_strided_slice %select_n3A_2553 {offsets = [80, 0], sizes = [8, 128], strides = [1, 1]} : vector<400x128xf32> to vector<8x128xf32>
      %slice3A_2565 = vector.extract_strided_slice %select_n3A_2553 {offsets = [88, 0], sizes = [8, 128], strides = [1, 1]} : vector<400x128xf32> to vector<8x128xf32>
      %slice3A_2566 = vector.extract_strided_slice %select_n3A_2553 {offsets = [96, 0], sizes = [8, 128], strides = [1, 1]} : vector<400x128xf32> to vector<8x128xf32>
      %slice3A_2567 = vector.extract_strided_slice %select_n3A_2553 {offsets = [104, 0], sizes = [8, 128], strides = [1, 1]} : vector<400x128xf32> to vector<8x128xf32>
      %slice3A_2568 = vector.extract_strided_slice %select_n3A_2553 {offsets = [112, 0], sizes = [8, 128], strides = [1, 1]} : vector<400x128xf32> to vector<8x128xf32>
      %slice3A_2569 = vector.extract_strided_slice %select_n3A_2553 {offsets = [120, 0], sizes = [8, 128], strides = [1, 1]} : vector<400x128xf32> to vector<8x128xf32>
      %slice3A_2570 = vector.extract_strided_slice %select_n3A_2553 {offsets = [128, 0], sizes = [8, 128], strides = [1, 1]} : vector<400x128xf32> to vector<8x128xf32>
      %slice3A_2571 = vector.extract_strided_slice %select_n3A_2553 {offsets = [136, 0], sizes = [8, 128], strides = [1, 1]} : vector<400x128xf32> to vector<8x128xf32>
      %slice3A_2572 = vector.extract_strided_slice %select_n3A_2553 {offsets = [144, 0], sizes = [8, 128], strides = [1, 1]} : vector<400x128xf32> to vector<8x128xf32>
      %slice3A_2573 = vector.extract_strided_slice %select_n3A_2553 {offsets = [152, 0], sizes = [8, 128], strides = [1, 1]} : vector<400x128xf32> to vector<8x128xf32>
      %slice3A_2574 = vector.extract_strided_slice %select_n3A_2553 {offsets = [160, 0], sizes = [8, 128], strides = [1, 1]} : vector<400x128xf32> to vector<8x128xf32>
      %slice3A_2575 = vector.extract_strided_slice %select_n3A_2553 {offsets = [168, 0], sizes = [8, 128], strides = [1, 1]} : vector<400x128xf32> to vector<8x128xf32>
      %slice3A_2576 = vector.extract_strided_slice %select_n3A_2553 {offsets = [176, 0], sizes = [8, 128], strides = [1, 1]} : vector<400x128xf32> to vector<8x128xf32>
      %slice3A_2577 = vector.extract_strided_slice %select_n3A_2553 {offsets = [184, 0], sizes = [8, 128], strides = [1, 1]} : vector<400x128xf32> to vector<8x128xf32>
      %slice3A_2578 = vector.extract_strided_slice %select_n3A_2553 {offsets = [192, 0], sizes = [8, 128], strides = [1, 1]} : vector<400x128xf32> to vector<8x128xf32>
      %slice3A_2579 = vector.extract_strided_slice %select_n3A_2553 {offsets = [200, 0], sizes = [8, 128], strides = [1, 1]} : vector<400x128xf32> to vector<8x128xf32>
      %slice3A_2580 = vector.extract_strided_slice %select_n3A_2553 {offsets = [208, 0], sizes = [8, 128], strides = [1, 1]} : vector<400x128xf32> to vector<8x128xf32>
      %slice3A_2581 = vector.extract_strided_slice %select_n3A_2553 {offsets = [216, 0], sizes = [8, 128], strides = [1, 1]} : vector<400x128xf32> to vector<8x128xf32>
      %slice3A_2582 = vector.extract_strided_slice %select_n3A_2553 {offsets = [224, 0], sizes = [8, 128], strides = [1, 1]} : vector<400x128xf32> to vector<8x128xf32>
      %slice3A_2583 = vector.extract_strided_slice %select_n3A_2553 {offsets = [232, 0], sizes = [8, 128], strides = [1, 1]} : vector<400x128xf32> to vector<8x128xf32>
      %slice3A_2584 = vector.extract_strided_slice %select_n3A_2553 {offsets = [240, 0], sizes = [8, 128], strides = [1, 1]} : vector<400x128xf32> to vector<8x128xf32>
      %slice3A_2585 = vector.extract_strided_slice %select_n3A_2553 {offsets = [248, 0], sizes = [8, 128], strides = [1, 1]} : vector<400x128xf32> to vector<8x128xf32>
      %slice3A_2586 = vector.extract_strided_slice %select_n3A_2553 {offsets = [256, 0], sizes = [8, 128], strides = [1, 1]} : vector<400x128xf32> to vector<8x128xf32>
      %slice3A_2587 = vector.extract_strided_slice %select_n3A_2553 {offsets = [264, 0], sizes = [8, 128], strides = [1, 1]} : vector<400x128xf32> to vector<8x128xf32>
      %slice3A_2588 = vector.extract_strided_slice %select_n3A_2553 {offsets = [272, 0], sizes = [8, 128], strides = [1, 1]} : vector<400x128xf32> to vector<8x128xf32>
      %slice3A_2589 = vector.extract_strided_slice %select_n3A_2553 {offsets = [280, 0], sizes = [8, 128], strides = [1, 1]} : vector<400x128xf32> to vector<8x128xf32>
      %slice3A_2590 = vector.extract_strided_slice %select_n3A_2553 {offsets = [288, 0], sizes = [8, 128], strides = [1, 1]} : vector<400x128xf32> to vector<8x128xf32>
      %slice3A_2591 = vector.extract_strided_slice %select_n3A_2553 {offsets = [296, 0], sizes = [8, 128], strides = [1, 1]} : vector<400x128xf32> to vector<8x128xf32>
      %slice3A_2592 = vector.extract_strided_slice %select_n3A_2553 {offsets = [304, 0], sizes = [8, 128], strides = [1, 1]} : vector<400x128xf32> to vector<8x128xf32>
      %slice3A_2593 = vector.extract_strided_slice %select_n3A_2553 {offsets = [312, 0], sizes = [8, 128], strides = [1, 1]} : vector<400x128xf32> to vector<8x128xf32>
      %slice3A_2594 = vector.extract_strided_slice %select_n3A_2553 {offsets = [320, 0], sizes = [8, 128], strides = [1, 1]} : vector<400x128xf32> to vector<8x128xf32>
      %slice3A_2595 = vector.extract_strided_slice %select_n3A_2553 {offsets = [328, 0], sizes = [8, 128], strides = [1, 1]} : vector<400x128xf32> to vector<8x128xf32>
      %slice3A_2596 = vector.extract_strided_slice %select_n3A_2553 {offsets = [336, 0], sizes = [8, 128], strides = [1, 1]} : vector<400x128xf32> to vector<8x128xf32>
      %slice3A_2597 = vector.extract_strided_slice %select_n3A_2553 {offsets = [344, 0], sizes = [8, 128], strides = [1, 1]} : vector<400x128xf32> to vector<8x128xf32>
      %slice3A_2598 = vector.extract_strided_slice %select_n3A_2553 {offsets = [352, 0], sizes = [8, 128], strides = [1, 1]} : vector<400x128xf32> to vector<8x128xf32>
      %slice3A_2599 = vector.extract_strided_slice %select_n3A_2553 {offsets = [360, 0], sizes = [8, 128], strides = [1, 1]} : vector<400x128xf32> to vector<8x128xf32>
      %slice3A_2600 = vector.extract_strided_slice %select_n3A_2553 {offsets = [368, 0], sizes = [8, 128], strides = [1, 1]} : vector<400x128xf32> to vector<8x128xf32>
      %slice3A_2601 = vector.extract_strided_slice %select_n3A_2553 {offsets = [376, 0], sizes = [8, 128], strides = [1, 1]} : vector<400x128xf32> to vector<8x128xf32>
      %slice3A_2602 = vector.extract_strided_slice %select_n3A_2553 {offsets = [384, 0], sizes = [8, 128], strides = [1, 1]} : vector<400x128xf32> to vector<8x128xf32>
      %slice3A_2603 = vector.extract_strided_slice %select_n3A_2553 {offsets = [392, 0], sizes = [8, 128], strides = [1, 1]} : vector<400x128xf32> to vector<8x128xf32>
      %min3A_2604 = arith.minimumf %slice3A_2554, %slice3A_2555 : vector<8x128xf32>
      %min3A_2605 = arith.minimumf %slice3A_2556, %slice3A_2557 : vector<8x128xf32>
      %min3A_2606 = arith.minimumf %slice3A_2558, %slice3A_2559 : vector<8x128xf32>
      %min3A_2607 = arith.minimumf %slice3A_2560, %slice3A_2561 : vector<8x128xf32>
      %min3A_2608 = arith.minimumf %slice3A_2562, %slice3A_2563 : vector<8x128xf32>
      %min3A_2609 = arith.minimumf %slice3A_2564, %slice3A_2565 : vector<8x128xf32>
      %min3A_2610 = arith.minimumf %slice3A_2566, %slice3A_2567 : vector<8x128xf32>
      %min3A_2611 = arith.minimumf %slice3A_2568, %slice3A_2569 : vector<8x128xf32>
      %min3A_2612 = arith.minimumf %slice3A_2570, %slice3A_2571 : vector<8x128xf32>
      %min3A_2613 = arith.minimumf %slice3A_2572, %slice3A_2573 : vector<8x128xf32>
      %min3A_2614 = arith.minimumf %slice3A_2574, %slice3A_2575 : vector<8x128xf32>
      %min3A_2615 = arith.minimumf %slice3A_2576, %slice3A_2577 : vector<8x128xf32>
      %min3A_2616 = arith.minimumf %slice3A_2578, %slice3A_2579 : vector<8x128xf32>
      %min3A_2617 = arith.minimumf %slice3A_2580, %slice3A_2581 : vector<8x128xf32>
      %min3A_2618 = arith.minimumf %slice3A_2582, %slice3A_2583 : vector<8x128xf32>
      %min3A_2619 = arith.minimumf %slice3A_2584, %slice3A_2585 : vector<8x128xf32>
      %min3A_2620 = arith.minimumf %slice3A_2586, %slice3A_2587 : vector<8x128xf32>
      %min3A_2621 = arith.minimumf %slice3A_2588, %slice3A_2589 : vector<8x128xf32>
      %min3A_2622 = arith.minimumf %slice3A_2590, %slice3A_2591 : vector<8x128xf32>
      %min3A_2623 = arith.minimumf %slice3A_2592, %slice3A_2593 : vector<8x128xf32>
      %min3A_2624 = arith.minimumf %slice3A_2594, %slice3A_2595 : vector<8x128xf32>
      %min3A_2625 = arith.minimumf %slice3A_2596, %slice3A_2597 : vector<8x128xf32>
      %min3A_2626 = arith.minimumf %slice3A_2598, %slice3A_2599 : vector<8x128xf32>
      %min3A_2627 = arith.minimumf %slice3A_2600, %slice3A_2601 : vector<8x128xf32>
      %min3A_2628 = arith.minimumf %slice3A_2602, %slice3A_2603 : vector<8x128xf32>
      %min3A_2629 = arith.minimumf %min3A_2604, %min3A_2605 : vector<8x128xf32>
      %min3A_2630 = arith.minimumf %min3A_2606, %min3A_2607 : vector<8x128xf32>
      %min3A_2631 = arith.minimumf %min3A_2608, %min3A_2609 : vector<8x128xf32>
      %min3A_2632 = arith.minimumf %min3A_2610, %min3A_2611 : vector<8x128xf32>
      %min3A_2633 = arith.minimumf %min3A_2612, %min3A_2613 : vector<8x128xf32>
      %min3A_2634 = arith.minimumf %min3A_2614, %min3A_2615 : vector<8x128xf32>
      %min3A_2635 = arith.minimumf %min3A_2616, %min3A_2617 : vector<8x128xf32>
      %min3A_2636 = arith.minimumf %min3A_2618, %min3A_2619 : vector<8x128xf32>
      %min3A_2637 = arith.minimumf %min3A_2620, %min3A_2621 : vector<8x128xf32>
      %min3A_2638 = arith.minimumf %min3A_2622, %min3A_2623 : vector<8x128xf32>
      %min3A_2639 = arith.minimumf %min3A_2624, %min3A_2625 : vector<8x128xf32>
      %min3A_2640 = arith.minimumf %min3A_2626, %min3A_2627 : vector<8x128xf32>
      %min3A_2641 = arith.minimumf %min3A_2629, %min3A_2630 : vector<8x128xf32>
      %min3A_2642 = arith.minimumf %min3A_2631, %min3A_2632 : vector<8x128xf32>
      %min3A_2643 = arith.minimumf %min3A_2633, %min3A_2634 : vector<8x128xf32>
      %min3A_2644 = arith.minimumf %min3A_2635, %min3A_2636 : vector<8x128xf32>
      %min3A_2645 = arith.minimumf %min3A_2637, %min3A_2638 : vector<8x128xf32>
      %min3A_2646 = arith.minimumf %min3A_2639, %min3A_2640 : vector<8x128xf32>
      %min3A_2647 = arith.minimumf %min3A_2641, %min3A_2642 : vector<8x128xf32>
      %min3A_2648 = arith.minimumf %min3A_2643, %min3A_2644 : vector<8x128xf32>
      %min3A_2649 = arith.minimumf %min3A_2645, %min3A_2646 : vector<8x128xf32>
      %min3A_2650 = arith.minimumf %min3A_2647, %min3A_2648 : vector<8x128xf32>
      %min3A_2651 = arith.minimumf %min3A_2649, %min3A_2628 : vector<8x128xf32>
      %min3A_2652 = arith.minimumf %min3A_2650, %min3A_2651 : vector<8x128xf32>
      %slice3A_2653 = vector.extract_strided_slice %min3A_2652 {offsets = [0, 0], sizes = [1, 128], strides = [1, 1]} : vector<8x128xf32> to vector<1x128xf32>
      %slice3A_2654 = vector.extract_strided_slice %min3A_2652 {offsets = [1, 0], sizes = [1, 128], strides = [1, 1]} : vector<8x128xf32> to vector<1x128xf32>
      %slice3A_2655 = vector.extract_strided_slice %min3A_2652 {offsets = [2, 0], sizes = [1, 128], strides = [1, 1]} : vector<8x128xf32> to vector<1x128xf32>
      %slice3A_2656 = vector.extract_strided_slice %min3A_2652 {offsets = [3, 0], sizes = [1, 128], strides = [1, 1]} : vector<8x128xf32> to vector<1x128xf32>
      %slice3A_2657 = vector.extract_strided_slice %min3A_2652 {offsets = [4, 0], sizes = [1, 128], strides = [1, 1]} : vector<8x128xf32> to vector<1x128xf32>
      %slice3A_2658 = vector.extract_strided_slice %min3A_2652 {offsets = [5, 0], sizes = [1, 128], strides = [1, 1]} : vector<8x128xf32> to vector<1x128xf32>
      %slice3A_2659 = vector.extract_strided_slice %min3A_2652 {offsets = [6, 0], sizes = [1, 128], strides = [1, 1]} : vector<8x128xf32> to vector<1x128xf32>
      %slice3A_2660 = vector.extract_strided_slice %min3A_2652 {offsets = [7, 0], sizes = [1, 128], strides = [1, 1]} : vector<8x128xf32> to vector<1x128xf32>
      %min3A_2661 = arith.minimumf %slice3A_2653, %slice3A_2654 : vector<1x128xf32>
      %min3A_2662 = arith.minimumf %slice3A_2655, %slice3A_2656 : vector<1x128xf32>
      %min3A_2663 = arith.minimumf %slice3A_2657, %slice3A_2658 : vector<1x128xf32>
      %min3A_2664 = arith.minimumf %slice3A_2659, %slice3A_2660 : vector<1x128xf32>
      %min3A_2665 = arith.minimumf %min3A_2661, %min3A_2662 : vector<1x128xf32>
      %min3A_2666 = arith.minimumf %min3A_2663, %min3A_2664 : vector<1x128xf32>
      %min3A_2667 = arith.minimumf %min3A_2665, %min3A_2666 : vector<1x128xf32>
      %eq3A_2668 = vector.broadcast %min3A_2667 : vector<1x128xf32> to vector<400x128xf32>
      %eq3A_2669 = arith.cmpf oeq, %select_n3A_2553, %eq3A_2668 : vector<400x128xf32>
      %jit3A_2670 = arith.constant 2147483647 : i32
      %broadcast_in_dim3A_2671 = vector.broadcast %jit3A_2670 : i32 to vector<400x128xi32>
      %select_n3A_2672 = arith.select %eq3A_2669, %iota3A_115, %broadcast_in_dim3A_2671 : vector<400x128xi1>, vector<400x128xi32>
      %slice3A_2673 = vector.extract_strided_slice %select_n3A_2672 {offsets = [0, 0], sizes = [8, 128], strides = [1, 1]} : vector<400x128xi32> to vector<8x128xi32>
      %slice3A_2674 = vector.extract_strided_slice %select_n3A_2672 {offsets = [8, 0], sizes = [8, 128], strides = [1, 1]} : vector<400x128xi32> to vector<8x128xi32>
      %slice3A_2675 = vector.extract_strided_slice %select_n3A_2672 {offsets = [16, 0], sizes = [8, 128], strides = [1, 1]} : vector<400x128xi32> to vector<8x128xi32>
      %slice3A_2676 = vector.extract_strided_slice %select_n3A_2672 {offsets = [24, 0], sizes = [8, 128], strides = [1, 1]} : vector<400x128xi32> to vector<8x128xi32>
      %slice3A_2677 = vector.extract_strided_slice %select_n3A_2672 {offsets = [32, 0], sizes = [8, 128], strides = [1, 1]} : vector<400x128xi32> to vector<8x128xi32>
      %slice3A_2678 = vector.extract_strided_slice %select_n3A_2672 {offsets = [40, 0], sizes = [8, 128], strides = [1, 1]} : vector<400x128xi32> to vector<8x128xi32>
      %slice3A_2679 = vector.extract_strided_slice %select_n3A_2672 {offsets = [48, 0], sizes = [8, 128], strides = [1, 1]} : vector<400x128xi32> to vector<8x128xi32>
      %slice3A_2680 = vector.extract_strided_slice %select_n3A_2672 {offsets = [56, 0], sizes = [8, 128], strides = [1, 1]} : vector<400x128xi32> to vector<8x128xi32>
      %slice3A_2681 = vector.extract_strided_slice %select_n3A_2672 {offsets = [64, 0], sizes = [8, 128], strides = [1, 1]} : vector<400x128xi32> to vector<8x128xi32>
      %slice3A_2682 = vector.extract_strided_slice %select_n3A_2672 {offsets = [72, 0], sizes = [8, 128], strides = [1, 1]} : vector<400x128xi32> to vector<8x128xi32>
      %slice3A_2683 = vector.extract_strided_slice %select_n3A_2672 {offsets = [80, 0], sizes = [8, 128], strides = [1, 1]} : vector<400x128xi32> to vector<8x128xi32>
      %slice3A_2684 = vector.extract_strided_slice %select_n3A_2672 {offsets = [88, 0], sizes = [8, 128], strides = [1, 1]} : vector<400x128xi32> to vector<8x128xi32>
      %slice3A_2685 = vector.extract_strided_slice %select_n3A_2672 {offsets = [96, 0], sizes = [8, 128], strides = [1, 1]} : vector<400x128xi32> to vector<8x128xi32>
      %slice3A_2686 = vector.extract_strided_slice %select_n3A_2672 {offsets = [104, 0], sizes = [8, 128], strides = [1, 1]} : vector<400x128xi32> to vector<8x128xi32>
      %slice3A_2687 = vector.extract_strided_slice %select_n3A_2672 {offsets = [112, 0], sizes = [8, 128], strides = [1, 1]} : vector<400x128xi32> to vector<8x128xi32>
      %slice3A_2688 = vector.extract_strided_slice %select_n3A_2672 {offsets = [120, 0], sizes = [8, 128], strides = [1, 1]} : vector<400x128xi32> to vector<8x128xi32>
      %slice3A_2689 = vector.extract_strided_slice %select_n3A_2672 {offsets = [128, 0], sizes = [8, 128], strides = [1, 1]} : vector<400x128xi32> to vector<8x128xi32>
      %slice3A_2690 = vector.extract_strided_slice %select_n3A_2672 {offsets = [136, 0], sizes = [8, 128], strides = [1, 1]} : vector<400x128xi32> to vector<8x128xi32>
      %slice3A_2691 = vector.extract_strided_slice %select_n3A_2672 {offsets = [144, 0], sizes = [8, 128], strides = [1, 1]} : vector<400x128xi32> to vector<8x128xi32>
      %slice3A_2692 = vector.extract_strided_slice %select_n3A_2672 {offsets = [152, 0], sizes = [8, 128], strides = [1, 1]} : vector<400x128xi32> to vector<8x128xi32>
      %slice3A_2693 = vector.extract_strided_slice %select_n3A_2672 {offsets = [160, 0], sizes = [8, 128], strides = [1, 1]} : vector<400x128xi32> to vector<8x128xi32>
      %slice3A_2694 = vector.extract_strided_slice %select_n3A_2672 {offsets = [168, 0], sizes = [8, 128], strides = [1, 1]} : vector<400x128xi32> to vector<8x128xi32>
      %slice3A_2695 = vector.extract_strided_slice %select_n3A_2672 {offsets = [176, 0], sizes = [8, 128], strides = [1, 1]} : vector<400x128xi32> to vector<8x128xi32>
      %slice3A_2696 = vector.extract_strided_slice %select_n3A_2672 {offsets = [184, 0], sizes = [8, 128], strides = [1, 1]} : vector<400x128xi32> to vector<8x128xi32>
      %slice3A_2697 = vector.extract_strided_slice %select_n3A_2672 {offsets = [192, 0], sizes = [8, 128], strides = [1, 1]} : vector<400x128xi32> to vector<8x128xi32>
      %slice3A_2698 = vector.extract_strided_slice %select_n3A_2672 {offsets = [200, 0], sizes = [8, 128], strides = [1, 1]} : vector<400x128xi32> to vector<8x128xi32>
      %slice3A_2699 = vector.extract_strided_slice %select_n3A_2672 {offsets = [208, 0], sizes = [8, 128], strides = [1, 1]} : vector<400x128xi32> to vector<8x128xi32>
      %slice3A_2700 = vector.extract_strided_slice %select_n3A_2672 {offsets = [216, 0], sizes = [8, 128], strides = [1, 1]} : vector<400x128xi32> to vector<8x128xi32>
      %slice3A_2701 = vector.extract_strided_slice %select_n3A_2672 {offsets = [224, 0], sizes = [8, 128], strides = [1, 1]} : vector<400x128xi32> to vector<8x128xi32>
      %slice3A_2702 = vector.extract_strided_slice %select_n3A_2672 {offsets = [232, 0], sizes = [8, 128], strides = [1, 1]} : vector<400x128xi32> to vector<8x128xi32>
      %slice3A_2703 = vector.extract_strided_slice %select_n3A_2672 {offsets = [240, 0], sizes = [8, 128], strides = [1, 1]} : vector<400x128xi32> to vector<8x128xi32>
      %slice3A_2704 = vector.extract_strided_slice %select_n3A_2672 {offsets = [248, 0], sizes = [8, 128], strides = [1, 1]} : vector<400x128xi32> to vector<8x128xi32>
      %slice3A_2705 = vector.extract_strided_slice %select_n3A_2672 {offsets = [256, 0], sizes = [8, 128], strides = [1, 1]} : vector<400x128xi32> to vector<8x128xi32>
      %slice3A_2706 = vector.extract_strided_slice %select_n3A_2672 {offsets = [264, 0], sizes = [8, 128], strides = [1, 1]} : vector<400x128xi32> to vector<8x128xi32>
      %slice3A_2707 = vector.extract_strided_slice %select_n3A_2672 {offsets = [272, 0], sizes = [8, 128], strides = [1, 1]} : vector<400x128xi32> to vector<8x128xi32>
      %slice3A_2708 = vector.extract_strided_slice %select_n3A_2672 {offsets = [280, 0], sizes = [8, 128], strides = [1, 1]} : vector<400x128xi32> to vector<8x128xi32>
      %slice3A_2709 = vector.extract_strided_slice %select_n3A_2672 {offsets = [288, 0], sizes = [8, 128], strides = [1, 1]} : vector<400x128xi32> to vector<8x128xi32>
      %slice3A_2710 = vector.extract_strided_slice %select_n3A_2672 {offsets = [296, 0], sizes = [8, 128], strides = [1, 1]} : vector<400x128xi32> to vector<8x128xi32>
      %slice3A_2711 = vector.extract_strided_slice %select_n3A_2672 {offsets = [304, 0], sizes = [8, 128], strides = [1, 1]} : vector<400x128xi32> to vector<8x128xi32>
      %slice3A_2712 = vector.extract_strided_slice %select_n3A_2672 {offsets = [312, 0], sizes = [8, 128], strides = [1, 1]} : vector<400x128xi32> to vector<8x128xi32>
      %slice3A_2713 = vector.extract_strided_slice %select_n3A_2672 {offsets = [320, 0], sizes = [8, 128], strides = [1, 1]} : vector<400x128xi32> to vector<8x128xi32>
      %slice3A_2714 = vector.extract_strided_slice %select_n3A_2672 {offsets = [328, 0], sizes = [8, 128], strides = [1, 1]} : vector<400x128xi32> to vector<8x128xi32>
      %slice3A_2715 = vector.extract_strided_slice %select_n3A_2672 {offsets = [336, 0], sizes = [8, 128], strides = [1, 1]} : vector<400x128xi32> to vector<8x128xi32>
      %slice3A_2716 = vector.extract_strided_slice %select_n3A_2672 {offsets = [344, 0], sizes = [8, 128], strides = [1, 1]} : vector<400x128xi32> to vector<8x128xi32>
      %slice3A_2717 = vector.extract_strided_slice %select_n3A_2672 {offsets = [352, 0], sizes = [8, 128], strides = [1, 1]} : vector<400x128xi32> to vector<8x128xi32>
      %slice3A_2718 = vector.extract_strided_slice %select_n3A_2672 {offsets = [360, 0], sizes = [8, 128], strides = [1, 1]} : vector<400x128xi32> to vector<8x128xi32>
      %slice3A_2719 = vector.extract_strided_slice %select_n3A_2672 {offsets = [368, 0], sizes = [8, 128], strides = [1, 1]} : vector<400x128xi32> to vector<8x128xi32>
      %slice3A_2720 = vector.extract_strided_slice %select_n3A_2672 {offsets = [376, 0], sizes = [8, 128], strides = [1, 1]} : vector<400x128xi32> to vector<8x128xi32>
      %slice3A_2721 = vector.extract_strided_slice %select_n3A_2672 {offsets = [384, 0], sizes = [8, 128], strides = [1, 1]} : vector<400x128xi32> to vector<8x128xi32>
      %slice3A_2722 = vector.extract_strided_slice %select_n3A_2672 {offsets = [392, 0], sizes = [8, 128], strides = [1, 1]} : vector<400x128xi32> to vector<8x128xi32>
      %min3A_2723 = arith.minsi %slice3A_2673, %slice3A_2674 : vector<8x128xi32>
      %min3A_2724 = arith.minsi %slice3A_2675, %slice3A_2676 : vector<8x128xi32>
      %min3A_2725 = arith.minsi %slice3A_2677, %slice3A_2678 : vector<8x128xi32>
      %min3A_2726 = arith.minsi %slice3A_2679, %slice3A_2680 : vector<8x128xi32>
      %min3A_2727 = arith.minsi %slice3A_2681, %slice3A_2682 : vector<8x128xi32>
      %min3A_2728 = arith.minsi %slice3A_2683, %slice3A_2684 : vector<8x128xi32>
      %min3A_2729 = arith.minsi %slice3A_2685, %slice3A_2686 : vector<8x128xi32>
      %min3A_2730 = arith.minsi %slice3A_2687, %slice3A_2688 : vector<8x128xi32>
      %min3A_2731 = arith.minsi %slice3A_2689, %slice3A_2690 : vector<8x128xi32>
      %min3A_2732 = arith.minsi %slice3A_2691, %slice3A_2692 : vector<8x128xi32>
      %min3A_2733 = arith.minsi %slice3A_2693, %slice3A_2694 : vector<8x128xi32>
      %min3A_2734 = arith.minsi %slice3A_2695, %slice3A_2696 : vector<8x128xi32>
      %min3A_2735 = arith.minsi %slice3A_2697, %slice3A_2698 : vector<8x128xi32>
      %min3A_2736 = arith.minsi %slice3A_2699, %slice3A_2700 : vector<8x128xi32>
      %min3A_2737 = arith.minsi %slice3A_2701, %slice3A_2702 : vector<8x128xi32>
      %min3A_2738 = arith.minsi %slice3A_2703, %slice3A_2704 : vector<8x128xi32>
      %min3A_2739 = arith.minsi %slice3A_2705, %slice3A_2706 : vector<8x128xi32>
      %min3A_2740 = arith.minsi %slice3A_2707, %slice3A_2708 : vector<8x128xi32>
      %min3A_2741 = arith.minsi %slice3A_2709, %slice3A_2710 : vector<8x128xi32>
      %min3A_2742 = arith.minsi %slice3A_2711, %slice3A_2712 : vector<8x128xi32>
      %min3A_2743 = arith.minsi %slice3A_2713, %slice3A_2714 : vector<8x128xi32>
      %min3A_2744 = arith.minsi %slice3A_2715, %slice3A_2716 : vector<8x128xi32>
      %min3A_2745 = arith.minsi %slice3A_2717, %slice3A_2718 : vector<8x128xi32>
      %min3A_2746 = arith.minsi %slice3A_2719, %slice3A_2720 : vector<8x128xi32>
      %min3A_2747 = arith.minsi %slice3A_2721, %slice3A_2722 : vector<8x128xi32>
      %min3A_2748 = arith.minsi %min3A_2723, %min3A_2724 : vector<8x128xi32>
      %min3A_2749 = arith.minsi %min3A_2725, %min3A_2726 : vector<8x128xi32>
      %min3A_2750 = arith.minsi %min3A_2727, %min3A_2728 : vector<8x128xi32>
      %min3A_2751 = arith.minsi %min3A_2729, %min3A_2730 : vector<8x128xi32>
      %min3A_2752 = arith.minsi %min3A_2731, %min3A_2732 : vector<8x128xi32>
      %min3A_2753 = arith.minsi %min3A_2733, %min3A_2734 : vector<8x128xi32>
      %min3A_2754 = arith.minsi %min3A_2735, %min3A_2736 : vector<8x128xi32>
      %min3A_2755 = arith.minsi %min3A_2737, %min3A_2738 : vector<8x128xi32>
      %min3A_2756 = arith.minsi %min3A_2739, %min3A_2740 : vector<8x128xi32>
      %min3A_2757 = arith.minsi %min3A_2741, %min3A_2742 : vector<8x128xi32>
      %min3A_2758 = arith.minsi %min3A_2743, %min3A_2744 : vector<8x128xi32>
      %min3A_2759 = arith.minsi %min3A_2745, %min3A_2746 : vector<8x128xi32>
      %min3A_2760 = arith.minsi %min3A_2748, %min3A_2749 : vector<8x128xi32>
      %min3A_2761 = arith.minsi %min3A_2750, %min3A_2751 : vector<8x128xi32>
      %min3A_2762 = arith.minsi %min3A_2752, %min3A_2753 : vector<8x128xi32>
      %min3A_2763 = arith.minsi %min3A_2754, %min3A_2755 : vector<8x128xi32>
      %min3A_2764 = arith.minsi %min3A_2756, %min3A_2757 : vector<8x128xi32>
      %min3A_2765 = arith.minsi %min3A_2758, %min3A_2759 : vector<8x128xi32>
      %min3A_2766 = arith.minsi %min3A_2760, %min3A_2761 : vector<8x128xi32>
      %min3A_2767 = arith.minsi %min3A_2762, %min3A_2763 : vector<8x128xi32>
      %min3A_2768 = arith.minsi %min3A_2764, %min3A_2765 : vector<8x128xi32>
      %min3A_2769 = arith.minsi %min3A_2766, %min3A_2767 : vector<8x128xi32>
      %min3A_2770 = arith.minsi %min3A_2768, %min3A_2747 : vector<8x128xi32>
      %min3A_2771 = arith.minsi %min3A_2769, %min3A_2770 : vector<8x128xi32>
      %slice3A_2772 = vector.extract_strided_slice %min3A_2771 {offsets = [0, 0], sizes = [1, 128], strides = [1, 1]} : vector<8x128xi32> to vector<1x128xi32>
      %slice3A_2773 = vector.extract_strided_slice %min3A_2771 {offsets = [1, 0], sizes = [1, 128], strides = [1, 1]} : vector<8x128xi32> to vector<1x128xi32>
      %slice3A_2774 = vector.extract_strided_slice %min3A_2771 {offsets = [2, 0], sizes = [1, 128], strides = [1, 1]} : vector<8x128xi32> to vector<1x128xi32>
      %slice3A_2775 = vector.extract_strided_slice %min3A_2771 {offsets = [3, 0], sizes = [1, 128], strides = [1, 1]} : vector<8x128xi32> to vector<1x128xi32>
      %slice3A_2776 = vector.extract_strided_slice %min3A_2771 {offsets = [4, 0], sizes = [1, 128], strides = [1, 1]} : vector<8x128xi32> to vector<1x128xi32>
      %slice3A_2777 = vector.extract_strided_slice %min3A_2771 {offsets = [5, 0], sizes = [1, 128], strides = [1, 1]} : vector<8x128xi32> to vector<1x128xi32>
      %slice3A_2778 = vector.extract_strided_slice %min3A_2771 {offsets = [6, 0], sizes = [1, 128], strides = [1, 1]} : vector<8x128xi32> to vector<1x128xi32>
      %slice3A_2779 = vector.extract_strided_slice %min3A_2771 {offsets = [7, 0], sizes = [1, 128], strides = [1, 1]} : vector<8x128xi32> to vector<1x128xi32>
      %min3A_2780 = arith.minsi %slice3A_2772, %slice3A_2773 : vector<1x128xi32>
      %min3A_2781 = arith.minsi %slice3A_2774, %slice3A_2775 : vector<1x128xi32>
      %min3A_2782 = arith.minsi %slice3A_2776, %slice3A_2777 : vector<1x128xi32>
      %min3A_2783 = arith.minsi %slice3A_2778, %slice3A_2779 : vector<1x128xi32>
      %min3A_2784 = arith.minsi %min3A_2780, %min3A_2781 : vector<1x128xi32>
      %min3A_2785 = arith.minsi %min3A_2782, %min3A_2783 : vector<1x128xi32>
      %min3A_2786 = arith.minsi %min3A_2784, %min3A_2785 : vector<1x128xi32>
      %mul3A_2787 = arith.constant 128 : i32
      %mul3A_2788 = vector.broadcast %mul3A_2787 : i32 to vector<1x128xi32>
      %mul3A_2789 = arith.muli %min3A_2786, %mul3A_2788 : vector<1x128xi32>
      %iota3A_2790 = tpu.iota {dimensions = array<i32: 1>} : vector<1x128xi32>
      %add3A_2791 = arith.addi %mul3A_2789, %iota3A_2790 : vector<1x128xi32>
      %eq3A_2792 = vector.broadcast %min3A_2786 : vector<1x128xi32> to vector<400x128xi32>
      %eq3A_2793 = arith.cmpi eq, %iota3A_115, %eq3A_2792 : vector<400x128xi32>
      %jit3A_2794 = arith.constant 0x7F800000 : f32
      %broadcast_in_dim3A_2795 = vector.broadcast %jit3A_2794 : f32 to vector<400x128xf32>
      %select_n3A_2796 = arith.select %eq3A_2793, %broadcast_in_dim3A_2795, %select_n3A_2553 : vector<400x128xi1>, vector<400x128xf32>
      %slice3A_2797 = vector.extract_strided_slice %select_n3A_2796 {offsets = [0, 0], sizes = [8, 128], strides = [1, 1]} : vector<400x128xf32> to vector<8x128xf32>
      %slice3A_2798 = vector.extract_strided_slice %select_n3A_2796 {offsets = [8, 0], sizes = [8, 128], strides = [1, 1]} : vector<400x128xf32> to vector<8x128xf32>
      %slice3A_2799 = vector.extract_strided_slice %select_n3A_2796 {offsets = [16, 0], sizes = [8, 128], strides = [1, 1]} : vector<400x128xf32> to vector<8x128xf32>
      %slice3A_2800 = vector.extract_strided_slice %select_n3A_2796 {offsets = [24, 0], sizes = [8, 128], strides = [1, 1]} : vector<400x128xf32> to vector<8x128xf32>
      %slice3A_2801 = vector.extract_strided_slice %select_n3A_2796 {offsets = [32, 0], sizes = [8, 128], strides = [1, 1]} : vector<400x128xf32> to vector<8x128xf32>
      %slice3A_2802 = vector.extract_strided_slice %select_n3A_2796 {offsets = [40, 0], sizes = [8, 128], strides = [1, 1]} : vector<400x128xf32> to vector<8x128xf32>
      %slice3A_2803 = vector.extract_strided_slice %select_n3A_2796 {offsets = [48, 0], sizes = [8, 128], strides = [1, 1]} : vector<400x128xf32> to vector<8x128xf32>
      %slice3A_2804 = vector.extract_strided_slice %select_n3A_2796 {offsets = [56, 0], sizes = [8, 128], strides = [1, 1]} : vector<400x128xf32> to vector<8x128xf32>
      %slice3A_2805 = vector.extract_strided_slice %select_n3A_2796 {offsets = [64, 0], sizes = [8, 128], strides = [1, 1]} : vector<400x128xf32> to vector<8x128xf32>
      %slice3A_2806 = vector.extract_strided_slice %select_n3A_2796 {offsets = [72, 0], sizes = [8, 128], strides = [1, 1]} : vector<400x128xf32> to vector<8x128xf32>
      %slice3A_2807 = vector.extract_strided_slice %select_n3A_2796 {offsets = [80, 0], sizes = [8, 128], strides = [1, 1]} : vector<400x128xf32> to vector<8x128xf32>
      %slice3A_2808 = vector.extract_strided_slice %select_n3A_2796 {offsets = [88, 0], sizes = [8, 128], strides = [1, 1]} : vector<400x128xf32> to vector<8x128xf32>
      %slice3A_2809 = vector.extract_strided_slice %select_n3A_2796 {offsets = [96, 0], sizes = [8, 128], strides = [1, 1]} : vector<400x128xf32> to vector<8x128xf32>
      %slice3A_2810 = vector.extract_strided_slice %select_n3A_2796 {offsets = [104, 0], sizes = [8, 128], strides = [1, 1]} : vector<400x128xf32> to vector<8x128xf32>
      %slice3A_2811 = vector.extract_strided_slice %select_n3A_2796 {offsets = [112, 0], sizes = [8, 128], strides = [1, 1]} : vector<400x128xf32> to vector<8x128xf32>
      %slice3A_2812 = vector.extract_strided_slice %select_n3A_2796 {offsets = [120, 0], sizes = [8, 128], strides = [1, 1]} : vector<400x128xf32> to vector<8x128xf32>
      %slice3A_2813 = vector.extract_strided_slice %select_n3A_2796 {offsets = [128, 0], sizes = [8, 128], strides = [1, 1]} : vector<400x128xf32> to vector<8x128xf32>
      %slice3A_2814 = vector.extract_strided_slice %select_n3A_2796 {offsets = [136, 0], sizes = [8, 128], strides = [1, 1]} : vector<400x128xf32> to vector<8x128xf32>
      %slice3A_2815 = vector.extract_strided_slice %select_n3A_2796 {offsets = [144, 0], sizes = [8, 128], strides = [1, 1]} : vector<400x128xf32> to vector<8x128xf32>
      %slice3A_2816 = vector.extract_strided_slice %select_n3A_2796 {offsets = [152, 0], sizes = [8, 128], strides = [1, 1]} : vector<400x128xf32> to vector<8x128xf32>
      %slice3A_2817 = vector.extract_strided_slice %select_n3A_2796 {offsets = [160, 0], sizes = [8, 128], strides = [1, 1]} : vector<400x128xf32> to vector<8x128xf32>
      %slice3A_2818 = vector.extract_strided_slice %select_n3A_2796 {offsets = [168, 0], sizes = [8, 128], strides = [1, 1]} : vector<400x128xf32> to vector<8x128xf32>
      %slice3A_2819 = vector.extract_strided_slice %select_n3A_2796 {offsets = [176, 0], sizes = [8, 128], strides = [1, 1]} : vector<400x128xf32> to vector<8x128xf32>
      %slice3A_2820 = vector.extract_strided_slice %select_n3A_2796 {offsets = [184, 0], sizes = [8, 128], strides = [1, 1]} : vector<400x128xf32> to vector<8x128xf32>
      %slice3A_2821 = vector.extract_strided_slice %select_n3A_2796 {offsets = [192, 0], sizes = [8, 128], strides = [1, 1]} : vector<400x128xf32> to vector<8x128xf32>
      %slice3A_2822 = vector.extract_strided_slice %select_n3A_2796 {offsets = [200, 0], sizes = [8, 128], strides = [1, 1]} : vector<400x128xf32> to vector<8x128xf32>
      %slice3A_2823 = vector.extract_strided_slice %select_n3A_2796 {offsets = [208, 0], sizes = [8, 128], strides = [1, 1]} : vector<400x128xf32> to vector<8x128xf32>
      %slice3A_2824 = vector.extract_strided_slice %select_n3A_2796 {offsets = [216, 0], sizes = [8, 128], strides = [1, 1]} : vector<400x128xf32> to vector<8x128xf32>
      %slice3A_2825 = vector.extract_strided_slice %select_n3A_2796 {offsets = [224, 0], sizes = [8, 128], strides = [1, 1]} : vector<400x128xf32> to vector<8x128xf32>
      %slice3A_2826 = vector.extract_strided_slice %select_n3A_2796 {offsets = [232, 0], sizes = [8, 128], strides = [1, 1]} : vector<400x128xf32> to vector<8x128xf32>
      %slice3A_2827 = vector.extract_strided_slice %select_n3A_2796 {offsets = [240, 0], sizes = [8, 128], strides = [1, 1]} : vector<400x128xf32> to vector<8x128xf32>
      %slice3A_2828 = vector.extract_strided_slice %select_n3A_2796 {offsets = [248, 0], sizes = [8, 128], strides = [1, 1]} : vector<400x128xf32> to vector<8x128xf32>
      %slice3A_2829 = vector.extract_strided_slice %select_n3A_2796 {offsets = [256, 0], sizes = [8, 128], strides = [1, 1]} : vector<400x128xf32> to vector<8x128xf32>
      %slice3A_2830 = vector.extract_strided_slice %select_n3A_2796 {offsets = [264, 0], sizes = [8, 128], strides = [1, 1]} : vector<400x128xf32> to vector<8x128xf32>
      %slice3A_2831 = vector.extract_strided_slice %select_n3A_2796 {offsets = [272, 0], sizes = [8, 128], strides = [1, 1]} : vector<400x128xf32> to vector<8x128xf32>
      %slice3A_2832 = vector.extract_strided_slice %select_n3A_2796 {offsets = [280, 0], sizes = [8, 128], strides = [1, 1]} : vector<400x128xf32> to vector<8x128xf32>
      %slice3A_2833 = vector.extract_strided_slice %select_n3A_2796 {offsets = [288, 0], sizes = [8, 128], strides = [1, 1]} : vector<400x128xf32> to vector<8x128xf32>
      %slice3A_2834 = vector.extract_strided_slice %select_n3A_2796 {offsets = [296, 0], sizes = [8, 128], strides = [1, 1]} : vector<400x128xf32> to vector<8x128xf32>
      %slice3A_2835 = vector.extract_strided_slice %select_n3A_2796 {offsets = [304, 0], sizes = [8, 128], strides = [1, 1]} : vector<400x128xf32> to vector<8x128xf32>
      %slice3A_2836 = vector.extract_strided_slice %select_n3A_2796 {offsets = [312, 0], sizes = [8, 128], strides = [1, 1]} : vector<400x128xf32> to vector<8x128xf32>
      %slice3A_2837 = vector.extract_strided_slice %select_n3A_2796 {offsets = [320, 0], sizes = [8, 128], strides = [1, 1]} : vector<400x128xf32> to vector<8x128xf32>
      %slice3A_2838 = vector.extract_strided_slice %select_n3A_2796 {offsets = [328, 0], sizes = [8, 128], strides = [1, 1]} : vector<400x128xf32> to vector<8x128xf32>
      %slice3A_2839 = vector.extract_strided_slice %select_n3A_2796 {offsets = [336, 0], sizes = [8, 128], strides = [1, 1]} : vector<400x128xf32> to vector<8x128xf32>
      %slice3A_2840 = vector.extract_strided_slice %select_n3A_2796 {offsets = [344, 0], sizes = [8, 128], strides = [1, 1]} : vector<400x128xf32> to vector<8x128xf32>
      %slice3A_2841 = vector.extract_strided_slice %select_n3A_2796 {offsets = [352, 0], sizes = [8, 128], strides = [1, 1]} : vector<400x128xf32> to vector<8x128xf32>
      %slice3A_2842 = vector.extract_strided_slice %select_n3A_2796 {offsets = [360, 0], sizes = [8, 128], strides = [1, 1]} : vector<400x128xf32> to vector<8x128xf32>
      %slice3A_2843 = vector.extract_strided_slice %select_n3A_2796 {offsets = [368, 0], sizes = [8, 128], strides = [1, 1]} : vector<400x128xf32> to vector<8x128xf32>
      %slice3A_2844 = vector.extract_strided_slice %select_n3A_2796 {offsets = [376, 0], sizes = [8, 128], strides = [1, 1]} : vector<400x128xf32> to vector<8x128xf32>
      %slice3A_2845 = vector.extract_strided_slice %select_n3A_2796 {offsets = [384, 0], sizes = [8, 128], strides = [1, 1]} : vector<400x128xf32> to vector<8x128xf32>
      %slice3A_2846 = vector.extract_strided_slice %select_n3A_2796 {offsets = [392, 0], sizes = [8, 128], strides = [1, 1]} : vector<400x128xf32> to vector<8x128xf32>
      %min3A_2847 = arith.minimumf %slice3A_2797, %slice3A_2798 : vector<8x128xf32>
      %min3A_2848 = arith.minimumf %slice3A_2799, %slice3A_2800 : vector<8x128xf32>
      %min3A_2849 = arith.minimumf %slice3A_2801, %slice3A_2802 : vector<8x128xf32>
      %min3A_2850 = arith.minimumf %slice3A_2803, %slice3A_2804 : vector<8x128xf32>
      %min3A_2851 = arith.minimumf %slice3A_2805, %slice3A_2806 : vector<8x128xf32>
      %min3A_2852 = arith.minimumf %slice3A_2807, %slice3A_2808 : vector<8x128xf32>
      %min3A_2853 = arith.minimumf %slice3A_2809, %slice3A_2810 : vector<8x128xf32>
      %min3A_2854 = arith.minimumf %slice3A_2811, %slice3A_2812 : vector<8x128xf32>
      %min3A_2855 = arith.minimumf %slice3A_2813, %slice3A_2814 : vector<8x128xf32>
      %min3A_2856 = arith.minimumf %slice3A_2815, %slice3A_2816 : vector<8x128xf32>
      %min3A_2857 = arith.minimumf %slice3A_2817, %slice3A_2818 : vector<8x128xf32>
      %min3A_2858 = arith.minimumf %slice3A_2819, %slice3A_2820 : vector<8x128xf32>
      %min3A_2859 = arith.minimumf %slice3A_2821, %slice3A_2822 : vector<8x128xf32>
      %min3A_2860 = arith.minimumf %slice3A_2823, %slice3A_2824 : vector<8x128xf32>
      %min3A_2861 = arith.minimumf %slice3A_2825, %slice3A_2826 : vector<8x128xf32>
      %min3A_2862 = arith.minimumf %slice3A_2827, %slice3A_2828 : vector<8x128xf32>
      %min3A_2863 = arith.minimumf %slice3A_2829, %slice3A_2830 : vector<8x128xf32>
      %min3A_2864 = arith.minimumf %slice3A_2831, %slice3A_2832 : vector<8x128xf32>
      %min3A_2865 = arith.minimumf %slice3A_2833, %slice3A_2834 : vector<8x128xf32>
      %min3A_2866 = arith.minimumf %slice3A_2835, %slice3A_2836 : vector<8x128xf32>
      %min3A_2867 = arith.minimumf %slice3A_2837, %slice3A_2838 : vector<8x128xf32>
      %min3A_2868 = arith.minimumf %slice3A_2839, %slice3A_2840 : vector<8x128xf32>
      %min3A_2869 = arith.minimumf %slice3A_2841, %slice3A_2842 : vector<8x128xf32>
      %min3A_2870 = arith.minimumf %slice3A_2843, %slice3A_2844 : vector<8x128xf32>
      %min3A_2871 = arith.minimumf %slice3A_2845, %slice3A_2846 : vector<8x128xf32>
      %min3A_2872 = arith.minimumf %min3A_2847, %min3A_2848 : vector<8x128xf32>
      %min3A_2873 = arith.minimumf %min3A_2849, %min3A_2850 : vector<8x128xf32>
      %min3A_2874 = arith.minimumf %min3A_2851, %min3A_2852 : vector<8x128xf32>
      %min3A_2875 = arith.minimumf %min3A_2853, %min3A_2854 : vector<8x128xf32>
      %min3A_2876 = arith.minimumf %min3A_2855, %min3A_2856 : vector<8x128xf32>
      %min3A_2877 = arith.minimumf %min3A_2857, %min3A_2858 : vector<8x128xf32>
      %min3A_2878 = arith.minimumf %min3A_2859, %min3A_2860 : vector<8x128xf32>
      %min3A_2879 = arith.minimumf %min3A_2861, %min3A_2862 : vector<8x128xf32>
      %min3A_2880 = arith.minimumf %min3A_2863, %min3A_2864 : vector<8x128xf32>
      %min3A_2881 = arith.minimumf %min3A_2865, %min3A_2866 : vector<8x128xf32>
      %min3A_2882 = arith.minimumf %min3A_2867, %min3A_2868 : vector<8x128xf32>
      %min3A_2883 = arith.minimumf %min3A_2869, %min3A_2870 : vector<8x128xf32>
      %min3A_2884 = arith.minimumf %min3A_2872, %min3A_2873 : vector<8x128xf32>
      %min3A_2885 = arith.minimumf %min3A_2874, %min3A_2875 : vector<8x128xf32>
      %min3A_2886 = arith.minimumf %min3A_2876, %min3A_2877 : vector<8x128xf32>
      %min3A_2887 = arith.minimumf %min3A_2878, %min3A_2879 : vector<8x128xf32>
      %min3A_2888 = arith.minimumf %min3A_2880, %min3A_2881 : vector<8x128xf32>
      %min3A_2889 = arith.minimumf %min3A_2882, %min3A_2883 : vector<8x128xf32>
      %min3A_2890 = arith.minimumf %min3A_2884, %min3A_2885 : vector<8x128xf32>
      %min3A_2891 = arith.minimumf %min3A_2886, %min3A_2887 : vector<8x128xf32>
      %min3A_2892 = arith.minimumf %min3A_2888, %min3A_2889 : vector<8x128xf32>
      %min3A_2893 = arith.minimumf %min3A_2890, %min3A_2891 : vector<8x128xf32>
      %min3A_2894 = arith.minimumf %min3A_2892, %min3A_2871 : vector<8x128xf32>
      %min3A_2895 = arith.minimumf %min3A_2893, %min3A_2894 : vector<8x128xf32>
      %slice3A_2896 = vector.extract_strided_slice %min3A_2895 {offsets = [0, 0], sizes = [1, 128], strides = [1, 1]} : vector<8x128xf32> to vector<1x128xf32>
      %slice3A_2897 = vector.extract_strided_slice %min3A_2895 {offsets = [1, 0], sizes = [1, 128], strides = [1, 1]} : vector<8x128xf32> to vector<1x128xf32>
      %slice3A_2898 = vector.extract_strided_slice %min3A_2895 {offsets = [2, 0], sizes = [1, 128], strides = [1, 1]} : vector<8x128xf32> to vector<1x128xf32>
      %slice3A_2899 = vector.extract_strided_slice %min3A_2895 {offsets = [3, 0], sizes = [1, 128], strides = [1, 1]} : vector<8x128xf32> to vector<1x128xf32>
      %slice3A_2900 = vector.extract_strided_slice %min3A_2895 {offsets = [4, 0], sizes = [1, 128], strides = [1, 1]} : vector<8x128xf32> to vector<1x128xf32>
      %slice3A_2901 = vector.extract_strided_slice %min3A_2895 {offsets = [5, 0], sizes = [1, 128], strides = [1, 1]} : vector<8x128xf32> to vector<1x128xf32>
      %slice3A_2902 = vector.extract_strided_slice %min3A_2895 {offsets = [6, 0], sizes = [1, 128], strides = [1, 1]} : vector<8x128xf32> to vector<1x128xf32>
      %slice3A_2903 = vector.extract_strided_slice %min3A_2895 {offsets = [7, 0], sizes = [1, 128], strides = [1, 1]} : vector<8x128xf32> to vector<1x128xf32>
      %min3A_2904 = arith.minimumf %slice3A_2896, %slice3A_2897 : vector<1x128xf32>
      %min3A_2905 = arith.minimumf %slice3A_2898, %slice3A_2899 : vector<1x128xf32>
      %min3A_2906 = arith.minimumf %slice3A_2900, %slice3A_2901 : vector<1x128xf32>
      %min3A_2907 = arith.minimumf %slice3A_2902, %slice3A_2903 : vector<1x128xf32>
      %min3A_2908 = arith.minimumf %min3A_2904, %min3A_2905 : vector<1x128xf32>
      %min3A_2909 = arith.minimumf %min3A_2906, %min3A_2907 : vector<1x128xf32>
      %min3A_2910 = arith.minimumf %min3A_2908, %min3A_2909 : vector<1x128xf32>
      %eq3A_2911 = vector.broadcast %min3A_2910 : vector<1x128xf32> to vector<400x128xf32>
      %eq3A_2912 = arith.cmpf oeq, %select_n3A_2796, %eq3A_2911 : vector<400x128xf32>
      %jit3A_2913 = arith.constant 2147483647 : i32
      %broadcast_in_dim3A_2914 = vector.broadcast %jit3A_2913 : i32 to vector<400x128xi32>
      %select_n3A_2915 = arith.select %eq3A_2912, %iota3A_115, %broadcast_in_dim3A_2914 : vector<400x128xi1>, vector<400x128xi32>
      %slice3A_2916 = vector.extract_strided_slice %select_n3A_2915 {offsets = [0, 0], sizes = [8, 128], strides = [1, 1]} : vector<400x128xi32> to vector<8x128xi32>
      %slice3A_2917 = vector.extract_strided_slice %select_n3A_2915 {offsets = [8, 0], sizes = [8, 128], strides = [1, 1]} : vector<400x128xi32> to vector<8x128xi32>
      %slice3A_2918 = vector.extract_strided_slice %select_n3A_2915 {offsets = [16, 0], sizes = [8, 128], strides = [1, 1]} : vector<400x128xi32> to vector<8x128xi32>
      %slice3A_2919 = vector.extract_strided_slice %select_n3A_2915 {offsets = [24, 0], sizes = [8, 128], strides = [1, 1]} : vector<400x128xi32> to vector<8x128xi32>
      %slice3A_2920 = vector.extract_strided_slice %select_n3A_2915 {offsets = [32, 0], sizes = [8, 128], strides = [1, 1]} : vector<400x128xi32> to vector<8x128xi32>
      %slice3A_2921 = vector.extract_strided_slice %select_n3A_2915 {offsets = [40, 0], sizes = [8, 128], strides = [1, 1]} : vector<400x128xi32> to vector<8x128xi32>
      %slice3A_2922 = vector.extract_strided_slice %select_n3A_2915 {offsets = [48, 0], sizes = [8, 128], strides = [1, 1]} : vector<400x128xi32> to vector<8x128xi32>
      %slice3A_2923 = vector.extract_strided_slice %select_n3A_2915 {offsets = [56, 0], sizes = [8, 128], strides = [1, 1]} : vector<400x128xi32> to vector<8x128xi32>
      %slice3A_2924 = vector.extract_strided_slice %select_n3A_2915 {offsets = [64, 0], sizes = [8, 128], strides = [1, 1]} : vector<400x128xi32> to vector<8x128xi32>
      %slice3A_2925 = vector.extract_strided_slice %select_n3A_2915 {offsets = [72, 0], sizes = [8, 128], strides = [1, 1]} : vector<400x128xi32> to vector<8x128xi32>
      %slice3A_2926 = vector.extract_strided_slice %select_n3A_2915 {offsets = [80, 0], sizes = [8, 128], strides = [1, 1]} : vector<400x128xi32> to vector<8x128xi32>
      %slice3A_2927 = vector.extract_strided_slice %select_n3A_2915 {offsets = [88, 0], sizes = [8, 128], strides = [1, 1]} : vector<400x128xi32> to vector<8x128xi32>
      %slice3A_2928 = vector.extract_strided_slice %select_n3A_2915 {offsets = [96, 0], sizes = [8, 128], strides = [1, 1]} : vector<400x128xi32> to vector<8x128xi32>
      %slice3A_2929 = vector.extract_strided_slice %select_n3A_2915 {offsets = [104, 0], sizes = [8, 128], strides = [1, 1]} : vector<400x128xi32> to vector<8x128xi32>
      %slice3A_2930 = vector.extract_strided_slice %select_n3A_2915 {offsets = [112, 0], sizes = [8, 128], strides = [1, 1]} : vector<400x128xi32> to vector<8x128xi32>
      %slice3A_2931 = vector.extract_strided_slice %select_n3A_2915 {offsets = [120, 0], sizes = [8, 128], strides = [1, 1]} : vector<400x128xi32> to vector<8x128xi32>
      %slice3A_2932 = vector.extract_strided_slice %select_n3A_2915 {offsets = [128, 0], sizes = [8, 128], strides = [1, 1]} : vector<400x128xi32> to vector<8x128xi32>
      %slice3A_2933 = vector.extract_strided_slice %select_n3A_2915 {offsets = [136, 0], sizes = [8, 128], strides = [1, 1]} : vector<400x128xi32> to vector<8x128xi32>
      %slice3A_2934 = vector.extract_strided_slice %select_n3A_2915 {offsets = [144, 0], sizes = [8, 128], strides = [1, 1]} : vector<400x128xi32> to vector<8x128xi32>
      %slice3A_2935 = vector.extract_strided_slice %select_n3A_2915 {offsets = [152, 0], sizes = [8, 128], strides = [1, 1]} : vector<400x128xi32> to vector<8x128xi32>
      %slice3A_2936 = vector.extract_strided_slice %select_n3A_2915 {offsets = [160, 0], sizes = [8, 128], strides = [1, 1]} : vector<400x128xi32> to vector<8x128xi32>
      %slice3A_2937 = vector.extract_strided_slice %select_n3A_2915 {offsets = [168, 0], sizes = [8, 128], strides = [1, 1]} : vector<400x128xi32> to vector<8x128xi32>
      %slice3A_2938 = vector.extract_strided_slice %select_n3A_2915 {offsets = [176, 0], sizes = [8, 128], strides = [1, 1]} : vector<400x128xi32> to vector<8x128xi32>
      %slice3A_2939 = vector.extract_strided_slice %select_n3A_2915 {offsets = [184, 0], sizes = [8, 128], strides = [1, 1]} : vector<400x128xi32> to vector<8x128xi32>
      %slice3A_2940 = vector.extract_strided_slice %select_n3A_2915 {offsets = [192, 0], sizes = [8, 128], strides = [1, 1]} : vector<400x128xi32> to vector<8x128xi32>
      %slice3A_2941 = vector.extract_strided_slice %select_n3A_2915 {offsets = [200, 0], sizes = [8, 128], strides = [1, 1]} : vector<400x128xi32> to vector<8x128xi32>
      %slice3A_2942 = vector.extract_strided_slice %select_n3A_2915 {offsets = [208, 0], sizes = [8, 128], strides = [1, 1]} : vector<400x128xi32> to vector<8x128xi32>
      %slice3A_2943 = vector.extract_strided_slice %select_n3A_2915 {offsets = [216, 0], sizes = [8, 128], strides = [1, 1]} : vector<400x128xi32> to vector<8x128xi32>
      %slice3A_2944 = vector.extract_strided_slice %select_n3A_2915 {offsets = [224, 0], sizes = [8, 128], strides = [1, 1]} : vector<400x128xi32> to vector<8x128xi32>
      %slice3A_2945 = vector.extract_strided_slice %select_n3A_2915 {offsets = [232, 0], sizes = [8, 128], strides = [1, 1]} : vector<400x128xi32> to vector<8x128xi32>
      %slice3A_2946 = vector.extract_strided_slice %select_n3A_2915 {offsets = [240, 0], sizes = [8, 128], strides = [1, 1]} : vector<400x128xi32> to vector<8x128xi32>
      %slice3A_2947 = vector.extract_strided_slice %select_n3A_2915 {offsets = [248, 0], sizes = [8, 128], strides = [1, 1]} : vector<400x128xi32> to vector<8x128xi32>
      %slice3A_2948 = vector.extract_strided_slice %select_n3A_2915 {offsets = [256, 0], sizes = [8, 128], strides = [1, 1]} : vector<400x128xi32> to vector<8x128xi32>
      %slice3A_2949 = vector.extract_strided_slice %select_n3A_2915 {offsets = [264, 0], sizes = [8, 128], strides = [1, 1]} : vector<400x128xi32> to vector<8x128xi32>
      %slice3A_2950 = vector.extract_strided_slice %select_n3A_2915 {offsets = [272, 0], sizes = [8, 128], strides = [1, 1]} : vector<400x128xi32> to vector<8x128xi32>
      %slice3A_2951 = vector.extract_strided_slice %select_n3A_2915 {offsets = [280, 0], sizes = [8, 128], strides = [1, 1]} : vector<400x128xi32> to vector<8x128xi32>
      %slice3A_2952 = vector.extract_strided_slice %select_n3A_2915 {offsets = [288, 0], sizes = [8, 128], strides = [1, 1]} : vector<400x128xi32> to vector<8x128xi32>
      %slice3A_2953 = vector.extract_strided_slice %select_n3A_2915 {offsets = [296, 0], sizes = [8, 128], strides = [1, 1]} : vector<400x128xi32> to vector<8x128xi32>
      %slice3A_2954 = vector.extract_strided_slice %select_n3A_2915 {offsets = [304, 0], sizes = [8, 128], strides = [1, 1]} : vector<400x128xi32> to vector<8x128xi32>
      %slice3A_2955 = vector.extract_strided_slice %select_n3A_2915 {offsets = [312, 0], sizes = [8, 128], strides = [1, 1]} : vector<400x128xi32> to vector<8x128xi32>
      %slice3A_2956 = vector.extract_strided_slice %select_n3A_2915 {offsets = [320, 0], sizes = [8, 128], strides = [1, 1]} : vector<400x128xi32> to vector<8x128xi32>
      %slice3A_2957 = vector.extract_strided_slice %select_n3A_2915 {offsets = [328, 0], sizes = [8, 128], strides = [1, 1]} : vector<400x128xi32> to vector<8x128xi32>
      %slice3A_2958 = vector.extract_strided_slice %select_n3A_2915 {offsets = [336, 0], sizes = [8, 128], strides = [1, 1]} : vector<400x128xi32> to vector<8x128xi32>
      %slice3A_2959 = vector.extract_strided_slice %select_n3A_2915 {offsets = [344, 0], sizes = [8, 128], strides = [1, 1]} : vector<400x128xi32> to vector<8x128xi32>
      %slice3A_2960 = vector.extract_strided_slice %select_n3A_2915 {offsets = [352, 0], sizes = [8, 128], strides = [1, 1]} : vector<400x128xi32> to vector<8x128xi32>
      %slice3A_2961 = vector.extract_strided_slice %select_n3A_2915 {offsets = [360, 0], sizes = [8, 128], strides = [1, 1]} : vector<400x128xi32> to vector<8x128xi32>
      %slice3A_2962 = vector.extract_strided_slice %select_n3A_2915 {offsets = [368, 0], sizes = [8, 128], strides = [1, 1]} : vector<400x128xi32> to vector<8x128xi32>
      %slice3A_2963 = vector.extract_strided_slice %select_n3A_2915 {offsets = [376, 0], sizes = [8, 128], strides = [1, 1]} : vector<400x128xi32> to vector<8x128xi32>
      %slice3A_2964 = vector.extract_strided_slice %select_n3A_2915 {offsets = [384, 0], sizes = [8, 128], strides = [1, 1]} : vector<400x128xi32> to vector<8x128xi32>
      %slice3A_2965 = vector.extract_strided_slice %select_n3A_2915 {offsets = [392, 0], sizes = [8, 128], strides = [1, 1]} : vector<400x128xi32> to vector<8x128xi32>
      %min3A_2966 = arith.minsi %slice3A_2916, %slice3A_2917 : vector<8x128xi32>
      %min3A_2967 = arith.minsi %slice3A_2918, %slice3A_2919 : vector<8x128xi32>
      %min3A_2968 = arith.minsi %slice3A_2920, %slice3A_2921 : vector<8x128xi32>
      %min3A_2969 = arith.minsi %slice3A_2922, %slice3A_2923 : vector<8x128xi32>
      %min3A_2970 = arith.minsi %slice3A_2924, %slice3A_2925 : vector<8x128xi32>
      %min3A_2971 = arith.minsi %slice3A_2926, %slice3A_2927 : vector<8x128xi32>
      %min3A_2972 = arith.minsi %slice3A_2928, %slice3A_2929 : vector<8x128xi32>
      %min3A_2973 = arith.minsi %slice3A_2930, %slice3A_2931 : vector<8x128xi32>
      %min3A_2974 = arith.minsi %slice3A_2932, %slice3A_2933 : vector<8x128xi32>
      %min3A_2975 = arith.minsi %slice3A_2934, %slice3A_2935 : vector<8x128xi32>
      %min3A_2976 = arith.minsi %slice3A_2936, %slice3A_2937 : vector<8x128xi32>
      %min3A_2977 = arith.minsi %slice3A_2938, %slice3A_2939 : vector<8x128xi32>
      %min3A_2978 = arith.minsi %slice3A_2940, %slice3A_2941 : vector<8x128xi32>
      %min3A_2979 = arith.minsi %slice3A_2942, %slice3A_2943 : vector<8x128xi32>
      %min3A_2980 = arith.minsi %slice3A_2944, %slice3A_2945 : vector<8x128xi32>
      %min3A_2981 = arith.minsi %slice3A_2946, %slice3A_2947 : vector<8x128xi32>
      %min3A_2982 = arith.minsi %slice3A_2948, %slice3A_2949 : vector<8x128xi32>
      %min3A_2983 = arith.minsi %slice3A_2950, %slice3A_2951 : vector<8x128xi32>
      %min3A_2984 = arith.minsi %slice3A_2952, %slice3A_2953 : vector<8x128xi32>
      %min3A_2985 = arith.minsi %slice3A_2954, %slice3A_2955 : vector<8x128xi32>
      %min3A_2986 = arith.minsi %slice3A_2956, %slice3A_2957 : vector<8x128xi32>
      %min3A_2987 = arith.minsi %slice3A_2958, %slice3A_2959 : vector<8x128xi32>
      %min3A_2988 = arith.minsi %slice3A_2960, %slice3A_2961 : vector<8x128xi32>
      %min3A_2989 = arith.minsi %slice3A_2962, %slice3A_2963 : vector<8x128xi32>
      %min3A_2990 = arith.minsi %slice3A_2964, %slice3A_2965 : vector<8x128xi32>
      %min3A_2991 = arith.minsi %min3A_2966, %min3A_2967 : vector<8x128xi32>
      %min3A_2992 = arith.minsi %min3A_2968, %min3A_2969 : vector<8x128xi32>
      %min3A_2993 = arith.minsi %min3A_2970, %min3A_2971 : vector<8x128xi32>
      %min3A_2994 = arith.minsi %min3A_2972, %min3A_2973 : vector<8x128xi32>
      %min3A_2995 = arith.minsi %min3A_2974, %min3A_2975 : vector<8x128xi32>
      %min3A_2996 = arith.minsi %min3A_2976, %min3A_2977 : vector<8x128xi32>
      %min3A_2997 = arith.minsi %min3A_2978, %min3A_2979 : vector<8x128xi32>
      %min3A_2998 = arith.minsi %min3A_2980, %min3A_2981 : vector<8x128xi32>
      %min3A_2999 = arith.minsi %min3A_2982, %min3A_2983 : vector<8x128xi32>
      %min3A_3000 = arith.minsi %min3A_2984, %min3A_2985 : vector<8x128xi32>
      %min3A_3001 = arith.minsi %min3A_2986, %min3A_2987 : vector<8x128xi32>
      %min3A_3002 = arith.minsi %min3A_2988, %min3A_2989 : vector<8x128xi32>
      %min3A_3003 = arith.minsi %min3A_2991, %min3A_2992 : vector<8x128xi32>
      %min3A_3004 = arith.minsi %min3A_2993, %min3A_2994 : vector<8x128xi32>
      %min3A_3005 = arith.minsi %min3A_2995, %min3A_2996 : vector<8x128xi32>
      %min3A_3006 = arith.minsi %min3A_2997, %min3A_2998 : vector<8x128xi32>
      %min3A_3007 = arith.minsi %min3A_2999, %min3A_3000 : vector<8x128xi32>
      %min3A_3008 = arith.minsi %min3A_3001, %min3A_3002 : vector<8x128xi32>
      %min3A_3009 = arith.minsi %min3A_3003, %min3A_3004 : vector<8x128xi32>
      %min3A_3010 = arith.minsi %min3A_3005, %min3A_3006 : vector<8x128xi32>
      %min3A_3011 = arith.minsi %min3A_3007, %min3A_3008 : vector<8x128xi32>
      %min3A_3012 = arith.minsi %min3A_3009, %min3A_3010 : vector<8x128xi32>
      %min3A_3013 = arith.minsi %min3A_3011, %min3A_2990 : vector<8x128xi32>
      %min3A_3014 = arith.minsi %min3A_3012, %min3A_3013 : vector<8x128xi32>
      %slice3A_3015 = vector.extract_strided_slice %min3A_3014 {offsets = [0, 0], sizes = [1, 128], strides = [1, 1]} : vector<8x128xi32> to vector<1x128xi32>
      %slice3A_3016 = vector.extract_strided_slice %min3A_3014 {offsets = [1, 0], sizes = [1, 128], strides = [1, 1]} : vector<8x128xi32> to vector<1x128xi32>
      %slice3A_3017 = vector.extract_strided_slice %min3A_3014 {offsets = [2, 0], sizes = [1, 128], strides = [1, 1]} : vector<8x128xi32> to vector<1x128xi32>
      %slice3A_3018 = vector.extract_strided_slice %min3A_3014 {offsets = [3, 0], sizes = [1, 128], strides = [1, 1]} : vector<8x128xi32> to vector<1x128xi32>
      %slice3A_3019 = vector.extract_strided_slice %min3A_3014 {offsets = [4, 0], sizes = [1, 128], strides = [1, 1]} : vector<8x128xi32> to vector<1x128xi32>
      %slice3A_3020 = vector.extract_strided_slice %min3A_3014 {offsets = [5, 0], sizes = [1, 128], strides = [1, 1]} : vector<8x128xi32> to vector<1x128xi32>
      %slice3A_3021 = vector.extract_strided_slice %min3A_3014 {offsets = [6, 0], sizes = [1, 128], strides = [1, 1]} : vector<8x128xi32> to vector<1x128xi32>
      %slice3A_3022 = vector.extract_strided_slice %min3A_3014 {offsets = [7, 0], sizes = [1, 128], strides = [1, 1]} : vector<8x128xi32> to vector<1x128xi32>
      %min3A_3023 = arith.minsi %slice3A_3015, %slice3A_3016 : vector<1x128xi32>
      %min3A_3024 = arith.minsi %slice3A_3017, %slice3A_3018 : vector<1x128xi32>
      %min3A_3025 = arith.minsi %slice3A_3019, %slice3A_3020 : vector<1x128xi32>
      %min3A_3026 = arith.minsi %slice3A_3021, %slice3A_3022 : vector<1x128xi32>
      %min3A_3027 = arith.minsi %min3A_3023, %min3A_3024 : vector<1x128xi32>
      %min3A_3028 = arith.minsi %min3A_3025, %min3A_3026 : vector<1x128xi32>
      %min3A_3029 = arith.minsi %min3A_3027, %min3A_3028 : vector<1x128xi32>
      %mul3A_3030 = arith.constant 128 : i32
      %mul3A_3031 = vector.broadcast %mul3A_3030 : i32 to vector<1x128xi32>
      %mul3A_3032 = arith.muli %min3A_3029, %mul3A_3031 : vector<1x128xi32>
      %iota3A_3033 = tpu.iota {dimensions = array<i32: 1>} : vector<1x128xi32>
      %add3A_3034 = arith.addi %mul3A_3032, %iota3A_3033 : vector<1x128xi32>
      %eq3A_3035 = vector.broadcast %min3A_3029 : vector<1x128xi32> to vector<400x128xi32>
      %eq3A_3036 = arith.cmpi eq, %iota3A_115, %eq3A_3035 : vector<400x128xi32>
      %jit3A_3037 = arith.constant 0x7F800000 : f32
      %broadcast_in_dim3A_3038 = vector.broadcast %jit3A_3037 : f32 to vector<400x128xf32>
      %select_n3A_3039 = arith.select %eq3A_3036, %broadcast_in_dim3A_3038, %select_n3A_2796 : vector<400x128xi1>, vector<400x128xf32>
      %slice3A_3040 = vector.extract_strided_slice %select_n3A_3039 {offsets = [0, 0], sizes = [8, 128], strides = [1, 1]} : vector<400x128xf32> to vector<8x128xf32>
      %slice3A_3041 = vector.extract_strided_slice %select_n3A_3039 {offsets = [8, 0], sizes = [8, 128], strides = [1, 1]} : vector<400x128xf32> to vector<8x128xf32>
      %slice3A_3042 = vector.extract_strided_slice %select_n3A_3039 {offsets = [16, 0], sizes = [8, 128], strides = [1, 1]} : vector<400x128xf32> to vector<8x128xf32>
      %slice3A_3043 = vector.extract_strided_slice %select_n3A_3039 {offsets = [24, 0], sizes = [8, 128], strides = [1, 1]} : vector<400x128xf32> to vector<8x128xf32>
      %slice3A_3044 = vector.extract_strided_slice %select_n3A_3039 {offsets = [32, 0], sizes = [8, 128], strides = [1, 1]} : vector<400x128xf32> to vector<8x128xf32>
      %slice3A_3045 = vector.extract_strided_slice %select_n3A_3039 {offsets = [40, 0], sizes = [8, 128], strides = [1, 1]} : vector<400x128xf32> to vector<8x128xf32>
      %slice3A_3046 = vector.extract_strided_slice %select_n3A_3039 {offsets = [48, 0], sizes = [8, 128], strides = [1, 1]} : vector<400x128xf32> to vector<8x128xf32>
      %slice3A_3047 = vector.extract_strided_slice %select_n3A_3039 {offsets = [56, 0], sizes = [8, 128], strides = [1, 1]} : vector<400x128xf32> to vector<8x128xf32>
      %slice3A_3048 = vector.extract_strided_slice %select_n3A_3039 {offsets = [64, 0], sizes = [8, 128], strides = [1, 1]} : vector<400x128xf32> to vector<8x128xf32>
      %slice3A_3049 = vector.extract_strided_slice %select_n3A_3039 {offsets = [72, 0], sizes = [8, 128], strides = [1, 1]} : vector<400x128xf32> to vector<8x128xf32>
      %slice3A_3050 = vector.extract_strided_slice %select_n3A_3039 {offsets = [80, 0], sizes = [8, 128], strides = [1, 1]} : vector<400x128xf32> to vector<8x128xf32>
      %slice3A_3051 = vector.extract_strided_slice %select_n3A_3039 {offsets = [88, 0], sizes = [8, 128], strides = [1, 1]} : vector<400x128xf32> to vector<8x128xf32>
      %slice3A_3052 = vector.extract_strided_slice %select_n3A_3039 {offsets = [96, 0], sizes = [8, 128], strides = [1, 1]} : vector<400x128xf32> to vector<8x128xf32>
      %slice3A_3053 = vector.extract_strided_slice %select_n3A_3039 {offsets = [104, 0], sizes = [8, 128], strides = [1, 1]} : vector<400x128xf32> to vector<8x128xf32>
      %slice3A_3054 = vector.extract_strided_slice %select_n3A_3039 {offsets = [112, 0], sizes = [8, 128], strides = [1, 1]} : vector<400x128xf32> to vector<8x128xf32>
      %slice3A_3055 = vector.extract_strided_slice %select_n3A_3039 {offsets = [120, 0], sizes = [8, 128], strides = [1, 1]} : vector<400x128xf32> to vector<8x128xf32>
      %slice3A_3056 = vector.extract_strided_slice %select_n3A_3039 {offsets = [128, 0], sizes = [8, 128], strides = [1, 1]} : vector<400x128xf32> to vector<8x128xf32>
      %slice3A_3057 = vector.extract_strided_slice %select_n3A_3039 {offsets = [136, 0], sizes = [8, 128], strides = [1, 1]} : vector<400x128xf32> to vector<8x128xf32>
      %slice3A_3058 = vector.extract_strided_slice %select_n3A_3039 {offsets = [144, 0], sizes = [8, 128], strides = [1, 1]} : vector<400x128xf32> to vector<8x128xf32>
      %slice3A_3059 = vector.extract_strided_slice %select_n3A_3039 {offsets = [152, 0], sizes = [8, 128], strides = [1, 1]} : vector<400x128xf32> to vector<8x128xf32>
      %slice3A_3060 = vector.extract_strided_slice %select_n3A_3039 {offsets = [160, 0], sizes = [8, 128], strides = [1, 1]} : vector<400x128xf32> to vector<8x128xf32>
      %slice3A_3061 = vector.extract_strided_slice %select_n3A_3039 {offsets = [168, 0], sizes = [8, 128], strides = [1, 1]} : vector<400x128xf32> to vector<8x128xf32>
      %slice3A_3062 = vector.extract_strided_slice %select_n3A_3039 {offsets = [176, 0], sizes = [8, 128], strides = [1, 1]} : vector<400x128xf32> to vector<8x128xf32>
      %slice3A_3063 = vector.extract_strided_slice %select_n3A_3039 {offsets = [184, 0], sizes = [8, 128], strides = [1, 1]} : vector<400x128xf32> to vector<8x128xf32>
      %slice3A_3064 = vector.extract_strided_slice %select_n3A_3039 {offsets = [192, 0], sizes = [8, 128], strides = [1, 1]} : vector<400x128xf32> to vector<8x128xf32>
      %slice3A_3065 = vector.extract_strided_slice %select_n3A_3039 {offsets = [200, 0], sizes = [8, 128], strides = [1, 1]} : vector<400x128xf32> to vector<8x128xf32>
      %slice3A_3066 = vector.extract_strided_slice %select_n3A_3039 {offsets = [208, 0], sizes = [8, 128], strides = [1, 1]} : vector<400x128xf32> to vector<8x128xf32>
      %slice3A_3067 = vector.extract_strided_slice %select_n3A_3039 {offsets = [216, 0], sizes = [8, 128], strides = [1, 1]} : vector<400x128xf32> to vector<8x128xf32>
      %slice3A_3068 = vector.extract_strided_slice %select_n3A_3039 {offsets = [224, 0], sizes = [8, 128], strides = [1, 1]} : vector<400x128xf32> to vector<8x128xf32>
      %slice3A_3069 = vector.extract_strided_slice %select_n3A_3039 {offsets = [232, 0], sizes = [8, 128], strides = [1, 1]} : vector<400x128xf32> to vector<8x128xf32>
      %slice3A_3070 = vector.extract_strided_slice %select_n3A_3039 {offsets = [240, 0], sizes = [8, 128], strides = [1, 1]} : vector<400x128xf32> to vector<8x128xf32>
      %slice3A_3071 = vector.extract_strided_slice %select_n3A_3039 {offsets = [248, 0], sizes = [8, 128], strides = [1, 1]} : vector<400x128xf32> to vector<8x128xf32>
      %slice3A_3072 = vector.extract_strided_slice %select_n3A_3039 {offsets = [256, 0], sizes = [8, 128], strides = [1, 1]} : vector<400x128xf32> to vector<8x128xf32>
      %slice3A_3073 = vector.extract_strided_slice %select_n3A_3039 {offsets = [264, 0], sizes = [8, 128], strides = [1, 1]} : vector<400x128xf32> to vector<8x128xf32>
      %slice3A_3074 = vector.extract_strided_slice %select_n3A_3039 {offsets = [272, 0], sizes = [8, 128], strides = [1, 1]} : vector<400x128xf32> to vector<8x128xf32>
      %slice3A_3075 = vector.extract_strided_slice %select_n3A_3039 {offsets = [280, 0], sizes = [8, 128], strides = [1, 1]} : vector<400x128xf32> to vector<8x128xf32>
      %slice3A_3076 = vector.extract_strided_slice %select_n3A_3039 {offsets = [288, 0], sizes = [8, 128], strides = [1, 1]} : vector<400x128xf32> to vector<8x128xf32>
      %slice3A_3077 = vector.extract_strided_slice %select_n3A_3039 {offsets = [296, 0], sizes = [8, 128], strides = [1, 1]} : vector<400x128xf32> to vector<8x128xf32>
      %slice3A_3078 = vector.extract_strided_slice %select_n3A_3039 {offsets = [304, 0], sizes = [8, 128], strides = [1, 1]} : vector<400x128xf32> to vector<8x128xf32>
      %slice3A_3079 = vector.extract_strided_slice %select_n3A_3039 {offsets = [312, 0], sizes = [8, 128], strides = [1, 1]} : vector<400x128xf32> to vector<8x128xf32>
      %slice3A_3080 = vector.extract_strided_slice %select_n3A_3039 {offsets = [320, 0], sizes = [8, 128], strides = [1, 1]} : vector<400x128xf32> to vector<8x128xf32>
      %slice3A_3081 = vector.extract_strided_slice %select_n3A_3039 {offsets = [328, 0], sizes = [8, 128], strides = [1, 1]} : vector<400x128xf32> to vector<8x128xf32>
      %slice3A_3082 = vector.extract_strided_slice %select_n3A_3039 {offsets = [336, 0], sizes = [8, 128], strides = [1, 1]} : vector<400x128xf32> to vector<8x128xf32>
      %slice3A_3083 = vector.extract_strided_slice %select_n3A_3039 {offsets = [344, 0], sizes = [8, 128], strides = [1, 1]} : vector<400x128xf32> to vector<8x128xf32>
      %slice3A_3084 = vector.extract_strided_slice %select_n3A_3039 {offsets = [352, 0], sizes = [8, 128], strides = [1, 1]} : vector<400x128xf32> to vector<8x128xf32>
      %slice3A_3085 = vector.extract_strided_slice %select_n3A_3039 {offsets = [360, 0], sizes = [8, 128], strides = [1, 1]} : vector<400x128xf32> to vector<8x128xf32>
      %slice3A_3086 = vector.extract_strided_slice %select_n3A_3039 {offsets = [368, 0], sizes = [8, 128], strides = [1, 1]} : vector<400x128xf32> to vector<8x128xf32>
      %slice3A_3087 = vector.extract_strided_slice %select_n3A_3039 {offsets = [376, 0], sizes = [8, 128], strides = [1, 1]} : vector<400x128xf32> to vector<8x128xf32>
      %slice3A_3088 = vector.extract_strided_slice %select_n3A_3039 {offsets = [384, 0], sizes = [8, 128], strides = [1, 1]} : vector<400x128xf32> to vector<8x128xf32>
      %slice3A_3089 = vector.extract_strided_slice %select_n3A_3039 {offsets = [392, 0], sizes = [8, 128], strides = [1, 1]} : vector<400x128xf32> to vector<8x128xf32>
      %min3A_3090 = arith.minimumf %slice3A_3040, %slice3A_3041 : vector<8x128xf32>
      %min3A_3091 = arith.minimumf %slice3A_3042, %slice3A_3043 : vector<8x128xf32>
      %min3A_3092 = arith.minimumf %slice3A_3044, %slice3A_3045 : vector<8x128xf32>
      %min3A_3093 = arith.minimumf %slice3A_3046, %slice3A_3047 : vector<8x128xf32>
      %min3A_3094 = arith.minimumf %slice3A_3048, %slice3A_3049 : vector<8x128xf32>
      %min3A_3095 = arith.minimumf %slice3A_3050, %slice3A_3051 : vector<8x128xf32>
      %min3A_3096 = arith.minimumf %slice3A_3052, %slice3A_3053 : vector<8x128xf32>
      %min3A_3097 = arith.minimumf %slice3A_3054, %slice3A_3055 : vector<8x128xf32>
      %min3A_3098 = arith.minimumf %slice3A_3056, %slice3A_3057 : vector<8x128xf32>
      %min3A_3099 = arith.minimumf %slice3A_3058, %slice3A_3059 : vector<8x128xf32>
      %min3A_3100 = arith.minimumf %slice3A_3060, %slice3A_3061 : vector<8x128xf32>
      %min3A_3101 = arith.minimumf %slice3A_3062, %slice3A_3063 : vector<8x128xf32>
      %min3A_3102 = arith.minimumf %slice3A_3064, %slice3A_3065 : vector<8x128xf32>
      %min3A_3103 = arith.minimumf %slice3A_3066, %slice3A_3067 : vector<8x128xf32>
      %min3A_3104 = arith.minimumf %slice3A_3068, %slice3A_3069 : vector<8x128xf32>
      %min3A_3105 = arith.minimumf %slice3A_3070, %slice3A_3071 : vector<8x128xf32>
      %min3A_3106 = arith.minimumf %slice3A_3072, %slice3A_3073 : vector<8x128xf32>
      %min3A_3107 = arith.minimumf %slice3A_3074, %slice3A_3075 : vector<8x128xf32>
      %min3A_3108 = arith.minimumf %slice3A_3076, %slice3A_3077 : vector<8x128xf32>
      %min3A_3109 = arith.minimumf %slice3A_3078, %slice3A_3079 : vector<8x128xf32>
      %min3A_3110 = arith.minimumf %slice3A_3080, %slice3A_3081 : vector<8x128xf32>
      %min3A_3111 = arith.minimumf %slice3A_3082, %slice3A_3083 : vector<8x128xf32>
      %min3A_3112 = arith.minimumf %slice3A_3084, %slice3A_3085 : vector<8x128xf32>
      %min3A_3113 = arith.minimumf %slice3A_3086, %slice3A_3087 : vector<8x128xf32>
      %min3A_3114 = arith.minimumf %slice3A_3088, %slice3A_3089 : vector<8x128xf32>
      %min3A_3115 = arith.minimumf %min3A_3090, %min3A_3091 : vector<8x128xf32>
      %min3A_3116 = arith.minimumf %min3A_3092, %min3A_3093 : vector<8x128xf32>
      %min3A_3117 = arith.minimumf %min3A_3094, %min3A_3095 : vector<8x128xf32>
      %min3A_3118 = arith.minimumf %min3A_3096, %min3A_3097 : vector<8x128xf32>
      %min3A_3119 = arith.minimumf %min3A_3098, %min3A_3099 : vector<8x128xf32>
      %min3A_3120 = arith.minimumf %min3A_3100, %min3A_3101 : vector<8x128xf32>
      %min3A_3121 = arith.minimumf %min3A_3102, %min3A_3103 : vector<8x128xf32>
      %min3A_3122 = arith.minimumf %min3A_3104, %min3A_3105 : vector<8x128xf32>
      %min3A_3123 = arith.minimumf %min3A_3106, %min3A_3107 : vector<8x128xf32>
      %min3A_3124 = arith.minimumf %min3A_3108, %min3A_3109 : vector<8x128xf32>
      %min3A_3125 = arith.minimumf %min3A_3110, %min3A_3111 : vector<8x128xf32>
      %min3A_3126 = arith.minimumf %min3A_3112, %min3A_3113 : vector<8x128xf32>
      %min3A_3127 = arith.minimumf %min3A_3115, %min3A_3116 : vector<8x128xf32>
      %min3A_3128 = arith.minimumf %min3A_3117, %min3A_3118 : vector<8x128xf32>
      %min3A_3129 = arith.minimumf %min3A_3119, %min3A_3120 : vector<8x128xf32>
      %min3A_3130 = arith.minimumf %min3A_3121, %min3A_3122 : vector<8x128xf32>
      %min3A_3131 = arith.minimumf %min3A_3123, %min3A_3124 : vector<8x128xf32>
      %min3A_3132 = arith.minimumf %min3A_3125, %min3A_3126 : vector<8x128xf32>
      %min3A_3133 = arith.minimumf %min3A_3127, %min3A_3128 : vector<8x128xf32>
      %min3A_3134 = arith.minimumf %min3A_3129, %min3A_3130 : vector<8x128xf32>
      %min3A_3135 = arith.minimumf %min3A_3131, %min3A_3132 : vector<8x128xf32>
      %min3A_3136 = arith.minimumf %min3A_3133, %min3A_3134 : vector<8x128xf32>
      %min3A_3137 = arith.minimumf %min3A_3135, %min3A_3114 : vector<8x128xf32>
      %min3A_3138 = arith.minimumf %min3A_3136, %min3A_3137 : vector<8x128xf32>
      %slice3A_3139 = vector.extract_strided_slice %min3A_3138 {offsets = [0, 0], sizes = [1, 128], strides = [1, 1]} : vector<8x128xf32> to vector<1x128xf32>
      %slice3A_3140 = vector.extract_strided_slice %min3A_3138 {offsets = [1, 0], sizes = [1, 128], strides = [1, 1]} : vector<8x128xf32> to vector<1x128xf32>
      %slice3A_3141 = vector.extract_strided_slice %min3A_3138 {offsets = [2, 0], sizes = [1, 128], strides = [1, 1]} : vector<8x128xf32> to vector<1x128xf32>
      %slice3A_3142 = vector.extract_strided_slice %min3A_3138 {offsets = [3, 0], sizes = [1, 128], strides = [1, 1]} : vector<8x128xf32> to vector<1x128xf32>
      %slice3A_3143 = vector.extract_strided_slice %min3A_3138 {offsets = [4, 0], sizes = [1, 128], strides = [1, 1]} : vector<8x128xf32> to vector<1x128xf32>
      %slice3A_3144 = vector.extract_strided_slice %min3A_3138 {offsets = [5, 0], sizes = [1, 128], strides = [1, 1]} : vector<8x128xf32> to vector<1x128xf32>
      %slice3A_3145 = vector.extract_strided_slice %min3A_3138 {offsets = [6, 0], sizes = [1, 128], strides = [1, 1]} : vector<8x128xf32> to vector<1x128xf32>
      %slice3A_3146 = vector.extract_strided_slice %min3A_3138 {offsets = [7, 0], sizes = [1, 128], strides = [1, 1]} : vector<8x128xf32> to vector<1x128xf32>
      %min3A_3147 = arith.minimumf %slice3A_3139, %slice3A_3140 : vector<1x128xf32>
      %min3A_3148 = arith.minimumf %slice3A_3141, %slice3A_3142 : vector<1x128xf32>
      %min3A_3149 = arith.minimumf %slice3A_3143, %slice3A_3144 : vector<1x128xf32>
      %min3A_3150 = arith.minimumf %slice3A_3145, %slice3A_3146 : vector<1x128xf32>
      %min3A_3151 = arith.minimumf %min3A_3147, %min3A_3148 : vector<1x128xf32>
      %min3A_3152 = arith.minimumf %min3A_3149, %min3A_3150 : vector<1x128xf32>
      %min3A_3153 = arith.minimumf %min3A_3151, %min3A_3152 : vector<1x128xf32>
      %eq3A_3154 = vector.broadcast %min3A_3153 : vector<1x128xf32> to vector<400x128xf32>
      %eq3A_3155 = arith.cmpf oeq, %select_n3A_3039, %eq3A_3154 : vector<400x128xf32>
      %jit3A_3156 = arith.constant 2147483647 : i32
      %broadcast_in_dim3A_3157 = vector.broadcast %jit3A_3156 : i32 to vector<400x128xi32>
      %select_n3A_3158 = arith.select %eq3A_3155, %iota3A_115, %broadcast_in_dim3A_3157 : vector<400x128xi1>, vector<400x128xi32>
      %slice3A_3159 = vector.extract_strided_slice %select_n3A_3158 {offsets = [0, 0], sizes = [8, 128], strides = [1, 1]} : vector<400x128xi32> to vector<8x128xi32>
      %slice3A_3160 = vector.extract_strided_slice %select_n3A_3158 {offsets = [8, 0], sizes = [8, 128], strides = [1, 1]} : vector<400x128xi32> to vector<8x128xi32>
      %slice3A_3161 = vector.extract_strided_slice %select_n3A_3158 {offsets = [16, 0], sizes = [8, 128], strides = [1, 1]} : vector<400x128xi32> to vector<8x128xi32>
      %slice3A_3162 = vector.extract_strided_slice %select_n3A_3158 {offsets = [24, 0], sizes = [8, 128], strides = [1, 1]} : vector<400x128xi32> to vector<8x128xi32>
      %slice3A_3163 = vector.extract_strided_slice %select_n3A_3158 {offsets = [32, 0], sizes = [8, 128], strides = [1, 1]} : vector<400x128xi32> to vector<8x128xi32>
      %slice3A_3164 = vector.extract_strided_slice %select_n3A_3158 {offsets = [40, 0], sizes = [8, 128], strides = [1, 1]} : vector<400x128xi32> to vector<8x128xi32>
      %slice3A_3165 = vector.extract_strided_slice %select_n3A_3158 {offsets = [48, 0], sizes = [8, 128], strides = [1, 1]} : vector<400x128xi32> to vector<8x128xi32>
      %slice3A_3166 = vector.extract_strided_slice %select_n3A_3158 {offsets = [56, 0], sizes = [8, 128], strides = [1, 1]} : vector<400x128xi32> to vector<8x128xi32>
      %slice3A_3167 = vector.extract_strided_slice %select_n3A_3158 {offsets = [64, 0], sizes = [8, 128], strides = [1, 1]} : vector<400x128xi32> to vector<8x128xi32>
      %slice3A_3168 = vector.extract_strided_slice %select_n3A_3158 {offsets = [72, 0], sizes = [8, 128], strides = [1, 1]} : vector<400x128xi32> to vector<8x128xi32>
      %slice3A_3169 = vector.extract_strided_slice %select_n3A_3158 {offsets = [80, 0], sizes = [8, 128], strides = [1, 1]} : vector<400x128xi32> to vector<8x128xi32>
      %slice3A_3170 = vector.extract_strided_slice %select_n3A_3158 {offsets = [88, 0], sizes = [8, 128], strides = [1, 1]} : vector<400x128xi32> to vector<8x128xi32>
      %slice3A_3171 = vector.extract_strided_slice %select_n3A_3158 {offsets = [96, 0], sizes = [8, 128], strides = [1, 1]} : vector<400x128xi32> to vector<8x128xi32>
      %slice3A_3172 = vector.extract_strided_slice %select_n3A_3158 {offsets = [104, 0], sizes = [8, 128], strides = [1, 1]} : vector<400x128xi32> to vector<8x128xi32>
      %slice3A_3173 = vector.extract_strided_slice %select_n3A_3158 {offsets = [112, 0], sizes = [8, 128], strides = [1, 1]} : vector<400x128xi32> to vector<8x128xi32>
      %slice3A_3174 = vector.extract_strided_slice %select_n3A_3158 {offsets = [120, 0], sizes = [8, 128], strides = [1, 1]} : vector<400x128xi32> to vector<8x128xi32>
      %slice3A_3175 = vector.extract_strided_slice %select_n3A_3158 {offsets = [128, 0], sizes = [8, 128], strides = [1, 1]} : vector<400x128xi32> to vector<8x128xi32>
      %slice3A_3176 = vector.extract_strided_slice %select_n3A_3158 {offsets = [136, 0], sizes = [8, 128], strides = [1, 1]} : vector<400x128xi32> to vector<8x128xi32>
      %slice3A_3177 = vector.extract_strided_slice %select_n3A_3158 {offsets = [144, 0], sizes = [8, 128], strides = [1, 1]} : vector<400x128xi32> to vector<8x128xi32>
      %slice3A_3178 = vector.extract_strided_slice %select_n3A_3158 {offsets = [152, 0], sizes = [8, 128], strides = [1, 1]} : vector<400x128xi32> to vector<8x128xi32>
      %slice3A_3179 = vector.extract_strided_slice %select_n3A_3158 {offsets = [160, 0], sizes = [8, 128], strides = [1, 1]} : vector<400x128xi32> to vector<8x128xi32>
      %slice3A_3180 = vector.extract_strided_slice %select_n3A_3158 {offsets = [168, 0], sizes = [8, 128], strides = [1, 1]} : vector<400x128xi32> to vector<8x128xi32>
      %slice3A_3181 = vector.extract_strided_slice %select_n3A_3158 {offsets = [176, 0], sizes = [8, 128], strides = [1, 1]} : vector<400x128xi32> to vector<8x128xi32>
      %slice3A_3182 = vector.extract_strided_slice %select_n3A_3158 {offsets = [184, 0], sizes = [8, 128], strides = [1, 1]} : vector<400x128xi32> to vector<8x128xi32>
      %slice3A_3183 = vector.extract_strided_slice %select_n3A_3158 {offsets = [192, 0], sizes = [8, 128], strides = [1, 1]} : vector<400x128xi32> to vector<8x128xi32>
      %slice3A_3184 = vector.extract_strided_slice %select_n3A_3158 {offsets = [200, 0], sizes = [8, 128], strides = [1, 1]} : vector<400x128xi32> to vector<8x128xi32>
      %slice3A_3185 = vector.extract_strided_slice %select_n3A_3158 {offsets = [208, 0], sizes = [8, 128], strides = [1, 1]} : vector<400x128xi32> to vector<8x128xi32>
      %slice3A_3186 = vector.extract_strided_slice %select_n3A_3158 {offsets = [216, 0], sizes = [8, 128], strides = [1, 1]} : vector<400x128xi32> to vector<8x128xi32>
      %slice3A_3187 = vector.extract_strided_slice %select_n3A_3158 {offsets = [224, 0], sizes = [8, 128], strides = [1, 1]} : vector<400x128xi32> to vector<8x128xi32>
      %slice3A_3188 = vector.extract_strided_slice %select_n3A_3158 {offsets = [232, 0], sizes = [8, 128], strides = [1, 1]} : vector<400x128xi32> to vector<8x128xi32>
      %slice3A_3189 = vector.extract_strided_slice %select_n3A_3158 {offsets = [240, 0], sizes = [8, 128], strides = [1, 1]} : vector<400x128xi32> to vector<8x128xi32>
      %slice3A_3190 = vector.extract_strided_slice %select_n3A_3158 {offsets = [248, 0], sizes = [8, 128], strides = [1, 1]} : vector<400x128xi32> to vector<8x128xi32>
      %slice3A_3191 = vector.extract_strided_slice %select_n3A_3158 {offsets = [256, 0], sizes = [8, 128], strides = [1, 1]} : vector<400x128xi32> to vector<8x128xi32>
      %slice3A_3192 = vector.extract_strided_slice %select_n3A_3158 {offsets = [264, 0], sizes = [8, 128], strides = [1, 1]} : vector<400x128xi32> to vector<8x128xi32>
      %slice3A_3193 = vector.extract_strided_slice %select_n3A_3158 {offsets = [272, 0], sizes = [8, 128], strides = [1, 1]} : vector<400x128xi32> to vector<8x128xi32>
      %slice3A_3194 = vector.extract_strided_slice %select_n3A_3158 {offsets = [280, 0], sizes = [8, 128], strides = [1, 1]} : vector<400x128xi32> to vector<8x128xi32>
      %slice3A_3195 = vector.extract_strided_slice %select_n3A_3158 {offsets = [288, 0], sizes = [8, 128], strides = [1, 1]} : vector<400x128xi32> to vector<8x128xi32>
      %slice3A_3196 = vector.extract_strided_slice %select_n3A_3158 {offsets = [296, 0], sizes = [8, 128], strides = [1, 1]} : vector<400x128xi32> to vector<8x128xi32>
      %slice3A_3197 = vector.extract_strided_slice %select_n3A_3158 {offsets = [304, 0], sizes = [8, 128], strides = [1, 1]} : vector<400x128xi32> to vector<8x128xi32>
      %slice3A_3198 = vector.extract_strided_slice %select_n3A_3158 {offsets = [312, 0], sizes = [8, 128], strides = [1, 1]} : vector<400x128xi32> to vector<8x128xi32>
      %slice3A_3199 = vector.extract_strided_slice %select_n3A_3158 {offsets = [320, 0], sizes = [8, 128], strides = [1, 1]} : vector<400x128xi32> to vector<8x128xi32>
      %slice3A_3200 = vector.extract_strided_slice %select_n3A_3158 {offsets = [328, 0], sizes = [8, 128], strides = [1, 1]} : vector<400x128xi32> to vector<8x128xi32>
      %slice3A_3201 = vector.extract_strided_slice %select_n3A_3158 {offsets = [336, 0], sizes = [8, 128], strides = [1, 1]} : vector<400x128xi32> to vector<8x128xi32>
      %slice3A_3202 = vector.extract_strided_slice %select_n3A_3158 {offsets = [344, 0], sizes = [8, 128], strides = [1, 1]} : vector<400x128xi32> to vector<8x128xi32>
      %slice3A_3203 = vector.extract_strided_slice %select_n3A_3158 {offsets = [352, 0], sizes = [8, 128], strides = [1, 1]} : vector<400x128xi32> to vector<8x128xi32>
      %slice3A_3204 = vector.extract_strided_slice %select_n3A_3158 {offsets = [360, 0], sizes = [8, 128], strides = [1, 1]} : vector<400x128xi32> to vector<8x128xi32>
      %slice3A_3205 = vector.extract_strided_slice %select_n3A_3158 {offsets = [368, 0], sizes = [8, 128], strides = [1, 1]} : vector<400x128xi32> to vector<8x128xi32>
      %slice3A_3206 = vector.extract_strided_slice %select_n3A_3158 {offsets = [376, 0], sizes = [8, 128], strides = [1, 1]} : vector<400x128xi32> to vector<8x128xi32>
      %slice3A_3207 = vector.extract_strided_slice %select_n3A_3158 {offsets = [384, 0], sizes = [8, 128], strides = [1, 1]} : vector<400x128xi32> to vector<8x128xi32>
      %slice3A_3208 = vector.extract_strided_slice %select_n3A_3158 {offsets = [392, 0], sizes = [8, 128], strides = [1, 1]} : vector<400x128xi32> to vector<8x128xi32>
      %min3A_3209 = arith.minsi %slice3A_3159, %slice3A_3160 : vector<8x128xi32>
      %min3A_3210 = arith.minsi %slice3A_3161, %slice3A_3162 : vector<8x128xi32>
      %min3A_3211 = arith.minsi %slice3A_3163, %slice3A_3164 : vector<8x128xi32>
      %min3A_3212 = arith.minsi %slice3A_3165, %slice3A_3166 : vector<8x128xi32>
      %min3A_3213 = arith.minsi %slice3A_3167, %slice3A_3168 : vector<8x128xi32>
      %min3A_3214 = arith.minsi %slice3A_3169, %slice3A_3170 : vector<8x128xi32>
      %min3A_3215 = arith.minsi %slice3A_3171, %slice3A_3172 : vector<8x128xi32>
      %min3A_3216 = arith.minsi %slice3A_3173, %slice3A_3174 : vector<8x128xi32>
      %min3A_3217 = arith.minsi %slice3A_3175, %slice3A_3176 : vector<8x128xi32>
      %min3A_3218 = arith.minsi %slice3A_3177, %slice3A_3178 : vector<8x128xi32>
      %min3A_3219 = arith.minsi %slice3A_3179, %slice3A_3180 : vector<8x128xi32>
      %min3A_3220 = arith.minsi %slice3A_3181, %slice3A_3182 : vector<8x128xi32>
      %min3A_3221 = arith.minsi %slice3A_3183, %slice3A_3184 : vector<8x128xi32>
      %min3A_3222 = arith.minsi %slice3A_3185, %slice3A_3186 : vector<8x128xi32>
      %min3A_3223 = arith.minsi %slice3A_3187, %slice3A_3188 : vector<8x128xi32>
      %min3A_3224 = arith.minsi %slice3A_3189, %slice3A_3190 : vector<8x128xi32>
      %min3A_3225 = arith.minsi %slice3A_3191, %slice3A_3192 : vector<8x128xi32>
      %min3A_3226 = arith.minsi %slice3A_3193, %slice3A_3194 : vector<8x128xi32>
      %min3A_3227 = arith.minsi %slice3A_3195, %slice3A_3196 : vector<8x128xi32>
      %min3A_3228 = arith.minsi %slice3A_3197, %slice3A_3198 : vector<8x128xi32>
      %min3A_3229 = arith.minsi %slice3A_3199, %slice3A_3200 : vector<8x128xi32>
      %min3A_3230 = arith.minsi %slice3A_3201, %slice3A_3202 : vector<8x128xi32>
      %min3A_3231 = arith.minsi %slice3A_3203, %slice3A_3204 : vector<8x128xi32>
      %min3A_3232 = arith.minsi %slice3A_3205, %slice3A_3206 : vector<8x128xi32>
      %min3A_3233 = arith.minsi %slice3A_3207, %slice3A_3208 : vector<8x128xi32>
      %min3A_3234 = arith.minsi %min3A_3209, %min3A_3210 : vector<8x128xi32>
      %min3A_3235 = arith.minsi %min3A_3211, %min3A_3212 : vector<8x128xi32>
      %min3A_3236 = arith.minsi %min3A_3213, %min3A_3214 : vector<8x128xi32>
      %min3A_3237 = arith.minsi %min3A_3215, %min3A_3216 : vector<8x128xi32>
      %min3A_3238 = arith.minsi %min3A_3217, %min3A_3218 : vector<8x128xi32>
      %min3A_3239 = arith.minsi %min3A_3219, %min3A_3220 : vector<8x128xi32>
      %min3A_3240 = arith.minsi %min3A_3221, %min3A_3222 : vector<8x128xi32>
      %min3A_3241 = arith.minsi %min3A_3223, %min3A_3224 : vector<8x128xi32>
      %min3A_3242 = arith.minsi %min3A_3225, %min3A_3226 : vector<8x128xi32>
      %min3A_3243 = arith.minsi %min3A_3227, %min3A_3228 : vector<8x128xi32>
      %min3A_3244 = arith.minsi %min3A_3229, %min3A_3230 : vector<8x128xi32>
      %min3A_3245 = arith.minsi %min3A_3231, %min3A_3232 : vector<8x128xi32>
      %min3A_3246 = arith.minsi %min3A_3234, %min3A_3235 : vector<8x128xi32>
      %min3A_3247 = arith.minsi %min3A_3236, %min3A_3237 : vector<8x128xi32>
      %min3A_3248 = arith.minsi %min3A_3238, %min3A_3239 : vector<8x128xi32>
      %min3A_3249 = arith.minsi %min3A_3240, %min3A_3241 : vector<8x128xi32>
      %min3A_3250 = arith.minsi %min3A_3242, %min3A_3243 : vector<8x128xi32>
      %min3A_3251 = arith.minsi %min3A_3244, %min3A_3245 : vector<8x128xi32>
      %min3A_3252 = arith.minsi %min3A_3246, %min3A_3247 : vector<8x128xi32>
      %min3A_3253 = arith.minsi %min3A_3248, %min3A_3249 : vector<8x128xi32>
      %min3A_3254 = arith.minsi %min3A_3250, %min3A_3251 : vector<8x128xi32>
      %min3A_3255 = arith.minsi %min3A_3252, %min3A_3253 : vector<8x128xi32>
      %min3A_3256 = arith.minsi %min3A_3254, %min3A_3233 : vector<8x128xi32>
      %min3A_3257 = arith.minsi %min3A_3255, %min3A_3256 : vector<8x128xi32>
      %slice3A_3258 = vector.extract_strided_slice %min3A_3257 {offsets = [0, 0], sizes = [1, 128], strides = [1, 1]} : vector<8x128xi32> to vector<1x128xi32>
      %slice3A_3259 = vector.extract_strided_slice %min3A_3257 {offsets = [1, 0], sizes = [1, 128], strides = [1, 1]} : vector<8x128xi32> to vector<1x128xi32>
      %slice3A_3260 = vector.extract_strided_slice %min3A_3257 {offsets = [2, 0], sizes = [1, 128], strides = [1, 1]} : vector<8x128xi32> to vector<1x128xi32>
      %slice3A_3261 = vector.extract_strided_slice %min3A_3257 {offsets = [3, 0], sizes = [1, 128], strides = [1, 1]} : vector<8x128xi32> to vector<1x128xi32>
      %slice3A_3262 = vector.extract_strided_slice %min3A_3257 {offsets = [4, 0], sizes = [1, 128], strides = [1, 1]} : vector<8x128xi32> to vector<1x128xi32>
      %slice3A_3263 = vector.extract_strided_slice %min3A_3257 {offsets = [5, 0], sizes = [1, 128], strides = [1, 1]} : vector<8x128xi32> to vector<1x128xi32>
      %slice3A_3264 = vector.extract_strided_slice %min3A_3257 {offsets = [6, 0], sizes = [1, 128], strides = [1, 1]} : vector<8x128xi32> to vector<1x128xi32>
      %slice3A_3265 = vector.extract_strided_slice %min3A_3257 {offsets = [7, 0], sizes = [1, 128], strides = [1, 1]} : vector<8x128xi32> to vector<1x128xi32>
      %min3A_3266 = arith.minsi %slice3A_3258, %slice3A_3259 : vector<1x128xi32>
      %min3A_3267 = arith.minsi %slice3A_3260, %slice3A_3261 : vector<1x128xi32>
      %min3A_3268 = arith.minsi %slice3A_3262, %slice3A_3263 : vector<1x128xi32>
      %min3A_3269 = arith.minsi %slice3A_3264, %slice3A_3265 : vector<1x128xi32>
      %min3A_3270 = arith.minsi %min3A_3266, %min3A_3267 : vector<1x128xi32>
      %min3A_3271 = arith.minsi %min3A_3268, %min3A_3269 : vector<1x128xi32>
      %min3A_3272 = arith.minsi %min3A_3270, %min3A_3271 : vector<1x128xi32>
      %mul3A_3273 = arith.constant 128 : i32
      %mul3A_3274 = vector.broadcast %mul3A_3273 : i32 to vector<1x128xi32>
      %mul3A_3275 = arith.muli %min3A_3272, %mul3A_3274 : vector<1x128xi32>
      %iota3A_3276 = tpu.iota {dimensions = array<i32: 1>} : vector<1x128xi32>
      %add3A_3277 = arith.addi %mul3A_3275, %iota3A_3276 : vector<1x128xi32>
      %eq3A_3278 = vector.broadcast %min3A_3272 : vector<1x128xi32> to vector<400x128xi32>
      %eq3A_3279 = arith.cmpi eq, %iota3A_115, %eq3A_3278 : vector<400x128xi32>
      %jit3A_3280 = arith.constant 0x7F800000 : f32
      %broadcast_in_dim3A_3281 = vector.broadcast %jit3A_3280 : f32 to vector<400x128xf32>
      %select_n3A_3282 = arith.select %eq3A_3279, %broadcast_in_dim3A_3281, %select_n3A_3039 : vector<400x128xi1>, vector<400x128xf32>
      %slice3A_3283 = vector.extract_strided_slice %select_n3A_3282 {offsets = [0, 0], sizes = [8, 128], strides = [1, 1]} : vector<400x128xf32> to vector<8x128xf32>
      %slice3A_3284 = vector.extract_strided_slice %select_n3A_3282 {offsets = [8, 0], sizes = [8, 128], strides = [1, 1]} : vector<400x128xf32> to vector<8x128xf32>
      %slice3A_3285 = vector.extract_strided_slice %select_n3A_3282 {offsets = [16, 0], sizes = [8, 128], strides = [1, 1]} : vector<400x128xf32> to vector<8x128xf32>
      %slice3A_3286 = vector.extract_strided_slice %select_n3A_3282 {offsets = [24, 0], sizes = [8, 128], strides = [1, 1]} : vector<400x128xf32> to vector<8x128xf32>
      %slice3A_3287 = vector.extract_strided_slice %select_n3A_3282 {offsets = [32, 0], sizes = [8, 128], strides = [1, 1]} : vector<400x128xf32> to vector<8x128xf32>
      %slice3A_3288 = vector.extract_strided_slice %select_n3A_3282 {offsets = [40, 0], sizes = [8, 128], strides = [1, 1]} : vector<400x128xf32> to vector<8x128xf32>
      %slice3A_3289 = vector.extract_strided_slice %select_n3A_3282 {offsets = [48, 0], sizes = [8, 128], strides = [1, 1]} : vector<400x128xf32> to vector<8x128xf32>
      %slice3A_3290 = vector.extract_strided_slice %select_n3A_3282 {offsets = [56, 0], sizes = [8, 128], strides = [1, 1]} : vector<400x128xf32> to vector<8x128xf32>
      %slice3A_3291 = vector.extract_strided_slice %select_n3A_3282 {offsets = [64, 0], sizes = [8, 128], strides = [1, 1]} : vector<400x128xf32> to vector<8x128xf32>
      %slice3A_3292 = vector.extract_strided_slice %select_n3A_3282 {offsets = [72, 0], sizes = [8, 128], strides = [1, 1]} : vector<400x128xf32> to vector<8x128xf32>
      %slice3A_3293 = vector.extract_strided_slice %select_n3A_3282 {offsets = [80, 0], sizes = [8, 128], strides = [1, 1]} : vector<400x128xf32> to vector<8x128xf32>
      %slice3A_3294 = vector.extract_strided_slice %select_n3A_3282 {offsets = [88, 0], sizes = [8, 128], strides = [1, 1]} : vector<400x128xf32> to vector<8x128xf32>
      %slice3A_3295 = vector.extract_strided_slice %select_n3A_3282 {offsets = [96, 0], sizes = [8, 128], strides = [1, 1]} : vector<400x128xf32> to vector<8x128xf32>
      %slice3A_3296 = vector.extract_strided_slice %select_n3A_3282 {offsets = [104, 0], sizes = [8, 128], strides = [1, 1]} : vector<400x128xf32> to vector<8x128xf32>
      %slice3A_3297 = vector.extract_strided_slice %select_n3A_3282 {offsets = [112, 0], sizes = [8, 128], strides = [1, 1]} : vector<400x128xf32> to vector<8x128xf32>
      %slice3A_3298 = vector.extract_strided_slice %select_n3A_3282 {offsets = [120, 0], sizes = [8, 128], strides = [1, 1]} : vector<400x128xf32> to vector<8x128xf32>
      %slice3A_3299 = vector.extract_strided_slice %select_n3A_3282 {offsets = [128, 0], sizes = [8, 128], strides = [1, 1]} : vector<400x128xf32> to vector<8x128xf32>
      %slice3A_3300 = vector.extract_strided_slice %select_n3A_3282 {offsets = [136, 0], sizes = [8, 128], strides = [1, 1]} : vector<400x128xf32> to vector<8x128xf32>
      %slice3A_3301 = vector.extract_strided_slice %select_n3A_3282 {offsets = [144, 0], sizes = [8, 128], strides = [1, 1]} : vector<400x128xf32> to vector<8x128xf32>
      %slice3A_3302 = vector.extract_strided_slice %select_n3A_3282 {offsets = [152, 0], sizes = [8, 128], strides = [1, 1]} : vector<400x128xf32> to vector<8x128xf32>
      %slice3A_3303 = vector.extract_strided_slice %select_n3A_3282 {offsets = [160, 0], sizes = [8, 128], strides = [1, 1]} : vector<400x128xf32> to vector<8x128xf32>
      %slice3A_3304 = vector.extract_strided_slice %select_n3A_3282 {offsets = [168, 0], sizes = [8, 128], strides = [1, 1]} : vector<400x128xf32> to vector<8x128xf32>
      %slice3A_3305 = vector.extract_strided_slice %select_n3A_3282 {offsets = [176, 0], sizes = [8, 128], strides = [1, 1]} : vector<400x128xf32> to vector<8x128xf32>
      %slice3A_3306 = vector.extract_strided_slice %select_n3A_3282 {offsets = [184, 0], sizes = [8, 128], strides = [1, 1]} : vector<400x128xf32> to vector<8x128xf32>
      %slice3A_3307 = vector.extract_strided_slice %select_n3A_3282 {offsets = [192, 0], sizes = [8, 128], strides = [1, 1]} : vector<400x128xf32> to vector<8x128xf32>
      %slice3A_3308 = vector.extract_strided_slice %select_n3A_3282 {offsets = [200, 0], sizes = [8, 128], strides = [1, 1]} : vector<400x128xf32> to vector<8x128xf32>
      %slice3A_3309 = vector.extract_strided_slice %select_n3A_3282 {offsets = [208, 0], sizes = [8, 128], strides = [1, 1]} : vector<400x128xf32> to vector<8x128xf32>
      %slice3A_3310 = vector.extract_strided_slice %select_n3A_3282 {offsets = [216, 0], sizes = [8, 128], strides = [1, 1]} : vector<400x128xf32> to vector<8x128xf32>
      %slice3A_3311 = vector.extract_strided_slice %select_n3A_3282 {offsets = [224, 0], sizes = [8, 128], strides = [1, 1]} : vector<400x128xf32> to vector<8x128xf32>
      %slice3A_3312 = vector.extract_strided_slice %select_n3A_3282 {offsets = [232, 0], sizes = [8, 128], strides = [1, 1]} : vector<400x128xf32> to vector<8x128xf32>
      %slice3A_3313 = vector.extract_strided_slice %select_n3A_3282 {offsets = [240, 0], sizes = [8, 128], strides = [1, 1]} : vector<400x128xf32> to vector<8x128xf32>
      %slice3A_3314 = vector.extract_strided_slice %select_n3A_3282 {offsets = [248, 0], sizes = [8, 128], strides = [1, 1]} : vector<400x128xf32> to vector<8x128xf32>
      %slice3A_3315 = vector.extract_strided_slice %select_n3A_3282 {offsets = [256, 0], sizes = [8, 128], strides = [1, 1]} : vector<400x128xf32> to vector<8x128xf32>
      %slice3A_3316 = vector.extract_strided_slice %select_n3A_3282 {offsets = [264, 0], sizes = [8, 128], strides = [1, 1]} : vector<400x128xf32> to vector<8x128xf32>
      %slice3A_3317 = vector.extract_strided_slice %select_n3A_3282 {offsets = [272, 0], sizes = [8, 128], strides = [1, 1]} : vector<400x128xf32> to vector<8x128xf32>
      %slice3A_3318 = vector.extract_strided_slice %select_n3A_3282 {offsets = [280, 0], sizes = [8, 128], strides = [1, 1]} : vector<400x128xf32> to vector<8x128xf32>
      %slice3A_3319 = vector.extract_strided_slice %select_n3A_3282 {offsets = [288, 0], sizes = [8, 128], strides = [1, 1]} : vector<400x128xf32> to vector<8x128xf32>
      %slice3A_3320 = vector.extract_strided_slice %select_n3A_3282 {offsets = [296, 0], sizes = [8, 128], strides = [1, 1]} : vector<400x128xf32> to vector<8x128xf32>
      %slice3A_3321 = vector.extract_strided_slice %select_n3A_3282 {offsets = [304, 0], sizes = [8, 128], strides = [1, 1]} : vector<400x128xf32> to vector<8x128xf32>
      %slice3A_3322 = vector.extract_strided_slice %select_n3A_3282 {offsets = [312, 0], sizes = [8, 128], strides = [1, 1]} : vector<400x128xf32> to vector<8x128xf32>
      %slice3A_3323 = vector.extract_strided_slice %select_n3A_3282 {offsets = [320, 0], sizes = [8, 128], strides = [1, 1]} : vector<400x128xf32> to vector<8x128xf32>
      %slice3A_3324 = vector.extract_strided_slice %select_n3A_3282 {offsets = [328, 0], sizes = [8, 128], strides = [1, 1]} : vector<400x128xf32> to vector<8x128xf32>
      %slice3A_3325 = vector.extract_strided_slice %select_n3A_3282 {offsets = [336, 0], sizes = [8, 128], strides = [1, 1]} : vector<400x128xf32> to vector<8x128xf32>
      %slice3A_3326 = vector.extract_strided_slice %select_n3A_3282 {offsets = [344, 0], sizes = [8, 128], strides = [1, 1]} : vector<400x128xf32> to vector<8x128xf32>
      %slice3A_3327 = vector.extract_strided_slice %select_n3A_3282 {offsets = [352, 0], sizes = [8, 128], strides = [1, 1]} : vector<400x128xf32> to vector<8x128xf32>
      %slice3A_3328 = vector.extract_strided_slice %select_n3A_3282 {offsets = [360, 0], sizes = [8, 128], strides = [1, 1]} : vector<400x128xf32> to vector<8x128xf32>
      %slice3A_3329 = vector.extract_strided_slice %select_n3A_3282 {offsets = [368, 0], sizes = [8, 128], strides = [1, 1]} : vector<400x128xf32> to vector<8x128xf32>
      %slice3A_3330 = vector.extract_strided_slice %select_n3A_3282 {offsets = [376, 0], sizes = [8, 128], strides = [1, 1]} : vector<400x128xf32> to vector<8x128xf32>
      %slice3A_3331 = vector.extract_strided_slice %select_n3A_3282 {offsets = [384, 0], sizes = [8, 128], strides = [1, 1]} : vector<400x128xf32> to vector<8x128xf32>
      %slice3A_3332 = vector.extract_strided_slice %select_n3A_3282 {offsets = [392, 0], sizes = [8, 128], strides = [1, 1]} : vector<400x128xf32> to vector<8x128xf32>
      %min3A_3333 = arith.minimumf %slice3A_3283, %slice3A_3284 : vector<8x128xf32>
      %min3A_3334 = arith.minimumf %slice3A_3285, %slice3A_3286 : vector<8x128xf32>
      %min3A_3335 = arith.minimumf %slice3A_3287, %slice3A_3288 : vector<8x128xf32>
      %min3A_3336 = arith.minimumf %slice3A_3289, %slice3A_3290 : vector<8x128xf32>
      %min3A_3337 = arith.minimumf %slice3A_3291, %slice3A_3292 : vector<8x128xf32>
      %min3A_3338 = arith.minimumf %slice3A_3293, %slice3A_3294 : vector<8x128xf32>
      %min3A_3339 = arith.minimumf %slice3A_3295, %slice3A_3296 : vector<8x128xf32>
      %min3A_3340 = arith.minimumf %slice3A_3297, %slice3A_3298 : vector<8x128xf32>
      %min3A_3341 = arith.minimumf %slice3A_3299, %slice3A_3300 : vector<8x128xf32>
      %min3A_3342 = arith.minimumf %slice3A_3301, %slice3A_3302 : vector<8x128xf32>
      %min3A_3343 = arith.minimumf %slice3A_3303, %slice3A_3304 : vector<8x128xf32>
      %min3A_3344 = arith.minimumf %slice3A_3305, %slice3A_3306 : vector<8x128xf32>
      %min3A_3345 = arith.minimumf %slice3A_3307, %slice3A_3308 : vector<8x128xf32>
      %min3A_3346 = arith.minimumf %slice3A_3309, %slice3A_3310 : vector<8x128xf32>
      %min3A_3347 = arith.minimumf %slice3A_3311, %slice3A_3312 : vector<8x128xf32>
      %min3A_3348 = arith.minimumf %slice3A_3313, %slice3A_3314 : vector<8x128xf32>
      %min3A_3349 = arith.minimumf %slice3A_3315, %slice3A_3316 : vector<8x128xf32>
      %min3A_3350 = arith.minimumf %slice3A_3317, %slice3A_3318 : vector<8x128xf32>
      %min3A_3351 = arith.minimumf %slice3A_3319, %slice3A_3320 : vector<8x128xf32>
      %min3A_3352 = arith.minimumf %slice3A_3321, %slice3A_3322 : vector<8x128xf32>
      %min3A_3353 = arith.minimumf %slice3A_3323, %slice3A_3324 : vector<8x128xf32>
      %min3A_3354 = arith.minimumf %slice3A_3325, %slice3A_3326 : vector<8x128xf32>
      %min3A_3355 = arith.minimumf %slice3A_3327, %slice3A_3328 : vector<8x128xf32>
      %min3A_3356 = arith.minimumf %slice3A_3329, %slice3A_3330 : vector<8x128xf32>
      %min3A_3357 = arith.minimumf %slice3A_3331, %slice3A_3332 : vector<8x128xf32>
      %min3A_3358 = arith.minimumf %min3A_3333, %min3A_3334 : vector<8x128xf32>
      %min3A_3359 = arith.minimumf %min3A_3335, %min3A_3336 : vector<8x128xf32>
      %min3A_3360 = arith.minimumf %min3A_3337, %min3A_3338 : vector<8x128xf32>
      %min3A_3361 = arith.minimumf %min3A_3339, %min3A_3340 : vector<8x128xf32>
      %min3A_3362 = arith.minimumf %min3A_3341, %min3A_3342 : vector<8x128xf32>
      %min3A_3363 = arith.minimumf %min3A_3343, %min3A_3344 : vector<8x128xf32>
      %min3A_3364 = arith.minimumf %min3A_3345, %min3A_3346 : vector<8x128xf32>
      %min3A_3365 = arith.minimumf %min3A_3347, %min3A_3348 : vector<8x128xf32>
      %min3A_3366 = arith.minimumf %min3A_3349, %min3A_3350 : vector<8x128xf32>
      %min3A_3367 = arith.minimumf %min3A_3351, %min3A_3352 : vector<8x128xf32>
      %min3A_3368 = arith.minimumf %min3A_3353, %min3A_3354 : vector<8x128xf32>
      %min3A_3369 = arith.minimumf %min3A_3355, %min3A_3356 : vector<8x128xf32>
      %min3A_3370 = arith.minimumf %min3A_3358, %min3A_3359 : vector<8x128xf32>
      %min3A_3371 = arith.minimumf %min3A_3360, %min3A_3361 : vector<8x128xf32>
      %min3A_3372 = arith.minimumf %min3A_3362, %min3A_3363 : vector<8x128xf32>
      %min3A_3373 = arith.minimumf %min3A_3364, %min3A_3365 : vector<8x128xf32>
      %min3A_3374 = arith.minimumf %min3A_3366, %min3A_3367 : vector<8x128xf32>
      %min3A_3375 = arith.minimumf %min3A_3368, %min3A_3369 : vector<8x128xf32>
      %min3A_3376 = arith.minimumf %min3A_3370, %min3A_3371 : vector<8x128xf32>
      %min3A_3377 = arith.minimumf %min3A_3372, %min3A_3373 : vector<8x128xf32>
      %min3A_3378 = arith.minimumf %min3A_3374, %min3A_3375 : vector<8x128xf32>
      %min3A_3379 = arith.minimumf %min3A_3376, %min3A_3377 : vector<8x128xf32>
      %min3A_3380 = arith.minimumf %min3A_3378, %min3A_3357 : vector<8x128xf32>
      %min3A_3381 = arith.minimumf %min3A_3379, %min3A_3380 : vector<8x128xf32>
      %slice3A_3382 = vector.extract_strided_slice %min3A_3381 {offsets = [0, 0], sizes = [1, 128], strides = [1, 1]} : vector<8x128xf32> to vector<1x128xf32>
      %slice3A_3383 = vector.extract_strided_slice %min3A_3381 {offsets = [1, 0], sizes = [1, 128], strides = [1, 1]} : vector<8x128xf32> to vector<1x128xf32>
      %slice3A_3384 = vector.extract_strided_slice %min3A_3381 {offsets = [2, 0], sizes = [1, 128], strides = [1, 1]} : vector<8x128xf32> to vector<1x128xf32>
      %slice3A_3385 = vector.extract_strided_slice %min3A_3381 {offsets = [3, 0], sizes = [1, 128], strides = [1, 1]} : vector<8x128xf32> to vector<1x128xf32>
      %slice3A_3386 = vector.extract_strided_slice %min3A_3381 {offsets = [4, 0], sizes = [1, 128], strides = [1, 1]} : vector<8x128xf32> to vector<1x128xf32>
      %slice3A_3387 = vector.extract_strided_slice %min3A_3381 {offsets = [5, 0], sizes = [1, 128], strides = [1, 1]} : vector<8x128xf32> to vector<1x128xf32>
      %slice3A_3388 = vector.extract_strided_slice %min3A_3381 {offsets = [6, 0], sizes = [1, 128], strides = [1, 1]} : vector<8x128xf32> to vector<1x128xf32>
      %slice3A_3389 = vector.extract_strided_slice %min3A_3381 {offsets = [7, 0], sizes = [1, 128], strides = [1, 1]} : vector<8x128xf32> to vector<1x128xf32>
      %min3A_3390 = arith.minimumf %slice3A_3382, %slice3A_3383 : vector<1x128xf32>
      %min3A_3391 = arith.minimumf %slice3A_3384, %slice3A_3385 : vector<1x128xf32>
      %min3A_3392 = arith.minimumf %slice3A_3386, %slice3A_3387 : vector<1x128xf32>
      %min3A_3393 = arith.minimumf %slice3A_3388, %slice3A_3389 : vector<1x128xf32>
      %min3A_3394 = arith.minimumf %min3A_3390, %min3A_3391 : vector<1x128xf32>
      %min3A_3395 = arith.minimumf %min3A_3392, %min3A_3393 : vector<1x128xf32>
      %min3A_3396 = arith.minimumf %min3A_3394, %min3A_3395 : vector<1x128xf32>
      %eq3A_3397 = vector.broadcast %min3A_3396 : vector<1x128xf32> to vector<400x128xf32>
      %eq3A_3398 = arith.cmpf oeq, %select_n3A_3282, %eq3A_3397 : vector<400x128xf32>
      %jit3A_3399 = arith.constant 2147483647 : i32
      %broadcast_in_dim3A_3400 = vector.broadcast %jit3A_3399 : i32 to vector<400x128xi32>
      %select_n3A_3401 = arith.select %eq3A_3398, %iota3A_115, %broadcast_in_dim3A_3400 : vector<400x128xi1>, vector<400x128xi32>
      %slice3A_3402 = vector.extract_strided_slice %select_n3A_3401 {offsets = [0, 0], sizes = [8, 128], strides = [1, 1]} : vector<400x128xi32> to vector<8x128xi32>
      %slice3A_3403 = vector.extract_strided_slice %select_n3A_3401 {offsets = [8, 0], sizes = [8, 128], strides = [1, 1]} : vector<400x128xi32> to vector<8x128xi32>
      %slice3A_3404 = vector.extract_strided_slice %select_n3A_3401 {offsets = [16, 0], sizes = [8, 128], strides = [1, 1]} : vector<400x128xi32> to vector<8x128xi32>
      %slice3A_3405 = vector.extract_strided_slice %select_n3A_3401 {offsets = [24, 0], sizes = [8, 128], strides = [1, 1]} : vector<400x128xi32> to vector<8x128xi32>
      %slice3A_3406 = vector.extract_strided_slice %select_n3A_3401 {offsets = [32, 0], sizes = [8, 128], strides = [1, 1]} : vector<400x128xi32> to vector<8x128xi32>
      %slice3A_3407 = vector.extract_strided_slice %select_n3A_3401 {offsets = [40, 0], sizes = [8, 128], strides = [1, 1]} : vector<400x128xi32> to vector<8x128xi32>
      %slice3A_3408 = vector.extract_strided_slice %select_n3A_3401 {offsets = [48, 0], sizes = [8, 128], strides = [1, 1]} : vector<400x128xi32> to vector<8x128xi32>
      %slice3A_3409 = vector.extract_strided_slice %select_n3A_3401 {offsets = [56, 0], sizes = [8, 128], strides = [1, 1]} : vector<400x128xi32> to vector<8x128xi32>
      %slice3A_3410 = vector.extract_strided_slice %select_n3A_3401 {offsets = [64, 0], sizes = [8, 128], strides = [1, 1]} : vector<400x128xi32> to vector<8x128xi32>
      %slice3A_3411 = vector.extract_strided_slice %select_n3A_3401 {offsets = [72, 0], sizes = [8, 128], strides = [1, 1]} : vector<400x128xi32> to vector<8x128xi32>
      %slice3A_3412 = vector.extract_strided_slice %select_n3A_3401 {offsets = [80, 0], sizes = [8, 128], strides = [1, 1]} : vector<400x128xi32> to vector<8x128xi32>
      %slice3A_3413 = vector.extract_strided_slice %select_n3A_3401 {offsets = [88, 0], sizes = [8, 128], strides = [1, 1]} : vector<400x128xi32> to vector<8x128xi32>
      %slice3A_3414 = vector.extract_strided_slice %select_n3A_3401 {offsets = [96, 0], sizes = [8, 128], strides = [1, 1]} : vector<400x128xi32> to vector<8x128xi32>
      %slice3A_3415 = vector.extract_strided_slice %select_n3A_3401 {offsets = [104, 0], sizes = [8, 128], strides = [1, 1]} : vector<400x128xi32> to vector<8x128xi32>
      %slice3A_3416 = vector.extract_strided_slice %select_n3A_3401 {offsets = [112, 0], sizes = [8, 128], strides = [1, 1]} : vector<400x128xi32> to vector<8x128xi32>
      %slice3A_3417 = vector.extract_strided_slice %select_n3A_3401 {offsets = [120, 0], sizes = [8, 128], strides = [1, 1]} : vector<400x128xi32> to vector<8x128xi32>
      %slice3A_3418 = vector.extract_strided_slice %select_n3A_3401 {offsets = [128, 0], sizes = [8, 128], strides = [1, 1]} : vector<400x128xi32> to vector<8x128xi32>
      %slice3A_3419 = vector.extract_strided_slice %select_n3A_3401 {offsets = [136, 0], sizes = [8, 128], strides = [1, 1]} : vector<400x128xi32> to vector<8x128xi32>
      %slice3A_3420 = vector.extract_strided_slice %select_n3A_3401 {offsets = [144, 0], sizes = [8, 128], strides = [1, 1]} : vector<400x128xi32> to vector<8x128xi32>
      %slice3A_3421 = vector.extract_strided_slice %select_n3A_3401 {offsets = [152, 0], sizes = [8, 128], strides = [1, 1]} : vector<400x128xi32> to vector<8x128xi32>
      %slice3A_3422 = vector.extract_strided_slice %select_n3A_3401 {offsets = [160, 0], sizes = [8, 128], strides = [1, 1]} : vector<400x128xi32> to vector<8x128xi32>
      %slice3A_3423 = vector.extract_strided_slice %select_n3A_3401 {offsets = [168, 0], sizes = [8, 128], strides = [1, 1]} : vector<400x128xi32> to vector<8x128xi32>
      %slice3A_3424 = vector.extract_strided_slice %select_n3A_3401 {offsets = [176, 0], sizes = [8, 128], strides = [1, 1]} : vector<400x128xi32> to vector<8x128xi32>
      %slice3A_3425 = vector.extract_strided_slice %select_n3A_3401 {offsets = [184, 0], sizes = [8, 128], strides = [1, 1]} : vector<400x128xi32> to vector<8x128xi32>
      %slice3A_3426 = vector.extract_strided_slice %select_n3A_3401 {offsets = [192, 0], sizes = [8, 128], strides = [1, 1]} : vector<400x128xi32> to vector<8x128xi32>
      %slice3A_3427 = vector.extract_strided_slice %select_n3A_3401 {offsets = [200, 0], sizes = [8, 128], strides = [1, 1]} : vector<400x128xi32> to vector<8x128xi32>
      %slice3A_3428 = vector.extract_strided_slice %select_n3A_3401 {offsets = [208, 0], sizes = [8, 128], strides = [1, 1]} : vector<400x128xi32> to vector<8x128xi32>
      %slice3A_3429 = vector.extract_strided_slice %select_n3A_3401 {offsets = [216, 0], sizes = [8, 128], strides = [1, 1]} : vector<400x128xi32> to vector<8x128xi32>
      %slice3A_3430 = vector.extract_strided_slice %select_n3A_3401 {offsets = [224, 0], sizes = [8, 128], strides = [1, 1]} : vector<400x128xi32> to vector<8x128xi32>
      %slice3A_3431 = vector.extract_strided_slice %select_n3A_3401 {offsets = [232, 0], sizes = [8, 128], strides = [1, 1]} : vector<400x128xi32> to vector<8x128xi32>
      %slice3A_3432 = vector.extract_strided_slice %select_n3A_3401 {offsets = [240, 0], sizes = [8, 128], strides = [1, 1]} : vector<400x128xi32> to vector<8x128xi32>
      %slice3A_3433 = vector.extract_strided_slice %select_n3A_3401 {offsets = [248, 0], sizes = [8, 128], strides = [1, 1]} : vector<400x128xi32> to vector<8x128xi32>
      %slice3A_3434 = vector.extract_strided_slice %select_n3A_3401 {offsets = [256, 0], sizes = [8, 128], strides = [1, 1]} : vector<400x128xi32> to vector<8x128xi32>
      %slice3A_3435 = vector.extract_strided_slice %select_n3A_3401 {offsets = [264, 0], sizes = [8, 128], strides = [1, 1]} : vector<400x128xi32> to vector<8x128xi32>
      %slice3A_3436 = vector.extract_strided_slice %select_n3A_3401 {offsets = [272, 0], sizes = [8, 128], strides = [1, 1]} : vector<400x128xi32> to vector<8x128xi32>
      %slice3A_3437 = vector.extract_strided_slice %select_n3A_3401 {offsets = [280, 0], sizes = [8, 128], strides = [1, 1]} : vector<400x128xi32> to vector<8x128xi32>
      %slice3A_3438 = vector.extract_strided_slice %select_n3A_3401 {offsets = [288, 0], sizes = [8, 128], strides = [1, 1]} : vector<400x128xi32> to vector<8x128xi32>
      %slice3A_3439 = vector.extract_strided_slice %select_n3A_3401 {offsets = [296, 0], sizes = [8, 128], strides = [1, 1]} : vector<400x128xi32> to vector<8x128xi32>
      %slice3A_3440 = vector.extract_strided_slice %select_n3A_3401 {offsets = [304, 0], sizes = [8, 128], strides = [1, 1]} : vector<400x128xi32> to vector<8x128xi32>
      %slice3A_3441 = vector.extract_strided_slice %select_n3A_3401 {offsets = [312, 0], sizes = [8, 128], strides = [1, 1]} : vector<400x128xi32> to vector<8x128xi32>
      %slice3A_3442 = vector.extract_strided_slice %select_n3A_3401 {offsets = [320, 0], sizes = [8, 128], strides = [1, 1]} : vector<400x128xi32> to vector<8x128xi32>
      %slice3A_3443 = vector.extract_strided_slice %select_n3A_3401 {offsets = [328, 0], sizes = [8, 128], strides = [1, 1]} : vector<400x128xi32> to vector<8x128xi32>
      %slice3A_3444 = vector.extract_strided_slice %select_n3A_3401 {offsets = [336, 0], sizes = [8, 128], strides = [1, 1]} : vector<400x128xi32> to vector<8x128xi32>
      %slice3A_3445 = vector.extract_strided_slice %select_n3A_3401 {offsets = [344, 0], sizes = [8, 128], strides = [1, 1]} : vector<400x128xi32> to vector<8x128xi32>
      %slice3A_3446 = vector.extract_strided_slice %select_n3A_3401 {offsets = [352, 0], sizes = [8, 128], strides = [1, 1]} : vector<400x128xi32> to vector<8x128xi32>
      %slice3A_3447 = vector.extract_strided_slice %select_n3A_3401 {offsets = [360, 0], sizes = [8, 128], strides = [1, 1]} : vector<400x128xi32> to vector<8x128xi32>
      %slice3A_3448 = vector.extract_strided_slice %select_n3A_3401 {offsets = [368, 0], sizes = [8, 128], strides = [1, 1]} : vector<400x128xi32> to vector<8x128xi32>
      %slice3A_3449 = vector.extract_strided_slice %select_n3A_3401 {offsets = [376, 0], sizes = [8, 128], strides = [1, 1]} : vector<400x128xi32> to vector<8x128xi32>
      %slice3A_3450 = vector.extract_strided_slice %select_n3A_3401 {offsets = [384, 0], sizes = [8, 128], strides = [1, 1]} : vector<400x128xi32> to vector<8x128xi32>
      %slice3A_3451 = vector.extract_strided_slice %select_n3A_3401 {offsets = [392, 0], sizes = [8, 128], strides = [1, 1]} : vector<400x128xi32> to vector<8x128xi32>
      %min3A_3452 = arith.minsi %slice3A_3402, %slice3A_3403 : vector<8x128xi32>
      %min3A_3453 = arith.minsi %slice3A_3404, %slice3A_3405 : vector<8x128xi32>
      %min3A_3454 = arith.minsi %slice3A_3406, %slice3A_3407 : vector<8x128xi32>
      %min3A_3455 = arith.minsi %slice3A_3408, %slice3A_3409 : vector<8x128xi32>
      %min3A_3456 = arith.minsi %slice3A_3410, %slice3A_3411 : vector<8x128xi32>
      %min3A_3457 = arith.minsi %slice3A_3412, %slice3A_3413 : vector<8x128xi32>
      %min3A_3458 = arith.minsi %slice3A_3414, %slice3A_3415 : vector<8x128xi32>
      %min3A_3459 = arith.minsi %slice3A_3416, %slice3A_3417 : vector<8x128xi32>
      %min3A_3460 = arith.minsi %slice3A_3418, %slice3A_3419 : vector<8x128xi32>
      %min3A_3461 = arith.minsi %slice3A_3420, %slice3A_3421 : vector<8x128xi32>
      %min3A_3462 = arith.minsi %slice3A_3422, %slice3A_3423 : vector<8x128xi32>
      %min3A_3463 = arith.minsi %slice3A_3424, %slice3A_3425 : vector<8x128xi32>
      %min3A_3464 = arith.minsi %slice3A_3426, %slice3A_3427 : vector<8x128xi32>
      %min3A_3465 = arith.minsi %slice3A_3428, %slice3A_3429 : vector<8x128xi32>
      %min3A_3466 = arith.minsi %slice3A_3430, %slice3A_3431 : vector<8x128xi32>
      %min3A_3467 = arith.minsi %slice3A_3432, %slice3A_3433 : vector<8x128xi32>
      %min3A_3468 = arith.minsi %slice3A_3434, %slice3A_3435 : vector<8x128xi32>
      %min3A_3469 = arith.minsi %slice3A_3436, %slice3A_3437 : vector<8x128xi32>
      %min3A_3470 = arith.minsi %slice3A_3438, %slice3A_3439 : vector<8x128xi32>
      %min3A_3471 = arith.minsi %slice3A_3440, %slice3A_3441 : vector<8x128xi32>
      %min3A_3472 = arith.minsi %slice3A_3442, %slice3A_3443 : vector<8x128xi32>
      %min3A_3473 = arith.minsi %slice3A_3444, %slice3A_3445 : vector<8x128xi32>
      %min3A_3474 = arith.minsi %slice3A_3446, %slice3A_3447 : vector<8x128xi32>
      %min3A_3475 = arith.minsi %slice3A_3448, %slice3A_3449 : vector<8x128xi32>
      %min3A_3476 = arith.minsi %slice3A_3450, %slice3A_3451 : vector<8x128xi32>
      %min3A_3477 = arith.minsi %min3A_3452, %min3A_3453 : vector<8x128xi32>
      %min3A_3478 = arith.minsi %min3A_3454, %min3A_3455 : vector<8x128xi32>
      %min3A_3479 = arith.minsi %min3A_3456, %min3A_3457 : vector<8x128xi32>
      %min3A_3480 = arith.minsi %min3A_3458, %min3A_3459 : vector<8x128xi32>
      %min3A_3481 = arith.minsi %min3A_3460, %min3A_3461 : vector<8x128xi32>
      %min3A_3482 = arith.minsi %min3A_3462, %min3A_3463 : vector<8x128xi32>
      %min3A_3483 = arith.minsi %min3A_3464, %min3A_3465 : vector<8x128xi32>
      %min3A_3484 = arith.minsi %min3A_3466, %min3A_3467 : vector<8x128xi32>
      %min3A_3485 = arith.minsi %min3A_3468, %min3A_3469 : vector<8x128xi32>
      %min3A_3486 = arith.minsi %min3A_3470, %min3A_3471 : vector<8x128xi32>
      %min3A_3487 = arith.minsi %min3A_3472, %min3A_3473 : vector<8x128xi32>
      %min3A_3488 = arith.minsi %min3A_3474, %min3A_3475 : vector<8x128xi32>
      %min3A_3489 = arith.minsi %min3A_3477, %min3A_3478 : vector<8x128xi32>
      %min3A_3490 = arith.minsi %min3A_3479, %min3A_3480 : vector<8x128xi32>
      %min3A_3491 = arith.minsi %min3A_3481, %min3A_3482 : vector<8x128xi32>
      %min3A_3492 = arith.minsi %min3A_3483, %min3A_3484 : vector<8x128xi32>
      %min3A_3493 = arith.minsi %min3A_3485, %min3A_3486 : vector<8x128xi32>
      %min3A_3494 = arith.minsi %min3A_3487, %min3A_3488 : vector<8x128xi32>
      %min3A_3495 = arith.minsi %min3A_3489, %min3A_3490 : vector<8x128xi32>
      %min3A_3496 = arith.minsi %min3A_3491, %min3A_3492 : vector<8x128xi32>
      %min3A_3497 = arith.minsi %min3A_3493, %min3A_3494 : vector<8x128xi32>
      %min3A_3498 = arith.minsi %min3A_3495, %min3A_3496 : vector<8x128xi32>
      %min3A_3499 = arith.minsi %min3A_3497, %min3A_3476 : vector<8x128xi32>
      %min3A_3500 = arith.minsi %min3A_3498, %min3A_3499 : vector<8x128xi32>
      %slice3A_3501 = vector.extract_strided_slice %min3A_3500 {offsets = [0, 0], sizes = [1, 128], strides = [1, 1]} : vector<8x128xi32> to vector<1x128xi32>
      %slice3A_3502 = vector.extract_strided_slice %min3A_3500 {offsets = [1, 0], sizes = [1, 128], strides = [1, 1]} : vector<8x128xi32> to vector<1x128xi32>
      %slice3A_3503 = vector.extract_strided_slice %min3A_3500 {offsets = [2, 0], sizes = [1, 128], strides = [1, 1]} : vector<8x128xi32> to vector<1x128xi32>
      %slice3A_3504 = vector.extract_strided_slice %min3A_3500 {offsets = [3, 0], sizes = [1, 128], strides = [1, 1]} : vector<8x128xi32> to vector<1x128xi32>
      %slice3A_3505 = vector.extract_strided_slice %min3A_3500 {offsets = [4, 0], sizes = [1, 128], strides = [1, 1]} : vector<8x128xi32> to vector<1x128xi32>
      %slice3A_3506 = vector.extract_strided_slice %min3A_3500 {offsets = [5, 0], sizes = [1, 128], strides = [1, 1]} : vector<8x128xi32> to vector<1x128xi32>
      %slice3A_3507 = vector.extract_strided_slice %min3A_3500 {offsets = [6, 0], sizes = [1, 128], strides = [1, 1]} : vector<8x128xi32> to vector<1x128xi32>
      %slice3A_3508 = vector.extract_strided_slice %min3A_3500 {offsets = [7, 0], sizes = [1, 128], strides = [1, 1]} : vector<8x128xi32> to vector<1x128xi32>
      %min3A_3509 = arith.minsi %slice3A_3501, %slice3A_3502 : vector<1x128xi32>
      %min3A_3510 = arith.minsi %slice3A_3503, %slice3A_3504 : vector<1x128xi32>
      %min3A_3511 = arith.minsi %slice3A_3505, %slice3A_3506 : vector<1x128xi32>
      %min3A_3512 = arith.minsi %slice3A_3507, %slice3A_3508 : vector<1x128xi32>
      %min3A_3513 = arith.minsi %min3A_3509, %min3A_3510 : vector<1x128xi32>
      %min3A_3514 = arith.minsi %min3A_3511, %min3A_3512 : vector<1x128xi32>
      %min3A_3515 = arith.minsi %min3A_3513, %min3A_3514 : vector<1x128xi32>
      %mul3A_3516 = arith.constant 128 : i32
      %mul3A_3517 = vector.broadcast %mul3A_3516 : i32 to vector<1x128xi32>
      %mul3A_3518 = arith.muli %min3A_3515, %mul3A_3517 : vector<1x128xi32>
      %iota3A_3519 = tpu.iota {dimensions = array<i32: 1>} : vector<1x128xi32>
      %add3A_3520 = arith.addi %mul3A_3518, %iota3A_3519 : vector<1x128xi32>
      %eq3A_3521 = vector.broadcast %min3A_3515 : vector<1x128xi32> to vector<400x128xi32>
      %eq3A_3522 = arith.cmpi eq, %iota3A_115, %eq3A_3521 : vector<400x128xi32>
      %jit3A_3523 = arith.constant 0x7F800000 : f32
      %broadcast_in_dim3A_3524 = vector.broadcast %jit3A_3523 : f32 to vector<400x128xf32>
      %select_n3A_3525 = arith.select %eq3A_3522, %broadcast_in_dim3A_3524, %select_n3A_3282 : vector<400x128xi1>, vector<400x128xf32>
      %slice3A_3526 = vector.extract_strided_slice %select_n3A_3525 {offsets = [0, 0], sizes = [8, 128], strides = [1, 1]} : vector<400x128xf32> to vector<8x128xf32>
      %slice3A_3527 = vector.extract_strided_slice %select_n3A_3525 {offsets = [8, 0], sizes = [8, 128], strides = [1, 1]} : vector<400x128xf32> to vector<8x128xf32>
      %slice3A_3528 = vector.extract_strided_slice %select_n3A_3525 {offsets = [16, 0], sizes = [8, 128], strides = [1, 1]} : vector<400x128xf32> to vector<8x128xf32>
      %slice3A_3529 = vector.extract_strided_slice %select_n3A_3525 {offsets = [24, 0], sizes = [8, 128], strides = [1, 1]} : vector<400x128xf32> to vector<8x128xf32>
      %slice3A_3530 = vector.extract_strided_slice %select_n3A_3525 {offsets = [32, 0], sizes = [8, 128], strides = [1, 1]} : vector<400x128xf32> to vector<8x128xf32>
      %slice3A_3531 = vector.extract_strided_slice %select_n3A_3525 {offsets = [40, 0], sizes = [8, 128], strides = [1, 1]} : vector<400x128xf32> to vector<8x128xf32>
      %slice3A_3532 = vector.extract_strided_slice %select_n3A_3525 {offsets = [48, 0], sizes = [8, 128], strides = [1, 1]} : vector<400x128xf32> to vector<8x128xf32>
      %slice3A_3533 = vector.extract_strided_slice %select_n3A_3525 {offsets = [56, 0], sizes = [8, 128], strides = [1, 1]} : vector<400x128xf32> to vector<8x128xf32>
      %slice3A_3534 = vector.extract_strided_slice %select_n3A_3525 {offsets = [64, 0], sizes = [8, 128], strides = [1, 1]} : vector<400x128xf32> to vector<8x128xf32>
      %slice3A_3535 = vector.extract_strided_slice %select_n3A_3525 {offsets = [72, 0], sizes = [8, 128], strides = [1, 1]} : vector<400x128xf32> to vector<8x128xf32>
      %slice3A_3536 = vector.extract_strided_slice %select_n3A_3525 {offsets = [80, 0], sizes = [8, 128], strides = [1, 1]} : vector<400x128xf32> to vector<8x128xf32>
      %slice3A_3537 = vector.extract_strided_slice %select_n3A_3525 {offsets = [88, 0], sizes = [8, 128], strides = [1, 1]} : vector<400x128xf32> to vector<8x128xf32>
      %slice3A_3538 = vector.extract_strided_slice %select_n3A_3525 {offsets = [96, 0], sizes = [8, 128], strides = [1, 1]} : vector<400x128xf32> to vector<8x128xf32>
      %slice3A_3539 = vector.extract_strided_slice %select_n3A_3525 {offsets = [104, 0], sizes = [8, 128], strides = [1, 1]} : vector<400x128xf32> to vector<8x128xf32>
      %slice3A_3540 = vector.extract_strided_slice %select_n3A_3525 {offsets = [112, 0], sizes = [8, 128], strides = [1, 1]} : vector<400x128xf32> to vector<8x128xf32>
      %slice3A_3541 = vector.extract_strided_slice %select_n3A_3525 {offsets = [120, 0], sizes = [8, 128], strides = [1, 1]} : vector<400x128xf32> to vector<8x128xf32>
      %slice3A_3542 = vector.extract_strided_slice %select_n3A_3525 {offsets = [128, 0], sizes = [8, 128], strides = [1, 1]} : vector<400x128xf32> to vector<8x128xf32>
      %slice3A_3543 = vector.extract_strided_slice %select_n3A_3525 {offsets = [136, 0], sizes = [8, 128], strides = [1, 1]} : vector<400x128xf32> to vector<8x128xf32>
      %slice3A_3544 = vector.extract_strided_slice %select_n3A_3525 {offsets = [144, 0], sizes = [8, 128], strides = [1, 1]} : vector<400x128xf32> to vector<8x128xf32>
      %slice3A_3545 = vector.extract_strided_slice %select_n3A_3525 {offsets = [152, 0], sizes = [8, 128], strides = [1, 1]} : vector<400x128xf32> to vector<8x128xf32>
      %slice3A_3546 = vector.extract_strided_slice %select_n3A_3525 {offsets = [160, 0], sizes = [8, 128], strides = [1, 1]} : vector<400x128xf32> to vector<8x128xf32>
      %slice3A_3547 = vector.extract_strided_slice %select_n3A_3525 {offsets = [168, 0], sizes = [8, 128], strides = [1, 1]} : vector<400x128xf32> to vector<8x128xf32>
      %slice3A_3548 = vector.extract_strided_slice %select_n3A_3525 {offsets = [176, 0], sizes = [8, 128], strides = [1, 1]} : vector<400x128xf32> to vector<8x128xf32>
      %slice3A_3549 = vector.extract_strided_slice %select_n3A_3525 {offsets = [184, 0], sizes = [8, 128], strides = [1, 1]} : vector<400x128xf32> to vector<8x128xf32>
      %slice3A_3550 = vector.extract_strided_slice %select_n3A_3525 {offsets = [192, 0], sizes = [8, 128], strides = [1, 1]} : vector<400x128xf32> to vector<8x128xf32>
      %slice3A_3551 = vector.extract_strided_slice %select_n3A_3525 {offsets = [200, 0], sizes = [8, 128], strides = [1, 1]} : vector<400x128xf32> to vector<8x128xf32>
      %slice3A_3552 = vector.extract_strided_slice %select_n3A_3525 {offsets = [208, 0], sizes = [8, 128], strides = [1, 1]} : vector<400x128xf32> to vector<8x128xf32>
      %slice3A_3553 = vector.extract_strided_slice %select_n3A_3525 {offsets = [216, 0], sizes = [8, 128], strides = [1, 1]} : vector<400x128xf32> to vector<8x128xf32>
      %slice3A_3554 = vector.extract_strided_slice %select_n3A_3525 {offsets = [224, 0], sizes = [8, 128], strides = [1, 1]} : vector<400x128xf32> to vector<8x128xf32>
      %slice3A_3555 = vector.extract_strided_slice %select_n3A_3525 {offsets = [232, 0], sizes = [8, 128], strides = [1, 1]} : vector<400x128xf32> to vector<8x128xf32>
      %slice3A_3556 = vector.extract_strided_slice %select_n3A_3525 {offsets = [240, 0], sizes = [8, 128], strides = [1, 1]} : vector<400x128xf32> to vector<8x128xf32>
      %slice3A_3557 = vector.extract_strided_slice %select_n3A_3525 {offsets = [248, 0], sizes = [8, 128], strides = [1, 1]} : vector<400x128xf32> to vector<8x128xf32>
      %slice3A_3558 = vector.extract_strided_slice %select_n3A_3525 {offsets = [256, 0], sizes = [8, 128], strides = [1, 1]} : vector<400x128xf32> to vector<8x128xf32>
      %slice3A_3559 = vector.extract_strided_slice %select_n3A_3525 {offsets = [264, 0], sizes = [8, 128], strides = [1, 1]} : vector<400x128xf32> to vector<8x128xf32>
      %slice3A_3560 = vector.extract_strided_slice %select_n3A_3525 {offsets = [272, 0], sizes = [8, 128], strides = [1, 1]} : vector<400x128xf32> to vector<8x128xf32>
      %slice3A_3561 = vector.extract_strided_slice %select_n3A_3525 {offsets = [280, 0], sizes = [8, 128], strides = [1, 1]} : vector<400x128xf32> to vector<8x128xf32>
      %slice3A_3562 = vector.extract_strided_slice %select_n3A_3525 {offsets = [288, 0], sizes = [8, 128], strides = [1, 1]} : vector<400x128xf32> to vector<8x128xf32>
      %slice3A_3563 = vector.extract_strided_slice %select_n3A_3525 {offsets = [296, 0], sizes = [8, 128], strides = [1, 1]} : vector<400x128xf32> to vector<8x128xf32>
      %slice3A_3564 = vector.extract_strided_slice %select_n3A_3525 {offsets = [304, 0], sizes = [8, 128], strides = [1, 1]} : vector<400x128xf32> to vector<8x128xf32>
      %slice3A_3565 = vector.extract_strided_slice %select_n3A_3525 {offsets = [312, 0], sizes = [8, 128], strides = [1, 1]} : vector<400x128xf32> to vector<8x128xf32>
      %slice3A_3566 = vector.extract_strided_slice %select_n3A_3525 {offsets = [320, 0], sizes = [8, 128], strides = [1, 1]} : vector<400x128xf32> to vector<8x128xf32>
      %slice3A_3567 = vector.extract_strided_slice %select_n3A_3525 {offsets = [328, 0], sizes = [8, 128], strides = [1, 1]} : vector<400x128xf32> to vector<8x128xf32>
      %slice3A_3568 = vector.extract_strided_slice %select_n3A_3525 {offsets = [336, 0], sizes = [8, 128], strides = [1, 1]} : vector<400x128xf32> to vector<8x128xf32>
      %slice3A_3569 = vector.extract_strided_slice %select_n3A_3525 {offsets = [344, 0], sizes = [8, 128], strides = [1, 1]} : vector<400x128xf32> to vector<8x128xf32>
      %slice3A_3570 = vector.extract_strided_slice %select_n3A_3525 {offsets = [352, 0], sizes = [8, 128], strides = [1, 1]} : vector<400x128xf32> to vector<8x128xf32>
      %slice3A_3571 = vector.extract_strided_slice %select_n3A_3525 {offsets = [360, 0], sizes = [8, 128], strides = [1, 1]} : vector<400x128xf32> to vector<8x128xf32>
      %slice3A_3572 = vector.extract_strided_slice %select_n3A_3525 {offsets = [368, 0], sizes = [8, 128], strides = [1, 1]} : vector<400x128xf32> to vector<8x128xf32>
      %slice3A_3573 = vector.extract_strided_slice %select_n3A_3525 {offsets = [376, 0], sizes = [8, 128], strides = [1, 1]} : vector<400x128xf32> to vector<8x128xf32>
      %slice3A_3574 = vector.extract_strided_slice %select_n3A_3525 {offsets = [384, 0], sizes = [8, 128], strides = [1, 1]} : vector<400x128xf32> to vector<8x128xf32>
      %slice3A_3575 = vector.extract_strided_slice %select_n3A_3525 {offsets = [392, 0], sizes = [8, 128], strides = [1, 1]} : vector<400x128xf32> to vector<8x128xf32>
      %min3A_3576 = arith.minimumf %slice3A_3526, %slice3A_3527 : vector<8x128xf32>
      %min3A_3577 = arith.minimumf %slice3A_3528, %slice3A_3529 : vector<8x128xf32>
      %min3A_3578 = arith.minimumf %slice3A_3530, %slice3A_3531 : vector<8x128xf32>
      %min3A_3579 = arith.minimumf %slice3A_3532, %slice3A_3533 : vector<8x128xf32>
      %min3A_3580 = arith.minimumf %slice3A_3534, %slice3A_3535 : vector<8x128xf32>
      %min3A_3581 = arith.minimumf %slice3A_3536, %slice3A_3537 : vector<8x128xf32>
      %min3A_3582 = arith.minimumf %slice3A_3538, %slice3A_3539 : vector<8x128xf32>
      %min3A_3583 = arith.minimumf %slice3A_3540, %slice3A_3541 : vector<8x128xf32>
      %min3A_3584 = arith.minimumf %slice3A_3542, %slice3A_3543 : vector<8x128xf32>
      %min3A_3585 = arith.minimumf %slice3A_3544, %slice3A_3545 : vector<8x128xf32>
      %min3A_3586 = arith.minimumf %slice3A_3546, %slice3A_3547 : vector<8x128xf32>
      %min3A_3587 = arith.minimumf %slice3A_3548, %slice3A_3549 : vector<8x128xf32>
      %min3A_3588 = arith.minimumf %slice3A_3550, %slice3A_3551 : vector<8x128xf32>
      %min3A_3589 = arith.minimumf %slice3A_3552, %slice3A_3553 : vector<8x128xf32>
      %min3A_3590 = arith.minimumf %slice3A_3554, %slice3A_3555 : vector<8x128xf32>
      %min3A_3591 = arith.minimumf %slice3A_3556, %slice3A_3557 : vector<8x128xf32>
      %min3A_3592 = arith.minimumf %slice3A_3558, %slice3A_3559 : vector<8x128xf32>
      %min3A_3593 = arith.minimumf %slice3A_3560, %slice3A_3561 : vector<8x128xf32>
      %min3A_3594 = arith.minimumf %slice3A_3562, %slice3A_3563 : vector<8x128xf32>
      %min3A_3595 = arith.minimumf %slice3A_3564, %slice3A_3565 : vector<8x128xf32>
      %min3A_3596 = arith.minimumf %slice3A_3566, %slice3A_3567 : vector<8x128xf32>
      %min3A_3597 = arith.minimumf %slice3A_3568, %slice3A_3569 : vector<8x128xf32>
      %min3A_3598 = arith.minimumf %slice3A_3570, %slice3A_3571 : vector<8x128xf32>
      %min3A_3599 = arith.minimumf %slice3A_3572, %slice3A_3573 : vector<8x128xf32>
      %min3A_3600 = arith.minimumf %slice3A_3574, %slice3A_3575 : vector<8x128xf32>
      %min3A_3601 = arith.minimumf %min3A_3576, %min3A_3577 : vector<8x128xf32>
      %min3A_3602 = arith.minimumf %min3A_3578, %min3A_3579 : vector<8x128xf32>
      %min3A_3603 = arith.minimumf %min3A_3580, %min3A_3581 : vector<8x128xf32>
      %min3A_3604 = arith.minimumf %min3A_3582, %min3A_3583 : vector<8x128xf32>
      %min3A_3605 = arith.minimumf %min3A_3584, %min3A_3585 : vector<8x128xf32>
      %min3A_3606 = arith.minimumf %min3A_3586, %min3A_3587 : vector<8x128xf32>
      %min3A_3607 = arith.minimumf %min3A_3588, %min3A_3589 : vector<8x128xf32>
      %min3A_3608 = arith.minimumf %min3A_3590, %min3A_3591 : vector<8x128xf32>
      %min3A_3609 = arith.minimumf %min3A_3592, %min3A_3593 : vector<8x128xf32>
      %min3A_3610 = arith.minimumf %min3A_3594, %min3A_3595 : vector<8x128xf32>
      %min3A_3611 = arith.minimumf %min3A_3596, %min3A_3597 : vector<8x128xf32>
      %min3A_3612 = arith.minimumf %min3A_3598, %min3A_3599 : vector<8x128xf32>
      %min3A_3613 = arith.minimumf %min3A_3601, %min3A_3602 : vector<8x128xf32>
      %min3A_3614 = arith.minimumf %min3A_3603, %min3A_3604 : vector<8x128xf32>
      %min3A_3615 = arith.minimumf %min3A_3605, %min3A_3606 : vector<8x128xf32>
      %min3A_3616 = arith.minimumf %min3A_3607, %min3A_3608 : vector<8x128xf32>
      %min3A_3617 = arith.minimumf %min3A_3609, %min3A_3610 : vector<8x128xf32>
      %min3A_3618 = arith.minimumf %min3A_3611, %min3A_3612 : vector<8x128xf32>
      %min3A_3619 = arith.minimumf %min3A_3613, %min3A_3614 : vector<8x128xf32>
      %min3A_3620 = arith.minimumf %min3A_3615, %min3A_3616 : vector<8x128xf32>
      %min3A_3621 = arith.minimumf %min3A_3617, %min3A_3618 : vector<8x128xf32>
      %min3A_3622 = arith.minimumf %min3A_3619, %min3A_3620 : vector<8x128xf32>
      %min3A_3623 = arith.minimumf %min3A_3621, %min3A_3600 : vector<8x128xf32>
      %min3A_3624 = arith.minimumf %min3A_3622, %min3A_3623 : vector<8x128xf32>
      %slice3A_3625 = vector.extract_strided_slice %min3A_3624 {offsets = [0, 0], sizes = [1, 128], strides = [1, 1]} : vector<8x128xf32> to vector<1x128xf32>
      %slice3A_3626 = vector.extract_strided_slice %min3A_3624 {offsets = [1, 0], sizes = [1, 128], strides = [1, 1]} : vector<8x128xf32> to vector<1x128xf32>
      %slice3A_3627 = vector.extract_strided_slice %min3A_3624 {offsets = [2, 0], sizes = [1, 128], strides = [1, 1]} : vector<8x128xf32> to vector<1x128xf32>
      %slice3A_3628 = vector.extract_strided_slice %min3A_3624 {offsets = [3, 0], sizes = [1, 128], strides = [1, 1]} : vector<8x128xf32> to vector<1x128xf32>
      %slice3A_3629 = vector.extract_strided_slice %min3A_3624 {offsets = [4, 0], sizes = [1, 128], strides = [1, 1]} : vector<8x128xf32> to vector<1x128xf32>
      %slice3A_3630 = vector.extract_strided_slice %min3A_3624 {offsets = [5, 0], sizes = [1, 128], strides = [1, 1]} : vector<8x128xf32> to vector<1x128xf32>
      %slice3A_3631 = vector.extract_strided_slice %min3A_3624 {offsets = [6, 0], sizes = [1, 128], strides = [1, 1]} : vector<8x128xf32> to vector<1x128xf32>
      %slice3A_3632 = vector.extract_strided_slice %min3A_3624 {offsets = [7, 0], sizes = [1, 128], strides = [1, 1]} : vector<8x128xf32> to vector<1x128xf32>
      %min3A_3633 = arith.minimumf %slice3A_3625, %slice3A_3626 : vector<1x128xf32>
      %min3A_3634 = arith.minimumf %slice3A_3627, %slice3A_3628 : vector<1x128xf32>
      %min3A_3635 = arith.minimumf %slice3A_3629, %slice3A_3630 : vector<1x128xf32>
      %min3A_3636 = arith.minimumf %slice3A_3631, %slice3A_3632 : vector<1x128xf32>
      %min3A_3637 = arith.minimumf %min3A_3633, %min3A_3634 : vector<1x128xf32>
      %min3A_3638 = arith.minimumf %min3A_3635, %min3A_3636 : vector<1x128xf32>
      %min3A_3639 = arith.minimumf %min3A_3637, %min3A_3638 : vector<1x128xf32>
      %eq3A_3640 = vector.broadcast %min3A_3639 : vector<1x128xf32> to vector<400x128xf32>
      %eq3A_3641 = arith.cmpf oeq, %select_n3A_3525, %eq3A_3640 : vector<400x128xf32>
      %jit3A_3642 = arith.constant 2147483647 : i32
      %broadcast_in_dim3A_3643 = vector.broadcast %jit3A_3642 : i32 to vector<400x128xi32>
      %select_n3A_3644 = arith.select %eq3A_3641, %iota3A_115, %broadcast_in_dim3A_3643 : vector<400x128xi1>, vector<400x128xi32>
      %slice3A_3645 = vector.extract_strided_slice %select_n3A_3644 {offsets = [0, 0], sizes = [8, 128], strides = [1, 1]} : vector<400x128xi32> to vector<8x128xi32>
      %slice3A_3646 = vector.extract_strided_slice %select_n3A_3644 {offsets = [8, 0], sizes = [8, 128], strides = [1, 1]} : vector<400x128xi32> to vector<8x128xi32>
      %slice3A_3647 = vector.extract_strided_slice %select_n3A_3644 {offsets = [16, 0], sizes = [8, 128], strides = [1, 1]} : vector<400x128xi32> to vector<8x128xi32>
      %slice3A_3648 = vector.extract_strided_slice %select_n3A_3644 {offsets = [24, 0], sizes = [8, 128], strides = [1, 1]} : vector<400x128xi32> to vector<8x128xi32>
      %slice3A_3649 = vector.extract_strided_slice %select_n3A_3644 {offsets = [32, 0], sizes = [8, 128], strides = [1, 1]} : vector<400x128xi32> to vector<8x128xi32>
      %slice3A_3650 = vector.extract_strided_slice %select_n3A_3644 {offsets = [40, 0], sizes = [8, 128], strides = [1, 1]} : vector<400x128xi32> to vector<8x128xi32>
      %slice3A_3651 = vector.extract_strided_slice %select_n3A_3644 {offsets = [48, 0], sizes = [8, 128], strides = [1, 1]} : vector<400x128xi32> to vector<8x128xi32>
      %slice3A_3652 = vector.extract_strided_slice %select_n3A_3644 {offsets = [56, 0], sizes = [8, 128], strides = [1, 1]} : vector<400x128xi32> to vector<8x128xi32>
      %slice3A_3653 = vector.extract_strided_slice %select_n3A_3644 {offsets = [64, 0], sizes = [8, 128], strides = [1, 1]} : vector<400x128xi32> to vector<8x128xi32>
      %slice3A_3654 = vector.extract_strided_slice %select_n3A_3644 {offsets = [72, 0], sizes = [8, 128], strides = [1, 1]} : vector<400x128xi32> to vector<8x128xi32>
      %slice3A_3655 = vector.extract_strided_slice %select_n3A_3644 {offsets = [80, 0], sizes = [8, 128], strides = [1, 1]} : vector<400x128xi32> to vector<8x128xi32>
      %slice3A_3656 = vector.extract_strided_slice %select_n3A_3644 {offsets = [88, 0], sizes = [8, 128], strides = [1, 1]} : vector<400x128xi32> to vector<8x128xi32>
      %slice3A_3657 = vector.extract_strided_slice %select_n3A_3644 {offsets = [96, 0], sizes = [8, 128], strides = [1, 1]} : vector<400x128xi32> to vector<8x128xi32>
      %slice3A_3658 = vector.extract_strided_slice %select_n3A_3644 {offsets = [104, 0], sizes = [8, 128], strides = [1, 1]} : vector<400x128xi32> to vector<8x128xi32>
      %slice3A_3659 = vector.extract_strided_slice %select_n3A_3644 {offsets = [112, 0], sizes = [8, 128], strides = [1, 1]} : vector<400x128xi32> to vector<8x128xi32>
      %slice3A_3660 = vector.extract_strided_slice %select_n3A_3644 {offsets = [120, 0], sizes = [8, 128], strides = [1, 1]} : vector<400x128xi32> to vector<8x128xi32>
      %slice3A_3661 = vector.extract_strided_slice %select_n3A_3644 {offsets = [128, 0], sizes = [8, 128], strides = [1, 1]} : vector<400x128xi32> to vector<8x128xi32>
      %slice3A_3662 = vector.extract_strided_slice %select_n3A_3644 {offsets = [136, 0], sizes = [8, 128], strides = [1, 1]} : vector<400x128xi32> to vector<8x128xi32>
      %slice3A_3663 = vector.extract_strided_slice %select_n3A_3644 {offsets = [144, 0], sizes = [8, 128], strides = [1, 1]} : vector<400x128xi32> to vector<8x128xi32>
      %slice3A_3664 = vector.extract_strided_slice %select_n3A_3644 {offsets = [152, 0], sizes = [8, 128], strides = [1, 1]} : vector<400x128xi32> to vector<8x128xi32>
      %slice3A_3665 = vector.extract_strided_slice %select_n3A_3644 {offsets = [160, 0], sizes = [8, 128], strides = [1, 1]} : vector<400x128xi32> to vector<8x128xi32>
      %slice3A_3666 = vector.extract_strided_slice %select_n3A_3644 {offsets = [168, 0], sizes = [8, 128], strides = [1, 1]} : vector<400x128xi32> to vector<8x128xi32>
      %slice3A_3667 = vector.extract_strided_slice %select_n3A_3644 {offsets = [176, 0], sizes = [8, 128], strides = [1, 1]} : vector<400x128xi32> to vector<8x128xi32>
      %slice3A_3668 = vector.extract_strided_slice %select_n3A_3644 {offsets = [184, 0], sizes = [8, 128], strides = [1, 1]} : vector<400x128xi32> to vector<8x128xi32>
      %slice3A_3669 = vector.extract_strided_slice %select_n3A_3644 {offsets = [192, 0], sizes = [8, 128], strides = [1, 1]} : vector<400x128xi32> to vector<8x128xi32>
      %slice3A_3670 = vector.extract_strided_slice %select_n3A_3644 {offsets = [200, 0], sizes = [8, 128], strides = [1, 1]} : vector<400x128xi32> to vector<8x128xi32>
      %slice3A_3671 = vector.extract_strided_slice %select_n3A_3644 {offsets = [208, 0], sizes = [8, 128], strides = [1, 1]} : vector<400x128xi32> to vector<8x128xi32>
      %slice3A_3672 = vector.extract_strided_slice %select_n3A_3644 {offsets = [216, 0], sizes = [8, 128], strides = [1, 1]} : vector<400x128xi32> to vector<8x128xi32>
      %slice3A_3673 = vector.extract_strided_slice %select_n3A_3644 {offsets = [224, 0], sizes = [8, 128], strides = [1, 1]} : vector<400x128xi32> to vector<8x128xi32>
      %slice3A_3674 = vector.extract_strided_slice %select_n3A_3644 {offsets = [232, 0], sizes = [8, 128], strides = [1, 1]} : vector<400x128xi32> to vector<8x128xi32>
      %slice3A_3675 = vector.extract_strided_slice %select_n3A_3644 {offsets = [240, 0], sizes = [8, 128], strides = [1, 1]} : vector<400x128xi32> to vector<8x128xi32>
      %slice3A_3676 = vector.extract_strided_slice %select_n3A_3644 {offsets = [248, 0], sizes = [8, 128], strides = [1, 1]} : vector<400x128xi32> to vector<8x128xi32>
      %slice3A_3677 = vector.extract_strided_slice %select_n3A_3644 {offsets = [256, 0], sizes = [8, 128], strides = [1, 1]} : vector<400x128xi32> to vector<8x128xi32>
      %slice3A_3678 = vector.extract_strided_slice %select_n3A_3644 {offsets = [264, 0], sizes = [8, 128], strides = [1, 1]} : vector<400x128xi32> to vector<8x128xi32>
      %slice3A_3679 = vector.extract_strided_slice %select_n3A_3644 {offsets = [272, 0], sizes = [8, 128], strides = [1, 1]} : vector<400x128xi32> to vector<8x128xi32>
      %slice3A_3680 = vector.extract_strided_slice %select_n3A_3644 {offsets = [280, 0], sizes = [8, 128], strides = [1, 1]} : vector<400x128xi32> to vector<8x128xi32>
      %slice3A_3681 = vector.extract_strided_slice %select_n3A_3644 {offsets = [288, 0], sizes = [8, 128], strides = [1, 1]} : vector<400x128xi32> to vector<8x128xi32>
      %slice3A_3682 = vector.extract_strided_slice %select_n3A_3644 {offsets = [296, 0], sizes = [8, 128], strides = [1, 1]} : vector<400x128xi32> to vector<8x128xi32>
      %slice3A_3683 = vector.extract_strided_slice %select_n3A_3644 {offsets = [304, 0], sizes = [8, 128], strides = [1, 1]} : vector<400x128xi32> to vector<8x128xi32>
      %slice3A_3684 = vector.extract_strided_slice %select_n3A_3644 {offsets = [312, 0], sizes = [8, 128], strides = [1, 1]} : vector<400x128xi32> to vector<8x128xi32>
      %slice3A_3685 = vector.extract_strided_slice %select_n3A_3644 {offsets = [320, 0], sizes = [8, 128], strides = [1, 1]} : vector<400x128xi32> to vector<8x128xi32>
      %slice3A_3686 = vector.extract_strided_slice %select_n3A_3644 {offsets = [328, 0], sizes = [8, 128], strides = [1, 1]} : vector<400x128xi32> to vector<8x128xi32>
      %slice3A_3687 = vector.extract_strided_slice %select_n3A_3644 {offsets = [336, 0], sizes = [8, 128], strides = [1, 1]} : vector<400x128xi32> to vector<8x128xi32>
      %slice3A_3688 = vector.extract_strided_slice %select_n3A_3644 {offsets = [344, 0], sizes = [8, 128], strides = [1, 1]} : vector<400x128xi32> to vector<8x128xi32>
      %slice3A_3689 = vector.extract_strided_slice %select_n3A_3644 {offsets = [352, 0], sizes = [8, 128], strides = [1, 1]} : vector<400x128xi32> to vector<8x128xi32>
      %slice3A_3690 = vector.extract_strided_slice %select_n3A_3644 {offsets = [360, 0], sizes = [8, 128], strides = [1, 1]} : vector<400x128xi32> to vector<8x128xi32>
      %slice3A_3691 = vector.extract_strided_slice %select_n3A_3644 {offsets = [368, 0], sizes = [8, 128], strides = [1, 1]} : vector<400x128xi32> to vector<8x128xi32>
      %slice3A_3692 = vector.extract_strided_slice %select_n3A_3644 {offsets = [376, 0], sizes = [8, 128], strides = [1, 1]} : vector<400x128xi32> to vector<8x128xi32>
      %slice3A_3693 = vector.extract_strided_slice %select_n3A_3644 {offsets = [384, 0], sizes = [8, 128], strides = [1, 1]} : vector<400x128xi32> to vector<8x128xi32>
      %slice3A_3694 = vector.extract_strided_slice %select_n3A_3644 {offsets = [392, 0], sizes = [8, 128], strides = [1, 1]} : vector<400x128xi32> to vector<8x128xi32>
      %min3A_3695 = arith.minsi %slice3A_3645, %slice3A_3646 : vector<8x128xi32>
      %min3A_3696 = arith.minsi %slice3A_3647, %slice3A_3648 : vector<8x128xi32>
      %min3A_3697 = arith.minsi %slice3A_3649, %slice3A_3650 : vector<8x128xi32>
      %min3A_3698 = arith.minsi %slice3A_3651, %slice3A_3652 : vector<8x128xi32>
      %min3A_3699 = arith.minsi %slice3A_3653, %slice3A_3654 : vector<8x128xi32>
      %min3A_3700 = arith.minsi %slice3A_3655, %slice3A_3656 : vector<8x128xi32>
      %min3A_3701 = arith.minsi %slice3A_3657, %slice3A_3658 : vector<8x128xi32>
      %min3A_3702 = arith.minsi %slice3A_3659, %slice3A_3660 : vector<8x128xi32>
      %min3A_3703 = arith.minsi %slice3A_3661, %slice3A_3662 : vector<8x128xi32>
      %min3A_3704 = arith.minsi %slice3A_3663, %slice3A_3664 : vector<8x128xi32>
      %min3A_3705 = arith.minsi %slice3A_3665, %slice3A_3666 : vector<8x128xi32>
      %min3A_3706 = arith.minsi %slice3A_3667, %slice3A_3668 : vector<8x128xi32>
      %min3A_3707 = arith.minsi %slice3A_3669, %slice3A_3670 : vector<8x128xi32>
      %min3A_3708 = arith.minsi %slice3A_3671, %slice3A_3672 : vector<8x128xi32>
      %min3A_3709 = arith.minsi %slice3A_3673, %slice3A_3674 : vector<8x128xi32>
      %min3A_3710 = arith.minsi %slice3A_3675, %slice3A_3676 : vector<8x128xi32>
      %min3A_3711 = arith.minsi %slice3A_3677, %slice3A_3678 : vector<8x128xi32>
      %min3A_3712 = arith.minsi %slice3A_3679, %slice3A_3680 : vector<8x128xi32>
      %min3A_3713 = arith.minsi %slice3A_3681, %slice3A_3682 : vector<8x128xi32>
      %min3A_3714 = arith.minsi %slice3A_3683, %slice3A_3684 : vector<8x128xi32>
      %min3A_3715 = arith.minsi %slice3A_3685, %slice3A_3686 : vector<8x128xi32>
      %min3A_3716 = arith.minsi %slice3A_3687, %slice3A_3688 : vector<8x128xi32>
      %min3A_3717 = arith.minsi %slice3A_3689, %slice3A_3690 : vector<8x128xi32>
      %min3A_3718 = arith.minsi %slice3A_3691, %slice3A_3692 : vector<8x128xi32>
      %min3A_3719 = arith.minsi %slice3A_3693, %slice3A_3694 : vector<8x128xi32>
      %min3A_3720 = arith.minsi %min3A_3695, %min3A_3696 : vector<8x128xi32>
      %min3A_3721 = arith.minsi %min3A_3697, %min3A_3698 : vector<8x128xi32>
      %min3A_3722 = arith.minsi %min3A_3699, %min3A_3700 : vector<8x128xi32>
      %min3A_3723 = arith.minsi %min3A_3701, %min3A_3702 : vector<8x128xi32>
      %min3A_3724 = arith.minsi %min3A_3703, %min3A_3704 : vector<8x128xi32>
      %min3A_3725 = arith.minsi %min3A_3705, %min3A_3706 : vector<8x128xi32>
      %min3A_3726 = arith.minsi %min3A_3707, %min3A_3708 : vector<8x128xi32>
      %min3A_3727 = arith.minsi %min3A_3709, %min3A_3710 : vector<8x128xi32>
      %min3A_3728 = arith.minsi %min3A_3711, %min3A_3712 : vector<8x128xi32>
      %min3A_3729 = arith.minsi %min3A_3713, %min3A_3714 : vector<8x128xi32>
      %min3A_3730 = arith.minsi %min3A_3715, %min3A_3716 : vector<8x128xi32>
      %min3A_3731 = arith.minsi %min3A_3717, %min3A_3718 : vector<8x128xi32>
      %min3A_3732 = arith.minsi %min3A_3720, %min3A_3721 : vector<8x128xi32>
      %min3A_3733 = arith.minsi %min3A_3722, %min3A_3723 : vector<8x128xi32>
      %min3A_3734 = arith.minsi %min3A_3724, %min3A_3725 : vector<8x128xi32>
      %min3A_3735 = arith.minsi %min3A_3726, %min3A_3727 : vector<8x128xi32>
      %min3A_3736 = arith.minsi %min3A_3728, %min3A_3729 : vector<8x128xi32>
      %min3A_3737 = arith.minsi %min3A_3730, %min3A_3731 : vector<8x128xi32>
      %min3A_3738 = arith.minsi %min3A_3732, %min3A_3733 : vector<8x128xi32>
      %min3A_3739 = arith.minsi %min3A_3734, %min3A_3735 : vector<8x128xi32>
      %min3A_3740 = arith.minsi %min3A_3736, %min3A_3737 : vector<8x128xi32>
      %min3A_3741 = arith.minsi %min3A_3738, %min3A_3739 : vector<8x128xi32>
      %min3A_3742 = arith.minsi %min3A_3740, %min3A_3719 : vector<8x128xi32>
      %min3A_3743 = arith.minsi %min3A_3741, %min3A_3742 : vector<8x128xi32>
      %slice3A_3744 = vector.extract_strided_slice %min3A_3743 {offsets = [0, 0], sizes = [1, 128], strides = [1, 1]} : vector<8x128xi32> to vector<1x128xi32>
      %slice3A_3745 = vector.extract_strided_slice %min3A_3743 {offsets = [1, 0], sizes = [1, 128], strides = [1, 1]} : vector<8x128xi32> to vector<1x128xi32>
      %slice3A_3746 = vector.extract_strided_slice %min3A_3743 {offsets = [2, 0], sizes = [1, 128], strides = [1, 1]} : vector<8x128xi32> to vector<1x128xi32>
      %slice3A_3747 = vector.extract_strided_slice %min3A_3743 {offsets = [3, 0], sizes = [1, 128], strides = [1, 1]} : vector<8x128xi32> to vector<1x128xi32>
      %slice3A_3748 = vector.extract_strided_slice %min3A_3743 {offsets = [4, 0], sizes = [1, 128], strides = [1, 1]} : vector<8x128xi32> to vector<1x128xi32>
      %slice3A_3749 = vector.extract_strided_slice %min3A_3743 {offsets = [5, 0], sizes = [1, 128], strides = [1, 1]} : vector<8x128xi32> to vector<1x128xi32>
      %slice3A_3750 = vector.extract_strided_slice %min3A_3743 {offsets = [6, 0], sizes = [1, 128], strides = [1, 1]} : vector<8x128xi32> to vector<1x128xi32>
      %slice3A_3751 = vector.extract_strided_slice %min3A_3743 {offsets = [7, 0], sizes = [1, 128], strides = [1, 1]} : vector<8x128xi32> to vector<1x128xi32>
      %min3A_3752 = arith.minsi %slice3A_3744, %slice3A_3745 : vector<1x128xi32>
      %min3A_3753 = arith.minsi %slice3A_3746, %slice3A_3747 : vector<1x128xi32>
      %min3A_3754 = arith.minsi %slice3A_3748, %slice3A_3749 : vector<1x128xi32>
      %min3A_3755 = arith.minsi %slice3A_3750, %slice3A_3751 : vector<1x128xi32>
      %min3A_3756 = arith.minsi %min3A_3752, %min3A_3753 : vector<1x128xi32>
      %min3A_3757 = arith.minsi %min3A_3754, %min3A_3755 : vector<1x128xi32>
      %min3A_3758 = arith.minsi %min3A_3756, %min3A_3757 : vector<1x128xi32>
      %mul3A_3759 = arith.constant 128 : i32
      %mul3A_3760 = vector.broadcast %mul3A_3759 : i32 to vector<1x128xi32>
      %mul3A_3761 = arith.muli %min3A_3758, %mul3A_3760 : vector<1x128xi32>
      %iota3A_3762 = tpu.iota {dimensions = array<i32: 1>} : vector<1x128xi32>
      %add3A_3763 = arith.addi %mul3A_3761, %iota3A_3762 : vector<1x128xi32>
      %eq3A_3764 = vector.broadcast %min3A_3758 : vector<1x128xi32> to vector<400x128xi32>
      %eq3A_3765 = arith.cmpi eq, %iota3A_115, %eq3A_3764 : vector<400x128xi32>
      %jit3A_3766 = arith.constant 0x7F800000 : f32
      %broadcast_in_dim3A_3767 = vector.broadcast %jit3A_3766 : f32 to vector<400x128xf32>
      %select_n3A_3768 = arith.select %eq3A_3765, %broadcast_in_dim3A_3767, %select_n3A_3525 : vector<400x128xi1>, vector<400x128xf32>
      %slice3A_3769 = vector.extract_strided_slice %select_n3A_3768 {offsets = [0, 0], sizes = [8, 128], strides = [1, 1]} : vector<400x128xf32> to vector<8x128xf32>
      %slice3A_3770 = vector.extract_strided_slice %select_n3A_3768 {offsets = [8, 0], sizes = [8, 128], strides = [1, 1]} : vector<400x128xf32> to vector<8x128xf32>
      %slice3A_3771 = vector.extract_strided_slice %select_n3A_3768 {offsets = [16, 0], sizes = [8, 128], strides = [1, 1]} : vector<400x128xf32> to vector<8x128xf32>
      %slice3A_3772 = vector.extract_strided_slice %select_n3A_3768 {offsets = [24, 0], sizes = [8, 128], strides = [1, 1]} : vector<400x128xf32> to vector<8x128xf32>
      %slice3A_3773 = vector.extract_strided_slice %select_n3A_3768 {offsets = [32, 0], sizes = [8, 128], strides = [1, 1]} : vector<400x128xf32> to vector<8x128xf32>
      %slice3A_3774 = vector.extract_strided_slice %select_n3A_3768 {offsets = [40, 0], sizes = [8, 128], strides = [1, 1]} : vector<400x128xf32> to vector<8x128xf32>
      %slice3A_3775 = vector.extract_strided_slice %select_n3A_3768 {offsets = [48, 0], sizes = [8, 128], strides = [1, 1]} : vector<400x128xf32> to vector<8x128xf32>
      %slice3A_3776 = vector.extract_strided_slice %select_n3A_3768 {offsets = [56, 0], sizes = [8, 128], strides = [1, 1]} : vector<400x128xf32> to vector<8x128xf32>
      %slice3A_3777 = vector.extract_strided_slice %select_n3A_3768 {offsets = [64, 0], sizes = [8, 128], strides = [1, 1]} : vector<400x128xf32> to vector<8x128xf32>
      %slice3A_3778 = vector.extract_strided_slice %select_n3A_3768 {offsets = [72, 0], sizes = [8, 128], strides = [1, 1]} : vector<400x128xf32> to vector<8x128xf32>
      %slice3A_3779 = vector.extract_strided_slice %select_n3A_3768 {offsets = [80, 0], sizes = [8, 128], strides = [1, 1]} : vector<400x128xf32> to vector<8x128xf32>
      %slice3A_3780 = vector.extract_strided_slice %select_n3A_3768 {offsets = [88, 0], sizes = [8, 128], strides = [1, 1]} : vector<400x128xf32> to vector<8x128xf32>
      %slice3A_3781 = vector.extract_strided_slice %select_n3A_3768 {offsets = [96, 0], sizes = [8, 128], strides = [1, 1]} : vector<400x128xf32> to vector<8x128xf32>
      %slice3A_3782 = vector.extract_strided_slice %select_n3A_3768 {offsets = [104, 0], sizes = [8, 128], strides = [1, 1]} : vector<400x128xf32> to vector<8x128xf32>
      %slice3A_3783 = vector.extract_strided_slice %select_n3A_3768 {offsets = [112, 0], sizes = [8, 128], strides = [1, 1]} : vector<400x128xf32> to vector<8x128xf32>
      %slice3A_3784 = vector.extract_strided_slice %select_n3A_3768 {offsets = [120, 0], sizes = [8, 128], strides = [1, 1]} : vector<400x128xf32> to vector<8x128xf32>
      %slice3A_3785 = vector.extract_strided_slice %select_n3A_3768 {offsets = [128, 0], sizes = [8, 128], strides = [1, 1]} : vector<400x128xf32> to vector<8x128xf32>
      %slice3A_3786 = vector.extract_strided_slice %select_n3A_3768 {offsets = [136, 0], sizes = [8, 128], strides = [1, 1]} : vector<400x128xf32> to vector<8x128xf32>
      %slice3A_3787 = vector.extract_strided_slice %select_n3A_3768 {offsets = [144, 0], sizes = [8, 128], strides = [1, 1]} : vector<400x128xf32> to vector<8x128xf32>
      %slice3A_3788 = vector.extract_strided_slice %select_n3A_3768 {offsets = [152, 0], sizes = [8, 128], strides = [1, 1]} : vector<400x128xf32> to vector<8x128xf32>
      %slice3A_3789 = vector.extract_strided_slice %select_n3A_3768 {offsets = [160, 0], sizes = [8, 128], strides = [1, 1]} : vector<400x128xf32> to vector<8x128xf32>
      %slice3A_3790 = vector.extract_strided_slice %select_n3A_3768 {offsets = [168, 0], sizes = [8, 128], strides = [1, 1]} : vector<400x128xf32> to vector<8x128xf32>
      %slice3A_3791 = vector.extract_strided_slice %select_n3A_3768 {offsets = [176, 0], sizes = [8, 128], strides = [1, 1]} : vector<400x128xf32> to vector<8x128xf32>
      %slice3A_3792 = vector.extract_strided_slice %select_n3A_3768 {offsets = [184, 0], sizes = [8, 128], strides = [1, 1]} : vector<400x128xf32> to vector<8x128xf32>
      %slice3A_3793 = vector.extract_strided_slice %select_n3A_3768 {offsets = [192, 0], sizes = [8, 128], strides = [1, 1]} : vector<400x128xf32> to vector<8x128xf32>
      %slice3A_3794 = vector.extract_strided_slice %select_n3A_3768 {offsets = [200, 0], sizes = [8, 128], strides = [1, 1]} : vector<400x128xf32> to vector<8x128xf32>
      %slice3A_3795 = vector.extract_strided_slice %select_n3A_3768 {offsets = [208, 0], sizes = [8, 128], strides = [1, 1]} : vector<400x128xf32> to vector<8x128xf32>
      %slice3A_3796 = vector.extract_strided_slice %select_n3A_3768 {offsets = [216, 0], sizes = [8, 128], strides = [1, 1]} : vector<400x128xf32> to vector<8x128xf32>
      %slice3A_3797 = vector.extract_strided_slice %select_n3A_3768 {offsets = [224, 0], sizes = [8, 128], strides = [1, 1]} : vector<400x128xf32> to vector<8x128xf32>
      %slice3A_3798 = vector.extract_strided_slice %select_n3A_3768 {offsets = [232, 0], sizes = [8, 128], strides = [1, 1]} : vector<400x128xf32> to vector<8x128xf32>
      %slice3A_3799 = vector.extract_strided_slice %select_n3A_3768 {offsets = [240, 0], sizes = [8, 128], strides = [1, 1]} : vector<400x128xf32> to vector<8x128xf32>
      %slice3A_3800 = vector.extract_strided_slice %select_n3A_3768 {offsets = [248, 0], sizes = [8, 128], strides = [1, 1]} : vector<400x128xf32> to vector<8x128xf32>
      %slice3A_3801 = vector.extract_strided_slice %select_n3A_3768 {offsets = [256, 0], sizes = [8, 128], strides = [1, 1]} : vector<400x128xf32> to vector<8x128xf32>
      %slice3A_3802 = vector.extract_strided_slice %select_n3A_3768 {offsets = [264, 0], sizes = [8, 128], strides = [1, 1]} : vector<400x128xf32> to vector<8x128xf32>
      %slice3A_3803 = vector.extract_strided_slice %select_n3A_3768 {offsets = [272, 0], sizes = [8, 128], strides = [1, 1]} : vector<400x128xf32> to vector<8x128xf32>
      %slice3A_3804 = vector.extract_strided_slice %select_n3A_3768 {offsets = [280, 0], sizes = [8, 128], strides = [1, 1]} : vector<400x128xf32> to vector<8x128xf32>
      %slice3A_3805 = vector.extract_strided_slice %select_n3A_3768 {offsets = [288, 0], sizes = [8, 128], strides = [1, 1]} : vector<400x128xf32> to vector<8x128xf32>
      %slice3A_3806 = vector.extract_strided_slice %select_n3A_3768 {offsets = [296, 0], sizes = [8, 128], strides = [1, 1]} : vector<400x128xf32> to vector<8x128xf32>
      %slice3A_3807 = vector.extract_strided_slice %select_n3A_3768 {offsets = [304, 0], sizes = [8, 128], strides = [1, 1]} : vector<400x128xf32> to vector<8x128xf32>
      %slice3A_3808 = vector.extract_strided_slice %select_n3A_3768 {offsets = [312, 0], sizes = [8, 128], strides = [1, 1]} : vector<400x128xf32> to vector<8x128xf32>
      %slice3A_3809 = vector.extract_strided_slice %select_n3A_3768 {offsets = [320, 0], sizes = [8, 128], strides = [1, 1]} : vector<400x128xf32> to vector<8x128xf32>
      %slice3A_3810 = vector.extract_strided_slice %select_n3A_3768 {offsets = [328, 0], sizes = [8, 128], strides = [1, 1]} : vector<400x128xf32> to vector<8x128xf32>
      %slice3A_3811 = vector.extract_strided_slice %select_n3A_3768 {offsets = [336, 0], sizes = [8, 128], strides = [1, 1]} : vector<400x128xf32> to vector<8x128xf32>
      %slice3A_3812 = vector.extract_strided_slice %select_n3A_3768 {offsets = [344, 0], sizes = [8, 128], strides = [1, 1]} : vector<400x128xf32> to vector<8x128xf32>
      %slice3A_3813 = vector.extract_strided_slice %select_n3A_3768 {offsets = [352, 0], sizes = [8, 128], strides = [1, 1]} : vector<400x128xf32> to vector<8x128xf32>
      %slice3A_3814 = vector.extract_strided_slice %select_n3A_3768 {offsets = [360, 0], sizes = [8, 128], strides = [1, 1]} : vector<400x128xf32> to vector<8x128xf32>
      %slice3A_3815 = vector.extract_strided_slice %select_n3A_3768 {offsets = [368, 0], sizes = [8, 128], strides = [1, 1]} : vector<400x128xf32> to vector<8x128xf32>
      %slice3A_3816 = vector.extract_strided_slice %select_n3A_3768 {offsets = [376, 0], sizes = [8, 128], strides = [1, 1]} : vector<400x128xf32> to vector<8x128xf32>
      %slice3A_3817 = vector.extract_strided_slice %select_n3A_3768 {offsets = [384, 0], sizes = [8, 128], strides = [1, 1]} : vector<400x128xf32> to vector<8x128xf32>
      %slice3A_3818 = vector.extract_strided_slice %select_n3A_3768 {offsets = [392, 0], sizes = [8, 128], strides = [1, 1]} : vector<400x128xf32> to vector<8x128xf32>
      %min3A_3819 = arith.minimumf %slice3A_3769, %slice3A_3770 : vector<8x128xf32>
      %min3A_3820 = arith.minimumf %slice3A_3771, %slice3A_3772 : vector<8x128xf32>
      %min3A_3821 = arith.minimumf %slice3A_3773, %slice3A_3774 : vector<8x128xf32>
      %min3A_3822 = arith.minimumf %slice3A_3775, %slice3A_3776 : vector<8x128xf32>
      %min3A_3823 = arith.minimumf %slice3A_3777, %slice3A_3778 : vector<8x128xf32>
      %min3A_3824 = arith.minimumf %slice3A_3779, %slice3A_3780 : vector<8x128xf32>
      %min3A_3825 = arith.minimumf %slice3A_3781, %slice3A_3782 : vector<8x128xf32>
      %min3A_3826 = arith.minimumf %slice3A_3783, %slice3A_3784 : vector<8x128xf32>
      %min3A_3827 = arith.minimumf %slice3A_3785, %slice3A_3786 : vector<8x128xf32>
      %min3A_3828 = arith.minimumf %slice3A_3787, %slice3A_3788 : vector<8x128xf32>
      %min3A_3829 = arith.minimumf %slice3A_3789, %slice3A_3790 : vector<8x128xf32>
      %min3A_3830 = arith.minimumf %slice3A_3791, %slice3A_3792 : vector<8x128xf32>
      %min3A_3831 = arith.minimumf %slice3A_3793, %slice3A_3794 : vector<8x128xf32>
      %min3A_3832 = arith.minimumf %slice3A_3795, %slice3A_3796 : vector<8x128xf32>
      %min3A_3833 = arith.minimumf %slice3A_3797, %slice3A_3798 : vector<8x128xf32>
      %min3A_3834 = arith.minimumf %slice3A_3799, %slice3A_3800 : vector<8x128xf32>
      %min3A_3835 = arith.minimumf %slice3A_3801, %slice3A_3802 : vector<8x128xf32>
      %min3A_3836 = arith.minimumf %slice3A_3803, %slice3A_3804 : vector<8x128xf32>
      %min3A_3837 = arith.minimumf %slice3A_3805, %slice3A_3806 : vector<8x128xf32>
      %min3A_3838 = arith.minimumf %slice3A_3807, %slice3A_3808 : vector<8x128xf32>
      %min3A_3839 = arith.minimumf %slice3A_3809, %slice3A_3810 : vector<8x128xf32>
      %min3A_3840 = arith.minimumf %slice3A_3811, %slice3A_3812 : vector<8x128xf32>
      %min3A_3841 = arith.minimumf %slice3A_3813, %slice3A_3814 : vector<8x128xf32>
      %min3A_3842 = arith.minimumf %slice3A_3815, %slice3A_3816 : vector<8x128xf32>
      %min3A_3843 = arith.minimumf %slice3A_3817, %slice3A_3818 : vector<8x128xf32>
      %min3A_3844 = arith.minimumf %min3A_3819, %min3A_3820 : vector<8x128xf32>
      %min3A_3845 = arith.minimumf %min3A_3821, %min3A_3822 : vector<8x128xf32>
      %min3A_3846 = arith.minimumf %min3A_3823, %min3A_3824 : vector<8x128xf32>
      %min3A_3847 = arith.minimumf %min3A_3825, %min3A_3826 : vector<8x128xf32>
      %min3A_3848 = arith.minimumf %min3A_3827, %min3A_3828 : vector<8x128xf32>
      %min3A_3849 = arith.minimumf %min3A_3829, %min3A_3830 : vector<8x128xf32>
      %min3A_3850 = arith.minimumf %min3A_3831, %min3A_3832 : vector<8x128xf32>
      %min3A_3851 = arith.minimumf %min3A_3833, %min3A_3834 : vector<8x128xf32>
      %min3A_3852 = arith.minimumf %min3A_3835, %min3A_3836 : vector<8x128xf32>
      %min3A_3853 = arith.minimumf %min3A_3837, %min3A_3838 : vector<8x128xf32>
      %min3A_3854 = arith.minimumf %min3A_3839, %min3A_3840 : vector<8x128xf32>
      %min3A_3855 = arith.minimumf %min3A_3841, %min3A_3842 : vector<8x128xf32>
      %min3A_3856 = arith.minimumf %min3A_3844, %min3A_3845 : vector<8x128xf32>
      %min3A_3857 = arith.minimumf %min3A_3846, %min3A_3847 : vector<8x128xf32>
      %min3A_3858 = arith.minimumf %min3A_3848, %min3A_3849 : vector<8x128xf32>
      %min3A_3859 = arith.minimumf %min3A_3850, %min3A_3851 : vector<8x128xf32>
      %min3A_3860 = arith.minimumf %min3A_3852, %min3A_3853 : vector<8x128xf32>
      %min3A_3861 = arith.minimumf %min3A_3854, %min3A_3855 : vector<8x128xf32>
      %min3A_3862 = arith.minimumf %min3A_3856, %min3A_3857 : vector<8x128xf32>
      %min3A_3863 = arith.minimumf %min3A_3858, %min3A_3859 : vector<8x128xf32>
      %min3A_3864 = arith.minimumf %min3A_3860, %min3A_3861 : vector<8x128xf32>
      %min3A_3865 = arith.minimumf %min3A_3862, %min3A_3863 : vector<8x128xf32>
      %min3A_3866 = arith.minimumf %min3A_3864, %min3A_3843 : vector<8x128xf32>
      %min3A_3867 = arith.minimumf %min3A_3865, %min3A_3866 : vector<8x128xf32>
      %slice3A_3868 = vector.extract_strided_slice %min3A_3867 {offsets = [0, 0], sizes = [1, 128], strides = [1, 1]} : vector<8x128xf32> to vector<1x128xf32>
      %slice3A_3869 = vector.extract_strided_slice %min3A_3867 {offsets = [1, 0], sizes = [1, 128], strides = [1, 1]} : vector<8x128xf32> to vector<1x128xf32>
      %slice3A_3870 = vector.extract_strided_slice %min3A_3867 {offsets = [2, 0], sizes = [1, 128], strides = [1, 1]} : vector<8x128xf32> to vector<1x128xf32>
      %slice3A_3871 = vector.extract_strided_slice %min3A_3867 {offsets = [3, 0], sizes = [1, 128], strides = [1, 1]} : vector<8x128xf32> to vector<1x128xf32>
      %slice3A_3872 = vector.extract_strided_slice %min3A_3867 {offsets = [4, 0], sizes = [1, 128], strides = [1, 1]} : vector<8x128xf32> to vector<1x128xf32>
      %slice3A_3873 = vector.extract_strided_slice %min3A_3867 {offsets = [5, 0], sizes = [1, 128], strides = [1, 1]} : vector<8x128xf32> to vector<1x128xf32>
      %slice3A_3874 = vector.extract_strided_slice %min3A_3867 {offsets = [6, 0], sizes = [1, 128], strides = [1, 1]} : vector<8x128xf32> to vector<1x128xf32>
      %slice3A_3875 = vector.extract_strided_slice %min3A_3867 {offsets = [7, 0], sizes = [1, 128], strides = [1, 1]} : vector<8x128xf32> to vector<1x128xf32>
      %min3A_3876 = arith.minimumf %slice3A_3868, %slice3A_3869 : vector<1x128xf32>
      %min3A_3877 = arith.minimumf %slice3A_3870, %slice3A_3871 : vector<1x128xf32>
      %min3A_3878 = arith.minimumf %slice3A_3872, %slice3A_3873 : vector<1x128xf32>
      %min3A_3879 = arith.minimumf %slice3A_3874, %slice3A_3875 : vector<1x128xf32>
      %min3A_3880 = arith.minimumf %min3A_3876, %min3A_3877 : vector<1x128xf32>
      %min3A_3881 = arith.minimumf %min3A_3878, %min3A_3879 : vector<1x128xf32>
      %min3A_3882 = arith.minimumf %min3A_3880, %min3A_3881 : vector<1x128xf32>
      %eq3A_3883 = vector.broadcast %min3A_3882 : vector<1x128xf32> to vector<400x128xf32>
      %eq3A_3884 = arith.cmpf oeq, %select_n3A_3768, %eq3A_3883 : vector<400x128xf32>
      %jit3A_3885 = arith.constant 2147483647 : i32
      %broadcast_in_dim3A_3886 = vector.broadcast %jit3A_3885 : i32 to vector<400x128xi32>
      %select_n3A_3887 = arith.select %eq3A_3884, %iota3A_115, %broadcast_in_dim3A_3886 : vector<400x128xi1>, vector<400x128xi32>
      %slice3A_3888 = vector.extract_strided_slice %select_n3A_3887 {offsets = [0, 0], sizes = [8, 128], strides = [1, 1]} : vector<400x128xi32> to vector<8x128xi32>
      %slice3A_3889 = vector.extract_strided_slice %select_n3A_3887 {offsets = [8, 0], sizes = [8, 128], strides = [1, 1]} : vector<400x128xi32> to vector<8x128xi32>
      %slice3A_3890 = vector.extract_strided_slice %select_n3A_3887 {offsets = [16, 0], sizes = [8, 128], strides = [1, 1]} : vector<400x128xi32> to vector<8x128xi32>
      %slice3A_3891 = vector.extract_strided_slice %select_n3A_3887 {offsets = [24, 0], sizes = [8, 128], strides = [1, 1]} : vector<400x128xi32> to vector<8x128xi32>
      %slice3A_3892 = vector.extract_strided_slice %select_n3A_3887 {offsets = [32, 0], sizes = [8, 128], strides = [1, 1]} : vector<400x128xi32> to vector<8x128xi32>
      %slice3A_3893 = vector.extract_strided_slice %select_n3A_3887 {offsets = [40, 0], sizes = [8, 128], strides = [1, 1]} : vector<400x128xi32> to vector<8x128xi32>
      %slice3A_3894 = vector.extract_strided_slice %select_n3A_3887 {offsets = [48, 0], sizes = [8, 128], strides = [1, 1]} : vector<400x128xi32> to vector<8x128xi32>
      %slice3A_3895 = vector.extract_strided_slice %select_n3A_3887 {offsets = [56, 0], sizes = [8, 128], strides = [1, 1]} : vector<400x128xi32> to vector<8x128xi32>
      %slice3A_3896 = vector.extract_strided_slice %select_n3A_3887 {offsets = [64, 0], sizes = [8, 128], strides = [1, 1]} : vector<400x128xi32> to vector<8x128xi32>
      %slice3A_3897 = vector.extract_strided_slice %select_n3A_3887 {offsets = [72, 0], sizes = [8, 128], strides = [1, 1]} : vector<400x128xi32> to vector<8x128xi32>
      %slice3A_3898 = vector.extract_strided_slice %select_n3A_3887 {offsets = [80, 0], sizes = [8, 128], strides = [1, 1]} : vector<400x128xi32> to vector<8x128xi32>
      %slice3A_3899 = vector.extract_strided_slice %select_n3A_3887 {offsets = [88, 0], sizes = [8, 128], strides = [1, 1]} : vector<400x128xi32> to vector<8x128xi32>
      %slice3A_3900 = vector.extract_strided_slice %select_n3A_3887 {offsets = [96, 0], sizes = [8, 128], strides = [1, 1]} : vector<400x128xi32> to vector<8x128xi32>
      %slice3A_3901 = vector.extract_strided_slice %select_n3A_3887 {offsets = [104, 0], sizes = [8, 128], strides = [1, 1]} : vector<400x128xi32> to vector<8x128xi32>
      %slice3A_3902 = vector.extract_strided_slice %select_n3A_3887 {offsets = [112, 0], sizes = [8, 128], strides = [1, 1]} : vector<400x128xi32> to vector<8x128xi32>
      %slice3A_3903 = vector.extract_strided_slice %select_n3A_3887 {offsets = [120, 0], sizes = [8, 128], strides = [1, 1]} : vector<400x128xi32> to vector<8x128xi32>
      %slice3A_3904 = vector.extract_strided_slice %select_n3A_3887 {offsets = [128, 0], sizes = [8, 128], strides = [1, 1]} : vector<400x128xi32> to vector<8x128xi32>
      %slice3A_3905 = vector.extract_strided_slice %select_n3A_3887 {offsets = [136, 0], sizes = [8, 128], strides = [1, 1]} : vector<400x128xi32> to vector<8x128xi32>
      %slice3A_3906 = vector.extract_strided_slice %select_n3A_3887 {offsets = [144, 0], sizes = [8, 128], strides = [1, 1]} : vector<400x128xi32> to vector<8x128xi32>
      %slice3A_3907 = vector.extract_strided_slice %select_n3A_3887 {offsets = [152, 0], sizes = [8, 128], strides = [1, 1]} : vector<400x128xi32> to vector<8x128xi32>
      %slice3A_3908 = vector.extract_strided_slice %select_n3A_3887 {offsets = [160, 0], sizes = [8, 128], strides = [1, 1]} : vector<400x128xi32> to vector<8x128xi32>
      %slice3A_3909 = vector.extract_strided_slice %select_n3A_3887 {offsets = [168, 0], sizes = [8, 128], strides = [1, 1]} : vector<400x128xi32> to vector<8x128xi32>
      %slice3A_3910 = vector.extract_strided_slice %select_n3A_3887 {offsets = [176, 0], sizes = [8, 128], strides = [1, 1]} : vector<400x128xi32> to vector<8x128xi32>
      %slice3A_3911 = vector.extract_strided_slice %select_n3A_3887 {offsets = [184, 0], sizes = [8, 128], strides = [1, 1]} : vector<400x128xi32> to vector<8x128xi32>
      %slice3A_3912 = vector.extract_strided_slice %select_n3A_3887 {offsets = [192, 0], sizes = [8, 128], strides = [1, 1]} : vector<400x128xi32> to vector<8x128xi32>
      %slice3A_3913 = vector.extract_strided_slice %select_n3A_3887 {offsets = [200, 0], sizes = [8, 128], strides = [1, 1]} : vector<400x128xi32> to vector<8x128xi32>
      %slice3A_3914 = vector.extract_strided_slice %select_n3A_3887 {offsets = [208, 0], sizes = [8, 128], strides = [1, 1]} : vector<400x128xi32> to vector<8x128xi32>
      %slice3A_3915 = vector.extract_strided_slice %select_n3A_3887 {offsets = [216, 0], sizes = [8, 128], strides = [1, 1]} : vector<400x128xi32> to vector<8x128xi32>
      %slice3A_3916 = vector.extract_strided_slice %select_n3A_3887 {offsets = [224, 0], sizes = [8, 128], strides = [1, 1]} : vector<400x128xi32> to vector<8x128xi32>
      %slice3A_3917 = vector.extract_strided_slice %select_n3A_3887 {offsets = [232, 0], sizes = [8, 128], strides = [1, 1]} : vector<400x128xi32> to vector<8x128xi32>
      %slice3A_3918 = vector.extract_strided_slice %select_n3A_3887 {offsets = [240, 0], sizes = [8, 128], strides = [1, 1]} : vector<400x128xi32> to vector<8x128xi32>
      %slice3A_3919 = vector.extract_strided_slice %select_n3A_3887 {offsets = [248, 0], sizes = [8, 128], strides = [1, 1]} : vector<400x128xi32> to vector<8x128xi32>
      %slice3A_3920 = vector.extract_strided_slice %select_n3A_3887 {offsets = [256, 0], sizes = [8, 128], strides = [1, 1]} : vector<400x128xi32> to vector<8x128xi32>
      %slice3A_3921 = vector.extract_strided_slice %select_n3A_3887 {offsets = [264, 0], sizes = [8, 128], strides = [1, 1]} : vector<400x128xi32> to vector<8x128xi32>
      %slice3A_3922 = vector.extract_strided_slice %select_n3A_3887 {offsets = [272, 0], sizes = [8, 128], strides = [1, 1]} : vector<400x128xi32> to vector<8x128xi32>
      %slice3A_3923 = vector.extract_strided_slice %select_n3A_3887 {offsets = [280, 0], sizes = [8, 128], strides = [1, 1]} : vector<400x128xi32> to vector<8x128xi32>
      %slice3A_3924 = vector.extract_strided_slice %select_n3A_3887 {offsets = [288, 0], sizes = [8, 128], strides = [1, 1]} : vector<400x128xi32> to vector<8x128xi32>
      %slice3A_3925 = vector.extract_strided_slice %select_n3A_3887 {offsets = [296, 0], sizes = [8, 128], strides = [1, 1]} : vector<400x128xi32> to vector<8x128xi32>
      %slice3A_3926 = vector.extract_strided_slice %select_n3A_3887 {offsets = [304, 0], sizes = [8, 128], strides = [1, 1]} : vector<400x128xi32> to vector<8x128xi32>
      %slice3A_3927 = vector.extract_strided_slice %select_n3A_3887 {offsets = [312, 0], sizes = [8, 128], strides = [1, 1]} : vector<400x128xi32> to vector<8x128xi32>
      %slice3A_3928 = vector.extract_strided_slice %select_n3A_3887 {offsets = [320, 0], sizes = [8, 128], strides = [1, 1]} : vector<400x128xi32> to vector<8x128xi32>
      %slice3A_3929 = vector.extract_strided_slice %select_n3A_3887 {offsets = [328, 0], sizes = [8, 128], strides = [1, 1]} : vector<400x128xi32> to vector<8x128xi32>
      %slice3A_3930 = vector.extract_strided_slice %select_n3A_3887 {offsets = [336, 0], sizes = [8, 128], strides = [1, 1]} : vector<400x128xi32> to vector<8x128xi32>
      %slice3A_3931 = vector.extract_strided_slice %select_n3A_3887 {offsets = [344, 0], sizes = [8, 128], strides = [1, 1]} : vector<400x128xi32> to vector<8x128xi32>
      %slice3A_3932 = vector.extract_strided_slice %select_n3A_3887 {offsets = [352, 0], sizes = [8, 128], strides = [1, 1]} : vector<400x128xi32> to vector<8x128xi32>
      %slice3A_3933 = vector.extract_strided_slice %select_n3A_3887 {offsets = [360, 0], sizes = [8, 128], strides = [1, 1]} : vector<400x128xi32> to vector<8x128xi32>
      %slice3A_3934 = vector.extract_strided_slice %select_n3A_3887 {offsets = [368, 0], sizes = [8, 128], strides = [1, 1]} : vector<400x128xi32> to vector<8x128xi32>
      %slice3A_3935 = vector.extract_strided_slice %select_n3A_3887 {offsets = [376, 0], sizes = [8, 128], strides = [1, 1]} : vector<400x128xi32> to vector<8x128xi32>
      %slice3A_3936 = vector.extract_strided_slice %select_n3A_3887 {offsets = [384, 0], sizes = [8, 128], strides = [1, 1]} : vector<400x128xi32> to vector<8x128xi32>
      %slice3A_3937 = vector.extract_strided_slice %select_n3A_3887 {offsets = [392, 0], sizes = [8, 128], strides = [1, 1]} : vector<400x128xi32> to vector<8x128xi32>
      %min3A_3938 = arith.minsi %slice3A_3888, %slice3A_3889 : vector<8x128xi32>
      %min3A_3939 = arith.minsi %slice3A_3890, %slice3A_3891 : vector<8x128xi32>
      %min3A_3940 = arith.minsi %slice3A_3892, %slice3A_3893 : vector<8x128xi32>
      %min3A_3941 = arith.minsi %slice3A_3894, %slice3A_3895 : vector<8x128xi32>
      %min3A_3942 = arith.minsi %slice3A_3896, %slice3A_3897 : vector<8x128xi32>
      %min3A_3943 = arith.minsi %slice3A_3898, %slice3A_3899 : vector<8x128xi32>
      %min3A_3944 = arith.minsi %slice3A_3900, %slice3A_3901 : vector<8x128xi32>
      %min3A_3945 = arith.minsi %slice3A_3902, %slice3A_3903 : vector<8x128xi32>
      %min3A_3946 = arith.minsi %slice3A_3904, %slice3A_3905 : vector<8x128xi32>
      %min3A_3947 = arith.minsi %slice3A_3906, %slice3A_3907 : vector<8x128xi32>
      %min3A_3948 = arith.minsi %slice3A_3908, %slice3A_3909 : vector<8x128xi32>
      %min3A_3949 = arith.minsi %slice3A_3910, %slice3A_3911 : vector<8x128xi32>
      %min3A_3950 = arith.minsi %slice3A_3912, %slice3A_3913 : vector<8x128xi32>
      %min3A_3951 = arith.minsi %slice3A_3914, %slice3A_3915 : vector<8x128xi32>
      %min3A_3952 = arith.minsi %slice3A_3916, %slice3A_3917 : vector<8x128xi32>
      %min3A_3953 = arith.minsi %slice3A_3918, %slice3A_3919 : vector<8x128xi32>
      %min3A_3954 = arith.minsi %slice3A_3920, %slice3A_3921 : vector<8x128xi32>
      %min3A_3955 = arith.minsi %slice3A_3922, %slice3A_3923 : vector<8x128xi32>
      %min3A_3956 = arith.minsi %slice3A_3924, %slice3A_3925 : vector<8x128xi32>
      %min3A_3957 = arith.minsi %slice3A_3926, %slice3A_3927 : vector<8x128xi32>
      %min3A_3958 = arith.minsi %slice3A_3928, %slice3A_3929 : vector<8x128xi32>
      %min3A_3959 = arith.minsi %slice3A_3930, %slice3A_3931 : vector<8x128xi32>
      %min3A_3960 = arith.minsi %slice3A_3932, %slice3A_3933 : vector<8x128xi32>
      %min3A_3961 = arith.minsi %slice3A_3934, %slice3A_3935 : vector<8x128xi32>
      %min3A_3962 = arith.minsi %slice3A_3936, %slice3A_3937 : vector<8x128xi32>
      %min3A_3963 = arith.minsi %min3A_3938, %min3A_3939 : vector<8x128xi32>
      %min3A_3964 = arith.minsi %min3A_3940, %min3A_3941 : vector<8x128xi32>
      %min3A_3965 = arith.minsi %min3A_3942, %min3A_3943 : vector<8x128xi32>
      %min3A_3966 = arith.minsi %min3A_3944, %min3A_3945 : vector<8x128xi32>
      %min3A_3967 = arith.minsi %min3A_3946, %min3A_3947 : vector<8x128xi32>
      %min3A_3968 = arith.minsi %min3A_3948, %min3A_3949 : vector<8x128xi32>
      %min3A_3969 = arith.minsi %min3A_3950, %min3A_3951 : vector<8x128xi32>
      %min3A_3970 = arith.minsi %min3A_3952, %min3A_3953 : vector<8x128xi32>
      %min3A_3971 = arith.minsi %min3A_3954, %min3A_3955 : vector<8x128xi32>
      %min3A_3972 = arith.minsi %min3A_3956, %min3A_3957 : vector<8x128xi32>
      %min3A_3973 = arith.minsi %min3A_3958, %min3A_3959 : vector<8x128xi32>
      %min3A_3974 = arith.minsi %min3A_3960, %min3A_3961 : vector<8x128xi32>
      %min3A_3975 = arith.minsi %min3A_3963, %min3A_3964 : vector<8x128xi32>
      %min3A_3976 = arith.minsi %min3A_3965, %min3A_3966 : vector<8x128xi32>
      %min3A_3977 = arith.minsi %min3A_3967, %min3A_3968 : vector<8x128xi32>
      %min3A_3978 = arith.minsi %min3A_3969, %min3A_3970 : vector<8x128xi32>
      %min3A_3979 = arith.minsi %min3A_3971, %min3A_3972 : vector<8x128xi32>
      %min3A_3980 = arith.minsi %min3A_3973, %min3A_3974 : vector<8x128xi32>
      %min3A_3981 = arith.minsi %min3A_3975, %min3A_3976 : vector<8x128xi32>
      %min3A_3982 = arith.minsi %min3A_3977, %min3A_3978 : vector<8x128xi32>
      %min3A_3983 = arith.minsi %min3A_3979, %min3A_3980 : vector<8x128xi32>
      %min3A_3984 = arith.minsi %min3A_3981, %min3A_3982 : vector<8x128xi32>
      %min3A_3985 = arith.minsi %min3A_3983, %min3A_3962 : vector<8x128xi32>
      %min3A_3986 = arith.minsi %min3A_3984, %min3A_3985 : vector<8x128xi32>
      %slice3A_3987 = vector.extract_strided_slice %min3A_3986 {offsets = [0, 0], sizes = [1, 128], strides = [1, 1]} : vector<8x128xi32> to vector<1x128xi32>
      %slice3A_3988 = vector.extract_strided_slice %min3A_3986 {offsets = [1, 0], sizes = [1, 128], strides = [1, 1]} : vector<8x128xi32> to vector<1x128xi32>
      %slice3A_3989 = vector.extract_strided_slice %min3A_3986 {offsets = [2, 0], sizes = [1, 128], strides = [1, 1]} : vector<8x128xi32> to vector<1x128xi32>
      %slice3A_3990 = vector.extract_strided_slice %min3A_3986 {offsets = [3, 0], sizes = [1, 128], strides = [1, 1]} : vector<8x128xi32> to vector<1x128xi32>
      %slice3A_3991 = vector.extract_strided_slice %min3A_3986 {offsets = [4, 0], sizes = [1, 128], strides = [1, 1]} : vector<8x128xi32> to vector<1x128xi32>
      %slice3A_3992 = vector.extract_strided_slice %min3A_3986 {offsets = [5, 0], sizes = [1, 128], strides = [1, 1]} : vector<8x128xi32> to vector<1x128xi32>
      %slice3A_3993 = vector.extract_strided_slice %min3A_3986 {offsets = [6, 0], sizes = [1, 128], strides = [1, 1]} : vector<8x128xi32> to vector<1x128xi32>
      %slice3A_3994 = vector.extract_strided_slice %min3A_3986 {offsets = [7, 0], sizes = [1, 128], strides = [1, 1]} : vector<8x128xi32> to vector<1x128xi32>
      %min3A_3995 = arith.minsi %slice3A_3987, %slice3A_3988 : vector<1x128xi32>
      %min3A_3996 = arith.minsi %slice3A_3989, %slice3A_3990 : vector<1x128xi32>
      %min3A_3997 = arith.minsi %slice3A_3991, %slice3A_3992 : vector<1x128xi32>
      %min3A_3998 = arith.minsi %slice3A_3993, %slice3A_3994 : vector<1x128xi32>
      %min3A_3999 = arith.minsi %min3A_3995, %min3A_3996 : vector<1x128xi32>
      %min3A_4000 = arith.minsi %min3A_3997, %min3A_3998 : vector<1x128xi32>
      %min3A_4001 = arith.minsi %min3A_3999, %min3A_4000 : vector<1x128xi32>
      %mul3A_4002 = arith.constant 128 : i32
      %mul3A_4003 = vector.broadcast %mul3A_4002 : i32 to vector<1x128xi32>
      %mul3A_4004 = arith.muli %min3A_4001, %mul3A_4003 : vector<1x128xi32>
      %iota3A_4005 = tpu.iota {dimensions = array<i32: 1>} : vector<1x128xi32>
      %add3A_4006 = arith.addi %mul3A_4004, %iota3A_4005 : vector<1x128xi32>
      %concatenate3A_4007 = tpu.concatenate %min3A_2181, %min3A_2424, %min3A_2667, %min3A_2910, %min3A_3153, %min3A_3396, %min3A_3639, %min3A_3882 in 0 : vector<1x128xf32>, vector<1x128xf32>, vector<1x128xf32>, vector<1x128xf32>, vector<1x128xf32>, vector<1x128xf32>, vector<1x128xf32>, vector<1x128xf32> -> vector<8x128xf32>
      %concatenate3A_4008 = tpu.concatenate %add3A_2305, %add3A_2548, %add3A_2791, %add3A_3034, %add3A_3277, %add3A_3520, %add3A_3763, %add3A_4006 in 0 : vector<1x128xi32>, vector<1x128xi32>, vector<1x128xi32>, vector<1x128xi32>, vector<1x128xi32>, vector<1x128xi32>, vector<1x128xi32>, vector<1x128xi32> -> vector<8x128xi32>
      %reduce_max3A = vector.shape_cast %concatenate3A : vector<8x128xf32> to vector<1x8x128xf32>
      %reduce_max3A_4009 = arith.constant dense<0xFF800000> : vector<1xf32>
      %reduce_max3A_4010 = vector.multi_reduction <maximumf>, %reduce_max3A, %reduce_max3A_4009 [1, 2] : vector<1x8x128xf32> to vector<1xf32>
      %reduce_max3A_4011 = vector.shape_cast %reduce_max3A_4010 : vector<1xf32> to vector<1x1x1xf32>
      %reduce_max3A_4012 = vector.extract %reduce_max3A_4011[0, 0, 0] : f32 from vector<1x1x1xf32>
      %eq3A_4013 = vector.broadcast %reduce_max3A_4012 : f32 to vector<8x128xf32>
      %eq3A_4014 = arith.cmpf oeq, %concatenate3A, %eq3A_4013 : vector<8x128xf32>
      %jit3A_4015 = arith.constant 2147483647 : i32
      %broadcast_in_dim3A_4016 = vector.broadcast %jit3A_4015 : i32 to vector<8x128xi32>
      %select_n3A_4017 = arith.select %eq3A_4014, %concatenate3A_2067, %broadcast_in_dim3A_4016 : vector<8x128xi1>, vector<8x128xi32>
      %reduce_min3A = vector.shape_cast %select_n3A_4017 : vector<8x128xi32> to vector<1x8x128xi32>
      %reduce_min3A_4018 = arith.constant dense<2147483647> : vector<1xi32>
      %reduce_min3A_4019 = vector.multi_reduction <minsi>, %reduce_min3A, %reduce_min3A_4018 [1, 2] : vector<1x8x128xi32> to vector<1xi32>
      %reduce_min3A_4020 = vector.shape_cast %reduce_min3A_4019 : vector<1xi32> to vector<1x1x1xi32>
      %reduce_min3A_4021 = vector.extract %reduce_min3A_4020[0, 0, 0] : i32 from vector<1x1x1xi32>
      %swap3A_4022 = arith.constant 0 : index
      %swap3A_4023 = arith.constant 0 : index
      %swap3A_4024 = memref.load %arg13[%swap3A_4022, %swap3A_4023] : memref<1x16xi32, #tpu.memory_space<smem>>
      memref.store %reduce_min3A_4021, %arg13[%swap3A_4022, %swap3A_4023] : memref<1x16xi32, #tpu.memory_space<smem>>
      %eq3A_4025 = vector.broadcast %reduce_min3A_4021 : i32 to vector<8x128xi32>
      %eq3A_4026 = arith.cmpi eq, %concatenate3A_2067, %eq3A_4025 : vector<8x128xi32>
      %jit3A_4027 = arith.constant 0xFF800000 : f32
      %broadcast_in_dim3A_4028 = vector.broadcast %jit3A_4027 : f32 to vector<8x128xf32>
      %select_n3A_4029 = arith.select %eq3A_4026, %broadcast_in_dim3A_4028, %concatenate3A : vector<8x128xi1>, vector<8x128xf32>
      %reduce_min3A_4030 = vector.shape_cast %concatenate3A_4007 : vector<8x128xf32> to vector<1x8x128xf32>
      %reduce_min3A_4031 = arith.constant dense<0x7F800000> : vector<1xf32>
      %reduce_min3A_4032 = vector.multi_reduction <minimumf>, %reduce_min3A_4030, %reduce_min3A_4031 [1, 2] : vector<1x8x128xf32> to vector<1xf32>
      %reduce_min3A_4033 = vector.shape_cast %reduce_min3A_4032 : vector<1xf32> to vector<1x1x1xf32>
      %reduce_min3A_4034 = vector.extract %reduce_min3A_4033[0, 0, 0] : f32 from vector<1x1x1xf32>
      %eq3A_4035 = vector.broadcast %reduce_min3A_4034 : f32 to vector<8x128xf32>
      %eq3A_4036 = arith.cmpf oeq, %concatenate3A_4007, %eq3A_4035 : vector<8x128xf32>
      %jit3A_4037 = arith.constant 2147483647 : i32
      %broadcast_in_dim3A_4038 = vector.broadcast %jit3A_4037 : i32 to vector<8x128xi32>
      %select_n3A_4039 = arith.select %eq3A_4036, %concatenate3A_4008, %broadcast_in_dim3A_4038 : vector<8x128xi1>, vector<8x128xi32>
      %reduce_min3A_4040 = vector.shape_cast %select_n3A_4039 : vector<8x128xi32> to vector<1x8x128xi32>
      %reduce_min3A_4041 = arith.constant dense<2147483647> : vector<1xi32>
      %reduce_min3A_4042 = vector.multi_reduction <minsi>, %reduce_min3A_4040, %reduce_min3A_4041 [1, 2] : vector<1x8x128xi32> to vector<1xi32>
      %reduce_min3A_4043 = vector.shape_cast %reduce_min3A_4042 : vector<1xi32> to vector<1x1x1xi32>
      %reduce_min3A_4044 = vector.extract %reduce_min3A_4043[0, 0, 0] : i32 from vector<1x1x1xi32>
      %swap3A_4045 = arith.constant 0 : index
      %swap3A_4046 = arith.constant 8 : index
      %swap3A_4047 = memref.load %arg13[%swap3A_4045, %swap3A_4046] : memref<1x16xi32, #tpu.memory_space<smem>>
      memref.store %reduce_min3A_4044, %arg13[%swap3A_4045, %swap3A_4046] : memref<1x16xi32, #tpu.memory_space<smem>>
      %eq3A_4048 = vector.broadcast %reduce_min3A_4044 : i32 to vector<8x128xi32>
      %eq3A_4049 = arith.cmpi eq, %concatenate3A_4008, %eq3A_4048 : vector<8x128xi32>
      %jit3A_4050 = arith.constant 0x7F800000 : f32
      %broadcast_in_dim3A_4051 = vector.broadcast %jit3A_4050 : f32 to vector<8x128xf32>
      %select_n3A_4052 = arith.select %eq3A_4049, %broadcast_in_dim3A_4051, %concatenate3A_4007 : vector<8x128xi1>, vector<8x128xf32>
      %reduce_max3A_4053 = vector.shape_cast %select_n3A_4029 : vector<8x128xf32> to vector<1x8x128xf32>
      %reduce_max3A_4054 = arith.constant dense<0xFF800000> : vector<1xf32>
      %reduce_max3A_4055 = vector.multi_reduction <maximumf>, %reduce_max3A_4053, %reduce_max3A_4054 [1, 2] : vector<1x8x128xf32> to vector<1xf32>
      %reduce_max3A_4056 = vector.shape_cast %reduce_max3A_4055 : vector<1xf32> to vector<1x1x1xf32>
      %reduce_max3A_4057 = vector.extract %reduce_max3A_4056[0, 0, 0] : f32 from vector<1x1x1xf32>
      %eq3A_4058 = vector.broadcast %reduce_max3A_4057 : f32 to vector<8x128xf32>
      %eq3A_4059 = arith.cmpf oeq, %select_n3A_4029, %eq3A_4058 : vector<8x128xf32>
      %jit3A_4060 = arith.constant 2147483647 : i32
      %broadcast_in_dim3A_4061 = vector.broadcast %jit3A_4060 : i32 to vector<8x128xi32>
      %select_n3A_4062 = arith.select %eq3A_4059, %concatenate3A_2067, %broadcast_in_dim3A_4061 : vector<8x128xi1>, vector<8x128xi32>
      %reduce_min3A_4063 = vector.shape_cast %select_n3A_4062 : vector<8x128xi32> to vector<1x8x128xi32>
      %reduce_min3A_4064 = arith.constant dense<2147483647> : vector<1xi32>
      %reduce_min3A_4065 = vector.multi_reduction <minsi>, %reduce_min3A_4063, %reduce_min3A_4064 [1, 2] : vector<1x8x128xi32> to vector<1xi32>
      %reduce_min3A_4066 = vector.shape_cast %reduce_min3A_4065 : vector<1xi32> to vector<1x1x1xi32>
      %reduce_min3A_4067 = vector.extract %reduce_min3A_4066[0, 0, 0] : i32 from vector<1x1x1xi32>
      %swap3A_4068 = arith.constant 0 : index
      %swap3A_4069 = arith.constant 1 : index
      %swap3A_4070 = memref.load %arg13[%swap3A_4068, %swap3A_4069] : memref<1x16xi32, #tpu.memory_space<smem>>
      memref.store %reduce_min3A_4067, %arg13[%swap3A_4068, %swap3A_4069] : memref<1x16xi32, #tpu.memory_space<smem>>
      %eq3A_4071 = vector.broadcast %reduce_min3A_4067 : i32 to vector<8x128xi32>
      %eq3A_4072 = arith.cmpi eq, %concatenate3A_2067, %eq3A_4071 : vector<8x128xi32>
      %jit3A_4073 = arith.constant 0xFF800000 : f32
      %broadcast_in_dim3A_4074 = vector.broadcast %jit3A_4073 : f32 to vector<8x128xf32>
      %select_n3A_4075 = arith.select %eq3A_4072, %broadcast_in_dim3A_4074, %select_n3A_4029 : vector<8x128xi1>, vector<8x128xf32>
      %reduce_min3A_4076 = vector.shape_cast %select_n3A_4052 : vector<8x128xf32> to vector<1x8x128xf32>
      %reduce_min3A_4077 = arith.constant dense<0x7F800000> : vector<1xf32>
      %reduce_min3A_4078 = vector.multi_reduction <minimumf>, %reduce_min3A_4076, %reduce_min3A_4077 [1, 2] : vector<1x8x128xf32> to vector<1xf32>
      %reduce_min3A_4079 = vector.shape_cast %reduce_min3A_4078 : vector<1xf32> to vector<1x1x1xf32>
      %reduce_min3A_4080 = vector.extract %reduce_min3A_4079[0, 0, 0] : f32 from vector<1x1x1xf32>
      %eq3A_4081 = vector.broadcast %reduce_min3A_4080 : f32 to vector<8x128xf32>
      %eq3A_4082 = arith.cmpf oeq, %select_n3A_4052, %eq3A_4081 : vector<8x128xf32>
      %jit3A_4083 = arith.constant 2147483647 : i32
      %broadcast_in_dim3A_4084 = vector.broadcast %jit3A_4083 : i32 to vector<8x128xi32>
      %select_n3A_4085 = arith.select %eq3A_4082, %concatenate3A_4008, %broadcast_in_dim3A_4084 : vector<8x128xi1>, vector<8x128xi32>
      %reduce_min3A_4086 = vector.shape_cast %select_n3A_4085 : vector<8x128xi32> to vector<1x8x128xi32>
      %reduce_min3A_4087 = arith.constant dense<2147483647> : vector<1xi32>
      %reduce_min3A_4088 = vector.multi_reduction <minsi>, %reduce_min3A_4086, %reduce_min3A_4087 [1, 2] : vector<1x8x128xi32> to vector<1xi32>
      %reduce_min3A_4089 = vector.shape_cast %reduce_min3A_4088 : vector<1xi32> to vector<1x1x1xi32>
      %reduce_min3A_4090 = vector.extract %reduce_min3A_4089[0, 0, 0] : i32 from vector<1x1x1xi32>
      %swap3A_4091 = arith.constant 0 : index
      %swap3A_4092 = arith.constant 9 : index
      %swap3A_4093 = memref.load %arg13[%swap3A_4091, %swap3A_4092] : memref<1x16xi32, #tpu.memory_space<smem>>
      memref.store %reduce_min3A_4090, %arg13[%swap3A_4091, %swap3A_4092] : memref<1x16xi32, #tpu.memory_space<smem>>
      %eq3A_4094 = vector.broadcast %reduce_min3A_4090 : i32 to vector<8x128xi32>
      %eq3A_4095 = arith.cmpi eq, %concatenate3A_4008, %eq3A_4094 : vector<8x128xi32>
      %jit3A_4096 = arith.constant 0x7F800000 : f32
      %broadcast_in_dim3A_4097 = vector.broadcast %jit3A_4096 : f32 to vector<8x128xf32>
      %select_n3A_4098 = arith.select %eq3A_4095, %broadcast_in_dim3A_4097, %select_n3A_4052 : vector<8x128xi1>, vector<8x128xf32>
      %reduce_max3A_4099 = vector.shape_cast %select_n3A_4075 : vector<8x128xf32> to vector<1x8x128xf32>
      %reduce_max3A_4100 = arith.constant dense<0xFF800000> : vector<1xf32>
      %reduce_max3A_4101 = vector.multi_reduction <maximumf>, %reduce_max3A_4099, %reduce_max3A_4100 [1, 2] : vector<1x8x128xf32> to vector<1xf32>
      %reduce_max3A_4102 = vector.shape_cast %reduce_max3A_4101 : vector<1xf32> to vector<1x1x1xf32>
      %reduce_max3A_4103 = vector.extract %reduce_max3A_4102[0, 0, 0] : f32 from vector<1x1x1xf32>
      %eq3A_4104 = vector.broadcast %reduce_max3A_4103 : f32 to vector<8x128xf32>
      %eq3A_4105 = arith.cmpf oeq, %select_n3A_4075, %eq3A_4104 : vector<8x128xf32>
      %jit3A_4106 = arith.constant 2147483647 : i32
      %broadcast_in_dim3A_4107 = vector.broadcast %jit3A_4106 : i32 to vector<8x128xi32>
      %select_n3A_4108 = arith.select %eq3A_4105, %concatenate3A_2067, %broadcast_in_dim3A_4107 : vector<8x128xi1>, vector<8x128xi32>
      %reduce_min3A_4109 = vector.shape_cast %select_n3A_4108 : vector<8x128xi32> to vector<1x8x128xi32>
      %reduce_min3A_4110 = arith.constant dense<2147483647> : vector<1xi32>
      %reduce_min3A_4111 = vector.multi_reduction <minsi>, %reduce_min3A_4109, %reduce_min3A_4110 [1, 2] : vector<1x8x128xi32> to vector<1xi32>
      %reduce_min3A_4112 = vector.shape_cast %reduce_min3A_4111 : vector<1xi32> to vector<1x1x1xi32>
      %reduce_min3A_4113 = vector.extract %reduce_min3A_4112[0, 0, 0] : i32 from vector<1x1x1xi32>
      %swap3A_4114 = arith.constant 0 : index
      %swap3A_4115 = arith.constant 2 : index
      %swap3A_4116 = memref.load %arg13[%swap3A_4114, %swap3A_4115] : memref<1x16xi32, #tpu.memory_space<smem>>
      memref.store %reduce_min3A_4113, %arg13[%swap3A_4114, %swap3A_4115] : memref<1x16xi32, #tpu.memory_space<smem>>
      %eq3A_4117 = vector.broadcast %reduce_min3A_4113 : i32 to vector<8x128xi32>
      %eq3A_4118 = arith.cmpi eq, %concatenate3A_2067, %eq3A_4117 : vector<8x128xi32>
      %jit3A_4119 = arith.constant 0xFF800000 : f32
      %broadcast_in_dim3A_4120 = vector.broadcast %jit3A_4119 : f32 to vector<8x128xf32>
      %select_n3A_4121 = arith.select %eq3A_4118, %broadcast_in_dim3A_4120, %select_n3A_4075 : vector<8x128xi1>, vector<8x128xf32>
      %reduce_min3A_4122 = vector.shape_cast %select_n3A_4098 : vector<8x128xf32> to vector<1x8x128xf32>
      %reduce_min3A_4123 = arith.constant dense<0x7F800000> : vector<1xf32>
      %reduce_min3A_4124 = vector.multi_reduction <minimumf>, %reduce_min3A_4122, %reduce_min3A_4123 [1, 2] : vector<1x8x128xf32> to vector<1xf32>
      %reduce_min3A_4125 = vector.shape_cast %reduce_min3A_4124 : vector<1xf32> to vector<1x1x1xf32>
      %reduce_min3A_4126 = vector.extract %reduce_min3A_4125[0, 0, 0] : f32 from vector<1x1x1xf32>
      %eq3A_4127 = vector.broadcast %reduce_min3A_4126 : f32 to vector<8x128xf32>
      %eq3A_4128 = arith.cmpf oeq, %select_n3A_4098, %eq3A_4127 : vector<8x128xf32>
      %jit3A_4129 = arith.constant 2147483647 : i32
      %broadcast_in_dim3A_4130 = vector.broadcast %jit3A_4129 : i32 to vector<8x128xi32>
      %select_n3A_4131 = arith.select %eq3A_4128, %concatenate3A_4008, %broadcast_in_dim3A_4130 : vector<8x128xi1>, vector<8x128xi32>
      %reduce_min3A_4132 = vector.shape_cast %select_n3A_4131 : vector<8x128xi32> to vector<1x8x128xi32>
      %reduce_min3A_4133 = arith.constant dense<2147483647> : vector<1xi32>
      %reduce_min3A_4134 = vector.multi_reduction <minsi>, %reduce_min3A_4132, %reduce_min3A_4133 [1, 2] : vector<1x8x128xi32> to vector<1xi32>
      %reduce_min3A_4135 = vector.shape_cast %reduce_min3A_4134 : vector<1xi32> to vector<1x1x1xi32>
      %reduce_min3A_4136 = vector.extract %reduce_min3A_4135[0, 0, 0] : i32 from vector<1x1x1xi32>
      %swap3A_4137 = arith.constant 0 : index
      %swap3A_4138 = arith.constant 10 : index
      %swap3A_4139 = memref.load %arg13[%swap3A_4137, %swap3A_4138] : memref<1x16xi32, #tpu.memory_space<smem>>
      memref.store %reduce_min3A_4136, %arg13[%swap3A_4137, %swap3A_4138] : memref<1x16xi32, #tpu.memory_space<smem>>
      %eq3A_4140 = vector.broadcast %reduce_min3A_4136 : i32 to vector<8x128xi32>
      %eq3A_4141 = arith.cmpi eq, %concatenate3A_4008, %eq3A_4140 : vector<8x128xi32>
      %jit3A_4142 = arith.constant 0x7F800000 : f32
      %broadcast_in_dim3A_4143 = vector.broadcast %jit3A_4142 : f32 to vector<8x128xf32>
      %select_n3A_4144 = arith.select %eq3A_4141, %broadcast_in_dim3A_4143, %select_n3A_4098 : vector<8x128xi1>, vector<8x128xf32>
      %reduce_max3A_4145 = vector.shape_cast %select_n3A_4121 : vector<8x128xf32> to vector<1x8x128xf32>
      %reduce_max3A_4146 = arith.constant dense<0xFF800000> : vector<1xf32>
      %reduce_max3A_4147 = vector.multi_reduction <maximumf>, %reduce_max3A_4145, %reduce_max3A_4146 [1, 2] : vector<1x8x128xf32> to vector<1xf32>
      %reduce_max3A_4148 = vector.shape_cast %reduce_max3A_4147 : vector<1xf32> to vector<1x1x1xf32>
      %reduce_max3A_4149 = vector.extract %reduce_max3A_4148[0, 0, 0] : f32 from vector<1x1x1xf32>
      %eq3A_4150 = vector.broadcast %reduce_max3A_4149 : f32 to vector<8x128xf32>
      %eq3A_4151 = arith.cmpf oeq, %select_n3A_4121, %eq3A_4150 : vector<8x128xf32>
      %jit3A_4152 = arith.constant 2147483647 : i32
      %broadcast_in_dim3A_4153 = vector.broadcast %jit3A_4152 : i32 to vector<8x128xi32>
      %select_n3A_4154 = arith.select %eq3A_4151, %concatenate3A_2067, %broadcast_in_dim3A_4153 : vector<8x128xi1>, vector<8x128xi32>
      %reduce_min3A_4155 = vector.shape_cast %select_n3A_4154 : vector<8x128xi32> to vector<1x8x128xi32>
      %reduce_min3A_4156 = arith.constant dense<2147483647> : vector<1xi32>
      %reduce_min3A_4157 = vector.multi_reduction <minsi>, %reduce_min3A_4155, %reduce_min3A_4156 [1, 2] : vector<1x8x128xi32> to vector<1xi32>
      %reduce_min3A_4158 = vector.shape_cast %reduce_min3A_4157 : vector<1xi32> to vector<1x1x1xi32>
      %reduce_min3A_4159 = vector.extract %reduce_min3A_4158[0, 0, 0] : i32 from vector<1x1x1xi32>
      %swap3A_4160 = arith.constant 0 : index
      %swap3A_4161 = arith.constant 3 : index
      %swap3A_4162 = memref.load %arg13[%swap3A_4160, %swap3A_4161] : memref<1x16xi32, #tpu.memory_space<smem>>
      memref.store %reduce_min3A_4159, %arg13[%swap3A_4160, %swap3A_4161] : memref<1x16xi32, #tpu.memory_space<smem>>
      %eq3A_4163 = vector.broadcast %reduce_min3A_4159 : i32 to vector<8x128xi32>
      %eq3A_4164 = arith.cmpi eq, %concatenate3A_2067, %eq3A_4163 : vector<8x128xi32>
      %jit3A_4165 = arith.constant 0xFF800000 : f32
      %broadcast_in_dim3A_4166 = vector.broadcast %jit3A_4165 : f32 to vector<8x128xf32>
      %select_n3A_4167 = arith.select %eq3A_4164, %broadcast_in_dim3A_4166, %select_n3A_4121 : vector<8x128xi1>, vector<8x128xf32>
      %reduce_min3A_4168 = vector.shape_cast %select_n3A_4144 : vector<8x128xf32> to vector<1x8x128xf32>
      %reduce_min3A_4169 = arith.constant dense<0x7F800000> : vector<1xf32>
      %reduce_min3A_4170 = vector.multi_reduction <minimumf>, %reduce_min3A_4168, %reduce_min3A_4169 [1, 2] : vector<1x8x128xf32> to vector<1xf32>
      %reduce_min3A_4171 = vector.shape_cast %reduce_min3A_4170 : vector<1xf32> to vector<1x1x1xf32>
      %reduce_min3A_4172 = vector.extract %reduce_min3A_4171[0, 0, 0] : f32 from vector<1x1x1xf32>
      %eq3A_4173 = vector.broadcast %reduce_min3A_4172 : f32 to vector<8x128xf32>
      %eq3A_4174 = arith.cmpf oeq, %select_n3A_4144, %eq3A_4173 : vector<8x128xf32>
      %jit3A_4175 = arith.constant 2147483647 : i32
      %broadcast_in_dim3A_4176 = vector.broadcast %jit3A_4175 : i32 to vector<8x128xi32>
      %select_n3A_4177 = arith.select %eq3A_4174, %concatenate3A_4008, %broadcast_in_dim3A_4176 : vector<8x128xi1>, vector<8x128xi32>
      %reduce_min3A_4178 = vector.shape_cast %select_n3A_4177 : vector<8x128xi32> to vector<1x8x128xi32>
      %reduce_min3A_4179 = arith.constant dense<2147483647> : vector<1xi32>
      %reduce_min3A_4180 = vector.multi_reduction <minsi>, %reduce_min3A_4178, %reduce_min3A_4179 [1, 2] : vector<1x8x128xi32> to vector<1xi32>
      %reduce_min3A_4181 = vector.shape_cast %reduce_min3A_4180 : vector<1xi32> to vector<1x1x1xi32>
      %reduce_min3A_4182 = vector.extract %reduce_min3A_4181[0, 0, 0] : i32 from vector<1x1x1xi32>
      %swap3A_4183 = arith.constant 0 : index
      %swap3A_4184 = arith.constant 11 : index
      %swap3A_4185 = memref.load %arg13[%swap3A_4183, %swap3A_4184] : memref<1x16xi32, #tpu.memory_space<smem>>
      memref.store %reduce_min3A_4182, %arg13[%swap3A_4183, %swap3A_4184] : memref<1x16xi32, #tpu.memory_space<smem>>
      %eq3A_4186 = vector.broadcast %reduce_min3A_4182 : i32 to vector<8x128xi32>
      %eq3A_4187 = arith.cmpi eq, %concatenate3A_4008, %eq3A_4186 : vector<8x128xi32>
      %jit3A_4188 = arith.constant 0x7F800000 : f32
      %broadcast_in_dim3A_4189 = vector.broadcast %jit3A_4188 : f32 to vector<8x128xf32>
      %select_n3A_4190 = arith.select %eq3A_4187, %broadcast_in_dim3A_4189, %select_n3A_4144 : vector<8x128xi1>, vector<8x128xf32>
      %reduce_max3A_4191 = vector.shape_cast %select_n3A_4167 : vector<8x128xf32> to vector<1x8x128xf32>
      %reduce_max3A_4192 = arith.constant dense<0xFF800000> : vector<1xf32>
      %reduce_max3A_4193 = vector.multi_reduction <maximumf>, %reduce_max3A_4191, %reduce_max3A_4192 [1, 2] : vector<1x8x128xf32> to vector<1xf32>
      %reduce_max3A_4194 = vector.shape_cast %reduce_max3A_4193 : vector<1xf32> to vector<1x1x1xf32>
      %reduce_max3A_4195 = vector.extract %reduce_max3A_4194[0, 0, 0] : f32 from vector<1x1x1xf32>
      %eq3A_4196 = vector.broadcast %reduce_max3A_4195 : f32 to vector<8x128xf32>
      %eq3A_4197 = arith.cmpf oeq, %select_n3A_4167, %eq3A_4196 : vector<8x128xf32>
      %jit3A_4198 = arith.constant 2147483647 : i32
      %broadcast_in_dim3A_4199 = vector.broadcast %jit3A_4198 : i32 to vector<8x128xi32>
      %select_n3A_4200 = arith.select %eq3A_4197, %concatenate3A_2067, %broadcast_in_dim3A_4199 : vector<8x128xi1>, vector<8x128xi32>
      %reduce_min3A_4201 = vector.shape_cast %select_n3A_4200 : vector<8x128xi32> to vector<1x8x128xi32>
      %reduce_min3A_4202 = arith.constant dense<2147483647> : vector<1xi32>
      %reduce_min3A_4203 = vector.multi_reduction <minsi>, %reduce_min3A_4201, %reduce_min3A_4202 [1, 2] : vector<1x8x128xi32> to vector<1xi32>
      %reduce_min3A_4204 = vector.shape_cast %reduce_min3A_4203 : vector<1xi32> to vector<1x1x1xi32>
      %reduce_min3A_4205 = vector.extract %reduce_min3A_4204[0, 0, 0] : i32 from vector<1x1x1xi32>
      %swap3A_4206 = arith.constant 0 : index
      %swap3A_4207 = arith.constant 4 : index
      %swap3A_4208 = memref.load %arg13[%swap3A_4206, %swap3A_4207] : memref<1x16xi32, #tpu.memory_space<smem>>
      memref.store %reduce_min3A_4205, %arg13[%swap3A_4206, %swap3A_4207] : memref<1x16xi32, #tpu.memory_space<smem>>
      %eq3A_4209 = vector.broadcast %reduce_min3A_4205 : i32 to vector<8x128xi32>
      %eq3A_4210 = arith.cmpi eq, %concatenate3A_2067, %eq3A_4209 : vector<8x128xi32>
      %jit3A_4211 = arith.constant 0xFF800000 : f32
      %broadcast_in_dim3A_4212 = vector.broadcast %jit3A_4211 : f32 to vector<8x128xf32>
      %select_n3A_4213 = arith.select %eq3A_4210, %broadcast_in_dim3A_4212, %select_n3A_4167 : vector<8x128xi1>, vector<8x128xf32>
      %reduce_min3A_4214 = vector.shape_cast %select_n3A_4190 : vector<8x128xf32> to vector<1x8x128xf32>
      %reduce_min3A_4215 = arith.constant dense<0x7F800000> : vector<1xf32>
      %reduce_min3A_4216 = vector.multi_reduction <minimumf>, %reduce_min3A_4214, %reduce_min3A_4215 [1, 2] : vector<1x8x128xf32> to vector<1xf32>
      %reduce_min3A_4217 = vector.shape_cast %reduce_min3A_4216 : vector<1xf32> to vector<1x1x1xf32>
      %reduce_min3A_4218 = vector.extract %reduce_min3A_4217[0, 0, 0] : f32 from vector<1x1x1xf32>
      %eq3A_4219 = vector.broadcast %reduce_min3A_4218 : f32 to vector<8x128xf32>
      %eq3A_4220 = arith.cmpf oeq, %select_n3A_4190, %eq3A_4219 : vector<8x128xf32>
      %jit3A_4221 = arith.constant 2147483647 : i32
      %broadcast_in_dim3A_4222 = vector.broadcast %jit3A_4221 : i32 to vector<8x128xi32>
      %select_n3A_4223 = arith.select %eq3A_4220, %concatenate3A_4008, %broadcast_in_dim3A_4222 : vector<8x128xi1>, vector<8x128xi32>
      %reduce_min3A_4224 = vector.shape_cast %select_n3A_4223 : vector<8x128xi32> to vector<1x8x128xi32>
      %reduce_min3A_4225 = arith.constant dense<2147483647> : vector<1xi32>
      %reduce_min3A_4226 = vector.multi_reduction <minsi>, %reduce_min3A_4224, %reduce_min3A_4225 [1, 2] : vector<1x8x128xi32> to vector<1xi32>
      %reduce_min3A_4227 = vector.shape_cast %reduce_min3A_4226 : vector<1xi32> to vector<1x1x1xi32>
      %reduce_min3A_4228 = vector.extract %reduce_min3A_4227[0, 0, 0] : i32 from vector<1x1x1xi32>
      %swap3A_4229 = arith.constant 0 : index
      %swap3A_4230 = arith.constant 12 : index
      %swap3A_4231 = memref.load %arg13[%swap3A_4229, %swap3A_4230] : memref<1x16xi32, #tpu.memory_space<smem>>
      memref.store %reduce_min3A_4228, %arg13[%swap3A_4229, %swap3A_4230] : memref<1x16xi32, #tpu.memory_space<smem>>
      %eq3A_4232 = vector.broadcast %reduce_min3A_4228 : i32 to vector<8x128xi32>
      %eq3A_4233 = arith.cmpi eq, %concatenate3A_4008, %eq3A_4232 : vector<8x128xi32>
      %jit3A_4234 = arith.constant 0x7F800000 : f32
      %broadcast_in_dim3A_4235 = vector.broadcast %jit3A_4234 : f32 to vector<8x128xf32>
      %select_n3A_4236 = arith.select %eq3A_4233, %broadcast_in_dim3A_4235, %select_n3A_4190 : vector<8x128xi1>, vector<8x128xf32>
      %reduce_max3A_4237 = vector.shape_cast %select_n3A_4213 : vector<8x128xf32> to vector<1x8x128xf32>
      %reduce_max3A_4238 = arith.constant dense<0xFF800000> : vector<1xf32>
      %reduce_max3A_4239 = vector.multi_reduction <maximumf>, %reduce_max3A_4237, %reduce_max3A_4238 [1, 2] : vector<1x8x128xf32> to vector<1xf32>
      %reduce_max3A_4240 = vector.shape_cast %reduce_max3A_4239 : vector<1xf32> to vector<1x1x1xf32>
      %reduce_max3A_4241 = vector.extract %reduce_max3A_4240[0, 0, 0] : f32 from vector<1x1x1xf32>
      %eq3A_4242 = vector.broadcast %reduce_max3A_4241 : f32 to vector<8x128xf32>
      %eq3A_4243 = arith.cmpf oeq, %select_n3A_4213, %eq3A_4242 : vector<8x128xf32>
      %jit3A_4244 = arith.constant 2147483647 : i32
      %broadcast_in_dim3A_4245 = vector.broadcast %jit3A_4244 : i32 to vector<8x128xi32>
      %select_n3A_4246 = arith.select %eq3A_4243, %concatenate3A_2067, %broadcast_in_dim3A_4245 : vector<8x128xi1>, vector<8x128xi32>
      %reduce_min3A_4247 = vector.shape_cast %select_n3A_4246 : vector<8x128xi32> to vector<1x8x128xi32>
      %reduce_min3A_4248 = arith.constant dense<2147483647> : vector<1xi32>
      %reduce_min3A_4249 = vector.multi_reduction <minsi>, %reduce_min3A_4247, %reduce_min3A_4248 [1, 2] : vector<1x8x128xi32> to vector<1xi32>
      %reduce_min3A_4250 = vector.shape_cast %reduce_min3A_4249 : vector<1xi32> to vector<1x1x1xi32>
      %reduce_min3A_4251 = vector.extract %reduce_min3A_4250[0, 0, 0] : i32 from vector<1x1x1xi32>
      %swap3A_4252 = arith.constant 0 : index
      %swap3A_4253 = arith.constant 5 : index
      %swap3A_4254 = memref.load %arg13[%swap3A_4252, %swap3A_4253] : memref<1x16xi32, #tpu.memory_space<smem>>
      memref.store %reduce_min3A_4251, %arg13[%swap3A_4252, %swap3A_4253] : memref<1x16xi32, #tpu.memory_space<smem>>
      %eq3A_4255 = vector.broadcast %reduce_min3A_4251 : i32 to vector<8x128xi32>
      %eq3A_4256 = arith.cmpi eq, %concatenate3A_2067, %eq3A_4255 : vector<8x128xi32>
      %jit3A_4257 = arith.constant 0xFF800000 : f32
      %broadcast_in_dim3A_4258 = vector.broadcast %jit3A_4257 : f32 to vector<8x128xf32>
      %select_n3A_4259 = arith.select %eq3A_4256, %broadcast_in_dim3A_4258, %select_n3A_4213 : vector<8x128xi1>, vector<8x128xf32>
      %reduce_min3A_4260 = vector.shape_cast %select_n3A_4236 : vector<8x128xf32> to vector<1x8x128xf32>
      %reduce_min3A_4261 = arith.constant dense<0x7F800000> : vector<1xf32>
      %reduce_min3A_4262 = vector.multi_reduction <minimumf>, %reduce_min3A_4260, %reduce_min3A_4261 [1, 2] : vector<1x8x128xf32> to vector<1xf32>
      %reduce_min3A_4263 = vector.shape_cast %reduce_min3A_4262 : vector<1xf32> to vector<1x1x1xf32>
      %reduce_min3A_4264 = vector.extract %reduce_min3A_4263[0, 0, 0] : f32 from vector<1x1x1xf32>
      %eq3A_4265 = vector.broadcast %reduce_min3A_4264 : f32 to vector<8x128xf32>
      %eq3A_4266 = arith.cmpf oeq, %select_n3A_4236, %eq3A_4265 : vector<8x128xf32>
      %jit3A_4267 = arith.constant 2147483647 : i32
      %broadcast_in_dim3A_4268 = vector.broadcast %jit3A_4267 : i32 to vector<8x128xi32>
      %select_n3A_4269 = arith.select %eq3A_4266, %concatenate3A_4008, %broadcast_in_dim3A_4268 : vector<8x128xi1>, vector<8x128xi32>
      %reduce_min3A_4270 = vector.shape_cast %select_n3A_4269 : vector<8x128xi32> to vector<1x8x128xi32>
      %reduce_min3A_4271 = arith.constant dense<2147483647> : vector<1xi32>
      %reduce_min3A_4272 = vector.multi_reduction <minsi>, %reduce_min3A_4270, %reduce_min3A_4271 [1, 2] : vector<1x8x128xi32> to vector<1xi32>
      %reduce_min3A_4273 = vector.shape_cast %reduce_min3A_4272 : vector<1xi32> to vector<1x1x1xi32>
      %reduce_min3A_4274 = vector.extract %reduce_min3A_4273[0, 0, 0] : i32 from vector<1x1x1xi32>
      %swap3A_4275 = arith.constant 0 : index
      %swap3A_4276 = arith.constant 13 : index
      %swap3A_4277 = memref.load %arg13[%swap3A_4275, %swap3A_4276] : memref<1x16xi32, #tpu.memory_space<smem>>
      memref.store %reduce_min3A_4274, %arg13[%swap3A_4275, %swap3A_4276] : memref<1x16xi32, #tpu.memory_space<smem>>
      %eq3A_4278 = vector.broadcast %reduce_min3A_4274 : i32 to vector<8x128xi32>
      %eq3A_4279 = arith.cmpi eq, %concatenate3A_4008, %eq3A_4278 : vector<8x128xi32>
      %jit3A_4280 = arith.constant 0x7F800000 : f32
      %broadcast_in_dim3A_4281 = vector.broadcast %jit3A_4280 : f32 to vector<8x128xf32>
      %select_n3A_4282 = arith.select %eq3A_4279, %broadcast_in_dim3A_4281, %select_n3A_4236 : vector<8x128xi1>, vector<8x128xf32>
      %reduce_max3A_4283 = vector.shape_cast %select_n3A_4259 : vector<8x128xf32> to vector<1x8x128xf32>
      %reduce_max3A_4284 = arith.constant dense<0xFF800000> : vector<1xf32>
      %reduce_max3A_4285 = vector.multi_reduction <maximumf>, %reduce_max3A_4283, %reduce_max3A_4284 [1, 2] : vector<1x8x128xf32> to vector<1xf32>
      %reduce_max3A_4286 = vector.shape_cast %reduce_max3A_4285 : vector<1xf32> to vector<1x1x1xf32>
      %reduce_max3A_4287 = vector.extract %reduce_max3A_4286[0, 0, 0] : f32 from vector<1x1x1xf32>
      %eq3A_4288 = vector.broadcast %reduce_max3A_4287 : f32 to vector<8x128xf32>
      %eq3A_4289 = arith.cmpf oeq, %select_n3A_4259, %eq3A_4288 : vector<8x128xf32>
      %jit3A_4290 = arith.constant 2147483647 : i32
      %broadcast_in_dim3A_4291 = vector.broadcast %jit3A_4290 : i32 to vector<8x128xi32>
      %select_n3A_4292 = arith.select %eq3A_4289, %concatenate3A_2067, %broadcast_in_dim3A_4291 : vector<8x128xi1>, vector<8x128xi32>
      %reduce_min3A_4293 = vector.shape_cast %select_n3A_4292 : vector<8x128xi32> to vector<1x8x128xi32>
      %reduce_min3A_4294 = arith.constant dense<2147483647> : vector<1xi32>
      %reduce_min3A_4295 = vector.multi_reduction <minsi>, %reduce_min3A_4293, %reduce_min3A_4294 [1, 2] : vector<1x8x128xi32> to vector<1xi32>
      %reduce_min3A_4296 = vector.shape_cast %reduce_min3A_4295 : vector<1xi32> to vector<1x1x1xi32>
      %reduce_min3A_4297 = vector.extract %reduce_min3A_4296[0, 0, 0] : i32 from vector<1x1x1xi32>
      %swap3A_4298 = arith.constant 0 : index
      %swap3A_4299 = arith.constant 6 : index
      %swap3A_4300 = memref.load %arg13[%swap3A_4298, %swap3A_4299] : memref<1x16xi32, #tpu.memory_space<smem>>
      memref.store %reduce_min3A_4297, %arg13[%swap3A_4298, %swap3A_4299] : memref<1x16xi32, #tpu.memory_space<smem>>
      %eq3A_4301 = vector.broadcast %reduce_min3A_4297 : i32 to vector<8x128xi32>
      %eq3A_4302 = arith.cmpi eq, %concatenate3A_2067, %eq3A_4301 : vector<8x128xi32>
      %jit3A_4303 = arith.constant 0xFF800000 : f32
      %broadcast_in_dim3A_4304 = vector.broadcast %jit3A_4303 : f32 to vector<8x128xf32>
      %select_n3A_4305 = arith.select %eq3A_4302, %broadcast_in_dim3A_4304, %select_n3A_4259 : vector<8x128xi1>, vector<8x128xf32>
      %reduce_min3A_4306 = vector.shape_cast %select_n3A_4282 : vector<8x128xf32> to vector<1x8x128xf32>
      %reduce_min3A_4307 = arith.constant dense<0x7F800000> : vector<1xf32>
      %reduce_min3A_4308 = vector.multi_reduction <minimumf>, %reduce_min3A_4306, %reduce_min3A_4307 [1, 2] : vector<1x8x128xf32> to vector<1xf32>
      %reduce_min3A_4309 = vector.shape_cast %reduce_min3A_4308 : vector<1xf32> to vector<1x1x1xf32>
      %reduce_min3A_4310 = vector.extract %reduce_min3A_4309[0, 0, 0] : f32 from vector<1x1x1xf32>
      %eq3A_4311 = vector.broadcast %reduce_min3A_4310 : f32 to vector<8x128xf32>
      %eq3A_4312 = arith.cmpf oeq, %select_n3A_4282, %eq3A_4311 : vector<8x128xf32>
      %jit3A_4313 = arith.constant 2147483647 : i32
      %broadcast_in_dim3A_4314 = vector.broadcast %jit3A_4313 : i32 to vector<8x128xi32>
      %select_n3A_4315 = arith.select %eq3A_4312, %concatenate3A_4008, %broadcast_in_dim3A_4314 : vector<8x128xi1>, vector<8x128xi32>
      %reduce_min3A_4316 = vector.shape_cast %select_n3A_4315 : vector<8x128xi32> to vector<1x8x128xi32>
      %reduce_min3A_4317 = arith.constant dense<2147483647> : vector<1xi32>
      %reduce_min3A_4318 = vector.multi_reduction <minsi>, %reduce_min3A_4316, %reduce_min3A_4317 [1, 2] : vector<1x8x128xi32> to vector<1xi32>
      %reduce_min3A_4319 = vector.shape_cast %reduce_min3A_4318 : vector<1xi32> to vector<1x1x1xi32>
      %reduce_min3A_4320 = vector.extract %reduce_min3A_4319[0, 0, 0] : i32 from vector<1x1x1xi32>
      %swap3A_4321 = arith.constant 0 : index
      %swap3A_4322 = arith.constant 14 : index
      %swap3A_4323 = memref.load %arg13[%swap3A_4321, %swap3A_4322] : memref<1x16xi32, #tpu.memory_space<smem>>
      memref.store %reduce_min3A_4320, %arg13[%swap3A_4321, %swap3A_4322] : memref<1x16xi32, #tpu.memory_space<smem>>
      %eq3A_4324 = vector.broadcast %reduce_min3A_4320 : i32 to vector<8x128xi32>
      %eq3A_4325 = arith.cmpi eq, %concatenate3A_4008, %eq3A_4324 : vector<8x128xi32>
      %jit3A_4326 = arith.constant 0x7F800000 : f32
      %broadcast_in_dim3A_4327 = vector.broadcast %jit3A_4326 : f32 to vector<8x128xf32>
      %select_n3A_4328 = arith.select %eq3A_4325, %broadcast_in_dim3A_4327, %select_n3A_4282 : vector<8x128xi1>, vector<8x128xf32>
      %reduce_max3A_4329 = vector.shape_cast %select_n3A_4305 : vector<8x128xf32> to vector<1x8x128xf32>
      %reduce_max3A_4330 = arith.constant dense<0xFF800000> : vector<1xf32>
      %reduce_max3A_4331 = vector.multi_reduction <maximumf>, %reduce_max3A_4329, %reduce_max3A_4330 [1, 2] : vector<1x8x128xf32> to vector<1xf32>
      %reduce_max3A_4332 = vector.shape_cast %reduce_max3A_4331 : vector<1xf32> to vector<1x1x1xf32>
      %reduce_max3A_4333 = vector.extract %reduce_max3A_4332[0, 0, 0] : f32 from vector<1x1x1xf32>
      %eq3A_4334 = vector.broadcast %reduce_max3A_4333 : f32 to vector<8x128xf32>
      %eq3A_4335 = arith.cmpf oeq, %select_n3A_4305, %eq3A_4334 : vector<8x128xf32>
      %jit3A_4336 = arith.constant 2147483647 : i32
      %broadcast_in_dim3A_4337 = vector.broadcast %jit3A_4336 : i32 to vector<8x128xi32>
      %select_n3A_4338 = arith.select %eq3A_4335, %concatenate3A_2067, %broadcast_in_dim3A_4337 : vector<8x128xi1>, vector<8x128xi32>
      %reduce_min3A_4339 = vector.shape_cast %select_n3A_4338 : vector<8x128xi32> to vector<1x8x128xi32>
      %reduce_min3A_4340 = arith.constant dense<2147483647> : vector<1xi32>
      %reduce_min3A_4341 = vector.multi_reduction <minsi>, %reduce_min3A_4339, %reduce_min3A_4340 [1, 2] : vector<1x8x128xi32> to vector<1xi32>
      %reduce_min3A_4342 = vector.shape_cast %reduce_min3A_4341 : vector<1xi32> to vector<1x1x1xi32>
      %reduce_min3A_4343 = vector.extract %reduce_min3A_4342[0, 0, 0] : i32 from vector<1x1x1xi32>
      %swap3A_4344 = arith.constant 0 : index
      %swap3A_4345 = arith.constant 7 : index
      %swap3A_4346 = memref.load %arg13[%swap3A_4344, %swap3A_4345] : memref<1x16xi32, #tpu.memory_space<smem>>
      memref.store %reduce_min3A_4343, %arg13[%swap3A_4344, %swap3A_4345] : memref<1x16xi32, #tpu.memory_space<smem>>
      %reduce_min3A_4347 = vector.shape_cast %select_n3A_4328 : vector<8x128xf32> to vector<1x8x128xf32>
      %reduce_min3A_4348 = arith.constant dense<0x7F800000> : vector<1xf32>
      %reduce_min3A_4349 = vector.multi_reduction <minimumf>, %reduce_min3A_4347, %reduce_min3A_4348 [1, 2] : vector<1x8x128xf32> to vector<1xf32>
      %reduce_min3A_4350 = vector.shape_cast %reduce_min3A_4349 : vector<1xf32> to vector<1x1x1xf32>
      %reduce_min3A_4351 = vector.extract %reduce_min3A_4350[0, 0, 0] : f32 from vector<1x1x1xf32>
      %eq3A_4352 = vector.broadcast %reduce_min3A_4351 : f32 to vector<8x128xf32>
      %eq3A_4353 = arith.cmpf oeq, %select_n3A_4328, %eq3A_4352 : vector<8x128xf32>
      %jit3A_4354 = arith.constant 2147483647 : i32
      %broadcast_in_dim3A_4355 = vector.broadcast %jit3A_4354 : i32 to vector<8x128xi32>
      %select_n3A_4356 = arith.select %eq3A_4353, %concatenate3A_4008, %broadcast_in_dim3A_4355 : vector<8x128xi1>, vector<8x128xi32>
      %reduce_min3A_4357 = vector.shape_cast %select_n3A_4356 : vector<8x128xi32> to vector<1x8x128xi32>
      %reduce_min3A_4358 = arith.constant dense<2147483647> : vector<1xi32>
      %reduce_min3A_4359 = vector.multi_reduction <minsi>, %reduce_min3A_4357, %reduce_min3A_4358 [1, 2] : vector<1x8x128xi32> to vector<1xi32>
      %reduce_min3A_4360 = vector.shape_cast %reduce_min3A_4359 : vector<1xi32> to vector<1x1x1xi32>
      %reduce_min3A_4361 = vector.extract %reduce_min3A_4360[0, 0, 0] : i32 from vector<1x1x1xi32>
      %swap3A_4362 = arith.constant 0 : index
      %swap3A_4363 = arith.constant 15 : index
      %swap3A_4364 = memref.load %arg13[%swap3A_4362, %swap3A_4363] : memref<1x16xi32, #tpu.memory_space<smem>>
      memref.store %reduce_min3A_4361, %arg13[%swap3A_4362, %swap3A_4363] : memref<1x16xi32, #tpu.memory_space<smem>>
    } else {
    }
    return
  }
  func.func @transform_0(%arg0: i32) -> (i32, i32) {
    %c0_i32 = arith.constant 0 : i32
    %c0_i32_0 = arith.constant 0 : i32
    return %arg0, %c0_i32 : i32, i32
  }
  func.func @transform_1(%arg0: i32) -> (i32, i32) {
    %c0_i32 = arith.constant 0 : i32
    %c0_i32_0 = arith.constant 0 : i32
    %c0_i32_1 = arith.constant 0 : i32
    return %c0_i32, %c0_i32_0 : i32, i32
  }
  func.func @transform_2(%arg0: i32) -> (i32, i32) {
    %c0_i32 = arith.constant 0 : i32
    %c0_i32_0 = arith.constant 0 : i32
    %c0_i32_1 = arith.constant 0 : i32
    return %c0_i32, %c0_i32_0 : i32, i32
  }
  func.func @transform_3(%arg0: i32) -> (i32, i32) {
    %c0_i32 = arith.constant 0 : i32
    %c0_i32_0 = arith.constant 0 : i32
    %c0_i32_1 = arith.constant 0 : i32
    return %c0_i32, %c0_i32_0 : i32, i32
  }
  func.func @transform_4(%arg0: i32) -> (i32, i32) {
    %c0_i32 = arith.constant 0 : i32
    %c0_i32_0 = arith.constant 0 : i32
    %c0_i32_1 = arith.constant 0 : i32
    return %c0_i32, %c0_i32_0 : i32, i32
  }
  func.func @transform_5(%arg0: i32) -> (i32, i32) {
    %c0_i32 = arith.constant 0 : i32
    %c0_i32_0 = arith.constant 0 : i32
    %c0_i32_1 = arith.constant 0 : i32
    return %c0_i32, %c0_i32_0 : i32, i32
  }
  func.func @transform_6(%arg0: i32) -> (i32, i32) {
    %c0_i32 = arith.constant 0 : i32
    %c0_i32_0 = arith.constant 0 : i32
    %c0_i32_1 = arith.constant 0 : i32
    return %c0_i32, %c0_i32_0 : i32, i32
  }
  func.func @transform_7(%arg0: i32) -> (i32, i32) {
    %c0_i32 = arith.constant 0 : i32
    %c0_i32_0 = arith.constant 0 : i32
    %c0_i32_1 = arith.constant 0 : i32
    return %c0_i32, %c0_i32_0 : i32, i32
  }
  func.func @transform_8(%arg0: i32) -> (i32, i32) {
    %c0_i32 = arith.constant 0 : i32
    %c0_i32_0 = arith.constant 0 : i32
    %c0_i32_1 = arith.constant 0 : i32
    return %c0_i32, %c0_i32_0 : i32, i32
  }
  func.func @transform_9(%arg0: i32) -> (i32, i32) {
    %c0_i32 = arith.constant 0 : i32
    %c0_i32_0 = arith.constant 0 : i32
    return %c0_i32, %arg0 : i32, i32
  }
  func.func @transform_10(%arg0: i32) -> (i32, i32) {
    %c0_i32 = arith.constant 0 : i32
    %c0_i32_0 = arith.constant 0 : i32
    %c0_i32_1 = arith.constant 0 : i32
    return %c0_i32, %c0_i32_0 : i32, i32
  }
  func.func @transform_11(%arg0: i32) -> (i32, i32) {
    %c0_i32 = arith.constant 0 : i32
    %c0_i32_0 = arith.constant 0 : i32
    %c0_i32_1 = arith.constant 0 : i32
    return %c0_i32, %c0_i32_0 : i32, i32
  }
  func.func @transform_12(%arg0: i32) -> (i32, i32) {
    %c0_i32 = arith.constant 0 : i32
    %c0_i32_0 = arith.constant 0 : i32
    %c0_i32_1 = arith.constant 0 : i32
    return %c0_i32, %c0_i32_0 : i32, i32
  }
}

</mosaic_0001>

<sc_bundles>
// kernel: kernel.5.cloned.1.call-start
scs
__scs_entry_jumppad:
0x0: {  	(pc) =	sbr.rel $0x88, $3  }
0x1: {  	(tag) =	ssettag $0x0;
	lr =	simm.s32 $0x1  }
0x2: {  	[smem:$0x3F90] =	sst lr;
	_ =	strace $0xD0000000  }
0x3: {  	_ = 	snop  }
0x4: {  	_ = 	snop  }
0x5: {  	_ = 	snop  }
0x6: {  	_ = 	snop  }
0x7: {  	_ = 	snop  }
__scs_overlays_trampoline_lowered:
0x8: {  	[smem:$0x3F9F] =	sst s0  }
0x9: {  	[smem:$0x3FA0] =	sst s1  }
0xa: {  	[smem:$0x3FA1] =	sst s2  }
0xb: {  	[smem:$0x3FA2] =	sst s3  }
0xc: {  	[smem:$0x3FA3] =	sst s4  }
0xd: {  	[smem:$0x3FA4] =	sst s5  }
0xe: {  	[smem:$0x3FA5] =	sst s6  }
0xf: {  	[smem:$0x3FA6] =	sst s7  }
0x10: {  	[smem:$0x3FA7] =	sst s8  }
0x11: {  	[smem:$0x3FA8] =	sst s9;
	s0 =	simm.s32 @!p0 $0x0  }
0x12: {  	s1 =	sld [smem:$0x3F8E];
	s0 =	simm.s32 @p0 $0x1  }
0x13: {  	[smem:$0x3FA9] =	sst s0;
	s0 =	simm.s32 @!p1 $0x0  }
0x14: {  	s2 =	sld [smem:$0x3F8D];
	s0 =	simm.s32 @p1 $0x1  }
0x15: {  	[smem:$0x3FAA] =	sst s0;
	s0 =	simm.s32 @!p2 $0x0  }
0x16: {  	s3 =	sld [smem:$0x3FDB];
	s0 =	simm.s32 @p2 $0x1  }
0x17: {  	s4 =	simm.s32 $0x1BF5;
	[smem:$0x3FAC] =	sst s0  }
0x18: {  	s0 =	sld [smem:$0x3F8F];
	_ =	swait.ge [sflag:s4], $0x0  }
0x19: {  	s7 =	sld [smem:$0x3F90]  }
0x1a: {  	s8 =	sadd.s32 $0xFFFFE003, lr  }
0x1b: {  	s9 =	sadd.s32 $0xFFFFFEF7, lr;
	s5 =	simm.s32 $0xFFFFFFFF;
	p2 =	slt.u32 s8, $0xFFFFF086  }
0x1c: {  	p1 =	slt.u32 s9, $0xF7A;
	s5 =	simm.s32 @!p2 $0x0  }
0x1d: {  	s5 =	simm.s32 @p1 $0x1;
	p0 =	seq.s32 s7, s2  }
0x1e: {  	s7 =	smul.u32 @!p0 $0xF7A, s2;
	p2 =	seq.s32 @!p0 s5, $0x0  }
0x1f: {  	s9 =	smul.u32 $0xF7A, s1;
	s8 =	simm.s32 @!p0 $0x1BF5;
	p2 =	por !p2, p0  }
0x20: {  	[sflag:s8] =	ssyncset.s32 @!p0 $0xFFFFF086;
	s6 =	sadd.s32 @!p0 s3, s7;
	s7 =	simm.s32 @!p0 $0x108  }
0x21: {  	s3 =	sadd.s32 s3, s9;
	s6 =	sadd.s32 @!p0 $0x88, s6;
	s7 =	simm.s32 @p2 $0x1082  }
0x22: {  	[simem:s7], [sflag:s8] =	dma.local @!p0 [hbm:s6], $0xF7A  }
0x23: {  	s9 =	sor.u32 $0xD0000000, s2;
	s6 =	simm.s32 $0x108;
	_ =	swait.ge @!p0 [sflag:s8], $0x0  }
0x24: {  	s3 =	sadd.s32 $0x88, s3;
	s6 =	simm.s32 @!p1 $0x1082;
	[sflag:s4] =	ssyncset.s32 $0xFFFFF086  }
0x25: {  	[simem:s6], [sflag:s4] =	dma.local [hbm:s3], $0xF7A  }
0x26: {  	[smem:$0x3F90] =	sst s1;
	(tag) =	ssettag s2;
	_ =	strace s9  }
0x27: {  	s1 =	sld [smem:$0x3FA0]  }
0x28: {  	s2 =	sld [smem:$0x3FA1]  }
0x29: {  	s4 =	sld [smem:$0x3FA3]  }
0x2a: {  	p0 =	seq.s32 s5, $0x0;
	s5 =	sld [smem:$0x3FA4]  }
0x2b: {  	s6 =	sld [smem:$0x3FA5]  }
0x2c: {  	s7 =	sld [smem:$0x3FA6]  }
0x2d: {  	s3 =	simm.s32 $0x108;
	s8 =	sld [smem:$0x3FA7]  }
0x2e: {  	s3 =	simm.s32 @!p0 $0x1082;
	s9 =	sld [smem:$0x3FA8]  }
0x2f: {  	lr =	sadd.s32 s0, s3;
	s0 =	sld [smem:$0x3F9F]  }
0x30: {  	s3 =	sld [smem:$0x3FA2]  }
0x31: {  	[smem:$0x3FAB] =	sst s10  }
0x32: {  	s10 =	sld [smem:$0x3FA9];
	_ =	sdelay $0x3  }
0x33: {  	p0 =	seq.s32 s10, $0x1;
	s10 =	sld [smem:$0x3FAB];
	_ =	sdelay $0x3  }
0x34: {  	[smem:$0x3FAB] =	sst s10  }
0x35: {  	s10 =	sld [smem:$0x3FAA];
	_ =	sdelay $0x3  }
0x36: {  	p1 =	seq.s32 s10, $0x1;
	s10 =	sld [smem:$0x3FAB];
	_ =	sdelay $0x3  }
0x37: {  	[smem:$0x3FAB] =	sst s10  }
0x38: {  	s10 =	sld [smem:$0x3FAC]  }
0x39: {  	_ = 	snop;
	(pc) =	sbr.ind lr, $3  }
0x3a: {  	_ = 	snop  }
0x3b: {  	_ = 	snop  }
0x3c: {  	p2 =	seq.s32 s10, $0x1;
	s10 =	sld [smem:$0x3FAB]  }
0x3d: {  	_ =	shalt  }
0x3e: {  	_ =	shalt  }
0x3f: {  	_ =	shalt  }
0x40: {  	_ =	shalt  }
0x41: {  	_ =	shalt  }
0x42: {  	_ =	shalt  }
0x43: {  	_ =	shalt  }
0x44: {  	_ =	shalt  }
0x45: {  	_ =	shalt  }
0x46: {  	_ =	shalt  }
0x47: {  	_ =	shalt  }
0x48: {  	_ =	shalt  }
0x49: {  	_ =	shalt  }
0x4a: {  	_ =	shalt  }
0x4b: {  	_ =	shalt  }
0x4c: {  	_ =	shalt  }
0x4d: {  	_ =	shalt  }
0x4e: {  	_ =	shalt  }
0x4f: {  	_ =	shalt  }
0x50: {  	_ =	shalt  }
0x51: {  	_ =	shalt  }
0x52: {  	_ =	shalt  }
0x53: {  	_ =	shalt  }
0x54: {  	_ =	shalt  }
0x55: {  	_ =	shalt  }
0x56: {  	_ =	shalt  }
0x57: {  	_ =	shalt  }
0x58: {  	_ =	shalt  }
0x59: {  	_ =	shalt  }
0x5a: {  	_ =	shalt  }
0x5b: {  	_ =	shalt  }
0x5c: {  	_ =	shalt  }
0x5d: {  	_ =	shalt  }
0x5e: {  	_ =	shalt  }
0x5f: {  	_ =	shalt  }
0x60: {  	_ =	shalt  }
0x61: {  	_ =	shalt  }
0x62: {  	_ =	shalt  }
0x63: {  	_ =	shalt  }
0x64: {  	_ =	shalt  }
0x65: {  	_ =	shalt  }
0x66: {  	_ =	shalt  }
0x67: {  	_ =	shalt  }
0x68: {  	_ =	shalt  }
0x69: {  	_ =	shalt  }
0x6a: {  	_ =	shalt  }
0x6b: {  	_ =	shalt  }
0x6c: {  	_ =	shalt  }
0x6d: {  	_ =	shalt  }
0x6e: {  	_ =	shalt  }
0x6f: {  	_ =	shalt  }
0x70: {  	_ =	shalt  }
0x71: {  	_ =	shalt  }
0x72: {  	_ =	shalt  }
0x73: {  	_ =	shalt  }
0x74: {  	_ =	shalt  }
0x75: {  	_ =	shalt  }
0x76: {  	_ =	shalt  }
0x77: {  	_ =	shalt  }
0x78: {  	_ =	shalt  }
0x79: {  	_ =	shalt  }
0x7a: {  	_ =	shalt  }
0x7b: {  	_ =	shalt  }
0x7c: {  	_ =	shalt  }
0x7d: {  	_ =	shalt  }
0x7e: {  	_ =	shalt  }
0x7f: {  	_ =	shalt  }
0x80: {  	_ =	shalt  }
0x81: {  	_ =	shalt  }
0x82: {  	_ =	shalt  }
0x83: {  	_ =	shalt  }
0x84: {  	_ =	shalt  }
0x85: {  	_ =	shalt  }
0x86: {  	_ =	shalt  }
0x87: {  	_ =	shalt  }
.Lfunc_end0:
.L_simem_size_0:
called_computation_lowered:
.L_overlay_start_0:
0x88: {  	s2 =	sld [smem:$0x3FD9]  }
0x89: {  	s3 =	sld [smem:$0x3FFE];
	_ =	sdelay $0x1  }
0x8a: {  	s1 =	srdreg.scid  }
0x8b: {  	s0 =	sand.u32 $0x1, s1  }
0x8c: {  	s14 =	sshll.u32 s0, $0xA;
	s2 =	sadd.s32 s3, s2  }
0x8d: {  	s2 =	sadd.s32 s2, s14  }
0x8e: {  	[smem:$0x3FB7] =	sst s2  }
0x8f: {  	_ = 	snop  }
0x90: {  	s2 =	sld [smem:$0x3FD0];
	_ =	sdelay $0x2  }
0x91: {  	s4 =	simm.s32 $0xA;
	s5 =	simm.s32 $0x10;
	s15 =	sld [smem:$0x3FC9]  }
0x92: {  	[smem:s5], [sflag:s4] =	dma.local [hbm:s2], $0x1  }
0x93: {  	_ =	swait.eq [sflag:s4], $0x1  }
0x94: {  	[sflag:s4] =	ssyncset.done $0x0  }
0x95: {  	[sflag:s4] =	ssyncadd.s32 $0xFFFFFFFF  }
0x96: {  	s16 =	sld [smem:$0x14];
	(tm) =	ssettm $0x1  }
0x97: {  	s17 =	sld [smem:$0x3FFB];
	_ =	sdelay $0x3  }
0x98: {  	_ =	strace s17  }
0x99: {  	s4 =	sld [smem:$0x3FFC];
	_ =	sdelay $0x3  }
0x9a: {  	_ =	strace s4  }
0x9b: {  	s4 =	sld [smem:$0x3FFD];
	_ =	sdelay $0x3  }
0x9c: {  	_ =	strace s4  }
0x9d: {  	_ =	strace $0x8FFFFFFF  }
0x9e: {  	s18 =	sld [smem:$0x3FDB];
	_ =	sdelay $0x1  }
0x9f: {  	s19 =	simm.s32 $_scs_section_size  }
0xa0: {  	s6 =	simm.s32 $_size__tile_overlayer_lowered;
	s7 =	simm.s32 $_tile_overlayer_lowered  }
0xa1: {  	s22 =	simm.s32 $0x1BFF;
	s21 =	sshll.u32 s7, $0x1;
	s4 =	sadd.s32 s19, s18  }
0xa2: {  	s8 =	simm.s32 $0x0;
	s20 =	sshll.u32 s6, $0x1;
	s6 =	sadd.s32 s21, s4  }
0xa3: {  	[timem:s8], [sflag:s22] =	dma.local [hbm:s6], s20  }
0xa4: {  	_ =	swait.ge [sflag:s22], s20  }
0xa5: {  	s5 =	ssub.s32 $0x0, s20;
	[sflag:s22] =	ssyncset.done $0x0  }
0xa6: {  	[sflag:s22] =	ssyncadd.s32 s5;
	_ =	sdelay $0x1  }
0xa7: {  	s23 =	simm.s32 $0x1B8B  }
0xa8: {  	_ =	swait.ge [sflag:s23], $0x1  }
0xa9: {  	[sflag:s23] =	ssyncset.done $0x0  }
0xaa: {  	s25 =	simm.s32 $0x1B8E;
	s24 =	sld [smem:$0x3FFE];
	[sflag:s23] =	ssyncadd.s32 $0xFFFFFFFF  }
0xab: {  	s26 =	simm.s32 $execute0_lowered;
	[smem:$0x3FD2] =	sst s25  }
0xac: {  	s6 =	sshll.u32 s26, $0x1;
	_ =	strace $0x80000046;
	[dreg:$0x1] =	wrdreg $0xFFFFFFFF  }
0xad: {  	s28 =	simm.s32 $_size_execute0_lowered;
	s4 =	sadd.s32 s4, s6;
	[dreg:$0x0] =	wrdreg $0x0  }
0xae: {  	s6 =	sshll.u32 s28, $0x1;
	[dreg:$0x2] =	wrdreg s4  }
0xaf: {  	[dreg:$0x3] =	wrdreg s6  }
0xb0: {  	[dreg:$0x4] =	wrdreg $0xC0  }
0xb1: {  	_ =	task [dreg:s8], $0x5FFFF  }
0xb2: {  	[dreg:$0x1] =	wrdreg $0xFFFFFFFF  }
0xb3: {  	[dreg:$0x0] =	wrdreg $0x60  }
0xb4: {  	[dreg:$0x2] =	wrdreg s15  }
0xb5: {  	[dreg:$0x3] =	wrdreg s16  }
0xb6: {  	[dreg:$0x4] =	wrdreg s24  }
0xb7: {  	[dreg:$0x5] =	wrdreg $0x9  }
0xb8: {  	_ =	task.clear_ibuf [dreg:s8], $0x6FFFF;
	_ =	strace $0x90000046  }
0xb9: {  	s29 =	simm.s32 $0x9;
	_ =	strace $0x80000048  }
0xba: {  	_ =	swait.ge [sflag:s29], $0x1  }
0xbb: {  	[sflag:s29] =	ssyncadd.s32 $0xFFFFFFFF  }
0xbc: {  	_ =	strace $0x90000048  }
0xbd: {  	_ =	sfence  }
0xbe: {  	s30 =	sld [smem:$0x0];
	_ =	sdelay $0x2  }
0xbf: {  	s31 =	sshll.u32 s1, $0xD;
	s1 =	sshrl.u32 s1, $0x2  }
0xc0: {  	s3 =	sand.u32 $0x4000, s31;
	s1 =	sadd.s32 s1, s30  }
0xc1: {  	s0 =	sor.u32 s3, s0;
	s1 =	sshll.u32 s1, $0x11  }
0xc2: {  	s0 =	sor.u32 s1, s0  }
0xc3: {  	s0 =	sadd.s32 $0x8F2B, s0  }
0xc4: {  	[sflag:s0] =	ssyncadd.remote.s32 $0x1  }
0xc5: {  	_ =	sfence.sel $0xFFFF  }
0xc6: {  	[dreg:$0x0] =	wrdreg $0xFFFFFFFF;
	(pc) =	sbr.abs _section_cstart, $3  }
0xc7: {  	[dreg:$0x1] =	wrdreg $0xFFFFFFFF  }
0xc8: {  	_ =	task.clear_ibuf [dreg:s8], $0x2FFFF;
	_ =	strace $0x9FFFFFFF  }
0xc9: {  	(tm) =	ssettm $0x7FFFFFFF  }
tec
execute0_lowered:
.L_overlay_start_1:
0x0: {  	(tag) =	ssettag $0x1  }
0x1: {  	s0 =	rddreg [dreg:$0x0]  }
0x2: {  	s1 =	rddreg [dreg:$0x1];
	s3 =	srdreg.scid  }
0x3: {  	s2 =	rddreg [dreg:$0x2];
	s5 =	simm.s32 $0x0;
	s3 =	sand.u32 $0x1, s3  }
0x4: {  	[smem:$0x7FF] =	sst s5;
	p0 =	seq.s32 s3, $0x1  }
0x5: {  	s4 =	rddreg [dreg:$0x3];
	_ =	strace $0x80000047;
	s3 =	simm.s32 @!p0 $0x0  }
0x6: {  	[tilespmem:s3], [sflag:$0x1] =	stream.linear.gather @!p0 [hbm4b:s1+s3], $0x80, $0x38;
	[tilespmem:$0x480] =	vst v63  }
0x7: {  	s1 =	simm.s32 @!p0 $0x1  }
0x8: {  	_ =	swait.ge @!p0 [sflag:s1], $0x80  }
0x9: {  	[sflag:s1] =	ssyncset.done @!p0 $0x0  }
0xa: {  	s5 =	stileid.u32;
	[sflag:s1] =	ssyncadd.s32 @!p0 $0xFFFFFF80  }
0xb: {  	v0 =	vld.msk @!p0 [tilespmem:s5+$0x0], $0x1;
	_ =	sdelay $0x4  }
0xc: {  	v1 =	vshll.u32 @!p0 v0, $0x3  }
0xd: {  	v0 =	vand.u32 @!p0 $0x7, v0;
	v1 =	vand.u32 @!p0 $0xFFFFFFC0, v1  }
0xe: {  	v2 =	vlaneseq.u32 @!p0;
	v0 =	vor.u32 @!p0 v0, v1;
	v1 =	vimm.s32 @!p0 $0x0  }
0xf: {  	v0 =	vperm.xlane @!p0 v0, v1;
	v1 =	vmul.u32 @!p0 $0x8, v2;
	_ =	sdelay $0x1  }
0x10: {  	v0 =	vadd.s32 @!p0 v1, v0;
	_ =	sdelay $0x3  }
0x11: {  	vm0 =	vmmov @!p0 $0xff;
	s6 =	simm.s32 @!p0 $0x80  }
0x12: {  	[tilespmem:s6], [sflag:$0x2] =	stream.indirect_vreg.gather @!p0 [hbm4b:s0+s3], $0x80, v0, vm0, $0xb8;
	[tilespmem:$0x480] =	vst v63  }
0x13: {  	s0 =	sadd.s32 $0x3000, s2;
	s2 =	sshll.u32 @!p0 s5, $0x4;
	s3 =	simm.s32 @!p0 $0x2  }
0x14: {  	s7 =	sshll.u32 @!p0 s5, $0x7;
	s2 =	sand.u32 @!p0 $0x70, s2;
	_ =	swait.ge @!p0 [sflag:s3], $0x400  }
0x15: {  	s0 =	sadd.s32 @!p0 s0, s2;
	s2 =	sand.u32 @!p0 $0x400, s7;
	[sflag:s3] =	ssyncset.done @!p0 $0x0  }
0x16: {  	s0 =	sadd.s32 @!p0 s2, s0;
	[sflag:s3] =	ssyncadd.s32 @!p0 $0xFFFFFC00;
	s2 =	simm.s32 @!p0 $0x400  }
0x17: {  	[hbm4b:s0+s6] =	stream.strided.scatter @!p0 [tilespmem:s6], [sflag:$0x1], $0x400, s2, s6, $0x38;
	[tilespmem:$0x480] =	vst v63  }
0x18: {  	_ =	swait.ge @!p0 [sflag:s1], $0x400  }
0x19: {  	[sflag:s1] =	ssyncset.done @!p0 $0x0  }
0x1a: {  	[sflag:s1] =	ssyncadd.s32 @!p0 $0xFFFFFC00  }
0x1b: {  	_ =	sfence.sel $0x180000  }
0x1c: {  	[bflag:$0x0] =	sbarrier.arrive $0xFFFF  }
0x1d: {  	p0 =	sne.s32 s5, $0x0;
	_ =	strace $0x90000047  }
0x1e: {  	s0 =	sadd.s32 @!p0 $0x100000, s4;
	[bflag:$0x2] =	sbarrier.arrive $0xFFFF  }
0x1f: {  	[sflag:s0] =	ssyncadd.tile.s32 @!p0 $0x1;
	_ =	shalt  }
.Lfunc_end2:
_tile_overlayer_lowered:
.L_overlay_start_2:
0x20: {  	(tag) =	ssettag $0x2  }
0x21: {  	s0 =	rddreg [dreg:$0x0];
	s2 =	stileid.u32  }
0x22: {  	s1 =	rddreg [dreg:$0x1];
	p0 =	sne.s32 s2, $0x0  }
0x23: {  	s3 =	rddreg [dreg:$0x2];
	[bflag:$0x3] =	sbarrier.arrive $0xFFFF;
	s2 =	simm.s32 @!p0 $0x1C02  }
0x24: {  	[timem:s3], [sflag:s2] =	dma.local @!p0 [hbm:s0], s1  }
0x25: {  	s0 =	simm.s32 @!p0 $0x2  }
0x26: {  	_ =	swait.ge @!p0 [sflag:s0], s1  }
0x27: {  	s1 =	ssub.s32 @!p0 $0x0, s1;
	[sflag:s0] =	ssyncset.done @!p0 $0x0  }
0x28: {  	[sflag:s0] =	ssyncadd.s32 @!p0 s1  }
0x29: {  	[bflag:$0x3] =	sbarrier.arrive $0xFFFF  }
0x2a: {  	_ =	shalt  }

</sc_bundles>
